<compile_context>
chip_gen: v7x
topology: tpu7x:2x2x1
jax: 0.10.2.dev20260603
libtpu: 0.0.44.dev20260713+nightly
codegen_flags: <defaults>
</compile_context>

<pallas_src>
import functools

import jax
import jax.numpy as jnp
from jax import lax
from jax.experimental import pallas as pl
from jax.experimental.pallas import tpu as pltpu
from jax.experimental.pallas import tpu_sc as plsc

_N = 10000
_NP = 10240
_E = 320000
_D = 128
_NW = 32
_EPT = 10240
_EP = _NW * _EPT
_CH = 128
_NCH = _EPT // _CH
_HF = _CH // 2
_STR = _NP // 16

_f32 = jnp.float32
_i32 = jnp.int32


def _prep_body(h_ref, w1t_ref, w2t_ref, a1_ref, a2_ref,
               z_ref, zi_ref, s1_ref, s2_ref):
    hb = h_ref[...]
    z = jnp.dot(hb, w1t_ref[...], preferred_element_type=_f32)
    zi = jnp.dot(hb, w2t_ref[...], preferred_element_type=_f32)
    z_ref[...] = z
    zi_ref[...] = zi
    s1_ref[...] = jnp.dot(z, a1_ref[...], preferred_element_type=_f32)
    s2_ref[...] = jnp.dot(z, a2_ref[...], preferred_element_type=_f32)


def _tc_prep(h_p, w1t, w2t, a1, a2):
    nb = 8
    blk = _NP // nb
    return pl.pallas_call(
        _prep_body,
        grid=(nb,),
        in_specs=[
            pl.BlockSpec((blk, _D), lambda i: (i, 0)),
            pl.BlockSpec((_D, _D), lambda i: (0, 0)),
            pl.BlockSpec((_D, _D), lambda i: (0, 0)),
            pl.BlockSpec((_D, 1), lambda i: (0, 0)),
            pl.BlockSpec((_D, 1), lambda i: (0, 0)),
        ],
        out_specs=[
            pl.BlockSpec((blk, _D), lambda i: (i, 0)),
            pl.BlockSpec((blk, _D), lambda i: (i, 0)),
            pl.BlockSpec((blk, 1), lambda i: (i, 0)),
            pl.BlockSpec((blk, 1), lambda i: (i, 0)),
        ],
        out_shape=[
            jax.ShapeDtypeStruct((_NP, _D), _f32),
            jax.ShapeDtypeStruct((_NP, _D), _f32),
            jax.ShapeDtypeStruct((_NP, 1), _f32),
            jax.ShapeDtypeStruct((_NP, 1), _f32),
        ],
    )(h_p, w1t, w2t, a1, a2)


def _u_body(ea_ref, w0t_ref, a3_ref, u_ref):
    wu = jnp.dot(w0t_ref[...], a3_ref[...], preferred_element_type=_f32)
    r = lax.broadcasted_iota(_i32, (_D, 8), 0)
    cc = lax.broadcasted_iota(_i32, (_D, 8), 1)
    tiled = jnp.broadcast_to(wu.reshape(1, 16, 1), (8, 16, 8)).reshape(_D, 8)
    bd = jnp.where(r // 16 == cc, tiled, 0.0)
    u_ref[...] = jnp.dot(ea_ref[...], bd, preferred_element_type=_f32)


def _tc_u(ea2, w0t, a3):
    nb = 20
    blk = (_E // 8) // nb
    return pl.pallas_call(
        _u_body,
        grid=(nb,),
        in_specs=[
            pl.BlockSpec((blk, _D), lambda i: (i, 0)),
            pl.BlockSpec((16, 16), lambda i: (0, 0)),
            pl.BlockSpec((16, 1), lambda i: (0, 0)),
        ],
        out_specs=pl.BlockSpec((blk, 8), lambda i: (i, 0)),
        out_shape=jax.ShapeDtypeStruct((_E // 8, 8), _f32),
    )(ea2, w0t, a3)


def _sc1_body(src_hbm, dst_hbm, u_hbm, s1_hbm, s2_hbm,
              ex_hbm, dp_hbm,
              src_v, dst_v, u_v, ex_v, s1_v, s2_v, den_v):
    c = lax.axis_index("c")
    s = lax.axis_index("s")
    wid = c * 16 + s
    pltpu.sync_copy(src_hbm.at[wid], src_v)
    pltpu.sync_copy(dst_hbm.at[wid], dst_v)
    pltpu.sync_copy(u_hbm.at[wid], u_v)
    pltpu.sync_copy(s1_hbm, s1_v)
    pltpu.sync_copy(s2_hbm, s2_v)

    zero16 = jnp.zeros((16,), _f32)

    def zero_body(i, carry):
        den_v[pl.ds(i * 16, 16)] = zero16
        return carry

    lax.fori_loop(0, _NP // 16, zero_body, 0)

    def edge_body(i, carry):
        sl = src_v[pl.ds(i * 16, 16)]
        dl = dst_v[pl.ds(i * 16, 16)]
        g1 = plsc.load_gather(s1_v, [sl])
        g2 = plsc.load_gather(s2_v, [dl])
        x = g1 + g2 + u_v[pl.ds(i * 16, 16)]
        x = jnp.maximum(x, 0.01 * x)
        ex = jnp.exp(x)
        ex_v[pl.ds(i * 16, 16)] = ex
        plsc.addupdate_scatter(den_v, [dl], ex)
        return carry

    lax.fori_loop(0, _EPT // 16, edge_body, 0)

    pltpu.sync_copy(ex_v, ex_hbm.at[wid])
    pltpu.sync_copy(den_v, dp_hbm.at[wid])


def _sc_pass1(src_p, dst_p, u_p, s1, s2):
    mesh = plsc.VectorSubcoreMesh(core_axis_name="c", subcore_axis_name="s")
    return pl.kernel(
        _sc1_body,
        out_type=[
            jax.ShapeDtypeStruct((_NW, _EPT), _f32),
            jax.ShapeDtypeStruct((_NW, _NP), _f32),
        ],
        mesh=mesh,
        scratch_types=[
            pltpu.VMEM((_EPT,), _i32),
            pltpu.VMEM((_EPT,), _i32),
            pltpu.VMEM((_EPT,), _f32),
            pltpu.VMEM((_EPT,), _f32),
            pltpu.VMEM((_NP,), _f32),
            pltpu.VMEM((_NP,), _f32),
            pltpu.VMEM((_NP,), _f32),
        ],
        compiler_params=pltpu.CompilerParams(needs_layout_passes=False),
    )(src_p, dst_p, u_p, s1, s2)


def _sc2_body(src4_hbm, dst4_hbm, ex_hbm, dp_hbm, zp_hbm,
              out0, out1,
              src_c0, src_c1, dst_c0, dst_c1, ex_c0, ex_c1, dst_s0, dst_s1,
              rows0, rows1, den_v, tmp_v, stripe_v, alpha_v,
              zn_sh, sd_sh,
              sem_i0, sem_i1, sem_g0, sem_g1, sem_s0, sem_s1):
    c = lax.axis_index("c")
    s = lax.axis_index("s")
    wid = c * 16 + s
    base = s * _STR
    zero16 = jnp.zeros((16,), _f32)

    src_c = (src_c0, src_c1)
    dst_c = (dst_c0, dst_c1)
    ex_c = (ex_c0, ex_c1)
    dst_s = (dst_s0, dst_s1)
    sem_i = (sem_i0, sem_i1)
    sem_g = (sem_g0, sem_g1)
    sem_s = (sem_s0, sem_s1)
    rows = (rows0, rows1)

    def zstripe(i, carry):
        stripe_v[pl.ds(i * 16, 16)] = zero16
        return carry

    lax.fori_loop(0, _STR // 16, zstripe, 0)

    def red_outer(p, carry):
        pltpu.sync_copy(dp_hbm.at[p, pl.ds(base, _STR)], tmp_v)

        def red_inner(i, c2):
            off = pl.ds(i * 16, 16)
            stripe_v[off] = stripe_v[off] + tmp_v[off]
            return c2

        lax.fori_loop(0, _STR // 16, red_inner, 0)
        return carry

    lax.fori_loop(0, _NW, red_outer, 0)
    pltpu.sync_copy(stripe_v, sd_sh.at[pl.ds(base, _STR)])

    def zrows(j, carry):
        for q in range(8):
            rows0[j, pl.ds(q * 16, 16)] = zero16
        return carry

    lax.fori_loop(0, _CH, zrows, 0)
    for i in range(_STR // _CH):
        pltpu.sync_copy(rows0, zn_sh.at[pl.ds(base + i * _CH, _CH)])

    pltpu.async_copy(src4_hbm.at[wid, 0], src_c0, sem_i0)
    pltpu.async_copy(dst4_hbm.at[wid, 0], dst_c0, sem_i0)
    pltpu.async_copy(ex_hbm.at[wid, pl.ds(0, _CH)], ex_c0, sem_i0)
    pltpu.async_copy(src4_hbm.at[wid, 1], src_c1, sem_i1)
    pltpu.async_copy(dst4_hbm.at[wid, 1], dst_c1, sem_i1)
    pltpu.async_copy(ex_hbm.at[wid, pl.ds(_CH, _CH)], ex_c1, sem_i1)
    pltpu.make_async_copy(src4_hbm.at[wid, 0], src_c0, sem_i0).wait()
    pltpu.make_async_copy(dst4_hbm.at[wid, 0], dst_c0, sem_i0).wait()
    pltpu.make_async_copy(ex_hbm.at[wid, pl.ds(0, _CH)], ex_c0, sem_i0).wait()
    pltpu.async_copy(zp_hbm.at[src_c0.at[0]], rows0, sem_g0)

    plsc.subcore_barrier()
    pltpu.sync_copy(sd_sh, den_v)

    def pair_body(g, carry):
        for b in range(2):
            ob = 1 - b
            j = 2 * g + b

            @pl.when(j >= 1)
            def _():
                pltpu.make_async_copy(
                    rows[ob], zn_sh.at[dst_s[ob].at[0]], sem_s[ob]).wait()

            @pl.when(j + 1 < _NCH)
            def _():
                pltpu.make_async_copy(
                    src4_hbm.at[wid, 0], src_c[ob], sem_i[ob]).wait()
                pltpu.make_async_copy(
                    dst4_hbm.at[wid, 0], dst_c[ob], sem_i[ob]).wait()
                pltpu.make_async_copy(
                    ex_hbm.at[wid, pl.ds(0, _CH)], ex_c[ob],
                    sem_i[ob]).wait()
                pltpu.async_copy(
                    zp_hbm.at[src_c[ob].at[0]], rows[ob], sem_g[ob])

            pltpu.make_async_copy(
                zp_hbm.at[src_c[b].at[0]], rows[b], sem_g[b]).wait()

            for k in range(_CH // 16):
                off = pl.ds(k * 16, 16)
                dl = dst_c[b][0, off]
                d = plsc.load_gather(den_v, [dl])
                exv = ex_c[b][off]
                al = jnp.where(d > 0.0, exv / d, zero16)
                alpha_v[off] = al
                dst_s[b][0, off] = dl

            def scale_body(gg, c2):
                a16 = alpha_v[pl.ds(gg * 16, 16)]
                for rr in range(16):
                    av = jnp.full((16,), a16[rr], _f32)
                    r = gg * 16 + rr
                    for q in range(8):
                        off = pl.ds(q * 16, 16)
                        rows[b][r, off] = rows[b][r, off] * av
                return c2

            lax.fori_loop(0, _CH // 16, scale_body, 0)

            pltpu.async_copy(
                rows[b], zn_sh.at[dst_s[b].at[0]], sem_s[b], add=True)

            @pl.when(j + 2 < _NCH)
            def _():
                pltpu.async_copy(
                    src4_hbm.at[wid, j + 2], src_c[b], sem_i[b])
                pltpu.async_copy(
                    dst4_hbm.at[wid, j + 2], dst_c[b], sem_i[b])
                pltpu.async_copy(
                    ex_hbm.at[wid, pl.ds((j + 2) * _CH, _CH)], ex_c[b],
                    sem_i[b])
        return carry

    lax.fori_loop(0, _NCH // 2, pair_body, 0)

    pltpu.make_async_copy(rows1, zn_sh.at[dst_s1.at[0]], sem_s1).wait()

    plsc.subcore_barrier()

    @pl.when(c == 0)
    def _():
        pltpu.sync_copy(zn_sh.at[pl.ds(base, _STR)],
                        out0.at[pl.ds(base, _STR)])

    @pl.when(c == 1)
    def _():
        pltpu.sync_copy(zn_sh.at[pl.ds(base, _STR)],
                        out1.at[pl.ds(base, _STR)])


def _sc_pass2(src4, dst4, ex, dp, zp):
    mesh = plsc.VectorSubcoreMesh(core_axis_name="c", subcore_axis_name="s")
    return pl.kernel(
        _sc2_body,
        out_type=[
            jax.ShapeDtypeStruct((_NP, _D), _f32),
            jax.ShapeDtypeStruct((_NP, _D), _f32),
        ],
        mesh=mesh,
        scratch_types=[
            pltpu.VMEM((1, _CH), _i32),
            pltpu.VMEM((1, _CH), _i32),
            pltpu.VMEM((1, _CH), _i32),
            pltpu.VMEM((1, _CH), _i32),
            pltpu.VMEM((_CH,), _f32),
            pltpu.VMEM((_CH,), _f32),
            pltpu.VMEM((1, _CH), _i32),
            pltpu.VMEM((1, _CH), _i32),
            pltpu.VMEM((_CH, _D), _f32),
            pltpu.VMEM((_CH, _D), _f32),
            pltpu.VMEM((_NP,), _f32),
            pltpu.VMEM((_STR,), _f32),
            pltpu.VMEM((_STR,), _f32),
            pltpu.VMEM((_CH,), _f32),
            pltpu.VMEM_SHARED((_NP, _D), _f32),
            pltpu.VMEM_SHARED((_NP,), _f32),
            pltpu.SemaphoreType.DMA,
            pltpu.SemaphoreType.DMA,
            pltpu.SemaphoreType.DMA,
            pltpu.SemaphoreType.DMA,
            pltpu.SemaphoreType.DMA,
            pltpu.SemaphoreType.DMA,
        ],
        compiler_params=pltpu.CompilerParams(needs_layout_passes=False),
    )(src4, dst4, ex, dp, zp)


def _epi_body(zi_ref, zn0_ref, zn1_ref, out_ref):
    out_ref[...] = jnp.maximum(
        zi_ref[...] + zn0_ref[...] + zn1_ref[...], 0.0)


def _tc_epi(zi, zn0, zn1):
    nb = 10
    blk = _N // nb
    return pl.pallas_call(
        _epi_body,
        grid=(nb,),
        in_specs=[
            pl.BlockSpec((blk, _D), lambda i: (i, 0)),
            pl.BlockSpec((blk, _D), lambda i: (i, 0)),
            pl.BlockSpec((blk, _D), lambda i: (i, 0)),
        ],
        out_specs=pl.BlockSpec((blk, _D), lambda i: (i, 0)),
        out_shape=jax.ShapeDtypeStruct((_N, _D), _f32),
    )(zi, zn0, zn1)


@jax.jit
def kernel(h, edge_attr, W0, W1, W2, attn_w, weights, edge_index):
    del weights
    src = edge_index[0]
    dst = edge_index[1]

    a1 = attn_w[0, :_D].reshape(_D, 1)
    a2 = attn_w[0, _D:2 * _D].reshape(_D, 1)
    a3 = attn_w[0, 2 * _D:].reshape(16, 1)

    h_p = jnp.pad(h, ((0, _NP - _N), (0, 0)))
    z, zi, s1, s2 = _tc_prep(h_p, W1.T, W2.T, a1, a2)
    u = _tc_u(edge_attr.reshape(_E // 8, _D), W0.T, a3)

    pad_e = _EP - _E
    src_p = jnp.concatenate(
        [src, jnp.zeros((pad_e,), _i32)]).reshape(_NW, _EPT)
    dst_p = jnp.concatenate(
        [dst, jnp.zeros((pad_e,), _i32)]).reshape(_NW, _EPT)
    u_p = jnp.concatenate(
        [u.reshape(_E), jnp.full((pad_e,), -jnp.inf, _f32)]
    ).reshape(_NW, _EPT)

    ex, dp = _sc_pass1(src_p, dst_p, u_p, s1[:, 0], s2[:, 0])
    zn0, zn1 = _sc_pass2(src_p.reshape(_NW, _NCH, 1, _CH),
                         dst_p.reshape(_NW, _NCH, 1, _CH), ex, dp, z)

    return _tc_epi(zi, zn0, zn1)

# --- scband reference (transcript-rebuilt; emitter-appended) ---
"""Pipeline reference for scband-gatlayer-23364622090806 (READ-ONLY COPY).

The authoritative reference and input builder live on the scoring server;
editing this copy changes nothing except your own understanding.
"""

import jax, jax.numpy as jnp
import numpy as np

N = 10000
E = 320000
IN_NDIM = 128
OUT_NDIM = 128
IN_EDIM = 16
OUT_EDIM = 16


def setup_inputs(seed: int = 0) -> dict:
    key = jax.random.key(seed)
    ks = jax.random.split(key, 8)
    h = jax.random.normal(ks[0], (N, IN_NDIM), dtype=jnp.float32)
    edge_index = jax.random.randint(ks[1], (2, E), 0, N, dtype=jnp.int32)
    edge_attr = jax.random.normal(ks[2], (E, IN_EDIM), dtype=jnp.float32)
    W0 = jax.random.normal(ks[3], (OUT_EDIM, IN_EDIM), dtype=jnp.float32) * (1.0 / np.sqrt(IN_EDIM))
    W1 = jax.random.normal(ks[4], (OUT_NDIM, IN_NDIM), dtype=jnp.float32) * (1.0 / np.sqrt(IN_NDIM))
    W2 = jax.random.normal(ks[5], (OUT_NDIM, IN_NDIM), dtype=jnp.float32) * (1.0 / np.sqrt(IN_NDIM))
    attn_w = jax.random.normal(ks[6], (1, 2 * OUT_NDIM + OUT_EDIM), dtype=jnp.float32) * (1.0 / np.sqrt(2 * OUT_NDIM + OUT_EDIM))
    weights = jax.random.normal(ks[7], (2, 1), dtype=jnp.float32)
    return {"h": h, "edge_attr": edge_attr, "W0": W0, "W1": W1, "W2": W2, "attn_w": attn_w, "weights": weights, "edge_index": edge_index}


def reference(h, edge_attr, W0, W1, W2, attn_w, weights, edge_index):
    src = edge_index[0]
    dst = edge_index[1]
    # edge_feat_func: t = fc0(d)
    t = edge_attr @ W0.T
    # z = fc1(h); z_i = fc2(h)
    z = h @ W1.T
    z_i = h @ W2.T
    # edge_attention: e = leaky_relu(attn_fc(cat([z_src, z_dst, t])))
    z2 = jnp.concatenate([jnp.take(z, src, axis=0), jnp.take(z, dst, axis=0), t], axis=1)
    a = z2 @ attn_w.T
    e = jax.nn.leaky_relu(a, negative_slope=0.01)
    # reduce_func: segment softmax of e over incoming edges (grouped by dst)
    e_max = jax.ops.segment_max(e, dst, num_segments=N)
    e_max = jnp.where(jnp.isfinite(e_max), e_max, 0.0)
    ex = jnp.exp(e - jax.lax.stop_gradient(e_max)[dst])
    denom = jax.ops.segment_sum(ex, dst, num_segments=N)
    alpha = ex / jnp.take(denom, dst, axis=0)
    z_neighbor = jax.ops.segment_sum(alpha * jnp.take(z, src, axis=0), dst, num_segments=N)
    # lambda_ computed in original reduce_func but unused in output
    lambda_ = jax.nn.softmax(weights, axis=0)
    _ = lambda_
    h_out = jax.nn.relu(z_i + z_neighbor)
    return h_out

if __name__ == "__main__":
    import jax
    _d = setup_inputs()
    print(jax.jit(kernel)(*tuple(_d.values())))

</pallas_src>

<mosaic_0001>
#map = affine_map<(d0, d1) -> (0, 0, 0, 0)>
#map1 = affine_map<(d0, d1) -> (0, 0)>
module attributes {stable_mosaic.version = 14 : i64} {
  func.func @_sc2_body(%arg0: i32, %arg1: i32, %arg2: memref<32x80x1x128xi32, #tpu.memory_space<hbm>>, %arg3: memref<32x80x1x128xi32, #tpu.memory_space<hbm>>, %arg4: memref<32x10240xf32, #tpu.memory_space<hbm>>, %arg5: memref<32x10240xf32, #tpu.memory_space<hbm>>, %arg6: memref<10240x128xf32, #tpu.memory_space<hbm>>, %arg7: memref<10240x128xf32, #tpu.memory_space<hbm>>, %arg8: memref<10240x128xf32, #tpu.memory_space<hbm>>, %arg9: memref<1x128xi32, #tpu.memory_space<vmem>>, %arg10: memref<1x128xi32, #tpu.memory_space<vmem>>, %arg11: memref<1x128xi32, #tpu.memory_space<vmem>>, %arg12: memref<1x128xi32, #tpu.memory_space<vmem>>, %arg13: memref<128xf32, #tpu.memory_space<vmem>>, %arg14: memref<128xf32, #tpu.memory_space<vmem>>, %arg15: memref<1x128xi32, #tpu.memory_space<vmem>>, %arg16: memref<1x128xi32, #tpu.memory_space<vmem>>, %arg17: memref<128x128xf32, #tpu.memory_space<vmem>>, %arg18: memref<128x128xf32, #tpu.memory_space<vmem>>, %arg19: memref<10240xf32, #tpu.memory_space<vmem>>, %arg20: memref<640xf32, #tpu.memory_space<vmem>>, %arg21: memref<640xf32, #tpu.memory_space<vmem>>, %arg22: memref<128xf32, #tpu.memory_space<vmem>>, %arg23: memref<10240x128xf32, #tpu.memory_space<vmem_shared>>, %arg24: memref<10240xf32, #tpu.memory_space<vmem_shared>>, %arg25: memref<!tpu.dma_semaphore, #tpu.memory_space<semaphore_mem>>, %arg26: memref<!tpu.dma_semaphore, #tpu.memory_space<semaphore_mem>>, %arg27: memref<!tpu.dma_semaphore, #tpu.memory_space<semaphore_mem>>, %arg28: memref<!tpu.dma_semaphore, #tpu.memory_space<semaphore_mem>>, %arg29: memref<!tpu.dma_semaphore, #tpu.memory_space<semaphore_mem>>, %arg30: memref<!tpu.dma_semaphore, #tpu.memory_space<semaphore_mem>>) attributes {dimension_semantics = [#tpu.dimension_semantics<core_parallel>, #tpu.dimension_semantics<subcore_parallel>], iteration_bounds = array<i64: 2, 16>, scalar_prefetch = 0 : i64, scratch_operands = 22 : i64, tpu.core_type = #tpu.core_type<sc_vector_subcore>, window_params = [{transform_indices = #map}, {transform_indices = #map}, {transform_indices = #map1}, {transform_indices = #map1}, {transform_indices = #map1}, {transform_indices = #map1}, {transform_indices = #map1}]} {
    %mul3A = arith.constant 16 : i32
    %mul3A_0 = arith.muli %arg0, %mul3A : i32
    %add3A = arith.addi %mul3A_0, %arg1 : i32
    %mul3A_1 = arith.constant 640 : i32
    %mul3A_2 = arith.muli %arg1, %mul3A_1 : i32
    %broadcast_in_dim3A = arith.constant 0.000000e+00 : f32
    %broadcast_in_dim3A_3 = vector.broadcast %broadcast_in_dim3A : f32 to vector<16xf32>
    %scan3A = arith.constant 0 : i32
    %scan3A_4 = arith.constant 0 : i32
    %scan3A_5 = arith.constant 40 : i32
    %scan3A_6 = arith.addi %scan3A_4, %scan3A_5 : i32
    %scan3A_7 = arith.constant 1 : i32
    scf.for %scan3A_129 = %scan3A_4 to %scan3A_6 step %scan3A_7  : i32 {
      %mul3A_130 = arith.constant 16 : i32
      %mul3A_131 = arith.muli %scan3A_129, %mul3A_130 : i32
      %swap3A = arith.index_cast %mul3A_131 : i32 to index
      %swap3A_132 = tpu.vector_load %arg21[%swap3A] {strides = array<i32>} : memref<640xf32, #tpu.memory_space<vmem>>, vector<16xf32>,
      tpu.vector_store %arg21[%swap3A], %broadcast_in_dim3A_3 {strides = array<i32>} : memref<640xf32, #tpu.memory_space<vmem>>, vector<16xf32>,
    }
    %scan3A_8 = arith.constant 40 : i32
    %scan3A_9 = arith.constant 0 : i32
    %scan3A_10 = arith.constant 0 : i32
    %scan3A_11 = arith.constant 32 : i32
    %scan3A_12 = arith.addi %scan3A_10, %scan3A_11 : i32
    %scan3A_13 = arith.constant 1 : i32
    scf.for %scan3A_129 = %scan3A_10 to %scan3A_12 step %scan3A_13  : i32 {
      "tpu.region"() ({
        %run_scoped3A = tpu.sem_alloc : memref<!tpu.dma_semaphore, #tpu.memory_space<semaphore_mem>>
        %dma_start3A_136 = tpu.memref_slice %arg5[%scan3A_129, %mul3A_2] : memref<32x10240xf32, #tpu.memory_space<hbm>> -> memref<1x640xf32, #tpu.memory_space<hbm>>
        %dma_start3A_137 = tpu.memref_squeeze %dma_start3A_136 : memref<1x640xf32, #tpu.memory_space<hbm>> -> memref<640xf32, #tpu.memory_space<hbm>>
        %dma_start3A_138 = tpu.memref_slice %arg5[%scan3A_129, %mul3A_2] : memref<32x10240xf32, #tpu.memory_space<hbm>> -> memref<1x640xf32, #tpu.memory_space<hbm>>
        %dma_start3A_139 = tpu.memref_squeeze %dma_start3A_138 : memref<1x640xf32, #tpu.memory_space<hbm>> -> memref<640xf32, #tpu.memory_space<hbm>>
        tpu.enqueue_dma source(%dma_start3A_139 : memref<640xf32, #tpu.memory_space<hbm>>) target(%arg20 : memref<640xf32, #tpu.memory_space<vmem>>) target_semaphore(%run_scoped3A : memref<!tpu.dma_semaphore, #tpu.memory_space<semaphore_mem>>)
        %dma_wait3A_140 = tpu.memref_slice %arg5[%scan3A_129, %mul3A_2] : memref<32x10240xf32, #tpu.memory_space<hbm>> -> memref<1x640xf32, #tpu.memory_space<hbm>>
        %dma_wait3A_141 = tpu.memref_squeeze %dma_wait3A_140 : memref<1x640xf32, #tpu.memory_space<hbm>> -> memref<640xf32, #tpu.memory_space<hbm>>
        %dma_wait3A_142 = tpu.memref_slice %arg5[%scan3A_129, %mul3A_2] : memref<32x10240xf32, #tpu.memory_space<hbm>> -> memref<1x640xf32, #tpu.memory_space<hbm>>
        %dma_wait3A_143 = tpu.memref_squeeze %dma_wait3A_142 : memref<1x640xf32, #tpu.memory_space<hbm>> -> memref<640xf32, #tpu.memory_space<hbm>>
        tpu.wait_dma2 semaphore(%run_scoped3A : memref<!tpu.dma_semaphore, #tpu.memory_space<semaphore_mem>>) src(%dma_wait3A_143 : memref<640xf32, #tpu.memory_space<hbm>>) dst(%arg20 : memref<640xf32, #tpu.memory_space<vmem>>)
        tpu.yield
      }) : () -> ()
      %scan3A_130 = arith.constant 0 : i32
      %scan3A_131 = arith.constant 0 : i32
      %scan3A_132 = arith.constant 40 : i32
      %scan3A_133 = arith.addi %scan3A_131, %scan3A_132 : i32
      %scan3A_134 = arith.constant 1 : i32
      scf.for %scan3A_136 = %scan3A_131 to %scan3A_133 step %scan3A_134  : i32 {
        %mul3A_137 = arith.constant 16 : i32
        %mul3A_138 = arith.muli %scan3A_136, %mul3A_137 : i32
        %get3A = arith.index_cast %mul3A_138 : i32 to index
        %get3A_139 = tpu.vector_load %arg21[%get3A] {strides = array<i32>} : memref<640xf32, #tpu.memory_space<vmem>>, vector<16xf32>,
        %get3A_140 = arith.index_cast %mul3A_138 : i32 to index
        %get3A_141 = tpu.vector_load %arg20[%get3A_140] {strides = array<i32>} : memref<640xf32, #tpu.memory_space<vmem>>, vector<16xf32>,
        %add3A_142 = arith.addf %get3A_139, %get3A_141 : vector<16xf32>
        %swap3A = arith.index_cast %mul3A_138 : i32 to index
        %swap3A_143 = tpu.vector_load %arg21[%swap3A] {strides = array<i32>} : memref<640xf32, #tpu.memory_space<vmem>>, vector<16xf32>,
        tpu.vector_store %arg21[%swap3A], %add3A_142 {strides = array<i32>} : memref<640xf32, #tpu.memory_space<vmem>>, vector<16xf32>,
      }
      %scan3A_135 = arith.constant 40 : i32
    }
    %scan3A_14 = arith.constant 32 : i32
    "tpu.region"() ({
      %run_scoped3A = tpu.sem_alloc : memref<!tpu.dma_semaphore, #tpu.memory_space<semaphore_mem>>
      %dma_start3A_129 = tpu.memref_slice %arg24[%mul3A_2] : memref<10240xf32, #tpu.memory_space<vmem_shared>> -> memref<640xf32, #tpu.memory_space<vmem_shared>>
      %dma_start3A_130 = tpu.memref_slice %arg24[%mul3A_2] : memref<10240xf32, #tpu.memory_space<vmem_shared>> -> memref<640xf32, #tpu.memory_space<vmem_shared>>
      tpu.enqueue_dma source(%arg21 : memref<640xf32, #tpu.memory_space<vmem>>) target(%dma_start3A_130 : memref<640xf32, #tpu.memory_space<vmem_shared>>) target_semaphore(%run_scoped3A : memref<!tpu.dma_semaphore, #tpu.memory_space<semaphore_mem>>)
      %dma_wait3A_131 = tpu.memref_slice %arg24[%mul3A_2] : memref<10240xf32, #tpu.memory_space<vmem_shared>> -> memref<640xf32, #tpu.memory_space<vmem_shared>>
      %dma_wait3A_132 = tpu.memref_slice %arg24[%mul3A_2] : memref<10240xf32, #tpu.memory_space<vmem_shared>> -> memref<640xf32, #tpu.memory_space<vmem_shared>>
      tpu.wait_dma2 semaphore(%run_scoped3A : memref<!tpu.dma_semaphore, #tpu.memory_space<semaphore_mem>>) src(%arg21 : memref<640xf32, #tpu.memory_space<vmem>>) dst(%dma_wait3A_132 : memref<640xf32, #tpu.memory_space<vmem_shared>>)
      tpu.yield
    }) : () -> ()
    %scan3A_15 = arith.constant 0 : i32
    %scan3A_16 = arith.constant 0 : i32
    %scan3A_17 = arith.constant 128 : i32
    %scan3A_18 = arith.addi %scan3A_16, %scan3A_17 : i32
    %scan3A_19 = arith.constant 1 : i32
    scf.for %scan3A_129 = %scan3A_16 to %scan3A_18 step %scan3A_19  : i32 {
      %swap3A = arith.index_cast %scan3A_129 : i32 to index
      %swap3A_130 = arith.constant 0 : index
      %swap3A_131 = tpu.vector_load %arg17[%swap3A, %swap3A_130] {strides = array<i32>} : memref<128x128xf32, #tpu.memory_space<vmem>>, vector<16xf32>,
      tpu.vector_store %arg17[%swap3A, %swap3A_130], %broadcast_in_dim3A_3 {strides = array<i32>} : memref<128x128xf32, #tpu.memory_space<vmem>>, vector<16xf32>,
      %swap3A_132 = arith.index_cast %scan3A_129 : i32 to index
      %swap3A_133 = arith.constant 16 : index
      %swap3A_134 = tpu.vector_load %arg17[%swap3A_132, %swap3A_133] {strides = array<i32>} : memref<128x128xf32, #tpu.memory_space<vmem>>, vector<16xf32>,
      tpu.vector_store %arg17[%swap3A_132, %swap3A_133], %broadcast_in_dim3A_3 {strides = array<i32>} : memref<128x128xf32, #tpu.memory_space<vmem>>, vector<16xf32>,
      %swap3A_135 = arith.index_cast %scan3A_129 : i32 to index
      %swap3A_136 = arith.constant 32 : index
      %swap3A_137 = tpu.vector_load %arg17[%swap3A_135, %swap3A_136] {strides = array<i32>} : memref<128x128xf32, #tpu.memory_space<vmem>>, vector<16xf32>,
      tpu.vector_store %arg17[%swap3A_135, %swap3A_136], %broadcast_in_dim3A_3 {strides = array<i32>} : memref<128x128xf32, #tpu.memory_space<vmem>>, vector<16xf32>,
      %swap3A_138 = arith.index_cast %scan3A_129 : i32 to index
      %swap3A_139 = arith.constant 48 : index
      %swap3A_140 = tpu.vector_load %arg17[%swap3A_138, %swap3A_139] {strides = array<i32>} : memref<128x128xf32, #tpu.memory_space<vmem>>, vector<16xf32>,
      tpu.vector_store %arg17[%swap3A_138, %swap3A_139], %broadcast_in_dim3A_3 {strides = array<i32>} : memref<128x128xf32, #tpu.memory_space<vmem>>, vector<16xf32>,
      %swap3A_141 = arith.index_cast %scan3A_129 : i32 to index
      %swap3A_142 = arith.constant 64 : index
      %swap3A_143 = tpu.vector_load %arg17[%swap3A_141, %swap3A_142] {strides = array<i32>} : memref<128x128xf32, #tpu.memory_space<vmem>>, vector<16xf32>,
      tpu.vector_store %arg17[%swap3A_141, %swap3A_142], %broadcast_in_dim3A_3 {strides = array<i32>} : memref<128x128xf32, #tpu.memory_space<vmem>>, vector<16xf32>,
      %swap3A_144 = arith.index_cast %scan3A_129 : i32 to index
      %swap3A_145 = arith.constant 80 : index
      %swap3A_146 = tpu.vector_load %arg17[%swap3A_144, %swap3A_145] {strides = array<i32>} : memref<128x128xf32, #tpu.memory_space<vmem>>, vector<16xf32>,
      tpu.vector_store %arg17[%swap3A_144, %swap3A_145], %broadcast_in_dim3A_3 {strides = array<i32>} : memref<128x128xf32, #tpu.memory_space<vmem>>, vector<16xf32>,
      %swap3A_147 = arith.index_cast %scan3A_129 : i32 to index
      %swap3A_148 = arith.constant 96 : index
      %swap3A_149 = tpu.vector_load %arg17[%swap3A_147, %swap3A_148] {strides = array<i32>} : memref<128x128xf32, #tpu.memory_space<vmem>>, vector<16xf32>,
      tpu.vector_store %arg17[%swap3A_147, %swap3A_148], %broadcast_in_dim3A_3 {strides = array<i32>} : memref<128x128xf32, #tpu.memory_space<vmem>>, vector<16xf32>,
      %swap3A_150 = arith.index_cast %scan3A_129 : i32 to index
      %swap3A_151 = arith.constant 112 : index
      %swap3A_152 = tpu.vector_load %arg17[%swap3A_150, %swap3A_151] {strides = array<i32>} : memref<128x128xf32, #tpu.memory_space<vmem>>, vector<16xf32>,
      tpu.vector_store %arg17[%swap3A_150, %swap3A_151], %broadcast_in_dim3A_3 {strides = array<i32>} : memref<128x128xf32, #tpu.memory_space<vmem>>, vector<16xf32>,
    }
    %scan3A_20 = arith.constant 128 : i32
    %add3A_21 = arith.constant 0 : i32
    %add3A_22 = arith.addi %mul3A_2, %add3A_21 : i32
    "tpu.region"() ({
      %run_scoped3A = tpu.sem_alloc : memref<!tpu.dma_semaphore, #tpu.memory_space<semaphore_mem>>
      %dma_start3A_129 = arith.constant 0 : i32
      %dma_start3A_130 = tpu.memref_slice %arg23[%add3A_22, %dma_start3A_129] : memref<10240x128xf32, #tpu.memory_space<vmem_shared>> -> memref<128x128xf32, #tpu.memory_space<vmem_shared>>
      %dma_start3A_131 = arith.constant 0 : i32
      %dma_start3A_132 = tpu.memref_slice %arg23[%add3A_22, %dma_start3A_131] : memref<10240x128xf32, #tpu.memory_space<vmem_shared>> -> memref<128x128xf32, #tpu.memory_space<vmem_shared>>
      tpu.enqueue_dma source(%arg17 : memref<128x128xf32, #tpu.memory_space<vmem>>) target(%dma_start3A_132 : memref<128x128xf32, #tpu.memory_space<vmem_shared>>) target_semaphore(%run_scoped3A : memref<!tpu.dma_semaphore, #tpu.memory_space<semaphore_mem>>)
      %dma_wait3A_133 = arith.constant 0 : i32
      %dma_wait3A_134 = tpu.memref_slice %arg23[%add3A_22, %dma_wait3A_133] : memref<10240x128xf32, #tpu.memory_space<vmem_shared>> -> memref<128x128xf32, #tpu.memory_space<vmem_shared>>
      %dma_wait3A_135 = arith.constant 0 : i32
      %dma_wait3A_136 = tpu.memref_slice %arg23[%add3A_22, %dma_wait3A_135] : memref<10240x128xf32, #tpu.memory_space<vmem_shared>> -> memref<128x128xf32, #tpu.memory_space<vmem_shared>>
      tpu.wait_dma2 semaphore(%run_scoped3A : memref<!tpu.dma_semaphore, #tpu.memory_space<semaphore_mem>>) src(%arg17 : memref<128x128xf32, #tpu.memory_space<vmem>>) dst(%dma_wait3A_136 : memref<128x128xf32, #tpu.memory_space<vmem_shared>>)
      tpu.yield
    }) : () -> ()
    %add3A_23 = arith.constant 128 : i32
    %add3A_24 = arith.addi %mul3A_2, %add3A_23 : i32
    "tpu.region"() ({
      %run_scoped3A = tpu.sem_alloc : memref<!tpu.dma_semaphore, #tpu.memory_space<semaphore_mem>>
      %dma_start3A_129 = arith.constant 0 : i32
      %dma_start3A_130 = tpu.memref_slice %arg23[%add3A_24, %dma_start3A_129] : memref<10240x128xf32, #tpu.memory_space<vmem_shared>> -> memref<128x128xf32, #tpu.memory_space<vmem_shared>>
      %dma_start3A_131 = arith.constant 0 : i32
      %dma_start3A_132 = tpu.memref_slice %arg23[%add3A_24, %dma_start3A_131] : memref<10240x128xf32, #tpu.memory_space<vmem_shared>> -> memref<128x128xf32, #tpu.memory_space<vmem_shared>>
      tpu.enqueue_dma source(%arg17 : memref<128x128xf32, #tpu.memory_space<vmem>>) target(%dma_start3A_132 : memref<128x128xf32, #tpu.memory_space<vmem_shared>>) target_semaphore(%run_scoped3A : memref<!tpu.dma_semaphore, #tpu.memory_space<semaphore_mem>>)
      %dma_wait3A_133 = arith.constant 0 : i32
      %dma_wait3A_134 = tpu.memref_slice %arg23[%add3A_24, %dma_wait3A_133] : memref<10240x128xf32, #tpu.memory_space<vmem_shared>> -> memref<128x128xf32, #tpu.memory_space<vmem_shared>>
      %dma_wait3A_135 = arith.constant 0 : i32
      %dma_wait3A_136 = tpu.memref_slice %arg23[%add3A_24, %dma_wait3A_135] : memref<10240x128xf32, #tpu.memory_space<vmem_shared>> -> memref<128x128xf32, #tpu.memory_space<vmem_shared>>
      tpu.wait_dma2 semaphore(%run_scoped3A : memref<!tpu.dma_semaphore, #tpu.memory_space<semaphore_mem>>) src(%arg17 : memref<128x128xf32, #tpu.memory_space<vmem>>) dst(%dma_wait3A_136 : memref<128x128xf32, #tpu.memory_space<vmem_shared>>)
      tpu.yield
    }) : () -> ()
    %add3A_25 = arith.constant 256 : i32
    %add3A_26 = arith.addi %mul3A_2, %add3A_25 : i32
    "tpu.region"() ({
      %run_scoped3A = tpu.sem_alloc : memref<!tpu.dma_semaphore, #tpu.memory_space<semaphore_mem>>
      %dma_start3A_129 = arith.constant 0 : i32
      %dma_start3A_130 = tpu.memref_slice %arg23[%add3A_26, %dma_start3A_129] : memref<10240x128xf32, #tpu.memory_space<vmem_shared>> -> memref<128x128xf32, #tpu.memory_space<vmem_shared>>
      %dma_start3A_131 = arith.constant 0 : i32
      %dma_start3A_132 = tpu.memref_slice %arg23[%add3A_26, %dma_start3A_131] : memref<10240x128xf32, #tpu.memory_space<vmem_shared>> -> memref<128x128xf32, #tpu.memory_space<vmem_shared>>
      tpu.enqueue_dma source(%arg17 : memref<128x128xf32, #tpu.memory_space<vmem>>) target(%dma_start3A_132 : memref<128x128xf32, #tpu.memory_space<vmem_shared>>) target_semaphore(%run_scoped3A : memref<!tpu.dma_semaphore, #tpu.memory_space<semaphore_mem>>)
      %dma_wait3A_133 = arith.constant 0 : i32
      %dma_wait3A_134 = tpu.memref_slice %arg23[%add3A_26, %dma_wait3A_133] : memref<10240x128xf32, #tpu.memory_space<vmem_shared>> -> memref<128x128xf32, #tpu.memory_space<vmem_shared>>
      %dma_wait3A_135 = arith.constant 0 : i32
      %dma_wait3A_136 = tpu.memref_slice %arg23[%add3A_26, %dma_wait3A_135] : memref<10240x128xf32, #tpu.memory_space<vmem_shared>> -> memref<128x128xf32, #tpu.memory_space<vmem_shared>>
      tpu.wait_dma2 semaphore(%run_scoped3A : memref<!tpu.dma_semaphore, #tpu.memory_space<semaphore_mem>>) src(%arg17 : memref<128x128xf32, #tpu.memory_space<vmem>>) dst(%dma_wait3A_136 : memref<128x128xf32, #tpu.memory_space<vmem_shared>>)
      tpu.yield
    }) : () -> ()
    %add3A_27 = arith.constant 384 : i32
    %add3A_28 = arith.addi %mul3A_2, %add3A_27 : i32
    "tpu.region"() ({
      %run_scoped3A = tpu.sem_alloc : memref<!tpu.dma_semaphore, #tpu.memory_space<semaphore_mem>>
      %dma_start3A_129 = arith.constant 0 : i32
      %dma_start3A_130 = tpu.memref_slice %arg23[%add3A_28, %dma_start3A_129] : memref<10240x128xf32, #tpu.memory_space<vmem_shared>> -> memref<128x128xf32, #tpu.memory_space<vmem_shared>>
      %dma_start3A_131 = arith.constant 0 : i32
      %dma_start3A_132 = tpu.memref_slice %arg23[%add3A_28, %dma_start3A_131] : memref<10240x128xf32, #tpu.memory_space<vmem_shared>> -> memref<128x128xf32, #tpu.memory_space<vmem_shared>>
      tpu.enqueue_dma source(%arg17 : memref<128x128xf32, #tpu.memory_space<vmem>>) target(%dma_start3A_132 : memref<128x128xf32, #tpu.memory_space<vmem_shared>>) target_semaphore(%run_scoped3A : memref<!tpu.dma_semaphore, #tpu.memory_space<semaphore_mem>>)
      %dma_wait3A_133 = arith.constant 0 : i32
      %dma_wait3A_134 = tpu.memref_slice %arg23[%add3A_28, %dma_wait3A_133] : memref<10240x128xf32, #tpu.memory_space<vmem_shared>> -> memref<128x128xf32, #tpu.memory_space<vmem_shared>>
      %dma_wait3A_135 = arith.constant 0 : i32
      %dma_wait3A_136 = tpu.memref_slice %arg23[%add3A_28, %dma_wait3A_135] : memref<10240x128xf32, #tpu.memory_space<vmem_shared>> -> memref<128x128xf32, #tpu.memory_space<vmem_shared>>
      tpu.wait_dma2 semaphore(%run_scoped3A : memref<!tpu.dma_semaphore, #tpu.memory_space<semaphore_mem>>) src(%arg17 : memref<128x128xf32, #tpu.memory_space<vmem>>) dst(%dma_wait3A_136 : memref<128x128xf32, #tpu.memory_space<vmem_shared>>)
      tpu.yield
    }) : () -> ()
    %add3A_29 = arith.constant 512 : i32
    %add3A_30 = arith.addi %mul3A_2, %add3A_29 : i32
    "tpu.region"() ({
      %run_scoped3A = tpu.sem_alloc : memref<!tpu.dma_semaphore, #tpu.memory_space<semaphore_mem>>
      %dma_start3A_129 = arith.constant 0 : i32
      %dma_start3A_130 = tpu.memref_slice %arg23[%add3A_30, %dma_start3A_129] : memref<10240x128xf32, #tpu.memory_space<vmem_shared>> -> memref<128x128xf32, #tpu.memory_space<vmem_shared>>
      %dma_start3A_131 = arith.constant 0 : i32
      %dma_start3A_132 = tpu.memref_slice %arg23[%add3A_30, %dma_start3A_131] : memref<10240x128xf32, #tpu.memory_space<vmem_shared>> -> memref<128x128xf32, #tpu.memory_space<vmem_shared>>
      tpu.enqueue_dma source(%arg17 : memref<128x128xf32, #tpu.memory_space<vmem>>) target(%dma_start3A_132 : memref<128x128xf32, #tpu.memory_space<vmem_shared>>) target_semaphore(%run_scoped3A : memref<!tpu.dma_semaphore, #tpu.memory_space<semaphore_mem>>)
      %dma_wait3A_133 = arith.constant 0 : i32
      %dma_wait3A_134 = tpu.memref_slice %arg23[%add3A_30, %dma_wait3A_133] : memref<10240x128xf32, #tpu.memory_space<vmem_shared>> -> memref<128x128xf32, #tpu.memory_space<vmem_shared>>
      %dma_wait3A_135 = arith.constant 0 : i32
      %dma_wait3A_136 = tpu.memref_slice %arg23[%add3A_30, %dma_wait3A_135] : memref<10240x128xf32, #tpu.memory_space<vmem_shared>> -> memref<128x128xf32, #tpu.memory_space<vmem_shared>>
      tpu.wait_dma2 semaphore(%run_scoped3A : memref<!tpu.dma_semaphore, #tpu.memory_space<semaphore_mem>>) src(%arg17 : memref<128x128xf32, #tpu.memory_space<vmem>>) dst(%dma_wait3A_136 : memref<128x128xf32, #tpu.memory_space<vmem_shared>>)
      tpu.yield
    }) : () -> ()
    %dma_start3A = arith.constant 0 : i32
    %dma_start3A_31 = arith.constant 0 : i32
    %dma_start3A_32 = arith.constant 0 : i32
    %dma_start3A_33 = tpu.memref_slice %arg2[%add3A, %dma_start3A, %dma_start3A_31, %dma_start3A_32] : memref<32x80x1x128xi32, #tpu.memory_space<hbm>> -> memref<1x1x1x128xi32, #tpu.memory_space<hbm>>
    %dma_start3A_34 = tpu.memref_squeeze %dma_start3A_33 : memref<1x1x1x128xi32, #tpu.memory_space<hbm>> -> memref<1x128xi32, #tpu.memory_space<hbm>>
    %dma_start3A_35 = arith.constant 0 : i32
    %dma_start3A_36 = arith.constant 0 : i32
    %dma_start3A_37 = tpu.memref_slice %arg2[%add3A, %dma_start3A, %dma_start3A_35, %dma_start3A_36] : memref<32x80x1x128xi32, #tpu.memory_space<hbm>> -> memref<1x1x1x128xi32, #tpu.memory_space<hbm>>
    %dma_start3A_38 = tpu.memref_squeeze %dma_start3A_37 : memref<1x1x1x128xi32, #tpu.memory_space<hbm>> -> memref<1x128xi32, #tpu.memory_space<hbm>>
    tpu.enqueue_dma source(%dma_start3A_38 : memref<1x128xi32, #tpu.memory_space<hbm>>) target(%arg9 : memref<1x128xi32, #tpu.memory_space<vmem>>) target_semaphore(%arg25 : memref<!tpu.dma_semaphore, #tpu.memory_space<semaphore_mem>>)
    %dma_start3A_39 = arith.constant 0 : i32
    %dma_start3A_40 = arith.constant 0 : i32
    %dma_start3A_41 = arith.constant 0 : i32
    %dma_start3A_42 = tpu.memref_slice %arg3[%add3A, %dma_start3A_39, %dma_start3A_40, %dma_start3A_41] : memref<32x80x1x128xi32, #tpu.memory_space<hbm>> -> memref<1x1x1x128xi32, #tpu.memory_space<hbm>>
    %dma_start3A_43 = tpu.memref_squeeze %dma_start3A_42 : memref<1x1x1x128xi32, #tpu.memory_space<hbm>> -> memref<1x128xi32, #tpu.memory_space<hbm>>
    %dma_start3A_44 = arith.constant 0 : i32
    %dma_start3A_45 = arith.constant 0 : i32
    %dma_start3A_46 = tpu.memref_slice %arg3[%add3A, %dma_start3A_39, %dma_start3A_44, %dma_start3A_45] : memref<32x80x1x128xi32, #tpu.memory_space<hbm>> -> memref<1x1x1x128xi32, #tpu.memory_space<hbm>>
    %dma_start3A_47 = tpu.memref_squeeze %dma_start3A_46 : memref<1x1x1x128xi32, #tpu.memory_space<hbm>> -> memref<1x128xi32, #tpu.memory_space<hbm>>
    tpu.enqueue_dma source(%dma_start3A_47 : memref<1x128xi32, #tpu.memory_space<hbm>>) target(%arg11 : memref<1x128xi32, #tpu.memory_space<vmem>>) target_semaphore(%arg25 : memref<!tpu.dma_semaphore, #tpu.memory_space<semaphore_mem>>)
    %dma_start3A_48 = arith.constant 0 : i32
    %dma_start3A_49 = tpu.memref_slice %arg4[%add3A, %dma_start3A_48] : memref<32x10240xf32, #tpu.memory_space<hbm>> -> memref<1x128xf32, #tpu.memory_space<hbm>>
    %dma_start3A_50 = tpu.memref_squeeze %dma_start3A_49 : memref<1x128xf32, #tpu.memory_space<hbm>> -> memref<128xf32, #tpu.memory_space<hbm>>
    %dma_start3A_51 = arith.constant 0 : i32
    %dma_start3A_52 = tpu.memref_slice %arg4[%add3A, %dma_start3A_51] : memref<32x10240xf32, #tpu.memory_space<hbm>> -> memref<1x128xf32, #tpu.memory_space<hbm>>
    %dma_start3A_53 = tpu.memref_squeeze %dma_start3A_52 : memref<1x128xf32, #tpu.memory_space<hbm>> -> memref<128xf32, #tpu.memory_space<hbm>>
    tpu.enqueue_dma source(%dma_start3A_53 : memref<128xf32, #tpu.memory_space<hbm>>) target(%arg13 : memref<128xf32, #tpu.memory_space<vmem>>) target_semaphore(%arg25 : memref<!tpu.dma_semaphore, #tpu.memory_space<semaphore_mem>>)
    %dma_start3A_54 = arith.constant 1 : i32
    %dma_start3A_55 = arith.constant 0 : i32
    %dma_start3A_56 = arith.constant 0 : i32
    %dma_start3A_57 = tpu.memref_slice %arg2[%add3A, %dma_start3A_54, %dma_start3A_55, %dma_start3A_56] : memref<32x80x1x128xi32, #tpu.memory_space<hbm>> -> memref<1x1x1x128xi32, #tpu.memory_space<hbm>>
    %dma_start3A_58 = tpu.memref_squeeze %dma_start3A_57 : memref<1x1x1x128xi32, #tpu.memory_space<hbm>> -> memref<1x128xi32, #tpu.memory_space<hbm>>
    %dma_start3A_59 = arith.constant 0 : i32
    %dma_start3A_60 = arith.constant 0 : i32
    %dma_start3A_61 = tpu.memref_slice %arg2[%add3A, %dma_start3A_54, %dma_start3A_59, %dma_start3A_60] : memref<32x80x1x128xi32, #tpu.memory_space<hbm>> -> memref<1x1x1x128xi32, #tpu.memory_space<hbm>>
    %dma_start3A_62 = tpu.memref_squeeze %dma_start3A_61 : memref<1x1x1x128xi32, #tpu.memory_space<hbm>> -> memref<1x128xi32, #tpu.memory_space<hbm>>
    tpu.enqueue_dma source(%dma_start3A_62 : memref<1x128xi32, #tpu.memory_space<hbm>>) target(%arg10 : memref<1x128xi32, #tpu.memory_space<vmem>>) target_semaphore(%arg26 : memref<!tpu.dma_semaphore, #tpu.memory_space<semaphore_mem>>)
    %dma_start3A_63 = arith.constant 1 : i32
    %dma_start3A_64 = arith.constant 0 : i32
    %dma_start3A_65 = arith.constant 0 : i32
    %dma_start3A_66 = tpu.memref_slice %arg3[%add3A, %dma_start3A_63, %dma_start3A_64, %dma_start3A_65] : memref<32x80x1x128xi32, #tpu.memory_space<hbm>> -> memref<1x1x1x128xi32, #tpu.memory_space<hbm>>
    %dma_start3A_67 = tpu.memref_squeeze %dma_start3A_66 : memref<1x1x1x128xi32, #tpu.memory_space<hbm>> -> memref<1x128xi32, #tpu.memory_space<hbm>>
    %dma_start3A_68 = arith.constant 0 : i32
    %dma_start3A_69 = arith.constant 0 : i32
    %dma_start3A_70 = tpu.memref_slice %arg3[%add3A, %dma_start3A_63, %dma_start3A_68, %dma_start3A_69] : memref<32x80x1x128xi32, #tpu.memory_space<hbm>> -> memref<1x1x1x128xi32, #tpu.memory_space<hbm>>
    %dma_start3A_71 = tpu.memref_squeeze %dma_start3A_70 : memref<1x1x1x128xi32, #tpu.memory_space<hbm>> -> memref<1x128xi32, #tpu.memory_space<hbm>>
    tpu.enqueue_dma source(%dma_start3A_71 : memref<1x128xi32, #tpu.memory_space<hbm>>) target(%arg12 : memref<1x128xi32, #tpu.memory_space<vmem>>) target_semaphore(%arg26 : memref<!tpu.dma_semaphore, #tpu.memory_space<semaphore_mem>>)
    %dma_start3A_72 = arith.constant 128 : i32
    %dma_start3A_73 = tpu.memref_slice %arg4[%add3A, %dma_start3A_72] : memref<32x10240xf32, #tpu.memory_space<hbm>> -> memref<1x128xf32, #tpu.memory_space<hbm>>
    %dma_start3A_74 = tpu.memref_squeeze %dma_start3A_73 : memref<1x128xf32, #tpu.memory_space<hbm>> -> memref<128xf32, #tpu.memory_space<hbm>>
    %dma_start3A_75 = arith.constant 128 : i32
    %dma_start3A_76 = tpu.memref_slice %arg4[%add3A, %dma_start3A_75] : memref<32x10240xf32, #tpu.memory_space<hbm>> -> memref<1x128xf32, #tpu.memory_space<hbm>>
    %dma_start3A_77 = tpu.memref_squeeze %dma_start3A_76 : memref<1x128xf32, #tpu.memory_space<hbm>> -> memref<128xf32, #tpu.memory_space<hbm>>
    tpu.enqueue_dma source(%dma_start3A_77 : memref<128xf32, #tpu.memory_space<hbm>>) target(%arg14 : memref<128xf32, #tpu.memory_space<vmem>>) target_semaphore(%arg26 : memref<!tpu.dma_semaphore, #tpu.memory_space<semaphore_mem>>)
    %dma_wait3A = arith.constant 0 : i32
    %dma_wait3A_78 = arith.constant 0 : i32
    %dma_wait3A_79 = arith.constant 0 : i32
    %dma_wait3A_80 = tpu.memref_slice %arg2[%add3A, %dma_wait3A, %dma_wait3A_78, %dma_wait3A_79] : memref<32x80x1x128xi32, #tpu.memory_space<hbm>> -> memref<1x1x1x128xi32, #tpu.memory_space<hbm>>
    %dma_wait3A_81 = tpu.memref_squeeze %dma_wait3A_80 : memref<1x1x1x128xi32, #tpu.memory_space<hbm>> -> memref<1x128xi32, #tpu.memory_space<hbm>>
    %dma_wait3A_82 = arith.constant 0 : i32
    %dma_wait3A_83 = arith.constant 0 : i32
    %dma_wait3A_84 = tpu.memref_slice %arg2[%add3A, %dma_wait3A, %dma_wait3A_82, %dma_wait3A_83] : memref<32x80x1x128xi32, #tpu.memory_space<hbm>> -> memref<1x1x1x128xi32, #tpu.memory_space<hbm>>
    %dma_wait3A_85 = tpu.memref_squeeze %dma_wait3A_84 : memref<1x1x1x128xi32, #tpu.memory_space<hbm>> -> memref<1x128xi32, #tpu.memory_space<hbm>>
    tpu.wait_dma2 semaphore(%arg25 : memref<!tpu.dma_semaphore, #tpu.memory_space<semaphore_mem>>) src(%dma_wait3A_85 : memref<1x128xi32, #tpu.memory_space<hbm>>) dst(%arg9 : memref<1x128xi32, #tpu.memory_space<vmem>>)
    %dma_wait3A_86 = arith.constant 0 : i32
    %dma_wait3A_87 = arith.constant 0 : i32
    %dma_wait3A_88 = arith.constant 0 : i32
    %dma_wait3A_89 = tpu.memref_slice %arg3[%add3A, %dma_wait3A_86, %dma_wait3A_87, %dma_wait3A_88] : memref<32x80x1x128xi32, #tpu.memory_space<hbm>> -> memref<1x1x1x128xi32, #tpu.memory_space<hbm>>
    %dma_wait3A_90 = tpu.memref_squeeze %dma_wait3A_89 : memref<1x1x1x128xi32, #tpu.memory_space<hbm>> -> memref<1x128xi32, #tpu.memory_space<hbm>>
    %dma_wait3A_91 = arith.constant 0 : i32
    %dma_wait3A_92 = arith.constant 0 : i32
    %dma_wait3A_93 = tpu.memref_slice %arg3[%add3A, %dma_wait3A_86, %dma_wait3A_91, %dma_wait3A_92] : memref<32x80x1x128xi32, #tpu.memory_space<hbm>> -> memref<1x1x1x128xi32, #tpu.memory_space<hbm>>
    %dma_wait3A_94 = tpu.memref_squeeze %dma_wait3A_93 : memref<1x1x1x128xi32, #tpu.memory_space<hbm>> -> memref<1x128xi32, #tpu.memory_space<hbm>>
    tpu.wait_dma2 semaphore(%arg25 : memref<!tpu.dma_semaphore, #tpu.memory_space<semaphore_mem>>) src(%dma_wait3A_94 : memref<1x128xi32, #tpu.memory_space<hbm>>) dst(%arg11 : memref<1x128xi32, #tpu.memory_space<vmem>>)
    %dma_wait3A_95 = arith.constant 0 : i32
    %dma_wait3A_96 = tpu.memref_slice %arg4[%add3A, %dma_wait3A_95] : memref<32x10240xf32, #tpu.memory_space<hbm>> -> memref<1x128xf32, #tpu.memory_space<hbm>>
    %dma_wait3A_97 = tpu.memref_squeeze %dma_wait3A_96 : memref<1x128xf32, #tpu.memory_space<hbm>> -> memref<128xf32, #tpu.memory_space<hbm>>
    %dma_wait3A_98 = arith.constant 0 : i32
    %dma_wait3A_99 = tpu.memref_slice %arg4[%add3A, %dma_wait3A_98] : memref<32x10240xf32, #tpu.memory_space<hbm>> -> memref<1x128xf32, #tpu.memory_space<hbm>>
    %dma_wait3A_100 = tpu.memref_squeeze %dma_wait3A_99 : memref<1x128xf32, #tpu.memory_space<hbm>> -> memref<128xf32, #tpu.memory_space<hbm>>
    tpu.wait_dma2 semaphore(%arg25 : memref<!tpu.dma_semaphore, #tpu.memory_space<semaphore_mem>>) src(%dma_wait3A_100 : memref<128xf32, #tpu.memory_space<hbm>>) dst(%arg13 : memref<128xf32, #tpu.memory_space<vmem>>)
    %dma_start3A_101 = arith.constant 0 : i32
    %dma_start3A_102 = arith.constant 0 : i32
    %dma_start3A_103 = tpu.memref_slice %arg9[%dma_start3A_101, %dma_start3A_102] : memref<1x128xi32, #tpu.memory_space<vmem>> -> memref<1x128xi32, #tpu.memory_space<vmem>>
    %dma_start3A_104 = tpu.memref_squeeze %dma_start3A_103 : memref<1x128xi32, #tpu.memory_space<vmem>> -> memref<128xi32, #tpu.memory_space<vmem>>
    %dma_start3A_105 = arith.constant 0 : i32
    %dma_start3A_106 = arith.constant 0 : i32
    %dma_start3A_107 = tpu.memref_slice %arg6[%dma_start3A_105, %dma_start3A_106] : memref<10240x128xf32, #tpu.memory_space<hbm>> -> memref<10240x128xf32, #tpu.memory_space<hbm>>
    tpu.enqueue_indirect_dma source(%dma_start3A_107 : memref<10240x128xf32, #tpu.memory_space<hbm>>) target(%arg17 : memref<128x128xf32, #tpu.memory_space<vmem>>) offsets(%dma_start3A_104 : memref<128xi32, #tpu.memory_space<vmem>>) semaphore(%arg27 : memref<!tpu.dma_semaphore, #tpu.memory_space<semaphore_mem>>)
    %barrier3A = arith.constant 0 : index
    tpu.barrier barrier_id(%barrier3A)
    "tpu.region"() ({
      %run_scoped3A = tpu.sem_alloc : memref<!tpu.dma_semaphore, #tpu.memory_space<semaphore_mem>>
      tpu.enqueue_dma source(%arg24 : memref<10240xf32, #tpu.memory_space<vmem_shared>>) target(%arg19 : memref<10240xf32, #tpu.memory_space<vmem>>) target_semaphore(%run_scoped3A : memref<!tpu.dma_semaphore, #tpu.memory_space<semaphore_mem>>)
      tpu.wait_dma2 semaphore(%run_scoped3A : memref<!tpu.dma_semaphore, #tpu.memory_space<semaphore_mem>>) src(%arg24 : memref<10240xf32, #tpu.memory_space<vmem_shared>>) dst(%arg19 : memref<10240xf32, #tpu.memory_space<vmem>>)
      tpu.yield
    }) : () -> ()
    %scan3A_108 = arith.constant 0 : i32
    %scan3A_109 = arith.constant 0 : i32
    %scan3A_110 = arith.constant 40 : i32
    %scan3A_111 = arith.addi %scan3A_109, %scan3A_110 : i32
    %scan3A_112 = arith.constant 1 : i32
    scf.for %scan3A_129 = %scan3A_109 to %scan3A_111 step %scan3A_112  : i32 {
      %mul3A_130 = arith.constant 2 : i32
      %mul3A_131 = arith.muli %mul3A_130, %scan3A_129 : i32
      %add3A_132 = arith.constant 0 : i32
      %add3A_133 = arith.addi %mul3A_131, %add3A_132 : i32
      %ge3A = arith.constant 1 : i32
      %ge3A_134 = arith.cmpi sge, %add3A_133, %ge3A : i32
      %convert_element_type3A_135 = arith.extui %ge3A_134 : i1 to i32
      %cond3A_136 = arith.constant 0 : i32
      %cond3A_137 = arith.cmpi ne, %convert_element_type3A_135, %cond3A_136 : i32
      scf.if %cond3A_137 {
        %dma_wait3A_496 = arith.constant 0 : i32
        %dma_wait3A_497 = arith.constant 0 : i32
        %dma_wait3A_498 = tpu.memref_slice %arg16[%dma_wait3A_496, %dma_wait3A_497] : memref<1x128xi32, #tpu.memory_space<vmem>> -> memref<1x128xi32, #tpu.memory_space<vmem>>
        %dma_wait3A_499 = tpu.memref_squeeze %dma_wait3A_498 : memref<1x128xi32, #tpu.memory_space<vmem>> -> memref<128xi32, #tpu.memory_space<vmem>>
        %dma_wait3A_500 = arith.constant 0 : i32
        %dma_wait3A_501 = arith.constant 0 : i32
        %dma_wait3A_502 = tpu.memref_slice %arg23[%dma_wait3A_500, %dma_wait3A_501] : memref<10240x128xf32, #tpu.memory_space<vmem_shared>> -> memref<10240x128xf32, #tpu.memory_space<vmem_shared>>
        tpu.wait_indirect_dma semaphore(%arg30 : memref<!tpu.dma_semaphore, #tpu.memory_space<semaphore_mem>>) src(%arg18 : memref<128x128xf32, #tpu.memory_space<vmem>>) dst(%dma_wait3A_502 : memref<10240x128xf32, #tpu.memory_space<vmem_shared>>)
      } else {
      }
      %add3A_138 = arith.constant 1 : i32
      %add3A_139 = arith.addi %add3A_133, %add3A_138 : i32
      %lt3A = arith.constant 80 : i32
      %lt3A_140 = arith.cmpi slt, %add3A_139, %lt3A : i32
      %convert_element_type3A_141 = arith.extui %lt3A_140 : i1 to i32
      %cond3A_142 = arith.constant 0 : i32
      %cond3A_143 = arith.cmpi ne, %convert_element_type3A_141, %cond3A_142 : i32
      scf.if %cond3A_143 {
        %dma_wait3A_496 = arith.constant 0 : i32
        %dma_wait3A_497 = arith.constant 0 : i32
        %dma_wait3A_498 = arith.constant 0 : i32
        %dma_wait3A_499 = tpu.memref_slice %arg2[%add3A, %dma_wait3A_496, %dma_wait3A_497, %dma_wait3A_498] : memref<32x80x1x128xi32, #tpu.memory_space<hbm>> -> memref<1x1x1x128xi32, #tpu.memory_space<hbm>>
        %dma_wait3A_500 = tpu.memref_squeeze %dma_wait3A_499 : memref<1x1x1x128xi32, #tpu.memory_space<hbm>> -> memref<1x128xi32, #tpu.memory_space<hbm>>
        %dma_wait3A_501 = arith.constant 0 : i32
        %dma_wait3A_502 = arith.constant 0 : i32
        %dma_wait3A_503 = tpu.memref_slice %arg2[%add3A, %dma_wait3A_496, %dma_wait3A_501, %dma_wait3A_502] : memref<32x80x1x128xi32, #tpu.memory_space<hbm>> -> memref<1x1x1x128xi32, #tpu.memory_space<hbm>>
        %dma_wait3A_504 = tpu.memref_squeeze %dma_wait3A_503 : memref<1x1x1x128xi32, #tpu.memory_space<hbm>> -> memref<1x128xi32, #tpu.memory_space<hbm>>
        tpu.wait_dma2 semaphore(%arg26 : memref<!tpu.dma_semaphore, #tpu.memory_space<semaphore_mem>>) src(%dma_wait3A_504 : memref<1x128xi32, #tpu.memory_space<hbm>>) dst(%arg10 : memref<1x128xi32, #tpu.memory_space<vmem>>)
        %dma_wait3A_505 = arith.constant 0 : i32
        %dma_wait3A_506 = arith.constant 0 : i32
        %dma_wait3A_507 = arith.constant 0 : i32
        %dma_wait3A_508 = tpu.memref_slice %arg3[%add3A, %dma_wait3A_505, %dma_wait3A_506, %dma_wait3A_507] : memref<32x80x1x128xi32, #tpu.memory_space<hbm>> -> memref<1x1x1x128xi32, #tpu.memory_space<hbm>>
        %dma_wait3A_509 = tpu.memref_squeeze %dma_wait3A_508 : memref<1x1x1x128xi32, #tpu.memory_space<hbm>> -> memref<1x128xi32, #tpu.memory_space<hbm>>
        %dma_wait3A_510 = arith.constant 0 : i32
        %dma_wait3A_511 = arith.constant 0 : i32
        %dma_wait3A_512 = tpu.memref_slice %arg3[%add3A, %dma_wait3A_505, %dma_wait3A_510, %dma_wait3A_511] : memref<32x80x1x128xi32, #tpu.memory_space<hbm>> -> memref<1x1x1x128xi32, #tpu.memory_space<hbm>>
        %dma_wait3A_513 = tpu.memref_squeeze %dma_wait3A_512 : memref<1x1x1x128xi32, #tpu.memory_space<hbm>> -> memref<1x128xi32, #tpu.memory_space<hbm>>
        tpu.wait_dma2 semaphore(%arg26 : memref<!tpu.dma_semaphore, #tpu.memory_space<semaphore_mem>>) src(%dma_wait3A_513 : memref<1x128xi32, #tpu.memory_space<hbm>>) dst(%arg12 : memref<1x128xi32, #tpu.memory_space<vmem>>)
        %dma_wait3A_514 = arith.constant 0 : i32
        %dma_wait3A_515 = tpu.memref_slice %arg4[%add3A, %dma_wait3A_514] : memref<32x10240xf32, #tpu.memory_space<hbm>> -> memref<1x128xf32, #tpu.memory_space<hbm>>
        %dma_wait3A_516 = tpu.memref_squeeze %dma_wait3A_515 : memref<1x128xf32, #tpu.memory_space<hbm>> -> memref<128xf32, #tpu.memory_space<hbm>>
        %dma_wait3A_517 = arith.constant 0 : i32
        %dma_wait3A_518 = tpu.memref_slice %arg4[%add3A, %dma_wait3A_517] : memref<32x10240xf32, #tpu.memory_space<hbm>> -> memref<1x128xf32, #tpu.memory_space<hbm>>
        %dma_wait3A_519 = tpu.memref_squeeze %dma_wait3A_518 : memref<1x128xf32, #tpu.memory_space<hbm>> -> memref<128xf32, #tpu.memory_space<hbm>>
        tpu.wait_dma2 semaphore(%arg26 : memref<!tpu.dma_semaphore, #tpu.memory_space<semaphore_mem>>) src(%dma_wait3A_519 : memref<128xf32, #tpu.memory_space<hbm>>) dst(%arg14 : memref<128xf32, #tpu.memory_space<vmem>>)
        %dma_start3A_520 = arith.constant 0 : i32
        %dma_start3A_521 = arith.constant 0 : i32
        %dma_start3A_522 = tpu.memref_slice %arg10[%dma_start3A_520, %dma_start3A_521] : memref<1x128xi32, #tpu.memory_space<vmem>> -> memref<1x128xi32, #tpu.memory_space<vmem>>
        %dma_start3A_523 = tpu.memref_squeeze %dma_start3A_522 : memref<1x128xi32, #tpu.memory_space<vmem>> -> memref<128xi32, #tpu.memory_space<vmem>>
        %dma_start3A_524 = arith.constant 0 : i32
        %dma_start3A_525 = arith.constant 0 : i32
        %dma_start3A_526 = tpu.memref_slice %arg6[%dma_start3A_524, %dma_start3A_525] : memref<10240x128xf32, #tpu.memory_space<hbm>> -> memref<10240x128xf32, #tpu.memory_space<hbm>>
        tpu.enqueue_indirect_dma source(%dma_start3A_526 : memref<10240x128xf32, #tpu.memory_space<hbm>>) target(%arg18 : memref<128x128xf32, #tpu.memory_space<vmem>>) offsets(%dma_start3A_523 : memref<128xi32, #tpu.memory_space<vmem>>) semaphore(%arg28 : memref<!tpu.dma_semaphore, #tpu.memory_space<semaphore_mem>>)
      } else {
      }
      %dma_wait3A_144 = arith.constant 0 : i32
      %dma_wait3A_145 = arith.constant 0 : i32
      %dma_wait3A_146 = tpu.memref_slice %arg9[%dma_wait3A_144, %dma_wait3A_145] : memref<1x128xi32, #tpu.memory_space<vmem>> -> memref<1x128xi32, #tpu.memory_space<vmem>>
      %dma_wait3A_147 = tpu.memref_squeeze %dma_wait3A_146 : memref<1x128xi32, #tpu.memory_space<vmem>> -> memref<128xi32, #tpu.memory_space<vmem>>
      %dma_wait3A_148 = arith.constant 0 : i32
      %dma_wait3A_149 = arith.constant 0 : i32
      %dma_wait3A_150 = tpu.memref_slice %arg6[%dma_wait3A_148, %dma_wait3A_149] : memref<10240x128xf32, #tpu.memory_space<hbm>> -> memref<10240x128xf32, #tpu.memory_space<hbm>>
      tpu.wait_indirect_dma semaphore(%arg27 : memref<!tpu.dma_semaphore, #tpu.memory_space<semaphore_mem>>) src(%dma_wait3A_150 : memref<10240x128xf32, #tpu.memory_space<hbm>>) dst(%arg17 : memref<128x128xf32, #tpu.memory_space<vmem>>)
      %get3A = arith.constant 0 : i32
      %get3A_151 = arith.index_cast %get3A : i32 to index
      %get3A_152 = arith.constant 0 : index
      %get3A_153 = tpu.vector_load %arg11[%get3A_151, %get3A_152] {strides = array<i32>} : memref<1x128xi32, #tpu.memory_space<vmem>>, vector<16xi32>,
      %gather3A = tpu.vector_load_idx %arg19[%get3A_153] : memref<10240xf32, #tpu.memory_space<vmem>>[vector<16xi32>], vector<16xf32>,
      %get3A_154 = arith.constant 0 : index
      %get3A_155 = tpu.vector_load %arg13[%get3A_154] {strides = array<i32>} : memref<128xf32, #tpu.memory_space<vmem>>, vector<16xf32>,
      %gt3A = arith.constant 0.000000e+00 : f32
      %gt3A_156 = vector.broadcast %gt3A : f32 to vector<16xf32>
      %gt3A_157 = arith.cmpf ogt, %gather3A, %gt3A_156 : vector<16xf32>
      %div3A = arith.divf %get3A_155, %gather3A : vector<16xf32>
      %select_n3A = arith.select %gt3A_157, %div3A, %broadcast_in_dim3A_3 : vector<16xi1>, vector<16xf32>
      %swap3A = arith.constant 0 : index
      %swap3A_158 = tpu.vector_load %arg22[%swap3A] {strides = array<i32>} : memref<128xf32, #tpu.memory_space<vmem>>, vector<16xf32>,
      tpu.vector_store %arg22[%swap3A], %select_n3A {strides = array<i32>} : memref<128xf32, #tpu.memory_space<vmem>>, vector<16xf32>,
      %swap3A_159 = arith.constant 0 : i32
      %swap3A_160 = arith.index_cast %swap3A_159 : i32 to index
      %swap3A_161 = arith.constant 0 : index
      %swap3A_162 = tpu.vector_load %arg15[%swap3A_160, %swap3A_161] {strides = array<i32>} : memref<1x128xi32, #tpu.memory_space<vmem>>, vector<16xi32>,
      tpu.vector_store %arg15[%swap3A_160, %swap3A_161], %get3A_153 {strides = array<i32>} : memref<1x128xi32, #tpu.memory_space<vmem>>, vector<16xi32>,
      %get3A_163 = arith.constant 0 : i32
      %get3A_164 = arith.index_cast %get3A_163 : i32 to index
      %get3A_165 = arith.constant 16 : index
      %get3A_166 = tpu.vector_load %arg11[%get3A_164, %get3A_165] {strides = array<i32>} : memref<1x128xi32, #tpu.memory_space<vmem>>, vector<16xi32>,
      %gather3A_167 = tpu.vector_load_idx %arg19[%get3A_166] : memref<10240xf32, #tpu.memory_space<vmem>>[vector<16xi32>], vector<16xf32>,
      %get3A_168 = arith.constant 16 : index
      %get3A_169 = tpu.vector_load %arg13[%get3A_168] {strides = array<i32>} : memref<128xf32, #tpu.memory_space<vmem>>, vector<16xf32>,
      %gt3A_170 = arith.constant 0.000000e+00 : f32
      %gt3A_171 = vector.broadcast %gt3A_170 : f32 to vector<16xf32>
      %gt3A_172 = arith.cmpf ogt, %gather3A_167, %gt3A_171 : vector<16xf32>
      %div3A_173 = arith.divf %get3A_169, %gather3A_167 : vector<16xf32>
      %select_n3A_174 = arith.select %gt3A_172, %div3A_173, %broadcast_in_dim3A_3 : vector<16xi1>, vector<16xf32>
      %swap3A_175 = arith.constant 16 : index
      %swap3A_176 = tpu.vector_load %arg22[%swap3A_175] {strides = array<i32>} : memref<128xf32, #tpu.memory_space<vmem>>, vector<16xf32>,
      tpu.vector_store %arg22[%swap3A_175], %select_n3A_174 {strides = array<i32>} : memref<128xf32, #tpu.memory_space<vmem>>, vector<16xf32>,
      %swap3A_177 = arith.constant 0 : i32
      %swap3A_178 = arith.index_cast %swap3A_177 : i32 to index
      %swap3A_179 = arith.constant 16 : index
      %swap3A_180 = tpu.vector_load %arg15[%swap3A_178, %swap3A_179] {strides = array<i32>} : memref<1x128xi32, #tpu.memory_space<vmem>>, vector<16xi32>,
      tpu.vector_store %arg15[%swap3A_178, %swap3A_179], %get3A_166 {strides = array<i32>} : memref<1x128xi32, #tpu.memory_space<vmem>>, vector<16xi32>,
      %get3A_181 = arith.constant 0 : i32
      %get3A_182 = arith.index_cast %get3A_181 : i32 to index
      %get3A_183 = arith.constant 32 : index
      %get3A_184 = tpu.vector_load %arg11[%get3A_182, %get3A_183] {strides = array<i32>} : memref<1x128xi32, #tpu.memory_space<vmem>>, vector<16xi32>,
      %gather3A_185 = tpu.vector_load_idx %arg19[%get3A_184] : memref<10240xf32, #tpu.memory_space<vmem>>[vector<16xi32>], vector<16xf32>,
      %get3A_186 = arith.constant 32 : index
      %get3A_187 = tpu.vector_load %arg13[%get3A_186] {strides = array<i32>} : memref<128xf32, #tpu.memory_space<vmem>>, vector<16xf32>,
      %gt3A_188 = arith.constant 0.000000e+00 : f32
      %gt3A_189 = vector.broadcast %gt3A_188 : f32 to vector<16xf32>
      %gt3A_190 = arith.cmpf ogt, %gather3A_185, %gt3A_189 : vector<16xf32>
      %div3A_191 = arith.divf %get3A_187, %gather3A_185 : vector<16xf32>
      %select_n3A_192 = arith.select %gt3A_190, %div3A_191, %broadcast_in_dim3A_3 : vector<16xi1>, vector<16xf32>
      %swap3A_193 = arith.constant 32 : index
      %swap3A_194 = tpu.vector_load %arg22[%swap3A_193] {strides = array<i32>} : memref<128xf32, #tpu.memory_space<vmem>>, vector<16xf32>,
      tpu.vector_store %arg22[%swap3A_193], %select_n3A_192 {strides = array<i32>} : memref<128xf32, #tpu.memory_space<vmem>>, vector<16xf32>,
      %swap3A_195 = arith.constant 0 : i32
      %swap3A_196 = arith.index_cast %swap3A_195 : i32 to index
      %swap3A_197 = arith.constant 32 : index
      %swap3A_198 = tpu.vector_load %arg15[%swap3A_196, %swap3A_197] {strides = array<i32>} : memref<1x128xi32, #tpu.memory_space<vmem>>, vector<16xi32>,
      tpu.vector_store %arg15[%swap3A_196, %swap3A_197], %get3A_184 {strides = array<i32>} : memref<1x128xi32, #tpu.memory_space<vmem>>, vector<16xi32>,
      %get3A_199 = arith.constant 0 : i32
      %get3A_200 = arith.index_cast %get3A_199 : i32 to index
      %get3A_201 = arith.constant 48 : index
      %get3A_202 = tpu.vector_load %arg11[%get3A_200, %get3A_201] {strides = array<i32>} : memref<1x128xi32, #tpu.memory_space<vmem>>, vector<16xi32>,
      %gather3A_203 = tpu.vector_load_idx %arg19[%get3A_202] : memref<10240xf32, #tpu.memory_space<vmem>>[vector<16xi32>], vector<16xf32>,
      %get3A_204 = arith.constant 48 : index
      %get3A_205 = tpu.vector_load %arg13[%get3A_204] {strides = array<i32>} : memref<128xf32, #tpu.memory_space<vmem>>, vector<16xf32>,
      %gt3A_206 = arith.constant 0.000000e+00 : f32
      %gt3A_207 = vector.broadcast %gt3A_206 : f32 to vector<16xf32>
      %gt3A_208 = arith.cmpf ogt, %gather3A_203, %gt3A_207 : vector<16xf32>
      %div3A_209 = arith.divf %get3A_205, %gather3A_203 : vector<16xf32>
      %select_n3A_210 = arith.select %gt3A_208, %div3A_209, %broadcast_in_dim3A_3 : vector<16xi1>, vector<16xf32>
      %swap3A_211 = arith.constant 48 : index
      %swap3A_212 = tpu.vector_load %arg22[%swap3A_211] {strides = array<i32>} : memref<128xf32, #tpu.memory_space<vmem>>, vector<16xf32>,
      tpu.vector_store %arg22[%swap3A_211], %select_n3A_210 {strides = array<i32>} : memref<128xf32, #tpu.memory_space<vmem>>, vector<16xf32>,
      %swap3A_213 = arith.constant 0 : i32
      %swap3A_214 = arith.index_cast %swap3A_213 : i32 to index
      %swap3A_215 = arith.constant 48 : index
      %swap3A_216 = tpu.vector_load %arg15[%swap3A_214, %swap3A_215] {strides = array<i32>} : memref<1x128xi32, #tpu.memory_space<vmem>>, vector<16xi32>,
      tpu.vector_store %arg15[%swap3A_214, %swap3A_215], %get3A_202 {strides = array<i32>} : memref<1x128xi32, #tpu.memory_space<vmem>>, vector<16xi32>,
      %get3A_217 = arith.constant 0 : i32
      %get3A_218 = arith.index_cast %get3A_217 : i32 to index
      %get3A_219 = arith.constant 64 : index
      %get3A_220 = tpu.vector_load %arg11[%get3A_218, %get3A_219] {strides = array<i32>} : memref<1x128xi32, #tpu.memory_space<vmem>>, vector<16xi32>,
      %gather3A_221 = tpu.vector_load_idx %arg19[%get3A_220] : memref<10240xf32, #tpu.memory_space<vmem>>[vector<16xi32>], vector<16xf32>,
      %get3A_222 = arith.constant 64 : index
      %get3A_223 = tpu.vector_load %arg13[%get3A_222] {strides = array<i32>} : memref<128xf32, #tpu.memory_space<vmem>>, vector<16xf32>,
      %gt3A_224 = arith.constant 0.000000e+00 : f32
      %gt3A_225 = vector.broadcast %gt3A_224 : f32 to vector<16xf32>
      %gt3A_226 = arith.cmpf ogt, %gather3A_221, %gt3A_225 : vector<16xf32>
      %div3A_227 = arith.divf %get3A_223, %gather3A_221 : vector<16xf32>
      %select_n3A_228 = arith.select %gt3A_226, %div3A_227, %broadcast_in_dim3A_3 : vector<16xi1>, vector<16xf32>
      %swap3A_229 = arith.constant 64 : index
      %swap3A_230 = tpu.vector_load %arg22[%swap3A_229] {strides = array<i32>} : memref<128xf32, #tpu.memory_space<vmem>>, vector<16xf32>,
      tpu.vector_store %arg22[%swap3A_229], %select_n3A_228 {strides = array<i32>} : memref<128xf32, #tpu.memory_space<vmem>>, vector<16xf32>,
      %swap3A_231 = arith.constant 0 : i32
      %swap3A_232 = arith.index_cast %swap3A_231 : i32 to index
      %swap3A_233 = arith.constant 64 : index
      %swap3A_234 = tpu.vector_load %arg15[%swap3A_232, %swap3A_233] {strides = array<i32>} : memref<1x128xi32, #tpu.memory_space<vmem>>, vector<16xi32>,
      tpu.vector_store %arg15[%swap3A_232, %swap3A_233], %get3A_220 {strides = array<i32>} : memref<1x128xi32, #tpu.memory_space<vmem>>, vector<16xi32>,
      %get3A_235 = arith.constant 0 : i32
      %get3A_236 = arith.index_cast %get3A_235 : i32 to index
      %get3A_237 = arith.constant 80 : index
      %get3A_238 = tpu.vector_load %arg11[%get3A_236, %get3A_237] {strides = array<i32>} : memref<1x128xi32, #tpu.memory_space<vmem>>, vector<16xi32>,
      %gather3A_239 = tpu.vector_load_idx %arg19[%get3A_238] : memref<10240xf32, #tpu.memory_space<vmem>>[vector<16xi32>], vector<16xf32>,
      %get3A_240 = arith.constant 80 : index
      %get3A_241 = tpu.vector_load %arg13[%get3A_240] {strides = array<i32>} : memref<128xf32, #tpu.memory_space<vmem>>, vector<16xf32>,
      %gt3A_242 = arith.constant 0.000000e+00 : f32
      %gt3A_243 = vector.broadcast %gt3A_242 : f32 to vector<16xf32>
      %gt3A_244 = arith.cmpf ogt, %gather3A_239, %gt3A_243 : vector<16xf32>
      %div3A_245 = arith.divf %get3A_241, %gather3A_239 : vector<16xf32>
      %select_n3A_246 = arith.select %gt3A_244, %div3A_245, %broadcast_in_dim3A_3 : vector<16xi1>, vector<16xf32>
      %swap3A_247 = arith.constant 80 : index
      %swap3A_248 = tpu.vector_load %arg22[%swap3A_247] {strides = array<i32>} : memref<128xf32, #tpu.memory_space<vmem>>, vector<16xf32>,
      tpu.vector_store %arg22[%swap3A_247], %select_n3A_246 {strides = array<i32>} : memref<128xf32, #tpu.memory_space<vmem>>, vector<16xf32>,
      %swap3A_249 = arith.constant 0 : i32
      %swap3A_250 = arith.index_cast %swap3A_249 : i32 to index
      %swap3A_251 = arith.constant 80 : index
      %swap3A_252 = tpu.vector_load %arg15[%swap3A_250, %swap3A_251] {strides = array<i32>} : memref<1x128xi32, #tpu.memory_space<vmem>>, vector<16xi32>,
      tpu.vector_store %arg15[%swap3A_250, %swap3A_251], %get3A_238 {strides = array<i32>} : memref<1x128xi32, #tpu.memory_space<vmem>>, vector<16xi32>,
      %get3A_253 = arith.constant 0 : i32
      %get3A_254 = arith.index_cast %get3A_253 : i32 to index
      %get3A_255 = arith.constant 96 : index
      %get3A_256 = tpu.vector_load %arg11[%get3A_254, %get3A_255] {strides = array<i32>} : memref<1x128xi32, #tpu.memory_space<vmem>>, vector<16xi32>,
      %gather3A_257 = tpu.vector_load_idx %arg19[%get3A_256] : memref<10240xf32, #tpu.memory_space<vmem>>[vector<16xi32>], vector<16xf32>,
      %get3A_258 = arith.constant 96 : index
      %get3A_259 = tpu.vector_load %arg13[%get3A_258] {strides = array<i32>} : memref<128xf32, #tpu.memory_space<vmem>>, vector<16xf32>,
      %gt3A_260 = arith.constant 0.000000e+00 : f32
      %gt3A_261 = vector.broadcast %gt3A_260 : f32 to vector<16xf32>
      %gt3A_262 = arith.cmpf ogt, %gather3A_257, %gt3A_261 : vector<16xf32>
      %div3A_263 = arith.divf %get3A_259, %gather3A_257 : vector<16xf32>
      %select_n3A_264 = arith.select %gt3A_262, %div3A_263, %broadcast_in_dim3A_3 : vector<16xi1>, vector<16xf32>
      %swap3A_265 = arith.constant 96 : index
      %swap3A_266 = tpu.vector_load %arg22[%swap3A_265] {strides = array<i32>} : memref<128xf32, #tpu.memory_space<vmem>>, vector<16xf32>,
      tpu.vector_store %arg22[%swap3A_265], %select_n3A_264 {strides = array<i32>} : memref<128xf32, #tpu.memory_space<vmem>>, vector<16xf32>,
      %swap3A_267 = arith.constant 0 : i32
      %swap3A_268 = arith.index_cast %swap3A_267 : i32 to index
      %swap3A_269 = arith.constant 96 : index
      %swap3A_270 = tpu.vector_load %arg15[%swap3A_268, %swap3A_269] {strides = array<i32>} : memref<1x128xi32, #tpu.memory_space<vmem>>, vector<16xi32>,
      tpu.vector_store %arg15[%swap3A_268, %swap3A_269], %get3A_256 {strides = array<i32>} : memref<1x128xi32, #tpu.memory_space<vmem>>, vector<16xi32>,
      %get3A_271 = arith.constant 0 : i32
      %get3A_272 = arith.index_cast %get3A_271 : i32 to index
      %get3A_273 = arith.constant 112 : index
      %get3A_274 = tpu.vector_load %arg11[%get3A_272, %get3A_273] {strides = array<i32>} : memref<1x128xi32, #tpu.memory_space<vmem>>, vector<16xi32>,
      %gather3A_275 = tpu.vector_load_idx %arg19[%get3A_274] : memref<10240xf32, #tpu.memory_space<vmem>>[vector<16xi32>], vector<16xf32>,
      %get3A_276 = arith.constant 112 : index
      %get3A_277 = tpu.vector_load %arg13[%get3A_276] {strides = array<i32>} : memref<128xf32, #tpu.memory_space<vmem>>, vector<16xf32>,
      %gt3A_278 = arith.constant 0.000000e+00 : f32
      %gt3A_279 = vector.broadcast %gt3A_278 : f32 to vector<16xf32>
      %gt3A_280 = arith.cmpf ogt, %gather3A_275, %gt3A_279 : vector<16xf32>
      %div3A_281 = arith.divf %get3A_277, %gather3A_275 : vector<16xf32>
      %select_n3A_282 = arith.select %gt3A_280, %div3A_281, %broadcast_in_dim3A_3 : vector<16xi1>, vector<16xf32>
      %swap3A_283 = arith.constant 112 : index
      %swap3A_284 = tpu.vector_load %arg22[%swap3A_283] {strides = array<i32>} : memref<128xf32, #tpu.memory_space<vmem>>, vector<16xf32>,
      tpu.vector_store %arg22[%swap3A_283], %select_n3A_282 {strides = array<i32>} : memref<128xf32, #tpu.memory_space<vmem>>, vector<16xf32>,
      %swap3A_285 = arith.constant 0 : i32
      %swap3A_286 = arith.index_cast %swap3A_285 : i32 to index
      %swap3A_287 = arith.constant 112 : index
      %swap3A_288 = tpu.vector_load %arg15[%swap3A_286, %swap3A_287] {strides = array<i32>} : memref<1x128xi32, #tpu.memory_space<vmem>>, vector<16xi32>,
      tpu.vector_store %arg15[%swap3A_286, %swap3A_287], %get3A_274 {strides = array<i32>} : memref<1x128xi32, #tpu.memory_space<vmem>>, vector<16xi32>,
      %scan3A_289 = arith.constant 0 : i32
      %scan3A_290 = arith.constant 0 : i32
      %scan3A_291 = arith.constant 8 : i32
      %scan3A_292 = arith.addi %scan3A_290, %scan3A_291 : i32
      %scan3A_293 = arith.constant 1 : i32
      scf.for %scan3A_496 = %scan3A_290 to %scan3A_292 step %scan3A_293  : i32 {
        %mul3A_497 = arith.constant 16 : i32
        %mul3A_498 = arith.muli %scan3A_496, %mul3A_497 : i32
        %get3A_499 = arith.index_cast %mul3A_498 : i32 to index
        %get3A_500 = tpu.vector_load %arg22[%get3A_499] {strides = array<i32>} : memref<128xf32, #tpu.memory_space<vmem>>, vector<16xf32>,
        %slice3A = vector.extract_strided_slice %get3A_500 {offsets = [0], sizes = [1], strides = [1]} : vector<16xf32> to vector<1xf32>
        %squeeze3A = vector.extract %slice3A[0] : f32 from vector<1xf32>
        %broadcast_in_dim3A_501 = vector.broadcast %squeeze3A : f32 to vector<16xf32>
        %mul3A_502 = arith.constant 16 : i32
        %mul3A_503 = arith.muli %scan3A_496, %mul3A_502 : i32
        %add3A_504 = arith.constant 0 : i32
        %add3A_505 = arith.addi %mul3A_503, %add3A_504 : i32
        %get3A_506 = arith.index_cast %add3A_505 : i32 to index
        %get3A_507 = arith.constant 0 : index
        %get3A_508 = tpu.vector_load %arg17[%get3A_506, %get3A_507] {strides = array<i32>} : memref<128x128xf32, #tpu.memory_space<vmem>>, vector<16xf32>,
        %mul3A_509 = arith.mulf %get3A_508, %broadcast_in_dim3A_501 : vector<16xf32>
        %swap3A_510 = arith.index_cast %add3A_505 : i32 to index
        %swap3A_511 = arith.constant 0 : index
        %swap3A_512 = tpu.vector_load %arg17[%swap3A_510, %swap3A_511] {strides = array<i32>} : memref<128x128xf32, #tpu.memory_space<vmem>>, vector<16xf32>,
        tpu.vector_store %arg17[%swap3A_510, %swap3A_511], %mul3A_509 {strides = array<i32>} : memref<128x128xf32, #tpu.memory_space<vmem>>, vector<16xf32>,
        %get3A_513 = arith.index_cast %add3A_505 : i32 to index
        %get3A_514 = arith.constant 16 : index
        %get3A_515 = tpu.vector_load %arg17[%get3A_513, %get3A_514] {strides = array<i32>} : memref<128x128xf32, #tpu.memory_space<vmem>>, vector<16xf32>,
        %mul3A_516 = arith.mulf %get3A_515, %broadcast_in_dim3A_501 : vector<16xf32>
        %swap3A_517 = arith.index_cast %add3A_505 : i32 to index
        %swap3A_518 = arith.constant 16 : index
        %swap3A_519 = tpu.vector_load %arg17[%swap3A_517, %swap3A_518] {strides = array<i32>} : memref<128x128xf32, #tpu.memory_space<vmem>>, vector<16xf32>,
        tpu.vector_store %arg17[%swap3A_517, %swap3A_518], %mul3A_516 {strides = array<i32>} : memref<128x128xf32, #tpu.memory_space<vmem>>, vector<16xf32>,
        %get3A_520 = arith.index_cast %add3A_505 : i32 to index
        %get3A_521 = arith.constant 32 : index
        %get3A_522 = tpu.vector_load %arg17[%get3A_520, %get3A_521] {strides = array<i32>} : memref<128x128xf32, #tpu.memory_space<vmem>>, vector<16xf32>,
        %mul3A_523 = arith.mulf %get3A_522, %broadcast_in_dim3A_501 : vector<16xf32>
        %swap3A_524 = arith.index_cast %add3A_505 : i32 to index
        %swap3A_525 = arith.constant 32 : index
        %swap3A_526 = tpu.vector_load %arg17[%swap3A_524, %swap3A_525] {strides = array<i32>} : memref<128x128xf32, #tpu.memory_space<vmem>>, vector<16xf32>,
        tpu.vector_store %arg17[%swap3A_524, %swap3A_525], %mul3A_523 {strides = array<i32>} : memref<128x128xf32, #tpu.memory_space<vmem>>, vector<16xf32>,
        %get3A_527 = arith.index_cast %add3A_505 : i32 to index
        %get3A_528 = arith.constant 48 : index
        %get3A_529 = tpu.vector_load %arg17[%get3A_527, %get3A_528] {strides = array<i32>} : memref<128x128xf32, #tpu.memory_space<vmem>>, vector<16xf32>,
        %mul3A_530 = arith.mulf %get3A_529, %broadcast_in_dim3A_501 : vector<16xf32>
        %swap3A_531 = arith.index_cast %add3A_505 : i32 to index
        %swap3A_532 = arith.constant 48 : index
        %swap3A_533 = tpu.vector_load %arg17[%swap3A_531, %swap3A_532] {strides = array<i32>} : memref<128x128xf32, #tpu.memory_space<vmem>>, vector<16xf32>,
        tpu.vector_store %arg17[%swap3A_531, %swap3A_532], %mul3A_530 {strides = array<i32>} : memref<128x128xf32, #tpu.memory_space<vmem>>, vector<16xf32>,
        %get3A_534 = arith.index_cast %add3A_505 : i32 to index
        %get3A_535 = arith.constant 64 : index
        %get3A_536 = tpu.vector_load %arg17[%get3A_534, %get3A_535] {strides = array<i32>} : memref<128x128xf32, #tpu.memory_space<vmem>>, vector<16xf32>,
        %mul3A_537 = arith.mulf %get3A_536, %broadcast_in_dim3A_501 : vector<16xf32>
        %swap3A_538 = arith.index_cast %add3A_505 : i32 to index
        %swap3A_539 = arith.constant 64 : index
        %swap3A_540 = tpu.vector_load %arg17[%swap3A_538, %swap3A_539] {strides = array<i32>} : memref<128x128xf32, #tpu.memory_space<vmem>>, vector<16xf32>,
        tpu.vector_store %arg17[%swap3A_538, %swap3A_539], %mul3A_537 {strides = array<i32>} : memref<128x128xf32, #tpu.memory_space<vmem>>, vector<16xf32>,
        %get3A_541 = arith.index_cast %add3A_505 : i32 to index
        %get3A_542 = arith.constant 80 : index
        %get3A_543 = tpu.vector_load %arg17[%get3A_541, %get3A_542] {strides = array<i32>} : memref<128x128xf32, #tpu.memory_space<vmem>>, vector<16xf32>,
        %mul3A_544 = arith.mulf %get3A_543, %broadcast_in_dim3A_501 : vector<16xf32>
        %swap3A_545 = arith.index_cast %add3A_505 : i32 to index
        %swap3A_546 = arith.constant 80 : index
        %swap3A_547 = tpu.vector_load %arg17[%swap3A_545, %swap3A_546] {strides = array<i32>} : memref<128x128xf32, #tpu.memory_space<vmem>>, vector<16xf32>,
        tpu.vector_store %arg17[%swap3A_545, %swap3A_546], %mul3A_544 {strides = array<i32>} : memref<128x128xf32, #tpu.memory_space<vmem>>, vector<16xf32>,
        %get3A_548 = arith.index_cast %add3A_505 : i32 to index
        %get3A_549 = arith.constant 96 : index
        %get3A_550 = tpu.vector_load %arg17[%get3A_548, %get3A_549] {strides = array<i32>} : memref<128x128xf32, #tpu.memory_space<vmem>>, vector<16xf32>,
        %mul3A_551 = arith.mulf %get3A_550, %broadcast_in_dim3A_501 : vector<16xf32>
        %swap3A_552 = arith.index_cast %add3A_505 : i32 to index
        %swap3A_553 = arith.constant 96 : index
        %swap3A_554 = tpu.vector_load %arg17[%swap3A_552, %swap3A_553] {strides = array<i32>} : memref<128x128xf32, #tpu.memory_space<vmem>>, vector<16xf32>,
        tpu.vector_store %arg17[%swap3A_552, %swap3A_553], %mul3A_551 {strides = array<i32>} : memref<128x128xf32, #tpu.memory_space<vmem>>, vector<16xf32>,
        %get3A_555 = arith.index_cast %add3A_505 : i32 to index
        %get3A_556 = arith.constant 112 : index
        %get3A_557 = tpu.vector_load %arg17[%get3A_555, %get3A_556] {strides = array<i32>} : memref<128x128xf32, #tpu.memory_space<vmem>>, vector<16xf32>,
        %mul3A_558 = arith.mulf %get3A_557, %broadcast_in_dim3A_501 : vector<16xf32>
        %swap3A_559 = arith.index_cast %add3A_505 : i32 to index
        %swap3A_560 = arith.constant 112 : index
        %swap3A_561 = tpu.vector_load %arg17[%swap3A_559, %swap3A_560] {strides = array<i32>} : memref<128x128xf32, #tpu.memory_space<vmem>>, vector<16xf32>,
        tpu.vector_store %arg17[%swap3A_559, %swap3A_560], %mul3A_558 {strides = array<i32>} : memref<128x128xf32, #tpu.memory_space<vmem>>, vector<16xf32>,
        %slice3A_562 = vector.extract_strided_slice %get3A_500 {offsets = [1], sizes = [1], strides = [1]} : vector<16xf32> to vector<1xf32>
        %squeeze3A_563 = vector.extract %slice3A_562[0] : f32 from vector<1xf32>
        %broadcast_in_dim3A_564 = vector.broadcast %squeeze3A_563 : f32 to vector<16xf32>
        %mul3A_565 = arith.constant 16 : i32
        %mul3A_566 = arith.muli %scan3A_496, %mul3A_565 : i32
        %add3A_567 = arith.constant 1 : i32
        %add3A_568 = arith.addi %mul3A_566, %add3A_567 : i32
        %get3A_569 = arith.index_cast %add3A_568 : i32 to index
        %get3A_570 = arith.constant 0 : index
        %get3A_571 = tpu.vector_load %arg17[%get3A_569, %get3A_570] {strides = array<i32>} : memref<128x128xf32, #tpu.memory_space<vmem>>, vector<16xf32>,
        %mul3A_572 = arith.mulf %get3A_571, %broadcast_in_dim3A_564 : vector<16xf32>
        %swap3A_573 = arith.index_cast %add3A_568 : i32 to index
        %swap3A_574 = arith.constant 0 : index
        %swap3A_575 = tpu.vector_load %arg17[%swap3A_573, %swap3A_574] {strides = array<i32>} : memref<128x128xf32, #tpu.memory_space<vmem>>, vector<16xf32>,
        tpu.vector_store %arg17[%swap3A_573, %swap3A_574], %mul3A_572 {strides = array<i32>} : memref<128x128xf32, #tpu.memory_space<vmem>>, vector<16xf32>,
        %get3A_576 = arith.index_cast %add3A_568 : i32 to index
        %get3A_577 = arith.constant 16 : index
        %get3A_578 = tpu.vector_load %arg17[%get3A_576, %get3A_577] {strides = array<i32>} : memref<128x128xf32, #tpu.memory_space<vmem>>, vector<16xf32>,
        %mul3A_579 = arith.mulf %get3A_578, %broadcast_in_dim3A_564 : vector<16xf32>
        %swap3A_580 = arith.index_cast %add3A_568 : i32 to index
        %swap3A_581 = arith.constant 16 : index
        %swap3A_582 = tpu.vector_load %arg17[%swap3A_580, %swap3A_581] {strides = array<i32>} : memref<128x128xf32, #tpu.memory_space<vmem>>, vector<16xf32>,
        tpu.vector_store %arg17[%swap3A_580, %swap3A_581], %mul3A_579 {strides = array<i32>} : memref<128x128xf32, #tpu.memory_space<vmem>>, vector<16xf32>,
        %get3A_583 = arith.index_cast %add3A_568 : i32 to index
        %get3A_584 = arith.constant 32 : index
        %get3A_585 = tpu.vector_load %arg17[%get3A_583, %get3A_584] {strides = array<i32>} : memref<128x128xf32, #tpu.memory_space<vmem>>, vector<16xf32>,
        %mul3A_586 = arith.mulf %get3A_585, %broadcast_in_dim3A_564 : vector<16xf32>
        %swap3A_587 = arith.index_cast %add3A_568 : i32 to index
        %swap3A_588 = arith.constant 32 : index
        %swap3A_589 = tpu.vector_load %arg17[%swap3A_587, %swap3A_588] {strides = array<i32>} : memref<128x128xf32, #tpu.memory_space<vmem>>, vector<16xf32>,
        tpu.vector_store %arg17[%swap3A_587, %swap3A_588], %mul3A_586 {strides = array<i32>} : memref<128x128xf32, #tpu.memory_space<vmem>>, vector<16xf32>,
        %get3A_590 = arith.index_cast %add3A_568 : i32 to index
        %get3A_591 = arith.constant 48 : index
        %get3A_592 = tpu.vector_load %arg17[%get3A_590, %get3A_591] {strides = array<i32>} : memref<128x128xf32, #tpu.memory_space<vmem>>, vector<16xf32>,
        %mul3A_593 = arith.mulf %get3A_592, %broadcast_in_dim3A_564 : vector<16xf32>
        %swap3A_594 = arith.index_cast %add3A_568 : i32 to index
        %swap3A_595 = arith.constant 48 : index
        %swap3A_596 = tpu.vector_load %arg17[%swap3A_594, %swap3A_595] {strides = array<i32>} : memref<128x128xf32, #tpu.memory_space<vmem>>, vector<16xf32>,
        tpu.vector_store %arg17[%swap3A_594, %swap3A_595], %mul3A_593 {strides = array<i32>} : memref<128x128xf32, #tpu.memory_space<vmem>>, vector<16xf32>,
        %get3A_597 = arith.index_cast %add3A_568 : i32 to index
        %get3A_598 = arith.constant 64 : index
        %get3A_599 = tpu.vector_load %arg17[%get3A_597, %get3A_598] {strides = array<i32>} : memref<128x128xf32, #tpu.memory_space<vmem>>, vector<16xf32>,
        %mul3A_600 = arith.mulf %get3A_599, %broadcast_in_dim3A_564 : vector<16xf32>
        %swap3A_601 = arith.index_cast %add3A_568 : i32 to index
        %swap3A_602 = arith.constant 64 : index
        %swap3A_603 = tpu.vector_load %arg17[%swap3A_601, %swap3A_602] {strides = array<i32>} : memref<128x128xf32, #tpu.memory_space<vmem>>, vector<16xf32>,
        tpu.vector_store %arg17[%swap3A_601, %swap3A_602], %mul3A_600 {strides = array<i32>} : memref<128x128xf32, #tpu.memory_space<vmem>>, vector<16xf32>,
        %get3A_604 = arith.index_cast %add3A_568 : i32 to index
        %get3A_605 = arith.constant 80 : index
        %get3A_606 = tpu.vector_load %arg17[%get3A_604, %get3A_605] {strides = array<i32>} : memref<128x128xf32, #tpu.memory_space<vmem>>, vector<16xf32>,
        %mul3A_607 = arith.mulf %get3A_606, %broadcast_in_dim3A_564 : vector<16xf32>
        %swap3A_608 = arith.index_cast %add3A_568 : i32 to index
        %swap3A_609 = arith.constant 80 : index
        %swap3A_610 = tpu.vector_load %arg17[%swap3A_608, %swap3A_609] {strides = array<i32>} : memref<128x128xf32, #tpu.memory_space<vmem>>, vector<16xf32>,
        tpu.vector_store %arg17[%swap3A_608, %swap3A_609], %mul3A_607 {strides = array<i32>} : memref<128x128xf32, #tpu.memory_space<vmem>>, vector<16xf32>,
        %get3A_611 = arith.index_cast %add3A_568 : i32 to index
        %get3A_612 = arith.constant 96 : index
        %get3A_613 = tpu.vector_load %arg17[%get3A_611, %get3A_612] {strides = array<i32>} : memref<128x128xf32, #tpu.memory_space<vmem>>, vector<16xf32>,
        %mul3A_614 = arith.mulf %get3A_613, %broadcast_in_dim3A_564 : vector<16xf32>
        %swap3A_615 = arith.index_cast %add3A_568 : i32 to index
        %swap3A_616 = arith.constant 96 : index
        %swap3A_617 = tpu.vector_load %arg17[%swap3A_615, %swap3A_616] {strides = array<i32>} : memref<128x128xf32, #tpu.memory_space<vmem>>, vector<16xf32>,
        tpu.vector_store %arg17[%swap3A_615, %swap3A_616], %mul3A_614 {strides = array<i32>} : memref<128x128xf32, #tpu.memory_space<vmem>>, vector<16xf32>,
        %get3A_618 = arith.index_cast %add3A_568 : i32 to index
        %get3A_619 = arith.constant 112 : index
        %get3A_620 = tpu.vector_load %arg17[%get3A_618, %get3A_619] {strides = array<i32>} : memref<128x128xf32, #tpu.memory_space<vmem>>, vector<16xf32>,
        %mul3A_621 = arith.mulf %get3A_620, %broadcast_in_dim3A_564 : vector<16xf32>
        %swap3A_622 = arith.index_cast %add3A_568 : i32 to index
        %swap3A_623 = arith.constant 112 : index
        %swap3A_624 = tpu.vector_load %arg17[%swap3A_622, %swap3A_623] {strides = array<i32>} : memref<128x128xf32, #tpu.memory_space<vmem>>, vector<16xf32>,
        tpu.vector_store %arg17[%swap3A_622, %swap3A_623], %mul3A_621 {strides = array<i32>} : memref<128x128xf32, #tpu.memory_space<vmem>>, vector<16xf32>,
        %slice3A_625 = vector.extract_strided_slice %get3A_500 {offsets = [2], sizes = [1], strides = [1]} : vector<16xf32> to vector<1xf32>
        %squeeze3A_626 = vector.extract %slice3A_625[0] : f32 from vector<1xf32>
        %broadcast_in_dim3A_627 = vector.broadcast %squeeze3A_626 : f32 to vector<16xf32>
        %mul3A_628 = arith.constant 16 : i32
        %mul3A_629 = arith.muli %scan3A_496, %mul3A_628 : i32
        %add3A_630 = arith.constant 2 : i32
        %add3A_631 = arith.addi %mul3A_629, %add3A_630 : i32
        %get3A_632 = arith.index_cast %add3A_631 : i32 to index
        %get3A_633 = arith.constant 0 : index
        %get3A_634 = tpu.vector_load %arg17[%get3A_632, %get3A_633] {strides = array<i32>} : memref<128x128xf32, #tpu.memory_space<vmem>>, vector<16xf32>,
        %mul3A_635 = arith.mulf %get3A_634, %broadcast_in_dim3A_627 : vector<16xf32>
        %swap3A_636 = arith.index_cast %add3A_631 : i32 to index
        %swap3A_637 = arith.constant 0 : index
        %swap3A_638 = tpu.vector_load %arg17[%swap3A_636, %swap3A_637] {strides = array<i32>} : memref<128x128xf32, #tpu.memory_space<vmem>>, vector<16xf32>,
        tpu.vector_store %arg17[%swap3A_636, %swap3A_637], %mul3A_635 {strides = array<i32>} : memref<128x128xf32, #tpu.memory_space<vmem>>, vector<16xf32>,
        %get3A_639 = arith.index_cast %add3A_631 : i32 to index
        %get3A_640 = arith.constant 16 : index
        %get3A_641 = tpu.vector_load %arg17[%get3A_639, %get3A_640] {strides = array<i32>} : memref<128x128xf32, #tpu.memory_space<vmem>>, vector<16xf32>,
        %mul3A_642 = arith.mulf %get3A_641, %broadcast_in_dim3A_627 : vector<16xf32>
        %swap3A_643 = arith.index_cast %add3A_631 : i32 to index
        %swap3A_644 = arith.constant 16 : index
        %swap3A_645 = tpu.vector_load %arg17[%swap3A_643, %swap3A_644] {strides = array<i32>} : memref<128x128xf32, #tpu.memory_space<vmem>>, vector<16xf32>,
        tpu.vector_store %arg17[%swap3A_643, %swap3A_644], %mul3A_642 {strides = array<i32>} : memref<128x128xf32, #tpu.memory_space<vmem>>, vector<16xf32>,
        %get3A_646 = arith.index_cast %add3A_631 : i32 to index
        %get3A_647 = arith.constant 32 : index
        %get3A_648 = tpu.vector_load %arg17[%get3A_646, %get3A_647] {strides = array<i32>} : memref<128x128xf32, #tpu.memory_space<vmem>>, vector<16xf32>,
        %mul3A_649 = arith.mulf %get3A_648, %broadcast_in_dim3A_627 : vector<16xf32>
        %swap3A_650 = arith.index_cast %add3A_631 : i32 to index
        %swap3A_651 = arith.constant 32 : index
        %swap3A_652 = tpu.vector_load %arg17[%swap3A_650, %swap3A_651] {strides = array<i32>} : memref<128x128xf32, #tpu.memory_space<vmem>>, vector<16xf32>,
        tpu.vector_store %arg17[%swap3A_650, %swap3A_651], %mul3A_649 {strides = array<i32>} : memref<128x128xf32, #tpu.memory_space<vmem>>, vector<16xf32>,
        %get3A_653 = arith.index_cast %add3A_631 : i32 to index
        %get3A_654 = arith.constant 48 : index
        %get3A_655 = tpu.vector_load %arg17[%get3A_653, %get3A_654] {strides = array<i32>} : memref<128x128xf32, #tpu.memory_space<vmem>>, vector<16xf32>,
        %mul3A_656 = arith.mulf %get3A_655, %broadcast_in_dim3A_627 : vector<16xf32>
        %swap3A_657 = arith.index_cast %add3A_631 : i32 to index
        %swap3A_658 = arith.constant 48 : index
        %swap3A_659 = tpu.vector_load %arg17[%swap3A_657, %swap3A_658] {strides = array<i32>} : memref<128x128xf32, #tpu.memory_space<vmem>>, vector<16xf32>,
        tpu.vector_store %arg17[%swap3A_657, %swap3A_658], %mul3A_656 {strides = array<i32>} : memref<128x128xf32, #tpu.memory_space<vmem>>, vector<16xf32>,
        %get3A_660 = arith.index_cast %add3A_631 : i32 to index
        %get3A_661 = arith.constant 64 : index
        %get3A_662 = tpu.vector_load %arg17[%get3A_660, %get3A_661] {strides = array<i32>} : memref<128x128xf32, #tpu.memory_space<vmem>>, vector<16xf32>,
        %mul3A_663 = arith.mulf %get3A_662, %broadcast_in_dim3A_627 : vector<16xf32>
        %swap3A_664 = arith.index_cast %add3A_631 : i32 to index
        %swap3A_665 = arith.constant 64 : index
        %swap3A_666 = tpu.vector_load %arg17[%swap3A_664, %swap3A_665] {strides = array<i32>} : memref<128x128xf32, #tpu.memory_space<vmem>>, vector<16xf32>,
        tpu.vector_store %arg17[%swap3A_664, %swap3A_665], %mul3A_663 {strides = array<i32>} : memref<128x128xf32, #tpu.memory_space<vmem>>, vector<16xf32>,
        %get3A_667 = arith.index_cast %add3A_631 : i32 to index
        %get3A_668 = arith.constant 80 : index
        %get3A_669 = tpu.vector_load %arg17[%get3A_667, %get3A_668] {strides = array<i32>} : memref<128x128xf32, #tpu.memory_space<vmem>>, vector<16xf32>,
        %mul3A_670 = arith.mulf %get3A_669, %broadcast_in_dim3A_627 : vector<16xf32>
        %swap3A_671 = arith.index_cast %add3A_631 : i32 to index
        %swap3A_672 = arith.constant 80 : index
        %swap3A_673 = tpu.vector_load %arg17[%swap3A_671, %swap3A_672] {strides = array<i32>} : memref<128x128xf32, #tpu.memory_space<vmem>>, vector<16xf32>,
        tpu.vector_store %arg17[%swap3A_671, %swap3A_672], %mul3A_670 {strides = array<i32>} : memref<128x128xf32, #tpu.memory_space<vmem>>, vector<16xf32>,
        %get3A_674 = arith.index_cast %add3A_631 : i32 to index
        %get3A_675 = arith.constant 96 : index
        %get3A_676 = tpu.vector_load %arg17[%get3A_674, %get3A_675] {strides = array<i32>} : memref<128x128xf32, #tpu.memory_space<vmem>>, vector<16xf32>,
        %mul3A_677 = arith.mulf %get3A_676, %broadcast_in_dim3A_627 : vector<16xf32>
        %swap3A_678 = arith.index_cast %add3A_631 : i32 to index
        %swap3A_679 = arith.constant 96 : index
        %swap3A_680 = tpu.vector_load %arg17[%swap3A_678, %swap3A_679] {strides = array<i32>} : memref<128x128xf32, #tpu.memory_space<vmem>>, vector<16xf32>,
        tpu.vector_store %arg17[%swap3A_678, %swap3A_679], %mul3A_677 {strides = array<i32>} : memref<128x128xf32, #tpu.memory_space<vmem>>, vector<16xf32>,
        %get3A_681 = arith.index_cast %add3A_631 : i32 to index
        %get3A_682 = arith.constant 112 : index
        %get3A_683 = tpu.vector_load %arg17[%get3A_681, %get3A_682] {strides = array<i32>} : memref<128x128xf32, #tpu.memory_space<vmem>>, vector<16xf32>,
        %mul3A_684 = arith.mulf %get3A_683, %broadcast_in_dim3A_627 : vector<16xf32>
        %swap3A_685 = arith.index_cast %add3A_631 : i32 to index
        %swap3A_686 = arith.constant 112 : index
        %swap3A_687 = tpu.vector_load %arg17[%swap3A_685, %swap3A_686] {strides = array<i32>} : memref<128x128xf32, #tpu.memory_space<vmem>>, vector<16xf32>,
        tpu.vector_store %arg17[%swap3A_685, %swap3A_686], %mul3A_684 {strides = array<i32>} : memref<128x128xf32, #tpu.memory_space<vmem>>, vector<16xf32>,
        %slice3A_688 = vector.extract_strided_slice %get3A_500 {offsets = [3], sizes = [1], strides = [1]} : vector<16xf32> to vector<1xf32>
        %squeeze3A_689 = vector.extract %slice3A_688[0] : f32 from vector<1xf32>
        %broadcast_in_dim3A_690 = vector.broadcast %squeeze3A_689 : f32 to vector<16xf32>
        %mul3A_691 = arith.constant 16 : i32
        %mul3A_692 = arith.muli %scan3A_496, %mul3A_691 : i32
        %add3A_693 = arith.constant 3 : i32
        %add3A_694 = arith.addi %mul3A_692, %add3A_693 : i32
        %get3A_695 = arith.index_cast %add3A_694 : i32 to index
        %get3A_696 = arith.constant 0 : index
        %get3A_697 = tpu.vector_load %arg17[%get3A_695, %get3A_696] {strides = array<i32>} : memref<128x128xf32, #tpu.memory_space<vmem>>, vector<16xf32>,
        %mul3A_698 = arith.mulf %get3A_697, %broadcast_in_dim3A_690 : vector<16xf32>
        %swap3A_699 = arith.index_cast %add3A_694 : i32 to index
        %swap3A_700 = arith.constant 0 : index
        %swap3A_701 = tpu.vector_load %arg17[%swap3A_699, %swap3A_700] {strides = array<i32>} : memref<128x128xf32, #tpu.memory_space<vmem>>, vector<16xf32>,
        tpu.vector_store %arg17[%swap3A_699, %swap3A_700], %mul3A_698 {strides = array<i32>} : memref<128x128xf32, #tpu.memory_space<vmem>>, vector<16xf32>,
        %get3A_702 = arith.index_cast %add3A_694 : i32 to index
        %get3A_703 = arith.constant 16 : index
        %get3A_704 = tpu.vector_load %arg17[%get3A_702, %get3A_703] {strides = array<i32>} : memref<128x128xf32, #tpu.memory_space<vmem>>, vector<16xf32>,
        %mul3A_705 = arith.mulf %get3A_704, %broadcast_in_dim3A_690 : vector<16xf32>
        %swap3A_706 = arith.index_cast %add3A_694 : i32 to index
        %swap3A_707 = arith.constant 16 : index
        %swap3A_708 = tpu.vector_load %arg17[%swap3A_706, %swap3A_707] {strides = array<i32>} : memref<128x128xf32, #tpu.memory_space<vmem>>, vector<16xf32>,
        tpu.vector_store %arg17[%swap3A_706, %swap3A_707], %mul3A_705 {strides = array<i32>} : memref<128x128xf32, #tpu.memory_space<vmem>>, vector<16xf32>,
        %get3A_709 = arith.index_cast %add3A_694 : i32 to index
        %get3A_710 = arith.constant 32 : index
        %get3A_711 = tpu.vector_load %arg17[%get3A_709, %get3A_710] {strides = array<i32>} : memref<128x128xf32, #tpu.memory_space<vmem>>, vector<16xf32>,
        %mul3A_712 = arith.mulf %get3A_711, %broadcast_in_dim3A_690 : vector<16xf32>
        %swap3A_713 = arith.index_cast %add3A_694 : i32 to index
        %swap3A_714 = arith.constant 32 : index
        %swap3A_715 = tpu.vector_load %arg17[%swap3A_713, %swap3A_714] {strides = array<i32>} : memref<128x128xf32, #tpu.memory_space<vmem>>, vector<16xf32>,
        tpu.vector_store %arg17[%swap3A_713, %swap3A_714], %mul3A_712 {strides = array<i32>} : memref<128x128xf32, #tpu.memory_space<vmem>>, vector<16xf32>,
        %get3A_716 = arith.index_cast %add3A_694 : i32 to index
        %get3A_717 = arith.constant 48 : index
        %get3A_718 = tpu.vector_load %arg17[%get3A_716, %get3A_717] {strides = array<i32>} : memref<128x128xf32, #tpu.memory_space<vmem>>, vector<16xf32>,
        %mul3A_719 = arith.mulf %get3A_718, %broadcast_in_dim3A_690 : vector<16xf32>
        %swap3A_720 = arith.index_cast %add3A_694 : i32 to index
        %swap3A_721 = arith.constant 48 : index
        %swap3A_722 = tpu.vector_load %arg17[%swap3A_720, %swap3A_721] {strides = array<i32>} : memref<128x128xf32, #tpu.memory_space<vmem>>, vector<16xf32>,
        tpu.vector_store %arg17[%swap3A_720, %swap3A_721], %mul3A_719 {strides = array<i32>} : memref<128x128xf32, #tpu.memory_space<vmem>>, vector<16xf32>,
        %get3A_723 = arith.index_cast %add3A_694 : i32 to index
        %get3A_724 = arith.constant 64 : index
        %get3A_725 = tpu.vector_load %arg17[%get3A_723, %get3A_724] {strides = array<i32>} : memref<128x128xf32, #tpu.memory_space<vmem>>, vector<16xf32>,
        %mul3A_726 = arith.mulf %get3A_725, %broadcast_in_dim3A_690 : vector<16xf32>
        %swap3A_727 = arith.index_cast %add3A_694 : i32 to index
        %swap3A_728 = arith.constant 64 : index
        %swap3A_729 = tpu.vector_load %arg17[%swap3A_727, %swap3A_728] {strides = array<i32>} : memref<128x128xf32, #tpu.memory_space<vmem>>, vector<16xf32>,
        tpu.vector_store %arg17[%swap3A_727, %swap3A_728], %mul3A_726 {strides = array<i32>} : memref<128x128xf32, #tpu.memory_space<vmem>>, vector<16xf32>,
        %get3A_730 = arith.index_cast %add3A_694 : i32 to index
        %get3A_731 = arith.constant 80 : index
        %get3A_732 = tpu.vector_load %arg17[%get3A_730, %get3A_731] {strides = array<i32>} : memref<128x128xf32, #tpu.memory_space<vmem>>, vector<16xf32>,
        %mul3A_733 = arith.mulf %get3A_732, %broadcast_in_dim3A_690 : vector<16xf32>
        %swap3A_734 = arith.index_cast %add3A_694 : i32 to index
        %swap3A_735 = arith.constant 80 : index
        %swap3A_736 = tpu.vector_load %arg17[%swap3A_734, %swap3A_735] {strides = array<i32>} : memref<128x128xf32, #tpu.memory_space<vmem>>, vector<16xf32>,
        tpu.vector_store %arg17[%swap3A_734, %swap3A_735], %mul3A_733 {strides = array<i32>} : memref<128x128xf32, #tpu.memory_space<vmem>>, vector<16xf32>,
        %get3A_737 = arith.index_cast %add3A_694 : i32 to index
        %get3A_738 = arith.constant 96 : index
        %get3A_739 = tpu.vector_load %arg17[%get3A_737, %get3A_738] {strides = array<i32>} : memref<128x128xf32, #tpu.memory_space<vmem>>, vector<16xf32>,
        %mul3A_740 = arith.mulf %get3A_739, %broadcast_in_dim3A_690 : vector<16xf32>
        %swap3A_741 = arith.index_cast %add3A_694 : i32 to index
        %swap3A_742 = arith.constant 96 : index
        %swap3A_743 = tpu.vector_load %arg17[%swap3A_741, %swap3A_742] {strides = array<i32>} : memref<128x128xf32, #tpu.memory_space<vmem>>, vector<16xf32>,
        tpu.vector_store %arg17[%swap3A_741, %swap3A_742], %mul3A_740 {strides = array<i32>} : memref<128x128xf32, #tpu.memory_space<vmem>>, vector<16xf32>,
        %get3A_744 = arith.index_cast %add3A_694 : i32 to index
        %get3A_745 = arith.constant 112 : index
        %get3A_746 = tpu.vector_load %arg17[%get3A_744, %get3A_745] {strides = array<i32>} : memref<128x128xf32, #tpu.memory_space<vmem>>, vector<16xf32>,
        %mul3A_747 = arith.mulf %get3A_746, %broadcast_in_dim3A_690 : vector<16xf32>
        %swap3A_748 = arith.index_cast %add3A_694 : i32 to index
        %swap3A_749 = arith.constant 112 : index
        %swap3A_750 = tpu.vector_load %arg17[%swap3A_748, %swap3A_749] {strides = array<i32>} : memref<128x128xf32, #tpu.memory_space<vmem>>, vector<16xf32>,
        tpu.vector_store %arg17[%swap3A_748, %swap3A_749], %mul3A_747 {strides = array<i32>} : memref<128x128xf32, #tpu.memory_space<vmem>>, vector<16xf32>,
        %slice3A_751 = vector.extract_strided_slice %get3A_500 {offsets = [4], sizes = [1], strides = [1]} : vector<16xf32> to vector<1xf32>
        %squeeze3A_752 = vector.extract %slice3A_751[0] : f32 from vector<1xf32>
        %broadcast_in_dim3A_753 = vector.broadcast %squeeze3A_752 : f32 to vector<16xf32>
        %mul3A_754 = arith.constant 16 : i32
        %mul3A_755 = arith.muli %scan3A_496, %mul3A_754 : i32
        %add3A_756 = arith.constant 4 : i32
        %add3A_757 = arith.addi %mul3A_755, %add3A_756 : i32
        %get3A_758 = arith.index_cast %add3A_757 : i32 to index
        %get3A_759 = arith.constant 0 : index
        %get3A_760 = tpu.vector_load %arg17[%get3A_758, %get3A_759] {strides = array<i32>} : memref<128x128xf32, #tpu.memory_space<vmem>>, vector<16xf32>,
        %mul3A_761 = arith.mulf %get3A_760, %broadcast_in_dim3A_753 : vector<16xf32>
        %swap3A_762 = arith.index_cast %add3A_757 : i32 to index
        %swap3A_763 = arith.constant 0 : index
        %swap3A_764 = tpu.vector_load %arg17[%swap3A_762, %swap3A_763] {strides = array<i32>} : memref<128x128xf32, #tpu.memory_space<vmem>>, vector<16xf32>,
        tpu.vector_store %arg17[%swap3A_762, %swap3A_763], %mul3A_761 {strides = array<i32>} : memref<128x128xf32, #tpu.memory_space<vmem>>, vector<16xf32>,
        %get3A_765 = arith.index_cast %add3A_757 : i32 to index
        %get3A_766 = arith.constant 16 : index
        %get3A_767 = tpu.vector_load %arg17[%get3A_765, %get3A_766] {strides = array<i32>} : memref<128x128xf32, #tpu.memory_space<vmem>>, vector<16xf32>,
        %mul3A_768 = arith.mulf %get3A_767, %broadcast_in_dim3A_753 : vector<16xf32>
        %swap3A_769 = arith.index_cast %add3A_757 : i32 to index
        %swap3A_770 = arith.constant 16 : index
        %swap3A_771 = tpu.vector_load %arg17[%swap3A_769, %swap3A_770] {strides = array<i32>} : memref<128x128xf32, #tpu.memory_space<vmem>>, vector<16xf32>,
        tpu.vector_store %arg17[%swap3A_769, %swap3A_770], %mul3A_768 {strides = array<i32>} : memref<128x128xf32, #tpu.memory_space<vmem>>, vector<16xf32>,
        %get3A_772 = arith.index_cast %add3A_757 : i32 to index
        %get3A_773 = arith.constant 32 : index
        %get3A_774 = tpu.vector_load %arg17[%get3A_772, %get3A_773] {strides = array<i32>} : memref<128x128xf32, #tpu.memory_space<vmem>>, vector<16xf32>,
        %mul3A_775 = arith.mulf %get3A_774, %broadcast_in_dim3A_753 : vector<16xf32>
        %swap3A_776 = arith.index_cast %add3A_757 : i32 to index
        %swap3A_777 = arith.constant 32 : index
        %swap3A_778 = tpu.vector_load %arg17[%swap3A_776, %swap3A_777] {strides = array<i32>} : memref<128x128xf32, #tpu.memory_space<vmem>>, vector<16xf32>,
        tpu.vector_store %arg17[%swap3A_776, %swap3A_777], %mul3A_775 {strides = array<i32>} : memref<128x128xf32, #tpu.memory_space<vmem>>, vector<16xf32>,
        %get3A_779 = arith.index_cast %add3A_757 : i32 to index
        %get3A_780 = arith.constant 48 : index
        %get3A_781 = tpu.vector_load %arg17[%get3A_779, %get3A_780] {strides = array<i32>} : memref<128x128xf32, #tpu.memory_space<vmem>>, vector<16xf32>,
        %mul3A_782 = arith.mulf %get3A_781, %broadcast_in_dim3A_753 : vector<16xf32>
        %swap3A_783 = arith.index_cast %add3A_757 : i32 to index
        %swap3A_784 = arith.constant 48 : index
        %swap3A_785 = tpu.vector_load %arg17[%swap3A_783, %swap3A_784] {strides = array<i32>} : memref<128x128xf32, #tpu.memory_space<vmem>>, vector<16xf32>,
        tpu.vector_store %arg17[%swap3A_783, %swap3A_784], %mul3A_782 {strides = array<i32>} : memref<128x128xf32, #tpu.memory_space<vmem>>, vector<16xf32>,
        %get3A_786 = arith.index_cast %add3A_757 : i32 to index
        %get3A_787 = arith.constant 64 : index
        %get3A_788 = tpu.vector_load %arg17[%get3A_786, %get3A_787] {strides = array<i32>} : memref<128x128xf32, #tpu.memory_space<vmem>>, vector<16xf32>,
        %mul3A_789 = arith.mulf %get3A_788, %broadcast_in_dim3A_753 : vector<16xf32>
        %swap3A_790 = arith.index_cast %add3A_757 : i32 to index
        %swap3A_791 = arith.constant 64 : index
        %swap3A_792 = tpu.vector_load %arg17[%swap3A_790, %swap3A_791] {strides = array<i32>} : memref<128x128xf32, #tpu.memory_space<vmem>>, vector<16xf32>,
        tpu.vector_store %arg17[%swap3A_790, %swap3A_791], %mul3A_789 {strides = array<i32>} : memref<128x128xf32, #tpu.memory_space<vmem>>, vector<16xf32>,
        %get3A_793 = arith.index_cast %add3A_757 : i32 to index
        %get3A_794 = arith.constant 80 : index
        %get3A_795 = tpu.vector_load %arg17[%get3A_793, %get3A_794] {strides = array<i32>} : memref<128x128xf32, #tpu.memory_space<vmem>>, vector<16xf32>,
        %mul3A_796 = arith.mulf %get3A_795, %broadcast_in_dim3A_753 : vector<16xf32>
        %swap3A_797 = arith.index_cast %add3A_757 : i32 to index
        %swap3A_798 = arith.constant 80 : index
        %swap3A_799 = tpu.vector_load %arg17[%swap3A_797, %swap3A_798] {strides = array<i32>} : memref<128x128xf32, #tpu.memory_space<vmem>>, vector<16xf32>,
        tpu.vector_store %arg17[%swap3A_797, %swap3A_798], %mul3A_796 {strides = array<i32>} : memref<128x128xf32, #tpu.memory_space<vmem>>, vector<16xf32>,
        %get3A_800 = arith.index_cast %add3A_757 : i32 to index
        %get3A_801 = arith.constant 96 : index
        %get3A_802 = tpu.vector_load %arg17[%get3A_800, %get3A_801] {strides = array<i32>} : memref<128x128xf32, #tpu.memory_space<vmem>>, vector<16xf32>,
        %mul3A_803 = arith.mulf %get3A_802, %broadcast_in_dim3A_753 : vector<16xf32>
        %swap3A_804 = arith.index_cast %add3A_757 : i32 to index
        %swap3A_805 = arith.constant 96 : index
        %swap3A_806 = tpu.vector_load %arg17[%swap3A_804, %swap3A_805] {strides = array<i32>} : memref<128x128xf32, #tpu.memory_space<vmem>>, vector<16xf32>,
        tpu.vector_store %arg17[%swap3A_804, %swap3A_805], %mul3A_803 {strides = array<i32>} : memref<128x128xf32, #tpu.memory_space<vmem>>, vector<16xf32>,
        %get3A_807 = arith.index_cast %add3A_757 : i32 to index
        %get3A_808 = arith.constant 112 : index
        %get3A_809 = tpu.vector_load %arg17[%get3A_807, %get3A_808] {strides = array<i32>} : memref<128x128xf32, #tpu.memory_space<vmem>>, vector<16xf32>,
        %mul3A_810 = arith.mulf %get3A_809, %broadcast_in_dim3A_753 : vector<16xf32>
        %swap3A_811 = arith.index_cast %add3A_757 : i32 to index
        %swap3A_812 = arith.constant 112 : index
        %swap3A_813 = tpu.vector_load %arg17[%swap3A_811, %swap3A_812] {strides = array<i32>} : memref<128x128xf32, #tpu.memory_space<vmem>>, vector<16xf32>,
        tpu.vector_store %arg17[%swap3A_811, %swap3A_812], %mul3A_810 {strides = array<i32>} : memref<128x128xf32, #tpu.memory_space<vmem>>, vector<16xf32>,
        %slice3A_814 = vector.extract_strided_slice %get3A_500 {offsets = [5], sizes = [1], strides = [1]} : vector<16xf32> to vector<1xf32>
        %squeeze3A_815 = vector.extract %slice3A_814[0] : f32 from vector<1xf32>
        %broadcast_in_dim3A_816 = vector.broadcast %squeeze3A_815 : f32 to vector<16xf32>
        %mul3A_817 = arith.constant 16 : i32
        %mul3A_818 = arith.muli %scan3A_496, %mul3A_817 : i32
        %add3A_819 = arith.constant 5 : i32
        %add3A_820 = arith.addi %mul3A_818, %add3A_819 : i32
        %get3A_821 = arith.index_cast %add3A_820 : i32 to index
        %get3A_822 = arith.constant 0 : index
        %get3A_823 = tpu.vector_load %arg17[%get3A_821, %get3A_822] {strides = array<i32>} : memref<128x128xf32, #tpu.memory_space<vmem>>, vector<16xf32>,
        %mul3A_824 = arith.mulf %get3A_823, %broadcast_in_dim3A_816 : vector<16xf32>
        %swap3A_825 = arith.index_cast %add3A_820 : i32 to index
        %swap3A_826 = arith.constant 0 : index
        %swap3A_827 = tpu.vector_load %arg17[%swap3A_825, %swap3A_826] {strides = array<i32>} : memref<128x128xf32, #tpu.memory_space<vmem>>, vector<16xf32>,
        tpu.vector_store %arg17[%swap3A_825, %swap3A_826], %mul3A_824 {strides = array<i32>} : memref<128x128xf32, #tpu.memory_space<vmem>>, vector<16xf32>,
        %get3A_828 = arith.index_cast %add3A_820 : i32 to index
        %get3A_829 = arith.constant 16 : index
        %get3A_830 = tpu.vector_load %arg17[%get3A_828, %get3A_829] {strides = array<i32>} : memref<128x128xf32, #tpu.memory_space<vmem>>, vector<16xf32>,
        %mul3A_831 = arith.mulf %get3A_830, %broadcast_in_dim3A_816 : vector<16xf32>
        %swap3A_832 = arith.index_cast %add3A_820 : i32 to index
        %swap3A_833 = arith.constant 16 : index
        %swap3A_834 = tpu.vector_load %arg17[%swap3A_832, %swap3A_833] {strides = array<i32>} : memref<128x128xf32, #tpu.memory_space<vmem>>, vector<16xf32>,
        tpu.vector_store %arg17[%swap3A_832, %swap3A_833], %mul3A_831 {strides = array<i32>} : memref<128x128xf32, #tpu.memory_space<vmem>>, vector<16xf32>,
        %get3A_835 = arith.index_cast %add3A_820 : i32 to index
        %get3A_836 = arith.constant 32 : index
        %get3A_837 = tpu.vector_load %arg17[%get3A_835, %get3A_836] {strides = array<i32>} : memref<128x128xf32, #tpu.memory_space<vmem>>, vector<16xf32>,
        %mul3A_838 = arith.mulf %get3A_837, %broadcast_in_dim3A_816 : vector<16xf32>
        %swap3A_839 = arith.index_cast %add3A_820 : i32 to index
        %swap3A_840 = arith.constant 32 : index
        %swap3A_841 = tpu.vector_load %arg17[%swap3A_839, %swap3A_840] {strides = array<i32>} : memref<128x128xf32, #tpu.memory_space<vmem>>, vector<16xf32>,
        tpu.vector_store %arg17[%swap3A_839, %swap3A_840], %mul3A_838 {strides = array<i32>} : memref<128x128xf32, #tpu.memory_space<vmem>>, vector<16xf32>,
        %get3A_842 = arith.index_cast %add3A_820 : i32 to index
        %get3A_843 = arith.constant 48 : index
        %get3A_844 = tpu.vector_load %arg17[%get3A_842, %get3A_843] {strides = array<i32>} : memref<128x128xf32, #tpu.memory_space<vmem>>, vector<16xf32>,
        %mul3A_845 = arith.mulf %get3A_844, %broadcast_in_dim3A_816 : vector<16xf32>
        %swap3A_846 = arith.index_cast %add3A_820 : i32 to index
        %swap3A_847 = arith.constant 48 : index
        %swap3A_848 = tpu.vector_load %arg17[%swap3A_846, %swap3A_847] {strides = array<i32>} : memref<128x128xf32, #tpu.memory_space<vmem>>, vector<16xf32>,
        tpu.vector_store %arg17[%swap3A_846, %swap3A_847], %mul3A_845 {strides = array<i32>} : memref<128x128xf32, #tpu.memory_space<vmem>>, vector<16xf32>,
        %get3A_849 = arith.index_cast %add3A_820 : i32 to index
        %get3A_850 = arith.constant 64 : index
        %get3A_851 = tpu.vector_load %arg17[%get3A_849, %get3A_850] {strides = array<i32>} : memref<128x128xf32, #tpu.memory_space<vmem>>, vector<16xf32>,
        %mul3A_852 = arith.mulf %get3A_851, %broadcast_in_dim3A_816 : vector<16xf32>
        %swap3A_853 = arith.index_cast %add3A_820 : i32 to index
        %swap3A_854 = arith.constant 64 : index
        %swap3A_855 = tpu.vector_load %arg17[%swap3A_853, %swap3A_854] {strides = array<i32>} : memref<128x128xf32, #tpu.memory_space<vmem>>, vector<16xf32>,
        tpu.vector_store %arg17[%swap3A_853, %swap3A_854], %mul3A_852 {strides = array<i32>} : memref<128x128xf32, #tpu.memory_space<vmem>>, vector<16xf32>,
        %get3A_856 = arith.index_cast %add3A_820 : i32 to index
        %get3A_857 = arith.constant 80 : index
        %get3A_858 = tpu.vector_load %arg17[%get3A_856, %get3A_857] {strides = array<i32>} : memref<128x128xf32, #tpu.memory_space<vmem>>, vector<16xf32>,
        %mul3A_859 = arith.mulf %get3A_858, %broadcast_in_dim3A_816 : vector<16xf32>
        %swap3A_860 = arith.index_cast %add3A_820 : i32 to index
        %swap3A_861 = arith.constant 80 : index
        %swap3A_862 = tpu.vector_load %arg17[%swap3A_860, %swap3A_861] {strides = array<i32>} : memref<128x128xf32, #tpu.memory_space<vmem>>, vector<16xf32>,
        tpu.vector_store %arg17[%swap3A_860, %swap3A_861], %mul3A_859 {strides = array<i32>} : memref<128x128xf32, #tpu.memory_space<vmem>>, vector<16xf32>,
        %get3A_863 = arith.index_cast %add3A_820 : i32 to index
        %get3A_864 = arith.constant 96 : index
        %get3A_865 = tpu.vector_load %arg17[%get3A_863, %get3A_864] {strides = array<i32>} : memref<128x128xf32, #tpu.memory_space<vmem>>, vector<16xf32>,
        %mul3A_866 = arith.mulf %get3A_865, %broadcast_in_dim3A_816 : vector<16xf32>
        %swap3A_867 = arith.index_cast %add3A_820 : i32 to index
        %swap3A_868 = arith.constant 96 : index
        %swap3A_869 = tpu.vector_load %arg17[%swap3A_867, %swap3A_868] {strides = array<i32>} : memref<128x128xf32, #tpu.memory_space<vmem>>, vector<16xf32>,
        tpu.vector_store %arg17[%swap3A_867, %swap3A_868], %mul3A_866 {strides = array<i32>} : memref<128x128xf32, #tpu.memory_space<vmem>>, vector<16xf32>,
        %get3A_870 = arith.index_cast %add3A_820 : i32 to index
        %get3A_871 = arith.constant 112 : index
        %get3A_872 = tpu.vector_load %arg17[%get3A_870, %get3A_871] {strides = array<i32>} : memref<128x128xf32, #tpu.memory_space<vmem>>, vector<16xf32>,
        %mul3A_873 = arith.mulf %get3A_872, %broadcast_in_dim3A_816 : vector<16xf32>
        %swap3A_874 = arith.index_cast %add3A_820 : i32 to index
        %swap3A_875 = arith.constant 112 : index
        %swap3A_876 = tpu.vector_load %arg17[%swap3A_874, %swap3A_875] {strides = array<i32>} : memref<128x128xf32, #tpu.memory_space<vmem>>, vector<16xf32>,
        tpu.vector_store %arg17[%swap3A_874, %swap3A_875], %mul3A_873 {strides = array<i32>} : memref<128x128xf32, #tpu.memory_space<vmem>>, vector<16xf32>,
        %slice3A_877 = vector.extract_strided_slice %get3A_500 {offsets = [6], sizes = [1], strides = [1]} : vector<16xf32> to vector<1xf32>
        %squeeze3A_878 = vector.extract %slice3A_877[0] : f32 from vector<1xf32>
        %broadcast_in_dim3A_879 = vector.broadcast %squeeze3A_878 : f32 to vector<16xf32>
        %mul3A_880 = arith.constant 16 : i32
        %mul3A_881 = arith.muli %scan3A_496, %mul3A_880 : i32
        %add3A_882 = arith.constant 6 : i32
        %add3A_883 = arith.addi %mul3A_881, %add3A_882 : i32
        %get3A_884 = arith.index_cast %add3A_883 : i32 to index
        %get3A_885 = arith.constant 0 : index
        %get3A_886 = tpu.vector_load %arg17[%get3A_884, %get3A_885] {strides = array<i32>} : memref<128x128xf32, #tpu.memory_space<vmem>>, vector<16xf32>,
        %mul3A_887 = arith.mulf %get3A_886, %broadcast_in_dim3A_879 : vector<16xf32>
        %swap3A_888 = arith.index_cast %add3A_883 : i32 to index
        %swap3A_889 = arith.constant 0 : index
        %swap3A_890 = tpu.vector_load %arg17[%swap3A_888, %swap3A_889] {strides = array<i32>} : memref<128x128xf32, #tpu.memory_space<vmem>>, vector<16xf32>,
        tpu.vector_store %arg17[%swap3A_888, %swap3A_889], %mul3A_887 {strides = array<i32>} : memref<128x128xf32, #tpu.memory_space<vmem>>, vector<16xf32>,
        %get3A_891 = arith.index_cast %add3A_883 : i32 to index
        %get3A_892 = arith.constant 16 : index
        %get3A_893 = tpu.vector_load %arg17[%get3A_891, %get3A_892] {strides = array<i32>} : memref<128x128xf32, #tpu.memory_space<vmem>>, vector<16xf32>,
        %mul3A_894 = arith.mulf %get3A_893, %broadcast_in_dim3A_879 : vector<16xf32>
        %swap3A_895 = arith.index_cast %add3A_883 : i32 to index
        %swap3A_896 = arith.constant 16 : index
        %swap3A_897 = tpu.vector_load %arg17[%swap3A_895, %swap3A_896] {strides = array<i32>} : memref<128x128xf32, #tpu.memory_space<vmem>>, vector<16xf32>,
        tpu.vector_store %arg17[%swap3A_895, %swap3A_896], %mul3A_894 {strides = array<i32>} : memref<128x128xf32, #tpu.memory_space<vmem>>, vector<16xf32>,
        %get3A_898 = arith.index_cast %add3A_883 : i32 to index
        %get3A_899 = arith.constant 32 : index
        %get3A_900 = tpu.vector_load %arg17[%get3A_898, %get3A_899] {strides = array<i32>} : memref<128x128xf32, #tpu.memory_space<vmem>>, vector<16xf32>,
        %mul3A_901 = arith.mulf %get3A_900, %broadcast_in_dim3A_879 : vector<16xf32>
        %swap3A_902 = arith.index_cast %add3A_883 : i32 to index
        %swap3A_903 = arith.constant 32 : index
        %swap3A_904 = tpu.vector_load %arg17[%swap3A_902, %swap3A_903] {strides = array<i32>} : memref<128x128xf32, #tpu.memory_space<vmem>>, vector<16xf32>,
        tpu.vector_store %arg17[%swap3A_902, %swap3A_903], %mul3A_901 {strides = array<i32>} : memref<128x128xf32, #tpu.memory_space<vmem>>, vector<16xf32>,
        %get3A_905 = arith.index_cast %add3A_883 : i32 to index
        %get3A_906 = arith.constant 48 : index
        %get3A_907 = tpu.vector_load %arg17[%get3A_905, %get3A_906] {strides = array<i32>} : memref<128x128xf32, #tpu.memory_space<vmem>>, vector<16xf32>,
        %mul3A_908 = arith.mulf %get3A_907, %broadcast_in_dim3A_879 : vector<16xf32>
        %swap3A_909 = arith.index_cast %add3A_883 : i32 to index
        %swap3A_910 = arith.constant 48 : index
        %swap3A_911 = tpu.vector_load %arg17[%swap3A_909, %swap3A_910] {strides = array<i32>} : memref<128x128xf32, #tpu.memory_space<vmem>>, vector<16xf32>,
        tpu.vector_store %arg17[%swap3A_909, %swap3A_910], %mul3A_908 {strides = array<i32>} : memref<128x128xf32, #tpu.memory_space<vmem>>, vector<16xf32>,
        %get3A_912 = arith.index_cast %add3A_883 : i32 to index
        %get3A_913 = arith.constant 64 : index
        %get3A_914 = tpu.vector_load %arg17[%get3A_912, %get3A_913] {strides = array<i32>} : memref<128x128xf32, #tpu.memory_space<vmem>>, vector<16xf32>,
        %mul3A_915 = arith.mulf %get3A_914, %broadcast_in_dim3A_879 : vector<16xf32>
        %swap3A_916 = arith.index_cast %add3A_883 : i32 to index
        %swap3A_917 = arith.constant 64 : index
        %swap3A_918 = tpu.vector_load %arg17[%swap3A_916, %swap3A_917] {strides = array<i32>} : memref<128x128xf32, #tpu.memory_space<vmem>>, vector<16xf32>,
        tpu.vector_store %arg17[%swap3A_916, %swap3A_917], %mul3A_915 {strides = array<i32>} : memref<128x128xf32, #tpu.memory_space<vmem>>, vector<16xf32>,
        %get3A_919 = arith.index_cast %add3A_883 : i32 to index
        %get3A_920 = arith.constant 80 : index
        %get3A_921 = tpu.vector_load %arg17[%get3A_919, %get3A_920] {strides = array<i32>} : memref<128x128xf32, #tpu.memory_space<vmem>>, vector<16xf32>,
        %mul3A_922 = arith.mulf %get3A_921, %broadcast_in_dim3A_879 : vector<16xf32>
        %swap3A_923 = arith.index_cast %add3A_883 : i32 to index
        %swap3A_924 = arith.constant 80 : index
        %swap3A_925 = tpu.vector_load %arg17[%swap3A_923, %swap3A_924] {strides = array<i32>} : memref<128x128xf32, #tpu.memory_space<vmem>>, vector<16xf32>,
        tpu.vector_store %arg17[%swap3A_923, %swap3A_924], %mul3A_922 {strides = array<i32>} : memref<128x128xf32, #tpu.memory_space<vmem>>, vector<16xf32>,
        %get3A_926 = arith.index_cast %add3A_883 : i32 to index
        %get3A_927 = arith.constant 96 : index
        %get3A_928 = tpu.vector_load %arg17[%get3A_926, %get3A_927] {strides = array<i32>} : memref<128x128xf32, #tpu.memory_space<vmem>>, vector<16xf32>,
        %mul3A_929 = arith.mulf %get3A_928, %broadcast_in_dim3A_879 : vector<16xf32>
        %swap3A_930 = arith.index_cast %add3A_883 : i32 to index
        %swap3A_931 = arith.constant 96 : index
        %swap3A_932 = tpu.vector_load %arg17[%swap3A_930, %swap3A_931] {strides = array<i32>} : memref<128x128xf32, #tpu.memory_space<vmem>>, vector<16xf32>,
        tpu.vector_store %arg17[%swap3A_930, %swap3A_931], %mul3A_929 {strides = array<i32>} : memref<128x128xf32, #tpu.memory_space<vmem>>, vector<16xf32>,
        %get3A_933 = arith.index_cast %add3A_883 : i32 to index
        %get3A_934 = arith.constant 112 : index
        %get3A_935 = tpu.vector_load %arg17[%get3A_933, %get3A_934] {strides = array<i32>} : memref<128x128xf32, #tpu.memory_space<vmem>>, vector<16xf32>,
        %mul3A_936 = arith.mulf %get3A_935, %broadcast_in_dim3A_879 : vector<16xf32>
        %swap3A_937 = arith.index_cast %add3A_883 : i32 to index
        %swap3A_938 = arith.constant 112 : index
        %swap3A_939 = tpu.vector_load %arg17[%swap3A_937, %swap3A_938] {strides = array<i32>} : memref<128x128xf32, #tpu.memory_space<vmem>>, vector<16xf32>,
        tpu.vector_store %arg17[%swap3A_937, %swap3A_938], %mul3A_936 {strides = array<i32>} : memref<128x128xf32, #tpu.memory_space<vmem>>, vector<16xf32>,
        %slice3A_940 = vector.extract_strided_slice %get3A_500 {offsets = [7], sizes = [1], strides = [1]} : vector<16xf32> to vector<1xf32>
        %squeeze3A_941 = vector.extract %slice3A_940[0] : f32 from vector<1xf32>
        %broadcast_in_dim3A_942 = vector.broadcast %squeeze3A_941 : f32 to vector<16xf32>
        %mul3A_943 = arith.constant 16 : i32
        %mul3A_944 = arith.muli %scan3A_496, %mul3A_943 : i32
        %add3A_945 = arith.constant 7 : i32
        %add3A_946 = arith.addi %mul3A_944, %add3A_945 : i32
        %get3A_947 = arith.index_cast %add3A_946 : i32 to index
        %get3A_948 = arith.constant 0 : index
        %get3A_949 = tpu.vector_load %arg17[%get3A_947, %get3A_948] {strides = array<i32>} : memref<128x128xf32, #tpu.memory_space<vmem>>, vector<16xf32>,
        %mul3A_950 = arith.mulf %get3A_949, %broadcast_in_dim3A_942 : vector<16xf32>
        %swap3A_951 = arith.index_cast %add3A_946 : i32 to index
        %swap3A_952 = arith.constant 0 : index
        %swap3A_953 = tpu.vector_load %arg17[%swap3A_951, %swap3A_952] {strides = array<i32>} : memref<128x128xf32, #tpu.memory_space<vmem>>, vector<16xf32>,
        tpu.vector_store %arg17[%swap3A_951, %swap3A_952], %mul3A_950 {strides = array<i32>} : memref<128x128xf32, #tpu.memory_space<vmem>>, vector<16xf32>,
        %get3A_954 = arith.index_cast %add3A_946 : i32 to index
        %get3A_955 = arith.constant 16 : index
        %get3A_956 = tpu.vector_load %arg17[%get3A_954, %get3A_955] {strides = array<i32>} : memref<128x128xf32, #tpu.memory_space<vmem>>, vector<16xf32>,
        %mul3A_957 = arith.mulf %get3A_956, %broadcast_in_dim3A_942 : vector<16xf32>
        %swap3A_958 = arith.index_cast %add3A_946 : i32 to index
        %swap3A_959 = arith.constant 16 : index
        %swap3A_960 = tpu.vector_load %arg17[%swap3A_958, %swap3A_959] {strides = array<i32>} : memref<128x128xf32, #tpu.memory_space<vmem>>, vector<16xf32>,
        tpu.vector_store %arg17[%swap3A_958, %swap3A_959], %mul3A_957 {strides = array<i32>} : memref<128x128xf32, #tpu.memory_space<vmem>>, vector<16xf32>,
        %get3A_961 = arith.index_cast %add3A_946 : i32 to index
        %get3A_962 = arith.constant 32 : index
        %get3A_963 = tpu.vector_load %arg17[%get3A_961, %get3A_962] {strides = array<i32>} : memref<128x128xf32, #tpu.memory_space<vmem>>, vector<16xf32>,
        %mul3A_964 = arith.mulf %get3A_963, %broadcast_in_dim3A_942 : vector<16xf32>
        %swap3A_965 = arith.index_cast %add3A_946 : i32 to index
        %swap3A_966 = arith.constant 32 : index
        %swap3A_967 = tpu.vector_load %arg17[%swap3A_965, %swap3A_966] {strides = array<i32>} : memref<128x128xf32, #tpu.memory_space<vmem>>, vector<16xf32>,
        tpu.vector_store %arg17[%swap3A_965, %swap3A_966], %mul3A_964 {strides = array<i32>} : memref<128x128xf32, #tpu.memory_space<vmem>>, vector<16xf32>,
        %get3A_968 = arith.index_cast %add3A_946 : i32 to index
        %get3A_969 = arith.constant 48 : index
        %get3A_970 = tpu.vector_load %arg17[%get3A_968, %get3A_969] {strides = array<i32>} : memref<128x128xf32, #tpu.memory_space<vmem>>, vector<16xf32>,
        %mul3A_971 = arith.mulf %get3A_970, %broadcast_in_dim3A_942 : vector<16xf32>
        %swap3A_972 = arith.index_cast %add3A_946 : i32 to index
        %swap3A_973 = arith.constant 48 : index
        %swap3A_974 = tpu.vector_load %arg17[%swap3A_972, %swap3A_973] {strides = array<i32>} : memref<128x128xf32, #tpu.memory_space<vmem>>, vector<16xf32>,
        tpu.vector_store %arg17[%swap3A_972, %swap3A_973], %mul3A_971 {strides = array<i32>} : memref<128x128xf32, #tpu.memory_space<vmem>>, vector<16xf32>,
        %get3A_975 = arith.index_cast %add3A_946 : i32 to index
        %get3A_976 = arith.constant 64 : index
        %get3A_977 = tpu.vector_load %arg17[%get3A_975, %get3A_976] {strides = array<i32>} : memref<128x128xf32, #tpu.memory_space<vmem>>, vector<16xf32>,
        %mul3A_978 = arith.mulf %get3A_977, %broadcast_in_dim3A_942 : vector<16xf32>
        %swap3A_979 = arith.index_cast %add3A_946 : i32 to index
        %swap3A_980 = arith.constant 64 : index
        %swap3A_981 = tpu.vector_load %arg17[%swap3A_979, %swap3A_980] {strides = array<i32>} : memref<128x128xf32, #tpu.memory_space<vmem>>, vector<16xf32>,
        tpu.vector_store %arg17[%swap3A_979, %swap3A_980], %mul3A_978 {strides = array<i32>} : memref<128x128xf32, #tpu.memory_space<vmem>>, vector<16xf32>,
        %get3A_982 = arith.index_cast %add3A_946 : i32 to index
        %get3A_983 = arith.constant 80 : index
        %get3A_984 = tpu.vector_load %arg17[%get3A_982, %get3A_983] {strides = array<i32>} : memref<128x128xf32, #tpu.memory_space<vmem>>, vector<16xf32>,
        %mul3A_985 = arith.mulf %get3A_984, %broadcast_in_dim3A_942 : vector<16xf32>
        %swap3A_986 = arith.index_cast %add3A_946 : i32 to index
        %swap3A_987 = arith.constant 80 : index
        %swap3A_988 = tpu.vector_load %arg17[%swap3A_986, %swap3A_987] {strides = array<i32>} : memref<128x128xf32, #tpu.memory_space<vmem>>, vector<16xf32>,
        tpu.vector_store %arg17[%swap3A_986, %swap3A_987], %mul3A_985 {strides = array<i32>} : memref<128x128xf32, #tpu.memory_space<vmem>>, vector<16xf32>,
        %get3A_989 = arith.index_cast %add3A_946 : i32 to index
        %get3A_990 = arith.constant 96 : index
        %get3A_991 = tpu.vector_load %arg17[%get3A_989, %get3A_990] {strides = array<i32>} : memref<128x128xf32, #tpu.memory_space<vmem>>, vector<16xf32>,
        %mul3A_992 = arith.mulf %get3A_991, %broadcast_in_dim3A_942 : vector<16xf32>
        %swap3A_993 = arith.index_cast %add3A_946 : i32 to index
        %swap3A_994 = arith.constant 96 : index
        %swap3A_995 = tpu.vector_load %arg17[%swap3A_993, %swap3A_994] {strides = array<i32>} : memref<128x128xf32, #tpu.memory_space<vmem>>, vector<16xf32>,
        tpu.vector_store %arg17[%swap3A_993, %swap3A_994], %mul3A_992 {strides = array<i32>} : memref<128x128xf32, #tpu.memory_space<vmem>>, vector<16xf32>,
        %get3A_996 = arith.index_cast %add3A_946 : i32 to index
        %get3A_997 = arith.constant 112 : index
        %get3A_998 = tpu.vector_load %arg17[%get3A_996, %get3A_997] {strides = array<i32>} : memref<128x128xf32, #tpu.memory_space<vmem>>, vector<16xf32>,
        %mul3A_999 = arith.mulf %get3A_998, %broadcast_in_dim3A_942 : vector<16xf32>
        %swap3A_1000 = arith.index_cast %add3A_946 : i32 to index
        %swap3A_1001 = arith.constant 112 : index
        %swap3A_1002 = tpu.vector_load %arg17[%swap3A_1000, %swap3A_1001] {strides = array<i32>} : memref<128x128xf32, #tpu.memory_space<vmem>>, vector<16xf32>,
        tpu.vector_store %arg17[%swap3A_1000, %swap3A_1001], %mul3A_999 {strides = array<i32>} : memref<128x128xf32, #tpu.memory_space<vmem>>, vector<16xf32>,
        %slice3A_1003 = vector.extract_strided_slice %get3A_500 {offsets = [8], sizes = [1], strides = [1]} : vector<16xf32> to vector<1xf32>
        %squeeze3A_1004 = vector.extract %slice3A_1003[0] : f32 from vector<1xf32>
        %broadcast_in_dim3A_1005 = vector.broadcast %squeeze3A_1004 : f32 to vector<16xf32>
        %mul3A_1006 = arith.constant 16 : i32
        %mul3A_1007 = arith.muli %scan3A_496, %mul3A_1006 : i32
        %add3A_1008 = arith.constant 8 : i32
        %add3A_1009 = arith.addi %mul3A_1007, %add3A_1008 : i32
        %get3A_1010 = arith.index_cast %add3A_1009 : i32 to index
        %get3A_1011 = arith.constant 0 : index
        %get3A_1012 = tpu.vector_load %arg17[%get3A_1010, %get3A_1011] {strides = array<i32>} : memref<128x128xf32, #tpu.memory_space<vmem>>, vector<16xf32>,
        %mul3A_1013 = arith.mulf %get3A_1012, %broadcast_in_dim3A_1005 : vector<16xf32>
        %swap3A_1014 = arith.index_cast %add3A_1009 : i32 to index
        %swap3A_1015 = arith.constant 0 : index
        %swap3A_1016 = tpu.vector_load %arg17[%swap3A_1014, %swap3A_1015] {strides = array<i32>} : memref<128x128xf32, #tpu.memory_space<vmem>>, vector<16xf32>,
        tpu.vector_store %arg17[%swap3A_1014, %swap3A_1015], %mul3A_1013 {strides = array<i32>} : memref<128x128xf32, #tpu.memory_space<vmem>>, vector<16xf32>,
        %get3A_1017 = arith.index_cast %add3A_1009 : i32 to index
        %get3A_1018 = arith.constant 16 : index
        %get3A_1019 = tpu.vector_load %arg17[%get3A_1017, %get3A_1018] {strides = array<i32>} : memref<128x128xf32, #tpu.memory_space<vmem>>, vector<16xf32>,
        %mul3A_1020 = arith.mulf %get3A_1019, %broadcast_in_dim3A_1005 : vector<16xf32>
        %swap3A_1021 = arith.index_cast %add3A_1009 : i32 to index
        %swap3A_1022 = arith.constant 16 : index
        %swap3A_1023 = tpu.vector_load %arg17[%swap3A_1021, %swap3A_1022] {strides = array<i32>} : memref<128x128xf32, #tpu.memory_space<vmem>>, vector<16xf32>,
        tpu.vector_store %arg17[%swap3A_1021, %swap3A_1022], %mul3A_1020 {strides = array<i32>} : memref<128x128xf32, #tpu.memory_space<vmem>>, vector<16xf32>,
        %get3A_1024 = arith.index_cast %add3A_1009 : i32 to index
        %get3A_1025 = arith.constant 32 : index
        %get3A_1026 = tpu.vector_load %arg17[%get3A_1024, %get3A_1025] {strides = array<i32>} : memref<128x128xf32, #tpu.memory_space<vmem>>, vector<16xf32>,
        %mul3A_1027 = arith.mulf %get3A_1026, %broadcast_in_dim3A_1005 : vector<16xf32>
        %swap3A_1028 = arith.index_cast %add3A_1009 : i32 to index
        %swap3A_1029 = arith.constant 32 : index
        %swap3A_1030 = tpu.vector_load %arg17[%swap3A_1028, %swap3A_1029] {strides = array<i32>} : memref<128x128xf32, #tpu.memory_space<vmem>>, vector<16xf32>,
        tpu.vector_store %arg17[%swap3A_1028, %swap3A_1029], %mul3A_1027 {strides = array<i32>} : memref<128x128xf32, #tpu.memory_space<vmem>>, vector<16xf32>,
        %get3A_1031 = arith.index_cast %add3A_1009 : i32 to index
        %get3A_1032 = arith.constant 48 : index
        %get3A_1033 = tpu.vector_load %arg17[%get3A_1031, %get3A_1032] {strides = array<i32>} : memref<128x128xf32, #tpu.memory_space<vmem>>, vector<16xf32>,
        %mul3A_1034 = arith.mulf %get3A_1033, %broadcast_in_dim3A_1005 : vector<16xf32>
        %swap3A_1035 = arith.index_cast %add3A_1009 : i32 to index
        %swap3A_1036 = arith.constant 48 : index
        %swap3A_1037 = tpu.vector_load %arg17[%swap3A_1035, %swap3A_1036] {strides = array<i32>} : memref<128x128xf32, #tpu.memory_space<vmem>>, vector<16xf32>,
        tpu.vector_store %arg17[%swap3A_1035, %swap3A_1036], %mul3A_1034 {strides = array<i32>} : memref<128x128xf32, #tpu.memory_space<vmem>>, vector<16xf32>,
        %get3A_1038 = arith.index_cast %add3A_1009 : i32 to index
        %get3A_1039 = arith.constant 64 : index
        %get3A_1040 = tpu.vector_load %arg17[%get3A_1038, %get3A_1039] {strides = array<i32>} : memref<128x128xf32, #tpu.memory_space<vmem>>, vector<16xf32>,
        %mul3A_1041 = arith.mulf %get3A_1040, %broadcast_in_dim3A_1005 : vector<16xf32>
        %swap3A_1042 = arith.index_cast %add3A_1009 : i32 to index
        %swap3A_1043 = arith.constant 64 : index
        %swap3A_1044 = tpu.vector_load %arg17[%swap3A_1042, %swap3A_1043] {strides = array<i32>} : memref<128x128xf32, #tpu.memory_space<vmem>>, vector<16xf32>,
        tpu.vector_store %arg17[%swap3A_1042, %swap3A_1043], %mul3A_1041 {strides = array<i32>} : memref<128x128xf32, #tpu.memory_space<vmem>>, vector<16xf32>,
        %get3A_1045 = arith.index_cast %add3A_1009 : i32 to index
        %get3A_1046 = arith.constant 80 : index
        %get3A_1047 = tpu.vector_load %arg17[%get3A_1045, %get3A_1046] {strides = array<i32>} : memref<128x128xf32, #tpu.memory_space<vmem>>, vector<16xf32>,
        %mul3A_1048 = arith.mulf %get3A_1047, %broadcast_in_dim3A_1005 : vector<16xf32>
        %swap3A_1049 = arith.index_cast %add3A_1009 : i32 to index
        %swap3A_1050 = arith.constant 80 : index
        %swap3A_1051 = tpu.vector_load %arg17[%swap3A_1049, %swap3A_1050] {strides = array<i32>} : memref<128x128xf32, #tpu.memory_space<vmem>>, vector<16xf32>,
        tpu.vector_store %arg17[%swap3A_1049, %swap3A_1050], %mul3A_1048 {strides = array<i32>} : memref<128x128xf32, #tpu.memory_space<vmem>>, vector<16xf32>,
        %get3A_1052 = arith.index_cast %add3A_1009 : i32 to index
        %get3A_1053 = arith.constant 96 : index
        %get3A_1054 = tpu.vector_load %arg17[%get3A_1052, %get3A_1053] {strides = array<i32>} : memref<128x128xf32, #tpu.memory_space<vmem>>, vector<16xf32>,
        %mul3A_1055 = arith.mulf %get3A_1054, %broadcast_in_dim3A_1005 : vector<16xf32>
        %swap3A_1056 = arith.index_cast %add3A_1009 : i32 to index
        %swap3A_1057 = arith.constant 96 : index
        %swap3A_1058 = tpu.vector_load %arg17[%swap3A_1056, %swap3A_1057] {strides = array<i32>} : memref<128x128xf32, #tpu.memory_space<vmem>>, vector<16xf32>,
        tpu.vector_store %arg17[%swap3A_1056, %swap3A_1057], %mul3A_1055 {strides = array<i32>} : memref<128x128xf32, #tpu.memory_space<vmem>>, vector<16xf32>,
        %get3A_1059 = arith.index_cast %add3A_1009 : i32 to index
        %get3A_1060 = arith.constant 112 : index
        %get3A_1061 = tpu.vector_load %arg17[%get3A_1059, %get3A_1060] {strides = array<i32>} : memref<128x128xf32, #tpu.memory_space<vmem>>, vector<16xf32>,
        %mul3A_1062 = arith.mulf %get3A_1061, %broadcast_in_dim3A_1005 : vector<16xf32>
        %swap3A_1063 = arith.index_cast %add3A_1009 : i32 to index
        %swap3A_1064 = arith.constant 112 : index
        %swap3A_1065 = tpu.vector_load %arg17[%swap3A_1063, %swap3A_1064] {strides = array<i32>} : memref<128x128xf32, #tpu.memory_space<vmem>>, vector<16xf32>,
        tpu.vector_store %arg17[%swap3A_1063, %swap3A_1064], %mul3A_1062 {strides = array<i32>} : memref<128x128xf32, #tpu.memory_space<vmem>>, vector<16xf32>,
        %slice3A_1066 = vector.extract_strided_slice %get3A_500 {offsets = [9], sizes = [1], strides = [1]} : vector<16xf32> to vector<1xf32>
        %squeeze3A_1067 = vector.extract %slice3A_1066[0] : f32 from vector<1xf32>
        %broadcast_in_dim3A_1068 = vector.broadcast %squeeze3A_1067 : f32 to vector<16xf32>
        %mul3A_1069 = arith.constant 16 : i32
        %mul3A_1070 = arith.muli %scan3A_496, %mul3A_1069 : i32
        %add3A_1071 = arith.constant 9 : i32
        %add3A_1072 = arith.addi %mul3A_1070, %add3A_1071 : i32
        %get3A_1073 = arith.index_cast %add3A_1072 : i32 to index
        %get3A_1074 = arith.constant 0 : index
        %get3A_1075 = tpu.vector_load %arg17[%get3A_1073, %get3A_1074] {strides = array<i32>} : memref<128x128xf32, #tpu.memory_space<vmem>>, vector<16xf32>,
        %mul3A_1076 = arith.mulf %get3A_1075, %broadcast_in_dim3A_1068 : vector<16xf32>
        %swap3A_1077 = arith.index_cast %add3A_1072 : i32 to index
        %swap3A_1078 = arith.constant 0 : index
        %swap3A_1079 = tpu.vector_load %arg17[%swap3A_1077, %swap3A_1078] {strides = array<i32>} : memref<128x128xf32, #tpu.memory_space<vmem>>, vector<16xf32>,
        tpu.vector_store %arg17[%swap3A_1077, %swap3A_1078], %mul3A_1076 {strides = array<i32>} : memref<128x128xf32, #tpu.memory_space<vmem>>, vector<16xf32>,
        %get3A_1080 = arith.index_cast %add3A_1072 : i32 to index
        %get3A_1081 = arith.constant 16 : index
        %get3A_1082 = tpu.vector_load %arg17[%get3A_1080, %get3A_1081] {strides = array<i32>} : memref<128x128xf32, #tpu.memory_space<vmem>>, vector<16xf32>,
        %mul3A_1083 = arith.mulf %get3A_1082, %broadcast_in_dim3A_1068 : vector<16xf32>
        %swap3A_1084 = arith.index_cast %add3A_1072 : i32 to index
        %swap3A_1085 = arith.constant 16 : index
        %swap3A_1086 = tpu.vector_load %arg17[%swap3A_1084, %swap3A_1085] {strides = array<i32>} : memref<128x128xf32, #tpu.memory_space<vmem>>, vector<16xf32>,
        tpu.vector_store %arg17[%swap3A_1084, %swap3A_1085], %mul3A_1083 {strides = array<i32>} : memref<128x128xf32, #tpu.memory_space<vmem>>, vector<16xf32>,
        %get3A_1087 = arith.index_cast %add3A_1072 : i32 to index
        %get3A_1088 = arith.constant 32 : index
        %get3A_1089 = tpu.vector_load %arg17[%get3A_1087, %get3A_1088] {strides = array<i32>} : memref<128x128xf32, #tpu.memory_space<vmem>>, vector<16xf32>,
        %mul3A_1090 = arith.mulf %get3A_1089, %broadcast_in_dim3A_1068 : vector<16xf32>
        %swap3A_1091 = arith.index_cast %add3A_1072 : i32 to index
        %swap3A_1092 = arith.constant 32 : index
        %swap3A_1093 = tpu.vector_load %arg17[%swap3A_1091, %swap3A_1092] {strides = array<i32>} : memref<128x128xf32, #tpu.memory_space<vmem>>, vector<16xf32>,
        tpu.vector_store %arg17[%swap3A_1091, %swap3A_1092], %mul3A_1090 {strides = array<i32>} : memref<128x128xf32, #tpu.memory_space<vmem>>, vector<16xf32>,
        %get3A_1094 = arith.index_cast %add3A_1072 : i32 to index
        %get3A_1095 = arith.constant 48 : index
        %get3A_1096 = tpu.vector_load %arg17[%get3A_1094, %get3A_1095] {strides = array<i32>} : memref<128x128xf32, #tpu.memory_space<vmem>>, vector<16xf32>,
        %mul3A_1097 = arith.mulf %get3A_1096, %broadcast_in_dim3A_1068 : vector<16xf32>
        %swap3A_1098 = arith.index_cast %add3A_1072 : i32 to index
        %swap3A_1099 = arith.constant 48 : index
        %swap3A_1100 = tpu.vector_load %arg17[%swap3A_1098, %swap3A_1099] {strides = array<i32>} : memref<128x128xf32, #tpu.memory_space<vmem>>, vector<16xf32>,
        tpu.vector_store %arg17[%swap3A_1098, %swap3A_1099], %mul3A_1097 {strides = array<i32>} : memref<128x128xf32, #tpu.memory_space<vmem>>, vector<16xf32>,
        %get3A_1101 = arith.index_cast %add3A_1072 : i32 to index
        %get3A_1102 = arith.constant 64 : index
        %get3A_1103 = tpu.vector_load %arg17[%get3A_1101, %get3A_1102] {strides = array<i32>} : memref<128x128xf32, #tpu.memory_space<vmem>>, vector<16xf32>,
        %mul3A_1104 = arith.mulf %get3A_1103, %broadcast_in_dim3A_1068 : vector<16xf32>
        %swap3A_1105 = arith.index_cast %add3A_1072 : i32 to index
        %swap3A_1106 = arith.constant 64 : index
        %swap3A_1107 = tpu.vector_load %arg17[%swap3A_1105, %swap3A_1106] {strides = array<i32>} : memref<128x128xf32, #tpu.memory_space<vmem>>, vector<16xf32>,
        tpu.vector_store %arg17[%swap3A_1105, %swap3A_1106], %mul3A_1104 {strides = array<i32>} : memref<128x128xf32, #tpu.memory_space<vmem>>, vector<16xf32>,
        %get3A_1108 = arith.index_cast %add3A_1072 : i32 to index
        %get3A_1109 = arith.constant 80 : index
        %get3A_1110 = tpu.vector_load %arg17[%get3A_1108, %get3A_1109] {strides = array<i32>} : memref<128x128xf32, #tpu.memory_space<vmem>>, vector<16xf32>,
        %mul3A_1111 = arith.mulf %get3A_1110, %broadcast_in_dim3A_1068 : vector<16xf32>
        %swap3A_1112 = arith.index_cast %add3A_1072 : i32 to index
        %swap3A_1113 = arith.constant 80 : index
        %swap3A_1114 = tpu.vector_load %arg17[%swap3A_1112, %swap3A_1113] {strides = array<i32>} : memref<128x128xf32, #tpu.memory_space<vmem>>, vector<16xf32>,
        tpu.vector_store %arg17[%swap3A_1112, %swap3A_1113], %mul3A_1111 {strides = array<i32>} : memref<128x128xf32, #tpu.memory_space<vmem>>, vector<16xf32>,
        %get3A_1115 = arith.index_cast %add3A_1072 : i32 to index
        %get3A_1116 = arith.constant 96 : index
        %get3A_1117 = tpu.vector_load %arg17[%get3A_1115, %get3A_1116] {strides = array<i32>} : memref<128x128xf32, #tpu.memory_space<vmem>>, vector<16xf32>,
        %mul3A_1118 = arith.mulf %get3A_1117, %broadcast_in_dim3A_1068 : vector<16xf32>
        %swap3A_1119 = arith.index_cast %add3A_1072 : i32 to index
        %swap3A_1120 = arith.constant 96 : index
        %swap3A_1121 = tpu.vector_load %arg17[%swap3A_1119, %swap3A_1120] {strides = array<i32>} : memref<128x128xf32, #tpu.memory_space<vmem>>, vector<16xf32>,
        tpu.vector_store %arg17[%swap3A_1119, %swap3A_1120], %mul3A_1118 {strides = array<i32>} : memref<128x128xf32, #tpu.memory_space<vmem>>, vector<16xf32>,
        %get3A_1122 = arith.index_cast %add3A_1072 : i32 to index
        %get3A_1123 = arith.constant 112 : index
        %get3A_1124 = tpu.vector_load %arg17[%get3A_1122, %get3A_1123] {strides = array<i32>} : memref<128x128xf32, #tpu.memory_space<vmem>>, vector<16xf32>,
        %mul3A_1125 = arith.mulf %get3A_1124, %broadcast_in_dim3A_1068 : vector<16xf32>
        %swap3A_1126 = arith.index_cast %add3A_1072 : i32 to index
        %swap3A_1127 = arith.constant 112 : index
        %swap3A_1128 = tpu.vector_load %arg17[%swap3A_1126, %swap3A_1127] {strides = array<i32>} : memref<128x128xf32, #tpu.memory_space<vmem>>, vector<16xf32>,
        tpu.vector_store %arg17[%swap3A_1126, %swap3A_1127], %mul3A_1125 {strides = array<i32>} : memref<128x128xf32, #tpu.memory_space<vmem>>, vector<16xf32>,
        %slice3A_1129 = vector.extract_strided_slice %get3A_500 {offsets = [10], sizes = [1], strides = [1]} : vector<16xf32> to vector<1xf32>
        %squeeze3A_1130 = vector.extract %slice3A_1129[0] : f32 from vector<1xf32>
        %broadcast_in_dim3A_1131 = vector.broadcast %squeeze3A_1130 : f32 to vector<16xf32>
        %mul3A_1132 = arith.constant 16 : i32
        %mul3A_1133 = arith.muli %scan3A_496, %mul3A_1132 : i32
        %add3A_1134 = arith.constant 10 : i32
        %add3A_1135 = arith.addi %mul3A_1133, %add3A_1134 : i32
        %get3A_1136 = arith.index_cast %add3A_1135 : i32 to index
        %get3A_1137 = arith.constant 0 : index
        %get3A_1138 = tpu.vector_load %arg17[%get3A_1136, %get3A_1137] {strides = array<i32>} : memref<128x128xf32, #tpu.memory_space<vmem>>, vector<16xf32>,
        %mul3A_1139 = arith.mulf %get3A_1138, %broadcast_in_dim3A_1131 : vector<16xf32>
        %swap3A_1140 = arith.index_cast %add3A_1135 : i32 to index
        %swap3A_1141 = arith.constant 0 : index
        %swap3A_1142 = tpu.vector_load %arg17[%swap3A_1140, %swap3A_1141] {strides = array<i32>} : memref<128x128xf32, #tpu.memory_space<vmem>>, vector<16xf32>,
        tpu.vector_store %arg17[%swap3A_1140, %swap3A_1141], %mul3A_1139 {strides = array<i32>} : memref<128x128xf32, #tpu.memory_space<vmem>>, vector<16xf32>,
        %get3A_1143 = arith.index_cast %add3A_1135 : i32 to index
        %get3A_1144 = arith.constant 16 : index
        %get3A_1145 = tpu.vector_load %arg17[%get3A_1143, %get3A_1144] {strides = array<i32>} : memref<128x128xf32, #tpu.memory_space<vmem>>, vector<16xf32>,
        %mul3A_1146 = arith.mulf %get3A_1145, %broadcast_in_dim3A_1131 : vector<16xf32>
        %swap3A_1147 = arith.index_cast %add3A_1135 : i32 to index
        %swap3A_1148 = arith.constant 16 : index
        %swap3A_1149 = tpu.vector_load %arg17[%swap3A_1147, %swap3A_1148] {strides = array<i32>} : memref<128x128xf32, #tpu.memory_space<vmem>>, vector<16xf32>,
        tpu.vector_store %arg17[%swap3A_1147, %swap3A_1148], %mul3A_1146 {strides = array<i32>} : memref<128x128xf32, #tpu.memory_space<vmem>>, vector<16xf32>,
        %get3A_1150 = arith.index_cast %add3A_1135 : i32 to index
        %get3A_1151 = arith.constant 32 : index
        %get3A_1152 = tpu.vector_load %arg17[%get3A_1150, %get3A_1151] {strides = array<i32>} : memref<128x128xf32, #tpu.memory_space<vmem>>, vector<16xf32>,
        %mul3A_1153 = arith.mulf %get3A_1152, %broadcast_in_dim3A_1131 : vector<16xf32>
        %swap3A_1154 = arith.index_cast %add3A_1135 : i32 to index
        %swap3A_1155 = arith.constant 32 : index
        %swap3A_1156 = tpu.vector_load %arg17[%swap3A_1154, %swap3A_1155] {strides = array<i32>} : memref<128x128xf32, #tpu.memory_space<vmem>>, vector<16xf32>,
        tpu.vector_store %arg17[%swap3A_1154, %swap3A_1155], %mul3A_1153 {strides = array<i32>} : memref<128x128xf32, #tpu.memory_space<vmem>>, vector<16xf32>,
        %get3A_1157 = arith.index_cast %add3A_1135 : i32 to index
        %get3A_1158 = arith.constant 48 : index
        %get3A_1159 = tpu.vector_load %arg17[%get3A_1157, %get3A_1158] {strides = array<i32>} : memref<128x128xf32, #tpu.memory_space<vmem>>, vector<16xf32>,
        %mul3A_1160 = arith.mulf %get3A_1159, %broadcast_in_dim3A_1131 : vector<16xf32>
        %swap3A_1161 = arith.index_cast %add3A_1135 : i32 to index
        %swap3A_1162 = arith.constant 48 : index
        %swap3A_1163 = tpu.vector_load %arg17[%swap3A_1161, %swap3A_1162] {strides = array<i32>} : memref<128x128xf32, #tpu.memory_space<vmem>>, vector<16xf32>,
        tpu.vector_store %arg17[%swap3A_1161, %swap3A_1162], %mul3A_1160 {strides = array<i32>} : memref<128x128xf32, #tpu.memory_space<vmem>>, vector<16xf32>,
        %get3A_1164 = arith.index_cast %add3A_1135 : i32 to index
        %get3A_1165 = arith.constant 64 : index
        %get3A_1166 = tpu.vector_load %arg17[%get3A_1164, %get3A_1165] {strides = array<i32>} : memref<128x128xf32, #tpu.memory_space<vmem>>, vector<16xf32>,
        %mul3A_1167 = arith.mulf %get3A_1166, %broadcast_in_dim3A_1131 : vector<16xf32>
        %swap3A_1168 = arith.index_cast %add3A_1135 : i32 to index
        %swap3A_1169 = arith.constant 64 : index
        %swap3A_1170 = tpu.vector_load %arg17[%swap3A_1168, %swap3A_1169] {strides = array<i32>} : memref<128x128xf32, #tpu.memory_space<vmem>>, vector<16xf32>,
        tpu.vector_store %arg17[%swap3A_1168, %swap3A_1169], %mul3A_1167 {strides = array<i32>} : memref<128x128xf32, #tpu.memory_space<vmem>>, vector<16xf32>,
        %get3A_1171 = arith.index_cast %add3A_1135 : i32 to index
        %get3A_1172 = arith.constant 80 : index
        %get3A_1173 = tpu.vector_load %arg17[%get3A_1171, %get3A_1172] {strides = array<i32>} : memref<128x128xf32, #tpu.memory_space<vmem>>, vector<16xf32>,
        %mul3A_1174 = arith.mulf %get3A_1173, %broadcast_in_dim3A_1131 : vector<16xf32>
        %swap3A_1175 = arith.index_cast %add3A_1135 : i32 to index
        %swap3A_1176 = arith.constant 80 : index
        %swap3A_1177 = tpu.vector_load %arg17[%swap3A_1175, %swap3A_1176] {strides = array<i32>} : memref<128x128xf32, #tpu.memory_space<vmem>>, vector<16xf32>,
        tpu.vector_store %arg17[%swap3A_1175, %swap3A_1176], %mul3A_1174 {strides = array<i32>} : memref<128x128xf32, #tpu.memory_space<vmem>>, vector<16xf32>,
        %get3A_1178 = arith.index_cast %add3A_1135 : i32 to index
        %get3A_1179 = arith.constant 96 : index
        %get3A_1180 = tpu.vector_load %arg17[%get3A_1178, %get3A_1179] {strides = array<i32>} : memref<128x128xf32, #tpu.memory_space<vmem>>, vector<16xf32>,
        %mul3A_1181 = arith.mulf %get3A_1180, %broadcast_in_dim3A_1131 : vector<16xf32>
        %swap3A_1182 = arith.index_cast %add3A_1135 : i32 to index
        %swap3A_1183 = arith.constant 96 : index
        %swap3A_1184 = tpu.vector_load %arg17[%swap3A_1182, %swap3A_1183] {strides = array<i32>} : memref<128x128xf32, #tpu.memory_space<vmem>>, vector<16xf32>,
        tpu.vector_store %arg17[%swap3A_1182, %swap3A_1183], %mul3A_1181 {strides = array<i32>} : memref<128x128xf32, #tpu.memory_space<vmem>>, vector<16xf32>,
        %get3A_1185 = arith.index_cast %add3A_1135 : i32 to index
        %get3A_1186 = arith.constant 112 : index
        %get3A_1187 = tpu.vector_load %arg17[%get3A_1185, %get3A_1186] {strides = array<i32>} : memref<128x128xf32, #tpu.memory_space<vmem>>, vector<16xf32>,
        %mul3A_1188 = arith.mulf %get3A_1187, %broadcast_in_dim3A_1131 : vector<16xf32>
        %swap3A_1189 = arith.index_cast %add3A_1135 : i32 to index
        %swap3A_1190 = arith.constant 112 : index
        %swap3A_1191 = tpu.vector_load %arg17[%swap3A_1189, %swap3A_1190] {strides = array<i32>} : memref<128x128xf32, #tpu.memory_space<vmem>>, vector<16xf32>,
        tpu.vector_store %arg17[%swap3A_1189, %swap3A_1190], %mul3A_1188 {strides = array<i32>} : memref<128x128xf32, #tpu.memory_space<vmem>>, vector<16xf32>,
        %slice3A_1192 = vector.extract_strided_slice %get3A_500 {offsets = [11], sizes = [1], strides = [1]} : vector<16xf32> to vector<1xf32>
        %squeeze3A_1193 = vector.extract %slice3A_1192[0] : f32 from vector<1xf32>
        %broadcast_in_dim3A_1194 = vector.broadcast %squeeze3A_1193 : f32 to vector<16xf32>
        %mul3A_1195 = arith.constant 16 : i32
        %mul3A_1196 = arith.muli %scan3A_496, %mul3A_1195 : i32
        %add3A_1197 = arith.constant 11 : i32
        %add3A_1198 = arith.addi %mul3A_1196, %add3A_1197 : i32
        %get3A_1199 = arith.index_cast %add3A_1198 : i32 to index
        %get3A_1200 = arith.constant 0 : index
        %get3A_1201 = tpu.vector_load %arg17[%get3A_1199, %get3A_1200] {strides = array<i32>} : memref<128x128xf32, #tpu.memory_space<vmem>>, vector<16xf32>,
        %mul3A_1202 = arith.mulf %get3A_1201, %broadcast_in_dim3A_1194 : vector<16xf32>
        %swap3A_1203 = arith.index_cast %add3A_1198 : i32 to index
        %swap3A_1204 = arith.constant 0 : index
        %swap3A_1205 = tpu.vector_load %arg17[%swap3A_1203, %swap3A_1204] {strides = array<i32>} : memref<128x128xf32, #tpu.memory_space<vmem>>, vector<16xf32>,
        tpu.vector_store %arg17[%swap3A_1203, %swap3A_1204], %mul3A_1202 {strides = array<i32>} : memref<128x128xf32, #tpu.memory_space<vmem>>, vector<16xf32>,
        %get3A_1206 = arith.index_cast %add3A_1198 : i32 to index
        %get3A_1207 = arith.constant 16 : index
        %get3A_1208 = tpu.vector_load %arg17[%get3A_1206, %get3A_1207] {strides = array<i32>} : memref<128x128xf32, #tpu.memory_space<vmem>>, vector<16xf32>,
        %mul3A_1209 = arith.mulf %get3A_1208, %broadcast_in_dim3A_1194 : vector<16xf32>
        %swap3A_1210 = arith.index_cast %add3A_1198 : i32 to index
        %swap3A_1211 = arith.constant 16 : index
        %swap3A_1212 = tpu.vector_load %arg17[%swap3A_1210, %swap3A_1211] {strides = array<i32>} : memref<128x128xf32, #tpu.memory_space<vmem>>, vector<16xf32>,
        tpu.vector_store %arg17[%swap3A_1210, %swap3A_1211], %mul3A_1209 {strides = array<i32>} : memref<128x128xf32, #tpu.memory_space<vmem>>, vector<16xf32>,
        %get3A_1213 = arith.index_cast %add3A_1198 : i32 to index
        %get3A_1214 = arith.constant 32 : index
        %get3A_1215 = tpu.vector_load %arg17[%get3A_1213, %get3A_1214] {strides = array<i32>} : memref<128x128xf32, #tpu.memory_space<vmem>>, vector<16xf32>,
        %mul3A_1216 = arith.mulf %get3A_1215, %broadcast_in_dim3A_1194 : vector<16xf32>
        %swap3A_1217 = arith.index_cast %add3A_1198 : i32 to index
        %swap3A_1218 = arith.constant 32 : index
        %swap3A_1219 = tpu.vector_load %arg17[%swap3A_1217, %swap3A_1218] {strides = array<i32>} : memref<128x128xf32, #tpu.memory_space<vmem>>, vector<16xf32>,
        tpu.vector_store %arg17[%swap3A_1217, %swap3A_1218], %mul3A_1216 {strides = array<i32>} : memref<128x128xf32, #tpu.memory_space<vmem>>, vector<16xf32>,
        %get3A_1220 = arith.index_cast %add3A_1198 : i32 to index
        %get3A_1221 = arith.constant 48 : index
        %get3A_1222 = tpu.vector_load %arg17[%get3A_1220, %get3A_1221] {strides = array<i32>} : memref<128x128xf32, #tpu.memory_space<vmem>>, vector<16xf32>,
        %mul3A_1223 = arith.mulf %get3A_1222, %broadcast_in_dim3A_1194 : vector<16xf32>
        %swap3A_1224 = arith.index_cast %add3A_1198 : i32 to index
        %swap3A_1225 = arith.constant 48 : index
        %swap3A_1226 = tpu.vector_load %arg17[%swap3A_1224, %swap3A_1225] {strides = array<i32>} : memref<128x128xf32, #tpu.memory_space<vmem>>, vector<16xf32>,
        tpu.vector_store %arg17[%swap3A_1224, %swap3A_1225], %mul3A_1223 {strides = array<i32>} : memref<128x128xf32, #tpu.memory_space<vmem>>, vector<16xf32>,
        %get3A_1227 = arith.index_cast %add3A_1198 : i32 to index
        %get3A_1228 = arith.constant 64 : index
        %get3A_1229 = tpu.vector_load %arg17[%get3A_1227, %get3A_1228] {strides = array<i32>} : memref<128x128xf32, #tpu.memory_space<vmem>>, vector<16xf32>,
        %mul3A_1230 = arith.mulf %get3A_1229, %broadcast_in_dim3A_1194 : vector<16xf32>
        %swap3A_1231 = arith.index_cast %add3A_1198 : i32 to index
        %swap3A_1232 = arith.constant 64 : index
        %swap3A_1233 = tpu.vector_load %arg17[%swap3A_1231, %swap3A_1232] {strides = array<i32>} : memref<128x128xf32, #tpu.memory_space<vmem>>, vector<16xf32>,
        tpu.vector_store %arg17[%swap3A_1231, %swap3A_1232], %mul3A_1230 {strides = array<i32>} : memref<128x128xf32, #tpu.memory_space<vmem>>, vector<16xf32>,
        %get3A_1234 = arith.index_cast %add3A_1198 : i32 to index
        %get3A_1235 = arith.constant 80 : index
        %get3A_1236 = tpu.vector_load %arg17[%get3A_1234, %get3A_1235] {strides = array<i32>} : memref<128x128xf32, #tpu.memory_space<vmem>>, vector<16xf32>,
        %mul3A_1237 = arith.mulf %get3A_1236, %broadcast_in_dim3A_1194 : vector<16xf32>
        %swap3A_1238 = arith.index_cast %add3A_1198 : i32 to index
        %swap3A_1239 = arith.constant 80 : index
        %swap3A_1240 = tpu.vector_load %arg17[%swap3A_1238, %swap3A_1239] {strides = array<i32>} : memref<128x128xf32, #tpu.memory_space<vmem>>, vector<16xf32>,
        tpu.vector_store %arg17[%swap3A_1238, %swap3A_1239], %mul3A_1237 {strides = array<i32>} : memref<128x128xf32, #tpu.memory_space<vmem>>, vector<16xf32>,
        %get3A_1241 = arith.index_cast %add3A_1198 : i32 to index
        %get3A_1242 = arith.constant 96 : index
        %get3A_1243 = tpu.vector_load %arg17[%get3A_1241, %get3A_1242] {strides = array<i32>} : memref<128x128xf32, #tpu.memory_space<vmem>>, vector<16xf32>,
        %mul3A_1244 = arith.mulf %get3A_1243, %broadcast_in_dim3A_1194 : vector<16xf32>
        %swap3A_1245 = arith.index_cast %add3A_1198 : i32 to index
        %swap3A_1246 = arith.constant 96 : index
        %swap3A_1247 = tpu.vector_load %arg17[%swap3A_1245, %swap3A_1246] {strides = array<i32>} : memref<128x128xf32, #tpu.memory_space<vmem>>, vector<16xf32>,
        tpu.vector_store %arg17[%swap3A_1245, %swap3A_1246], %mul3A_1244 {strides = array<i32>} : memref<128x128xf32, #tpu.memory_space<vmem>>, vector<16xf32>,
        %get3A_1248 = arith.index_cast %add3A_1198 : i32 to index
        %get3A_1249 = arith.constant 112 : index
        %get3A_1250 = tpu.vector_load %arg17[%get3A_1248, %get3A_1249] {strides = array<i32>} : memref<128x128xf32, #tpu.memory_space<vmem>>, vector<16xf32>,
        %mul3A_1251 = arith.mulf %get3A_1250, %broadcast_in_dim3A_1194 : vector<16xf32>
        %swap3A_1252 = arith.index_cast %add3A_1198 : i32 to index
        %swap3A_1253 = arith.constant 112 : index
        %swap3A_1254 = tpu.vector_load %arg17[%swap3A_1252, %swap3A_1253] {strides = array<i32>} : memref<128x128xf32, #tpu.memory_space<vmem>>, vector<16xf32>,
        tpu.vector_store %arg17[%swap3A_1252, %swap3A_1253], %mul3A_1251 {strides = array<i32>} : memref<128x128xf32, #tpu.memory_space<vmem>>, vector<16xf32>,
        %slice3A_1255 = vector.extract_strided_slice %get3A_500 {offsets = [12], sizes = [1], strides = [1]} : vector<16xf32> to vector<1xf32>
        %squeeze3A_1256 = vector.extract %slice3A_1255[0] : f32 from vector<1xf32>
        %broadcast_in_dim3A_1257 = vector.broadcast %squeeze3A_1256 : f32 to vector<16xf32>
        %mul3A_1258 = arith.constant 16 : i32
        %mul3A_1259 = arith.muli %scan3A_496, %mul3A_1258 : i32
        %add3A_1260 = arith.constant 12 : i32
        %add3A_1261 = arith.addi %mul3A_1259, %add3A_1260 : i32
        %get3A_1262 = arith.index_cast %add3A_1261 : i32 to index
        %get3A_1263 = arith.constant 0 : index
        %get3A_1264 = tpu.vector_load %arg17[%get3A_1262, %get3A_1263] {strides = array<i32>} : memref<128x128xf32, #tpu.memory_space<vmem>>, vector<16xf32>,
        %mul3A_1265 = arith.mulf %get3A_1264, %broadcast_in_dim3A_1257 : vector<16xf32>
        %swap3A_1266 = arith.index_cast %add3A_1261 : i32 to index
        %swap3A_1267 = arith.constant 0 : index
        %swap3A_1268 = tpu.vector_load %arg17[%swap3A_1266, %swap3A_1267] {strides = array<i32>} : memref<128x128xf32, #tpu.memory_space<vmem>>, vector<16xf32>,
        tpu.vector_store %arg17[%swap3A_1266, %swap3A_1267], %mul3A_1265 {strides = array<i32>} : memref<128x128xf32, #tpu.memory_space<vmem>>, vector<16xf32>,
        %get3A_1269 = arith.index_cast %add3A_1261 : i32 to index
        %get3A_1270 = arith.constant 16 : index
        %get3A_1271 = tpu.vector_load %arg17[%get3A_1269, %get3A_1270] {strides = array<i32>} : memref<128x128xf32, #tpu.memory_space<vmem>>, vector<16xf32>,
        %mul3A_1272 = arith.mulf %get3A_1271, %broadcast_in_dim3A_1257 : vector<16xf32>
        %swap3A_1273 = arith.index_cast %add3A_1261 : i32 to index
        %swap3A_1274 = arith.constant 16 : index
        %swap3A_1275 = tpu.vector_load %arg17[%swap3A_1273, %swap3A_1274] {strides = array<i32>} : memref<128x128xf32, #tpu.memory_space<vmem>>, vector<16xf32>,
        tpu.vector_store %arg17[%swap3A_1273, %swap3A_1274], %mul3A_1272 {strides = array<i32>} : memref<128x128xf32, #tpu.memory_space<vmem>>, vector<16xf32>,
        %get3A_1276 = arith.index_cast %add3A_1261 : i32 to index
        %get3A_1277 = arith.constant 32 : index
        %get3A_1278 = tpu.vector_load %arg17[%get3A_1276, %get3A_1277] {strides = array<i32>} : memref<128x128xf32, #tpu.memory_space<vmem>>, vector<16xf32>,
        %mul3A_1279 = arith.mulf %get3A_1278, %broadcast_in_dim3A_1257 : vector<16xf32>
        %swap3A_1280 = arith.index_cast %add3A_1261 : i32 to index
        %swap3A_1281 = arith.constant 32 : index
        %swap3A_1282 = tpu.vector_load %arg17[%swap3A_1280, %swap3A_1281] {strides = array<i32>} : memref<128x128xf32, #tpu.memory_space<vmem>>, vector<16xf32>,
        tpu.vector_store %arg17[%swap3A_1280, %swap3A_1281], %mul3A_1279 {strides = array<i32>} : memref<128x128xf32, #tpu.memory_space<vmem>>, vector<16xf32>,
        %get3A_1283 = arith.index_cast %add3A_1261 : i32 to index
        %get3A_1284 = arith.constant 48 : index
        %get3A_1285 = tpu.vector_load %arg17[%get3A_1283, %get3A_1284] {strides = array<i32>} : memref<128x128xf32, #tpu.memory_space<vmem>>, vector<16xf32>,
        %mul3A_1286 = arith.mulf %get3A_1285, %broadcast_in_dim3A_1257 : vector<16xf32>
        %swap3A_1287 = arith.index_cast %add3A_1261 : i32 to index
        %swap3A_1288 = arith.constant 48 : index
        %swap3A_1289 = tpu.vector_load %arg17[%swap3A_1287, %swap3A_1288] {strides = array<i32>} : memref<128x128xf32, #tpu.memory_space<vmem>>, vector<16xf32>,
        tpu.vector_store %arg17[%swap3A_1287, %swap3A_1288], %mul3A_1286 {strides = array<i32>} : memref<128x128xf32, #tpu.memory_space<vmem>>, vector<16xf32>,
        %get3A_1290 = arith.index_cast %add3A_1261 : i32 to index
        %get3A_1291 = arith.constant 64 : index
        %get3A_1292 = tpu.vector_load %arg17[%get3A_1290, %get3A_1291] {strides = array<i32>} : memref<128x128xf32, #tpu.memory_space<vmem>>, vector<16xf32>,
        %mul3A_1293 = arith.mulf %get3A_1292, %broadcast_in_dim3A_1257 : vector<16xf32>
        %swap3A_1294 = arith.index_cast %add3A_1261 : i32 to index
        %swap3A_1295 = arith.constant 64 : index
        %swap3A_1296 = tpu.vector_load %arg17[%swap3A_1294, %swap3A_1295] {strides = array<i32>} : memref<128x128xf32, #tpu.memory_space<vmem>>, vector<16xf32>,
        tpu.vector_store %arg17[%swap3A_1294, %swap3A_1295], %mul3A_1293 {strides = array<i32>} : memref<128x128xf32, #tpu.memory_space<vmem>>, vector<16xf32>,
        %get3A_1297 = arith.index_cast %add3A_1261 : i32 to index
        %get3A_1298 = arith.constant 80 : index
        %get3A_1299 = tpu.vector_load %arg17[%get3A_1297, %get3A_1298] {strides = array<i32>} : memref<128x128xf32, #tpu.memory_space<vmem>>, vector<16xf32>,
        %mul3A_1300 = arith.mulf %get3A_1299, %broadcast_in_dim3A_1257 : vector<16xf32>
        %swap3A_1301 = arith.index_cast %add3A_1261 : i32 to index
        %swap3A_1302 = arith.constant 80 : index
        %swap3A_1303 = tpu.vector_load %arg17[%swap3A_1301, %swap3A_1302] {strides = array<i32>} : memref<128x128xf32, #tpu.memory_space<vmem>>, vector<16xf32>,
        tpu.vector_store %arg17[%swap3A_1301, %swap3A_1302], %mul3A_1300 {strides = array<i32>} : memref<128x128xf32, #tpu.memory_space<vmem>>, vector<16xf32>,
        %get3A_1304 = arith.index_cast %add3A_1261 : i32 to index
        %get3A_1305 = arith.constant 96 : index
        %get3A_1306 = tpu.vector_load %arg17[%get3A_1304, %get3A_1305] {strides = array<i32>} : memref<128x128xf32, #tpu.memory_space<vmem>>, vector<16xf32>,
        %mul3A_1307 = arith.mulf %get3A_1306, %broadcast_in_dim3A_1257 : vector<16xf32>
        %swap3A_1308 = arith.index_cast %add3A_1261 : i32 to index
        %swap3A_1309 = arith.constant 96 : index
        %swap3A_1310 = tpu.vector_load %arg17[%swap3A_1308, %swap3A_1309] {strides = array<i32>} : memref<128x128xf32, #tpu.memory_space<vmem>>, vector<16xf32>,
        tpu.vector_store %arg17[%swap3A_1308, %swap3A_1309], %mul3A_1307 {strides = array<i32>} : memref<128x128xf32, #tpu.memory_space<vmem>>, vector<16xf32>,
        %get3A_1311 = arith.index_cast %add3A_1261 : i32 to index
        %get3A_1312 = arith.constant 112 : index
        %get3A_1313 = tpu.vector_load %arg17[%get3A_1311, %get3A_1312] {strides = array<i32>} : memref<128x128xf32, #tpu.memory_space<vmem>>, vector<16xf32>,
        %mul3A_1314 = arith.mulf %get3A_1313, %broadcast_in_dim3A_1257 : vector<16xf32>
        %swap3A_1315 = arith.index_cast %add3A_1261 : i32 to index
        %swap3A_1316 = arith.constant 112 : index
        %swap3A_1317 = tpu.vector_load %arg17[%swap3A_1315, %swap3A_1316] {strides = array<i32>} : memref<128x128xf32, #tpu.memory_space<vmem>>, vector<16xf32>,
        tpu.vector_store %arg17[%swap3A_1315, %swap3A_1316], %mul3A_1314 {strides = array<i32>} : memref<128x128xf32, #tpu.memory_space<vmem>>, vector<16xf32>,
        %slice3A_1318 = vector.extract_strided_slice %get3A_500 {offsets = [13], sizes = [1], strides = [1]} : vector<16xf32> to vector<1xf32>
        %squeeze3A_1319 = vector.extract %slice3A_1318[0] : f32 from vector<1xf32>
        %broadcast_in_dim3A_1320 = vector.broadcast %squeeze3A_1319 : f32 to vector<16xf32>
        %mul3A_1321 = arith.constant 16 : i32
        %mul3A_1322 = arith.muli %scan3A_496, %mul3A_1321 : i32
        %add3A_1323 = arith.constant 13 : i32
        %add3A_1324 = arith.addi %mul3A_1322, %add3A_1323 : i32
        %get3A_1325 = arith.index_cast %add3A_1324 : i32 to index
        %get3A_1326 = arith.constant 0 : index
        %get3A_1327 = tpu.vector_load %arg17[%get3A_1325, %get3A_1326] {strides = array<i32>} : memref<128x128xf32, #tpu.memory_space<vmem>>, vector<16xf32>,
        %mul3A_1328 = arith.mulf %get3A_1327, %broadcast_in_dim3A_1320 : vector<16xf32>
        %swap3A_1329 = arith.index_cast %add3A_1324 : i32 to index
        %swap3A_1330 = arith.constant 0 : index
        %swap3A_1331 = tpu.vector_load %arg17[%swap3A_1329, %swap3A_1330] {strides = array<i32>} : memref<128x128xf32, #tpu.memory_space<vmem>>, vector<16xf32>,
        tpu.vector_store %arg17[%swap3A_1329, %swap3A_1330], %mul3A_1328 {strides = array<i32>} : memref<128x128xf32, #tpu.memory_space<vmem>>, vector<16xf32>,
        %get3A_1332 = arith.index_cast %add3A_1324 : i32 to index
        %get3A_1333 = arith.constant 16 : index
        %get3A_1334 = tpu.vector_load %arg17[%get3A_1332, %get3A_1333] {strides = array<i32>} : memref<128x128xf32, #tpu.memory_space<vmem>>, vector<16xf32>,
        %mul3A_1335 = arith.mulf %get3A_1334, %broadcast_in_dim3A_1320 : vector<16xf32>
        %swap3A_1336 = arith.index_cast %add3A_1324 : i32 to index
        %swap3A_1337 = arith.constant 16 : index
        %swap3A_1338 = tpu.vector_load %arg17[%swap3A_1336, %swap3A_1337] {strides = array<i32>} : memref<128x128xf32, #tpu.memory_space<vmem>>, vector<16xf32>,
        tpu.vector_store %arg17[%swap3A_1336, %swap3A_1337], %mul3A_1335 {strides = array<i32>} : memref<128x128xf32, #tpu.memory_space<vmem>>, vector<16xf32>,
        %get3A_1339 = arith.index_cast %add3A_1324 : i32 to index
        %get3A_1340 = arith.constant 32 : index
        %get3A_1341 = tpu.vector_load %arg17[%get3A_1339, %get3A_1340] {strides = array<i32>} : memref<128x128xf32, #tpu.memory_space<vmem>>, vector<16xf32>,
        %mul3A_1342 = arith.mulf %get3A_1341, %broadcast_in_dim3A_1320 : vector<16xf32>
        %swap3A_1343 = arith.index_cast %add3A_1324 : i32 to index
        %swap3A_1344 = arith.constant 32 : index
        %swap3A_1345 = tpu.vector_load %arg17[%swap3A_1343, %swap3A_1344] {strides = array<i32>} : memref<128x128xf32, #tpu.memory_space<vmem>>, vector<16xf32>,
        tpu.vector_store %arg17[%swap3A_1343, %swap3A_1344], %mul3A_1342 {strides = array<i32>} : memref<128x128xf32, #tpu.memory_space<vmem>>, vector<16xf32>,
        %get3A_1346 = arith.index_cast %add3A_1324 : i32 to index
        %get3A_1347 = arith.constant 48 : index
        %get3A_1348 = tpu.vector_load %arg17[%get3A_1346, %get3A_1347] {strides = array<i32>} : memref<128x128xf32, #tpu.memory_space<vmem>>, vector<16xf32>,
        %mul3A_1349 = arith.mulf %get3A_1348, %broadcast_in_dim3A_1320 : vector<16xf32>
        %swap3A_1350 = arith.index_cast %add3A_1324 : i32 to index
        %swap3A_1351 = arith.constant 48 : index
        %swap3A_1352 = tpu.vector_load %arg17[%swap3A_1350, %swap3A_1351] {strides = array<i32>} : memref<128x128xf32, #tpu.memory_space<vmem>>, vector<16xf32>,
        tpu.vector_store %arg17[%swap3A_1350, %swap3A_1351], %mul3A_1349 {strides = array<i32>} : memref<128x128xf32, #tpu.memory_space<vmem>>, vector<16xf32>,
        %get3A_1353 = arith.index_cast %add3A_1324 : i32 to index
        %get3A_1354 = arith.constant 64 : index
        %get3A_1355 = tpu.vector_load %arg17[%get3A_1353, %get3A_1354] {strides = array<i32>} : memref<128x128xf32, #tpu.memory_space<vmem>>, vector<16xf32>,
        %mul3A_1356 = arith.mulf %get3A_1355, %broadcast_in_dim3A_1320 : vector<16xf32>
        %swap3A_1357 = arith.index_cast %add3A_1324 : i32 to index
        %swap3A_1358 = arith.constant 64 : index
        %swap3A_1359 = tpu.vector_load %arg17[%swap3A_1357, %swap3A_1358] {strides = array<i32>} : memref<128x128xf32, #tpu.memory_space<vmem>>, vector<16xf32>,
        tpu.vector_store %arg17[%swap3A_1357, %swap3A_1358], %mul3A_1356 {strides = array<i32>} : memref<128x128xf32, #tpu.memory_space<vmem>>, vector<16xf32>,
        %get3A_1360 = arith.index_cast %add3A_1324 : i32 to index
        %get3A_1361 = arith.constant 80 : index
        %get3A_1362 = tpu.vector_load %arg17[%get3A_1360, %get3A_1361] {strides = array<i32>} : memref<128x128xf32, #tpu.memory_space<vmem>>, vector<16xf32>,
        %mul3A_1363 = arith.mulf %get3A_1362, %broadcast_in_dim3A_1320 : vector<16xf32>
        %swap3A_1364 = arith.index_cast %add3A_1324 : i32 to index
        %swap3A_1365 = arith.constant 80 : index
        %swap3A_1366 = tpu.vector_load %arg17[%swap3A_1364, %swap3A_1365] {strides = array<i32>} : memref<128x128xf32, #tpu.memory_space<vmem>>, vector<16xf32>,
        tpu.vector_store %arg17[%swap3A_1364, %swap3A_1365], %mul3A_1363 {strides = array<i32>} : memref<128x128xf32, #tpu.memory_space<vmem>>, vector<16xf32>,
        %get3A_1367 = arith.index_cast %add3A_1324 : i32 to index
        %get3A_1368 = arith.constant 96 : index
        %get3A_1369 = tpu.vector_load %arg17[%get3A_1367, %get3A_1368] {strides = array<i32>} : memref<128x128xf32, #tpu.memory_space<vmem>>, vector<16xf32>,
        %mul3A_1370 = arith.mulf %get3A_1369, %broadcast_in_dim3A_1320 : vector<16xf32>
        %swap3A_1371 = arith.index_cast %add3A_1324 : i32 to index
        %swap3A_1372 = arith.constant 96 : index
        %swap3A_1373 = tpu.vector_load %arg17[%swap3A_1371, %swap3A_1372] {strides = array<i32>} : memref<128x128xf32, #tpu.memory_space<vmem>>, vector<16xf32>,
        tpu.vector_store %arg17[%swap3A_1371, %swap3A_1372], %mul3A_1370 {strides = array<i32>} : memref<128x128xf32, #tpu.memory_space<vmem>>, vector<16xf32>,
        %get3A_1374 = arith.index_cast %add3A_1324 : i32 to index
        %get3A_1375 = arith.constant 112 : index
        %get3A_1376 = tpu.vector_load %arg17[%get3A_1374, %get3A_1375] {strides = array<i32>} : memref<128x128xf32, #tpu.memory_space<vmem>>, vector<16xf32>,
        %mul3A_1377 = arith.mulf %get3A_1376, %broadcast_in_dim3A_1320 : vector<16xf32>
        %swap3A_1378 = arith.index_cast %add3A_1324 : i32 to index
        %swap3A_1379 = arith.constant 112 : index
        %swap3A_1380 = tpu.vector_load %arg17[%swap3A_1378, %swap3A_1379] {strides = array<i32>} : memref<128x128xf32, #tpu.memory_space<vmem>>, vector<16xf32>,
        tpu.vector_store %arg17[%swap3A_1378, %swap3A_1379], %mul3A_1377 {strides = array<i32>} : memref<128x128xf32, #tpu.memory_space<vmem>>, vector<16xf32>,
        %slice3A_1381 = vector.extract_strided_slice %get3A_500 {offsets = [14], sizes = [1], strides = [1]} : vector<16xf32> to vector<1xf32>
        %squeeze3A_1382 = vector.extract %slice3A_1381[0] : f32 from vector<1xf32>
        %broadcast_in_dim3A_1383 = vector.broadcast %squeeze3A_1382 : f32 to vector<16xf32>
        %mul3A_1384 = arith.constant 16 : i32
        %mul3A_1385 = arith.muli %scan3A_496, %mul3A_1384 : i32
        %add3A_1386 = arith.constant 14 : i32
        %add3A_1387 = arith.addi %mul3A_1385, %add3A_1386 : i32
        %get3A_1388 = arith.index_cast %add3A_1387 : i32 to index
        %get3A_1389 = arith.constant 0 : index
        %get3A_1390 = tpu.vector_load %arg17[%get3A_1388, %get3A_1389] {strides = array<i32>} : memref<128x128xf32, #tpu.memory_space<vmem>>, vector<16xf32>,
        %mul3A_1391 = arith.mulf %get3A_1390, %broadcast_in_dim3A_1383 : vector<16xf32>
        %swap3A_1392 = arith.index_cast %add3A_1387 : i32 to index
        %swap3A_1393 = arith.constant 0 : index
        %swap3A_1394 = tpu.vector_load %arg17[%swap3A_1392, %swap3A_1393] {strides = array<i32>} : memref<128x128xf32, #tpu.memory_space<vmem>>, vector<16xf32>,
        tpu.vector_store %arg17[%swap3A_1392, %swap3A_1393], %mul3A_1391 {strides = array<i32>} : memref<128x128xf32, #tpu.memory_space<vmem>>, vector<16xf32>,
        %get3A_1395 = arith.index_cast %add3A_1387 : i32 to index
        %get3A_1396 = arith.constant 16 : index
        %get3A_1397 = tpu.vector_load %arg17[%get3A_1395, %get3A_1396] {strides = array<i32>} : memref<128x128xf32, #tpu.memory_space<vmem>>, vector<16xf32>,
        %mul3A_1398 = arith.mulf %get3A_1397, %broadcast_in_dim3A_1383 : vector<16xf32>
        %swap3A_1399 = arith.index_cast %add3A_1387 : i32 to index
        %swap3A_1400 = arith.constant 16 : index
        %swap3A_1401 = tpu.vector_load %arg17[%swap3A_1399, %swap3A_1400] {strides = array<i32>} : memref<128x128xf32, #tpu.memory_space<vmem>>, vector<16xf32>,
        tpu.vector_store %arg17[%swap3A_1399, %swap3A_1400], %mul3A_1398 {strides = array<i32>} : memref<128x128xf32, #tpu.memory_space<vmem>>, vector<16xf32>,
        %get3A_1402 = arith.index_cast %add3A_1387 : i32 to index
        %get3A_1403 = arith.constant 32 : index
        %get3A_1404 = tpu.vector_load %arg17[%get3A_1402, %get3A_1403] {strides = array<i32>} : memref<128x128xf32, #tpu.memory_space<vmem>>, vector<16xf32>,
        %mul3A_1405 = arith.mulf %get3A_1404, %broadcast_in_dim3A_1383 : vector<16xf32>
        %swap3A_1406 = arith.index_cast %add3A_1387 : i32 to index
        %swap3A_1407 = arith.constant 32 : index
        %swap3A_1408 = tpu.vector_load %arg17[%swap3A_1406, %swap3A_1407] {strides = array<i32>} : memref<128x128xf32, #tpu.memory_space<vmem>>, vector<16xf32>,
        tpu.vector_store %arg17[%swap3A_1406, %swap3A_1407], %mul3A_1405 {strides = array<i32>} : memref<128x128xf32, #tpu.memory_space<vmem>>, vector<16xf32>,
        %get3A_1409 = arith.index_cast %add3A_1387 : i32 to index
        %get3A_1410 = arith.constant 48 : index
        %get3A_1411 = tpu.vector_load %arg17[%get3A_1409, %get3A_1410] {strides = array<i32>} : memref<128x128xf32, #tpu.memory_space<vmem>>, vector<16xf32>,
        %mul3A_1412 = arith.mulf %get3A_1411, %broadcast_in_dim3A_1383 : vector<16xf32>
        %swap3A_1413 = arith.index_cast %add3A_1387 : i32 to index
        %swap3A_1414 = arith.constant 48 : index
        %swap3A_1415 = tpu.vector_load %arg17[%swap3A_1413, %swap3A_1414] {strides = array<i32>} : memref<128x128xf32, #tpu.memory_space<vmem>>, vector<16xf32>,
        tpu.vector_store %arg17[%swap3A_1413, %swap3A_1414], %mul3A_1412 {strides = array<i32>} : memref<128x128xf32, #tpu.memory_space<vmem>>, vector<16xf32>,
        %get3A_1416 = arith.index_cast %add3A_1387 : i32 to index
        %get3A_1417 = arith.constant 64 : index
        %get3A_1418 = tpu.vector_load %arg17[%get3A_1416, %get3A_1417] {strides = array<i32>} : memref<128x128xf32, #tpu.memory_space<vmem>>, vector<16xf32>,
        %mul3A_1419 = arith.mulf %get3A_1418, %broadcast_in_dim3A_1383 : vector<16xf32>
        %swap3A_1420 = arith.index_cast %add3A_1387 : i32 to index
        %swap3A_1421 = arith.constant 64 : index
        %swap3A_1422 = tpu.vector_load %arg17[%swap3A_1420, %swap3A_1421] {strides = array<i32>} : memref<128x128xf32, #tpu.memory_space<vmem>>, vector<16xf32>,
        tpu.vector_store %arg17[%swap3A_1420, %swap3A_1421], %mul3A_1419 {strides = array<i32>} : memref<128x128xf32, #tpu.memory_space<vmem>>, vector<16xf32>,
        %get3A_1423 = arith.index_cast %add3A_1387 : i32 to index
        %get3A_1424 = arith.constant 80 : index
        %get3A_1425 = tpu.vector_load %arg17[%get3A_1423, %get3A_1424] {strides = array<i32>} : memref<128x128xf32, #tpu.memory_space<vmem>>, vector<16xf32>,
        %mul3A_1426 = arith.mulf %get3A_1425, %broadcast_in_dim3A_1383 : vector<16xf32>
        %swap3A_1427 = arith.index_cast %add3A_1387 : i32 to index
        %swap3A_1428 = arith.constant 80 : index
        %swap3A_1429 = tpu.vector_load %arg17[%swap3A_1427, %swap3A_1428] {strides = array<i32>} : memref<128x128xf32, #tpu.memory_space<vmem>>, vector<16xf32>,
        tpu.vector_store %arg17[%swap3A_1427, %swap3A_1428], %mul3A_1426 {strides = array<i32>} : memref<128x128xf32, #tpu.memory_space<vmem>>, vector<16xf32>,
        %get3A_1430 = arith.index_cast %add3A_1387 : i32 to index
        %get3A_1431 = arith.constant 96 : index
        %get3A_1432 = tpu.vector_load %arg17[%get3A_1430, %get3A_1431] {strides = array<i32>} : memref<128x128xf32, #tpu.memory_space<vmem>>, vector<16xf32>,
        %mul3A_1433 = arith.mulf %get3A_1432, %broadcast_in_dim3A_1383 : vector<16xf32>
        %swap3A_1434 = arith.index_cast %add3A_1387 : i32 to index
        %swap3A_1435 = arith.constant 96 : index
        %swap3A_1436 = tpu.vector_load %arg17[%swap3A_1434, %swap3A_1435] {strides = array<i32>} : memref<128x128xf32, #tpu.memory_space<vmem>>, vector<16xf32>,
        tpu.vector_store %arg17[%swap3A_1434, %swap3A_1435], %mul3A_1433 {strides = array<i32>} : memref<128x128xf32, #tpu.memory_space<vmem>>, vector<16xf32>,
        %get3A_1437 = arith.index_cast %add3A_1387 : i32 to index
        %get3A_1438 = arith.constant 112 : index
        %get3A_1439 = tpu.vector_load %arg17[%get3A_1437, %get3A_1438] {strides = array<i32>} : memref<128x128xf32, #tpu.memory_space<vmem>>, vector<16xf32>,
        %mul3A_1440 = arith.mulf %get3A_1439, %broadcast_in_dim3A_1383 : vector<16xf32>
        %swap3A_1441 = arith.index_cast %add3A_1387 : i32 to index
        %swap3A_1442 = arith.constant 112 : index
        %swap3A_1443 = tpu.vector_load %arg17[%swap3A_1441, %swap3A_1442] {strides = array<i32>} : memref<128x128xf32, #tpu.memory_space<vmem>>, vector<16xf32>,
        tpu.vector_store %arg17[%swap3A_1441, %swap3A_1442], %mul3A_1440 {strides = array<i32>} : memref<128x128xf32, #tpu.memory_space<vmem>>, vector<16xf32>,
        %slice3A_1444 = vector.extract_strided_slice %get3A_500 {offsets = [15], sizes = [1], strides = [1]} : vector<16xf32> to vector<1xf32>
        %squeeze3A_1445 = vector.extract %slice3A_1444[0] : f32 from vector<1xf32>
        %broadcast_in_dim3A_1446 = vector.broadcast %squeeze3A_1445 : f32 to vector<16xf32>
        %mul3A_1447 = arith.constant 16 : i32
        %mul3A_1448 = arith.muli %scan3A_496, %mul3A_1447 : i32
        %add3A_1449 = arith.constant 15 : i32
        %add3A_1450 = arith.addi %mul3A_1448, %add3A_1449 : i32
        %get3A_1451 = arith.index_cast %add3A_1450 : i32 to index
        %get3A_1452 = arith.constant 0 : index
        %get3A_1453 = tpu.vector_load %arg17[%get3A_1451, %get3A_1452] {strides = array<i32>} : memref<128x128xf32, #tpu.memory_space<vmem>>, vector<16xf32>,
        %mul3A_1454 = arith.mulf %get3A_1453, %broadcast_in_dim3A_1446 : vector<16xf32>
        %swap3A_1455 = arith.index_cast %add3A_1450 : i32 to index
        %swap3A_1456 = arith.constant 0 : index
        %swap3A_1457 = tpu.vector_load %arg17[%swap3A_1455, %swap3A_1456] {strides = array<i32>} : memref<128x128xf32, #tpu.memory_space<vmem>>, vector<16xf32>,
        tpu.vector_store %arg17[%swap3A_1455, %swap3A_1456], %mul3A_1454 {strides = array<i32>} : memref<128x128xf32, #tpu.memory_space<vmem>>, vector<16xf32>,
        %get3A_1458 = arith.index_cast %add3A_1450 : i32 to index
        %get3A_1459 = arith.constant 16 : index
        %get3A_1460 = tpu.vector_load %arg17[%get3A_1458, %get3A_1459] {strides = array<i32>} : memref<128x128xf32, #tpu.memory_space<vmem>>, vector<16xf32>,
        %mul3A_1461 = arith.mulf %get3A_1460, %broadcast_in_dim3A_1446 : vector<16xf32>
        %swap3A_1462 = arith.index_cast %add3A_1450 : i32 to index
        %swap3A_1463 = arith.constant 16 : index
        %swap3A_1464 = tpu.vector_load %arg17[%swap3A_1462, %swap3A_1463] {strides = array<i32>} : memref<128x128xf32, #tpu.memory_space<vmem>>, vector<16xf32>,
        tpu.vector_store %arg17[%swap3A_1462, %swap3A_1463], %mul3A_1461 {strides = array<i32>} : memref<128x128xf32, #tpu.memory_space<vmem>>, vector<16xf32>,
        %get3A_1465 = arith.index_cast %add3A_1450 : i32 to index
        %get3A_1466 = arith.constant 32 : index
        %get3A_1467 = tpu.vector_load %arg17[%get3A_1465, %get3A_1466] {strides = array<i32>} : memref<128x128xf32, #tpu.memory_space<vmem>>, vector<16xf32>,
        %mul3A_1468 = arith.mulf %get3A_1467, %broadcast_in_dim3A_1446 : vector<16xf32>
        %swap3A_1469 = arith.index_cast %add3A_1450 : i32 to index
        %swap3A_1470 = arith.constant 32 : index
        %swap3A_1471 = tpu.vector_load %arg17[%swap3A_1469, %swap3A_1470] {strides = array<i32>} : memref<128x128xf32, #tpu.memory_space<vmem>>, vector<16xf32>,
        tpu.vector_store %arg17[%swap3A_1469, %swap3A_1470], %mul3A_1468 {strides = array<i32>} : memref<128x128xf32, #tpu.memory_space<vmem>>, vector<16xf32>,
        %get3A_1472 = arith.index_cast %add3A_1450 : i32 to index
        %get3A_1473 = arith.constant 48 : index
        %get3A_1474 = tpu.vector_load %arg17[%get3A_1472, %get3A_1473] {strides = array<i32>} : memref<128x128xf32, #tpu.memory_space<vmem>>, vector<16xf32>,
        %mul3A_1475 = arith.mulf %get3A_1474, %broadcast_in_dim3A_1446 : vector<16xf32>
        %swap3A_1476 = arith.index_cast %add3A_1450 : i32 to index
        %swap3A_1477 = arith.constant 48 : index
        %swap3A_1478 = tpu.vector_load %arg17[%swap3A_1476, %swap3A_1477] {strides = array<i32>} : memref<128x128xf32, #tpu.memory_space<vmem>>, vector<16xf32>,
        tpu.vector_store %arg17[%swap3A_1476, %swap3A_1477], %mul3A_1475 {strides = array<i32>} : memref<128x128xf32, #tpu.memory_space<vmem>>, vector<16xf32>,
        %get3A_1479 = arith.index_cast %add3A_1450 : i32 to index
        %get3A_1480 = arith.constant 64 : index
        %get3A_1481 = tpu.vector_load %arg17[%get3A_1479, %get3A_1480] {strides = array<i32>} : memref<128x128xf32, #tpu.memory_space<vmem>>, vector<16xf32>,
        %mul3A_1482 = arith.mulf %get3A_1481, %broadcast_in_dim3A_1446 : vector<16xf32>
        %swap3A_1483 = arith.index_cast %add3A_1450 : i32 to index
        %swap3A_1484 = arith.constant 64 : index
        %swap3A_1485 = tpu.vector_load %arg17[%swap3A_1483, %swap3A_1484] {strides = array<i32>} : memref<128x128xf32, #tpu.memory_space<vmem>>, vector<16xf32>,
        tpu.vector_store %arg17[%swap3A_1483, %swap3A_1484], %mul3A_1482 {strides = array<i32>} : memref<128x128xf32, #tpu.memory_space<vmem>>, vector<16xf32>,
        %get3A_1486 = arith.index_cast %add3A_1450 : i32 to index
        %get3A_1487 = arith.constant 80 : index
        %get3A_1488 = tpu.vector_load %arg17[%get3A_1486, %get3A_1487] {strides = array<i32>} : memref<128x128xf32, #tpu.memory_space<vmem>>, vector<16xf32>,
        %mul3A_1489 = arith.mulf %get3A_1488, %broadcast_in_dim3A_1446 : vector<16xf32>
        %swap3A_1490 = arith.index_cast %add3A_1450 : i32 to index
        %swap3A_1491 = arith.constant 80 : index
        %swap3A_1492 = tpu.vector_load %arg17[%swap3A_1490, %swap3A_1491] {strides = array<i32>} : memref<128x128xf32, #tpu.memory_space<vmem>>, vector<16xf32>,
        tpu.vector_store %arg17[%swap3A_1490, %swap3A_1491], %mul3A_1489 {strides = array<i32>} : memref<128x128xf32, #tpu.memory_space<vmem>>, vector<16xf32>,
        %get3A_1493 = arith.index_cast %add3A_1450 : i32 to index
        %get3A_1494 = arith.constant 96 : index
        %get3A_1495 = tpu.vector_load %arg17[%get3A_1493, %get3A_1494] {strides = array<i32>} : memref<128x128xf32, #tpu.memory_space<vmem>>, vector<16xf32>,
        %mul3A_1496 = arith.mulf %get3A_1495, %broadcast_in_dim3A_1446 : vector<16xf32>
        %swap3A_1497 = arith.index_cast %add3A_1450 : i32 to index
        %swap3A_1498 = arith.constant 96 : index
        %swap3A_1499 = tpu.vector_load %arg17[%swap3A_1497, %swap3A_1498] {strides = array<i32>} : memref<128x128xf32, #tpu.memory_space<vmem>>, vector<16xf32>,
        tpu.vector_store %arg17[%swap3A_1497, %swap3A_1498], %mul3A_1496 {strides = array<i32>} : memref<128x128xf32, #tpu.memory_space<vmem>>, vector<16xf32>,
        %get3A_1500 = arith.index_cast %add3A_1450 : i32 to index
        %get3A_1501 = arith.constant 112 : index
        %get3A_1502 = tpu.vector_load %arg17[%get3A_1500, %get3A_1501] {strides = array<i32>} : memref<128x128xf32, #tpu.memory_space<vmem>>, vector<16xf32>,
        %mul3A_1503 = arith.mulf %get3A_1502, %broadcast_in_dim3A_1446 : vector<16xf32>
        %swap3A_1504 = arith.index_cast %add3A_1450 : i32 to index
        %swap3A_1505 = arith.constant 112 : index
        %swap3A_1506 = tpu.vector_load %arg17[%swap3A_1504, %swap3A_1505] {strides = array<i32>} : memref<128x128xf32, #tpu.memory_space<vmem>>, vector<16xf32>,
        tpu.vector_store %arg17[%swap3A_1504, %swap3A_1505], %mul3A_1503 {strides = array<i32>} : memref<128x128xf32, #tpu.memory_space<vmem>>, vector<16xf32>,
      }
      %scan3A_294 = arith.constant 8 : i32
      %dma_start3A_295 = arith.constant 0 : i32
      %dma_start3A_296 = arith.constant 0 : i32
      %dma_start3A_297 = tpu.memref_slice %arg15[%dma_start3A_295, %dma_start3A_296] : memref<1x128xi32, #tpu.memory_space<vmem>> -> memref<1x128xi32, #tpu.memory_space<vmem>>
      %dma_start3A_298 = tpu.memref_squeeze %dma_start3A_297 : memref<1x128xi32, #tpu.memory_space<vmem>> -> memref<128xi32, #tpu.memory_space<vmem>>
      %dma_start3A_299 = arith.constant 0 : i32
      %dma_start3A_300 = arith.constant 0 : i32
      %dma_start3A_301 = tpu.memref_slice %arg23[%dma_start3A_299, %dma_start3A_300] : memref<10240x128xf32, #tpu.memory_space<vmem_shared>> -> memref<10240x128xf32, #tpu.memory_space<vmem_shared>>
      tpu.enqueue_indirect_dma source(%arg17 : memref<128x128xf32, #tpu.memory_space<vmem>>) target(%dma_start3A_301 : memref<10240x128xf32, #tpu.memory_space<vmem_shared>>) offsets(%dma_start3A_298 : memref<128xi32, #tpu.memory_space<vmem>>) semaphore(%arg29 : memref<!tpu.dma_semaphore, #tpu.memory_space<semaphore_mem>>) {add = true}
      %add3A_302 = arith.constant 2 : i32
      %add3A_303 = arith.addi %add3A_133, %add3A_302 : i32
      %lt3A_304 = arith.constant 80 : i32
      %lt3A_305 = arith.cmpi slt, %add3A_303, %lt3A_304 : i32
      %convert_element_type3A_306 = arith.extui %lt3A_305 : i1 to i32
      %cond3A_307 = arith.constant 0 : i32
      %cond3A_308 = arith.cmpi ne, %convert_element_type3A_306, %cond3A_307 : i32
      scf.if %cond3A_308 {
        %add3A_496 = arith.constant 2 : i32
        %add3A_497 = arith.addi %add3A_133, %add3A_496 : i32
        %dma_start3A_498 = arith.constant 0 : i32
        %dma_start3A_499 = arith.constant 0 : i32
        %dma_start3A_500 = tpu.memref_slice %arg2[%add3A, %add3A_497, %dma_start3A_498, %dma_start3A_499] : memref<32x80x1x128xi32, #tpu.memory_space<hbm>> -> memref<1x1x1x128xi32, #tpu.memory_space<hbm>>
        %dma_start3A_501 = tpu.memref_squeeze %dma_start3A_500 : memref<1x1x1x128xi32, #tpu.memory_space<hbm>> -> memref<1x128xi32, #tpu.memory_space<hbm>>
        %dma_start3A_502 = arith.constant 0 : i32
        %dma_start3A_503 = arith.constant 0 : i32
        %dma_start3A_504 = tpu.memref_slice %arg2[%add3A, %add3A_497, %dma_start3A_502, %dma_start3A_503] : memref<32x80x1x128xi32, #tpu.memory_space<hbm>> -> memref<1x1x1x128xi32, #tpu.memory_space<hbm>>
        %dma_start3A_505 = tpu.memref_squeeze %dma_start3A_504 : memref<1x1x1x128xi32, #tpu.memory_space<hbm>> -> memref<1x128xi32, #tpu.memory_space<hbm>>
        tpu.enqueue_dma source(%dma_start3A_505 : memref<1x128xi32, #tpu.memory_space<hbm>>) target(%arg9 : memref<1x128xi32, #tpu.memory_space<vmem>>) target_semaphore(%arg25 : memref<!tpu.dma_semaphore, #tpu.memory_space<semaphore_mem>>)
        %add3A_506 = arith.constant 2 : i32
        %add3A_507 = arith.addi %add3A_133, %add3A_506 : i32
        %dma_start3A_508 = arith.constant 0 : i32
        %dma_start3A_509 = arith.constant 0 : i32
        %dma_start3A_510 = tpu.memref_slice %arg3[%add3A, %add3A_507, %dma_start3A_508, %dma_start3A_509] : memref<32x80x1x128xi32, #tpu.memory_space<hbm>> -> memref<1x1x1x128xi32, #tpu.memory_space<hbm>>
        %dma_start3A_511 = tpu.memref_squeeze %dma_start3A_510 : memref<1x1x1x128xi32, #tpu.memory_space<hbm>> -> memref<1x128xi32, #tpu.memory_space<hbm>>
        %dma_start3A_512 = arith.constant 0 : i32
        %dma_start3A_513 = arith.constant 0 : i32
        %dma_start3A_514 = tpu.memref_slice %arg3[%add3A, %add3A_507, %dma_start3A_512, %dma_start3A_513] : memref<32x80x1x128xi32, #tpu.memory_space<hbm>> -> memref<1x1x1x128xi32, #tpu.memory_space<hbm>>
        %dma_start3A_515 = tpu.memref_squeeze %dma_start3A_514 : memref<1x1x1x128xi32, #tpu.memory_space<hbm>> -> memref<1x128xi32, #tpu.memory_space<hbm>>
        tpu.enqueue_dma source(%dma_start3A_515 : memref<1x128xi32, #tpu.memory_space<hbm>>) target(%arg11 : memref<1x128xi32, #tpu.memory_space<vmem>>) target_semaphore(%arg25 : memref<!tpu.dma_semaphore, #tpu.memory_space<semaphore_mem>>)
        %add3A_516 = arith.constant 2 : i32
        %add3A_517 = arith.addi %add3A_133, %add3A_516 : i32
        %mul3A_518 = arith.constant 128 : i32
        %mul3A_519 = arith.muli %add3A_517, %mul3A_518 : i32
        %dma_start3A_520 = tpu.memref_slice %arg4[%add3A, %mul3A_519] : memref<32x10240xf32, #tpu.memory_space<hbm>> -> memref<1x128xf32, #tpu.memory_space<hbm>>
        %dma_start3A_521 = tpu.memref_squeeze %dma_start3A_520 : memref<1x128xf32, #tpu.memory_space<hbm>> -> memref<128xf32, #tpu.memory_space<hbm>>
        %dma_start3A_522 = tpu.memref_slice %arg4[%add3A, %mul3A_519] : memref<32x10240xf32, #tpu.memory_space<hbm>> -> memref<1x128xf32, #tpu.memory_space<hbm>>
        %dma_start3A_523 = tpu.memref_squeeze %dma_start3A_522 : memref<1x128xf32, #tpu.memory_space<hbm>> -> memref<128xf32, #tpu.memory_space<hbm>>
        tpu.enqueue_dma source(%dma_start3A_523 : memref<128xf32, #tpu.memory_space<hbm>>) target(%arg13 : memref<128xf32, #tpu.memory_space<vmem>>) target_semaphore(%arg25 : memref<!tpu.dma_semaphore, #tpu.memory_space<semaphore_mem>>)
      } else {
      }
      %mul3A_309 = arith.constant 2 : i32
      %mul3A_310 = arith.muli %mul3A_309, %scan3A_129 : i32
      %add3A_311 = arith.constant 1 : i32
      %add3A_312 = arith.addi %mul3A_310, %add3A_311 : i32
      %ge3A_313 = arith.constant 1 : i32
      %ge3A_314 = arith.cmpi sge, %add3A_312, %ge3A_313 : i32
      %convert_element_type3A_315 = arith.extui %ge3A_314 : i1 to i32
      %cond3A_316 = arith.constant 0 : i32
      %cond3A_317 = arith.cmpi ne, %convert_element_type3A_315, %cond3A_316 : i32
      scf.if %cond3A_317 {
        %dma_wait3A_496 = arith.constant 0 : i32
        %dma_wait3A_497 = arith.constant 0 : i32
        %dma_wait3A_498 = tpu.memref_slice %arg15[%dma_wait3A_496, %dma_wait3A_497] : memref<1x128xi32, #tpu.memory_space<vmem>> -> memref<1x128xi32, #tpu.memory_space<vmem>>
        %dma_wait3A_499 = tpu.memref_squeeze %dma_wait3A_498 : memref<1x128xi32, #tpu.memory_space<vmem>> -> memref<128xi32, #tpu.memory_space<vmem>>
        %dma_wait3A_500 = arith.constant 0 : i32
        %dma_wait3A_501 = arith.constant 0 : i32
        %dma_wait3A_502 = tpu.memref_slice %arg23[%dma_wait3A_500, %dma_wait3A_501] : memref<10240x128xf32, #tpu.memory_space<vmem_shared>> -> memref<10240x128xf32, #tpu.memory_space<vmem_shared>>
        tpu.wait_indirect_dma semaphore(%arg29 : memref<!tpu.dma_semaphore, #tpu.memory_space<semaphore_mem>>) src(%arg17 : memref<128x128xf32, #tpu.memory_space<vmem>>) dst(%dma_wait3A_502 : memref<10240x128xf32, #tpu.memory_space<vmem_shared>>)
      } else {
      }
      %add3A_318 = arith.constant 1 : i32
      %add3A_319 = arith.addi %add3A_312, %add3A_318 : i32
      %lt3A_320 = arith.constant 80 : i32
      %lt3A_321 = arith.cmpi slt, %add3A_319, %lt3A_320 : i32
      %convert_element_type3A_322 = arith.extui %lt3A_321 : i1 to i32
      %cond3A_323 = arith.constant 0 : i32
      %cond3A_324 = arith.cmpi ne, %convert_element_type3A_322, %cond3A_323 : i32
      scf.if %cond3A_324 {
        %dma_wait3A_496 = arith.constant 0 : i32
        %dma_wait3A_497 = arith.constant 0 : i32
        %dma_wait3A_498 = arith.constant 0 : i32
        %dma_wait3A_499 = tpu.memref_slice %arg2[%add3A, %dma_wait3A_496, %dma_wait3A_497, %dma_wait3A_498] : memref<32x80x1x128xi32, #tpu.memory_space<hbm>> -> memref<1x1x1x128xi32, #tpu.memory_space<hbm>>
        %dma_wait3A_500 = tpu.memref_squeeze %dma_wait3A_499 : memref<1x1x1x128xi32, #tpu.memory_space<hbm>> -> memref<1x128xi32, #tpu.memory_space<hbm>>
        %dma_wait3A_501 = arith.constant 0 : i32
        %dma_wait3A_502 = arith.constant 0 : i32
        %dma_wait3A_503 = tpu.memref_slice %arg2[%add3A, %dma_wait3A_496, %dma_wait3A_501, %dma_wait3A_502] : memref<32x80x1x128xi32, #tpu.memory_space<hbm>> -> memref<1x1x1x128xi32, #tpu.memory_space<hbm>>
        %dma_wait3A_504 = tpu.memref_squeeze %dma_wait3A_503 : memref<1x1x1x128xi32, #tpu.memory_space<hbm>> -> memref<1x128xi32, #tpu.memory_space<hbm>>
        tpu.wait_dma2 semaphore(%arg25 : memref<!tpu.dma_semaphore, #tpu.memory_space<semaphore_mem>>) src(%dma_wait3A_504 : memref<1x128xi32, #tpu.memory_space<hbm>>) dst(%arg9 : memref<1x128xi32, #tpu.memory_space<vmem>>)
        %dma_wait3A_505 = arith.constant 0 : i32
        %dma_wait3A_506 = arith.constant 0 : i32
        %dma_wait3A_507 = arith.constant 0 : i32
        %dma_wait3A_508 = tpu.memref_slice %arg3[%add3A, %dma_wait3A_505, %dma_wait3A_506, %dma_wait3A_507] : memref<32x80x1x128xi32, #tpu.memory_space<hbm>> -> memref<1x1x1x128xi32, #tpu.memory_space<hbm>>
        %dma_wait3A_509 = tpu.memref_squeeze %dma_wait3A_508 : memref<1x1x1x128xi32, #tpu.memory_space<hbm>> -> memref<1x128xi32, #tpu.memory_space<hbm>>
        %dma_wait3A_510 = arith.constant 0 : i32
        %dma_wait3A_511 = arith.constant 0 : i32
        %dma_wait3A_512 = tpu.memref_slice %arg3[%add3A, %dma_wait3A_505, %dma_wait3A_510, %dma_wait3A_511] : memref<32x80x1x128xi32, #tpu.memory_space<hbm>> -> memref<1x1x1x128xi32, #tpu.memory_space<hbm>>
        %dma_wait3A_513 = tpu.memref_squeeze %dma_wait3A_512 : memref<1x1x1x128xi32, #tpu.memory_space<hbm>> -> memref<1x128xi32, #tpu.memory_space<hbm>>
        tpu.wait_dma2 semaphore(%arg25 : memref<!tpu.dma_semaphore, #tpu.memory_space<semaphore_mem>>) src(%dma_wait3A_513 : memref<1x128xi32, #tpu.memory_space<hbm>>) dst(%arg11 : memref<1x128xi32, #tpu.memory_space<vmem>>)
        %dma_wait3A_514 = arith.constant 0 : i32
        %dma_wait3A_515 = tpu.memref_slice %arg4[%add3A, %dma_wait3A_514] : memref<32x10240xf32, #tpu.memory_space<hbm>> -> memref<1x128xf32, #tpu.memory_space<hbm>>
        %dma_wait3A_516 = tpu.memref_squeeze %dma_wait3A_515 : memref<1x128xf32, #tpu.memory_space<hbm>> -> memref<128xf32, #tpu.memory_space<hbm>>
        %dma_wait3A_517 = arith.constant 0 : i32
        %dma_wait3A_518 = tpu.memref_slice %arg4[%add3A, %dma_wait3A_517] : memref<32x10240xf32, #tpu.memory_space<hbm>> -> memref<1x128xf32, #tpu.memory_space<hbm>>
        %dma_wait3A_519 = tpu.memref_squeeze %dma_wait3A_518 : memref<1x128xf32, #tpu.memory_space<hbm>> -> memref<128xf32, #tpu.memory_space<hbm>>
        tpu.wait_dma2 semaphore(%arg25 : memref<!tpu.dma_semaphore, #tpu.memory_space<semaphore_mem>>) src(%dma_wait3A_519 : memref<128xf32, #tpu.memory_space<hbm>>) dst(%arg13 : memref<128xf32, #tpu.memory_space<vmem>>)
        %dma_start3A_520 = arith.constant 0 : i32
        %dma_start3A_521 = arith.constant 0 : i32
        %dma_start3A_522 = tpu.memref_slice %arg9[%dma_start3A_520, %dma_start3A_521] : memref<1x128xi32, #tpu.memory_space<vmem>> -> memref<1x128xi32, #tpu.memory_space<vmem>>
        %dma_start3A_523 = tpu.memref_squeeze %dma_start3A_522 : memref<1x128xi32, #tpu.memory_space<vmem>> -> memref<128xi32, #tpu.memory_space<vmem>>
        %dma_start3A_524 = arith.constant 0 : i32
        %dma_start3A_525 = arith.constant 0 : i32
        %dma_start3A_526 = tpu.memref_slice %arg6[%dma_start3A_524, %dma_start3A_525] : memref<10240x128xf32, #tpu.memory_space<hbm>> -> memref<10240x128xf32, #tpu.memory_space<hbm>>
        tpu.enqueue_indirect_dma source(%dma_start3A_526 : memref<10240x128xf32, #tpu.memory_space<hbm>>) target(%arg17 : memref<128x128xf32, #tpu.memory_space<vmem>>) offsets(%dma_start3A_523 : memref<128xi32, #tpu.memory_space<vmem>>) semaphore(%arg27 : memref<!tpu.dma_semaphore, #tpu.memory_space<semaphore_mem>>)
      } else {
      }
      %dma_wait3A_325 = arith.constant 0 : i32
      %dma_wait3A_326 = arith.constant 0 : i32
      %dma_wait3A_327 = tpu.memref_slice %arg10[%dma_wait3A_325, %dma_wait3A_326] : memref<1x128xi32, #tpu.memory_space<vmem>> -> memref<1x128xi32, #tpu.memory_space<vmem>>
      %dma_wait3A_328 = tpu.memref_squeeze %dma_wait3A_327 : memref<1x128xi32, #tpu.memory_space<vmem>> -> memref<128xi32, #tpu.memory_space<vmem>>
      %dma_wait3A_329 = arith.constant 0 : i32
      %dma_wait3A_330 = arith.constant 0 : i32
      %dma_wait3A_331 = tpu.memref_slice %arg6[%dma_wait3A_329, %dma_wait3A_330] : memref<10240x128xf32, #tpu.memory_space<hbm>> -> memref<10240x128xf32, #tpu.memory_space<hbm>>
      tpu.wait_indirect_dma semaphore(%arg28 : memref<!tpu.dma_semaphore, #tpu.memory_space<semaphore_mem>>) src(%dma_wait3A_331 : memref<10240x128xf32, #tpu.memory_space<hbm>>) dst(%arg18 : memref<128x128xf32, #tpu.memory_space<vmem>>)
      %get3A_332 = arith.constant 0 : i32
      %get3A_333 = arith.index_cast %get3A_332 : i32 to index
      %get3A_334 = arith.constant 0 : index
      %get3A_335 = tpu.vector_load %arg12[%get3A_333, %get3A_334] {strides = array<i32>} : memref<1x128xi32, #tpu.memory_space<vmem>>, vector<16xi32>,
      %gather3A_336 = tpu.vector_load_idx %arg19[%get3A_335] : memref<10240xf32, #tpu.memory_space<vmem>>[vector<16xi32>], vector<16xf32>,
      %get3A_337 = arith.constant 0 : index
      %get3A_338 = tpu.vector_load %arg14[%get3A_337] {strides = array<i32>} : memref<128xf32, #tpu.memory_space<vmem>>, vector<16xf32>,
      %gt3A_339 = arith.constant 0.000000e+00 : f32
      %gt3A_340 = vector.broadcast %gt3A_339 : f32 to vector<16xf32>
      %gt3A_341 = arith.cmpf ogt, %gather3A_336, %gt3A_340 : vector<16xf32>
      %div3A_342 = arith.divf %get3A_338, %gather3A_336 : vector<16xf32>
      %select_n3A_343 = arith.select %gt3A_341, %div3A_342, %broadcast_in_dim3A_3 : vector<16xi1>, vector<16xf32>
      %swap3A_344 = arith.constant 0 : index
      %swap3A_345 = tpu.vector_load %arg22[%swap3A_344] {strides = array<i32>} : memref<128xf32, #tpu.memory_space<vmem>>, vector<16xf32>,
      tpu.vector_store %arg22[%swap3A_344], %select_n3A_343 {strides = array<i32>} : memref<128xf32, #tpu.memory_space<vmem>>, vector<16xf32>,
      %swap3A_346 = arith.constant 0 : i32
      %swap3A_347 = arith.index_cast %swap3A_346 : i32 to index
      %swap3A_348 = arith.constant 0 : index
      %swap3A_349 = tpu.vector_load %arg16[%swap3A_347, %swap3A_348] {strides = array<i32>} : memref<1x128xi32, #tpu.memory_space<vmem>>, vector<16xi32>,
      tpu.vector_store %arg16[%swap3A_347, %swap3A_348], %get3A_335 {strides = array<i32>} : memref<1x128xi32, #tpu.memory_space<vmem>>, vector<16xi32>,
      %get3A_350 = arith.constant 0 : i32
      %get3A_351 = arith.index_cast %get3A_350 : i32 to index
      %get3A_352 = arith.constant 16 : index
      %get3A_353 = tpu.vector_load %arg12[%get3A_351, %get3A_352] {strides = array<i32>} : memref<1x128xi32, #tpu.memory_space<vmem>>, vector<16xi32>,
      %gather3A_354 = tpu.vector_load_idx %arg19[%get3A_353] : memref<10240xf32, #tpu.memory_space<vmem>>[vector<16xi32>], vector<16xf32>,
      %get3A_355 = arith.constant 16 : index
      %get3A_356 = tpu.vector_load %arg14[%get3A_355] {strides = array<i32>} : memref<128xf32, #tpu.memory_space<vmem>>, vector<16xf32>,
      %gt3A_357 = arith.constant 0.000000e+00 : f32
      %gt3A_358 = vector.broadcast %gt3A_357 : f32 to vector<16xf32>
      %gt3A_359 = arith.cmpf ogt, %gather3A_354, %gt3A_358 : vector<16xf32>
      %div3A_360 = arith.divf %get3A_356, %gather3A_354 : vector<16xf32>
      %select_n3A_361 = arith.select %gt3A_359, %div3A_360, %broadcast_in_dim3A_3 : vector<16xi1>, vector<16xf32>
      %swap3A_362 = arith.constant 16 : index
      %swap3A_363 = tpu.vector_load %arg22[%swap3A_362] {strides = array<i32>} : memref<128xf32, #tpu.memory_space<vmem>>, vector<16xf32>,
      tpu.vector_store %arg22[%swap3A_362], %select_n3A_361 {strides = array<i32>} : memref<128xf32, #tpu.memory_space<vmem>>, vector<16xf32>,
      %swap3A_364 = arith.constant 0 : i32
      %swap3A_365 = arith.index_cast %swap3A_364 : i32 to index
      %swap3A_366 = arith.constant 16 : index
      %swap3A_367 = tpu.vector_load %arg16[%swap3A_365, %swap3A_366] {strides = array<i32>} : memref<1x128xi32, #tpu.memory_space<vmem>>, vector<16xi32>,
      tpu.vector_store %arg16[%swap3A_365, %swap3A_366], %get3A_353 {strides = array<i32>} : memref<1x128xi32, #tpu.memory_space<vmem>>, vector<16xi32>,
      %get3A_368 = arith.constant 0 : i32
      %get3A_369 = arith.index_cast %get3A_368 : i32 to index
      %get3A_370 = arith.constant 32 : index
      %get3A_371 = tpu.vector_load %arg12[%get3A_369, %get3A_370] {strides = array<i32>} : memref<1x128xi32, #tpu.memory_space<vmem>>, vector<16xi32>,
      %gather3A_372 = tpu.vector_load_idx %arg19[%get3A_371] : memref<10240xf32, #tpu.memory_space<vmem>>[vector<16xi32>], vector<16xf32>,
      %get3A_373 = arith.constant 32 : index
      %get3A_374 = tpu.vector_load %arg14[%get3A_373] {strides = array<i32>} : memref<128xf32, #tpu.memory_space<vmem>>, vector<16xf32>,
      %gt3A_375 = arith.constant 0.000000e+00 : f32
      %gt3A_376 = vector.broadcast %gt3A_375 : f32 to vector<16xf32>
      %gt3A_377 = arith.cmpf ogt, %gather3A_372, %gt3A_376 : vector<16xf32>
      %div3A_378 = arith.divf %get3A_374, %gather3A_372 : vector<16xf32>
      %select_n3A_379 = arith.select %gt3A_377, %div3A_378, %broadcast_in_dim3A_3 : vector<16xi1>, vector<16xf32>
      %swap3A_380 = arith.constant 32 : index
      %swap3A_381 = tpu.vector_load %arg22[%swap3A_380] {strides = array<i32>} : memref<128xf32, #tpu.memory_space<vmem>>, vector<16xf32>,
      tpu.vector_store %arg22[%swap3A_380], %select_n3A_379 {strides = array<i32>} : memref<128xf32, #tpu.memory_space<vmem>>, vector<16xf32>,
      %swap3A_382 = arith.constant 0 : i32
      %swap3A_383 = arith.index_cast %swap3A_382 : i32 to index
      %swap3A_384 = arith.constant 32 : index
      %swap3A_385 = tpu.vector_load %arg16[%swap3A_383, %swap3A_384] {strides = array<i32>} : memref<1x128xi32, #tpu.memory_space<vmem>>, vector<16xi32>,
      tpu.vector_store %arg16[%swap3A_383, %swap3A_384], %get3A_371 {strides = array<i32>} : memref<1x128xi32, #tpu.memory_space<vmem>>, vector<16xi32>,
      %get3A_386 = arith.constant 0 : i32
      %get3A_387 = arith.index_cast %get3A_386 : i32 to index
      %get3A_388 = arith.constant 48 : index
      %get3A_389 = tpu.vector_load %arg12[%get3A_387, %get3A_388] {strides = array<i32>} : memref<1x128xi32, #tpu.memory_space<vmem>>, vector<16xi32>,
      %gather3A_390 = tpu.vector_load_idx %arg19[%get3A_389] : memref<10240xf32, #tpu.memory_space<vmem>>[vector<16xi32>], vector<16xf32>,
      %get3A_391 = arith.constant 48 : index
      %get3A_392 = tpu.vector_load %arg14[%get3A_391] {strides = array<i32>} : memref<128xf32, #tpu.memory_space<vmem>>, vector<16xf32>,
      %gt3A_393 = arith.constant 0.000000e+00 : f32
      %gt3A_394 = vector.broadcast %gt3A_393 : f32 to vector<16xf32>
      %gt3A_395 = arith.cmpf ogt, %gather3A_390, %gt3A_394 : vector<16xf32>
      %div3A_396 = arith.divf %get3A_392, %gather3A_390 : vector<16xf32>
      %select_n3A_397 = arith.select %gt3A_395, %div3A_396, %broadcast_in_dim3A_3 : vector<16xi1>, vector<16xf32>
      %swap3A_398 = arith.constant 48 : index
      %swap3A_399 = tpu.vector_load %arg22[%swap3A_398] {strides = array<i32>} : memref<128xf32, #tpu.memory_space<vmem>>, vector<16xf32>,
      tpu.vector_store %arg22[%swap3A_398], %select_n3A_397 {strides = array<i32>} : memref<128xf32, #tpu.memory_space<vmem>>, vector<16xf32>,
      %swap3A_400 = arith.constant 0 : i32
      %swap3A_401 = arith.index_cast %swap3A_400 : i32 to index
      %swap3A_402 = arith.constant 48 : index
      %swap3A_403 = tpu.vector_load %arg16[%swap3A_401, %swap3A_402] {strides = array<i32>} : memref<1x128xi32, #tpu.memory_space<vmem>>, vector<16xi32>,
      tpu.vector_store %arg16[%swap3A_401, %swap3A_402], %get3A_389 {strides = array<i32>} : memref<1x128xi32, #tpu.memory_space<vmem>>, vector<16xi32>,
      %get3A_404 = arith.constant 0 : i32
      %get3A_405 = arith.index_cast %get3A_404 : i32 to index
      %get3A_406 = arith.constant 64 : index
      %get3A_407 = tpu.vector_load %arg12[%get3A_405, %get3A_406] {strides = array<i32>} : memref<1x128xi32, #tpu.memory_space<vmem>>, vector<16xi32>,
      %gather3A_408 = tpu.vector_load_idx %arg19[%get3A_407] : memref<10240xf32, #tpu.memory_space<vmem>>[vector<16xi32>], vector<16xf32>,
      %get3A_409 = arith.constant 64 : index
      %get3A_410 = tpu.vector_load %arg14[%get3A_409] {strides = array<i32>} : memref<128xf32, #tpu.memory_space<vmem>>, vector<16xf32>,
      %gt3A_411 = arith.constant 0.000000e+00 : f32
      %gt3A_412 = vector.broadcast %gt3A_411 : f32 to vector<16xf32>
      %gt3A_413 = arith.cmpf ogt, %gather3A_408, %gt3A_412 : vector<16xf32>
      %div3A_414 = arith.divf %get3A_410, %gather3A_408 : vector<16xf32>
      %select_n3A_415 = arith.select %gt3A_413, %div3A_414, %broadcast_in_dim3A_3 : vector<16xi1>, vector<16xf32>
      %swap3A_416 = arith.constant 64 : index
      %swap3A_417 = tpu.vector_load %arg22[%swap3A_416] {strides = array<i32>} : memref<128xf32, #tpu.memory_space<vmem>>, vector<16xf32>,
      tpu.vector_store %arg22[%swap3A_416], %select_n3A_415 {strides = array<i32>} : memref<128xf32, #tpu.memory_space<vmem>>, vector<16xf32>,
      %swap3A_418 = arith.constant 0 : i32
      %swap3A_419 = arith.index_cast %swap3A_418 : i32 to index
      %swap3A_420 = arith.constant 64 : index
      %swap3A_421 = tpu.vector_load %arg16[%swap3A_419, %swap3A_420] {strides = array<i32>} : memref<1x128xi32, #tpu.memory_space<vmem>>, vector<16xi32>,
      tpu.vector_store %arg16[%swap3A_419, %swap3A_420], %get3A_407 {strides = array<i32>} : memref<1x128xi32, #tpu.memory_space<vmem>>, vector<16xi32>,
      %get3A_422 = arith.constant 0 : i32
      %get3A_423 = arith.index_cast %get3A_422 : i32 to index
      %get3A_424 = arith.constant 80 : index
      %get3A_425 = tpu.vector_load %arg12[%get3A_423, %get3A_424] {strides = array<i32>} : memref<1x128xi32, #tpu.memory_space<vmem>>, vector<16xi32>,
      %gather3A_426 = tpu.vector_load_idx %arg19[%get3A_425] : memref<10240xf32, #tpu.memory_space<vmem>>[vector<16xi32>], vector<16xf32>,
      %get3A_427 = arith.constant 80 : index
      %get3A_428 = tpu.vector_load %arg14[%get3A_427] {strides = array<i32>} : memref<128xf32, #tpu.memory_space<vmem>>, vector<16xf32>,
      %gt3A_429 = arith.constant 0.000000e+00 : f32
      %gt3A_430 = vector.broadcast %gt3A_429 : f32 to vector<16xf32>
      %gt3A_431 = arith.cmpf ogt, %gather3A_426, %gt3A_430 : vector<16xf32>
      %div3A_432 = arith.divf %get3A_428, %gather3A_426 : vector<16xf32>
      %select_n3A_433 = arith.select %gt3A_431, %div3A_432, %broadcast_in_dim3A_3 : vector<16xi1>, vector<16xf32>
      %swap3A_434 = arith.constant 80 : index
      %swap3A_435 = tpu.vector_load %arg22[%swap3A_434] {strides = array<i32>} : memref<128xf32, #tpu.memory_space<vmem>>, vector<16xf32>,
      tpu.vector_store %arg22[%swap3A_434], %select_n3A_433 {strides = array<i32>} : memref<128xf32, #tpu.memory_space<vmem>>, vector<16xf32>,
      %swap3A_436 = arith.constant 0 : i32
      %swap3A_437 = arith.index_cast %swap3A_436 : i32 to index
      %swap3A_438 = arith.constant 80 : index
      %swap3A_439 = tpu.vector_load %arg16[%swap3A_437, %swap3A_438] {strides = array<i32>} : memref<1x128xi32, #tpu.memory_space<vmem>>, vector<16xi32>,
      tpu.vector_store %arg16[%swap3A_437, %swap3A_438], %get3A_425 {strides = array<i32>} : memref<1x128xi32, #tpu.memory_space<vmem>>, vector<16xi32>,
      %get3A_440 = arith.constant 0 : i32
      %get3A_441 = arith.index_cast %get3A_440 : i32 to index
      %get3A_442 = arith.constant 96 : index
      %get3A_443 = tpu.vector_load %arg12[%get3A_441, %get3A_442] {strides = array<i32>} : memref<1x128xi32, #tpu.memory_space<vmem>>, vector<16xi32>,
      %gather3A_444 = tpu.vector_load_idx %arg19[%get3A_443] : memref<10240xf32, #tpu.memory_space<vmem>>[vector<16xi32>], vector<16xf32>,
      %get3A_445 = arith.constant 96 : index
      %get3A_446 = tpu.vector_load %arg14[%get3A_445] {strides = array<i32>} : memref<128xf32, #tpu.memory_space<vmem>>, vector<16xf32>,
      %gt3A_447 = arith.constant 0.000000e+00 : f32
      %gt3A_448 = vector.broadcast %gt3A_447 : f32 to vector<16xf32>
      %gt3A_449 = arith.cmpf ogt, %gather3A_444, %gt3A_448 : vector<16xf32>
      %div3A_450 = arith.divf %get3A_446, %gather3A_444 : vector<16xf32>
      %select_n3A_451 = arith.select %gt3A_449, %div3A_450, %broadcast_in_dim3A_3 : vector<16xi1>, vector<16xf32>
      %swap3A_452 = arith.constant 96 : index
      %swap3A_453 = tpu.vector_load %arg22[%swap3A_452] {strides = array<i32>} : memref<128xf32, #tpu.memory_space<vmem>>, vector<16xf32>,
      tpu.vector_store %arg22[%swap3A_452], %select_n3A_451 {strides = array<i32>} : memref<128xf32, #tpu.memory_space<vmem>>, vector<16xf32>,
      %swap3A_454 = arith.constant 0 : i32
      %swap3A_455 = arith.index_cast %swap3A_454 : i32 to index
      %swap3A_456 = arith.constant 96 : index
      %swap3A_457 = tpu.vector_load %arg16[%swap3A_455, %swap3A_456] {strides = array<i32>} : memref<1x128xi32, #tpu.memory_space<vmem>>, vector<16xi32>,
      tpu.vector_store %arg16[%swap3A_455, %swap3A_456], %get3A_443 {strides = array<i32>} : memref<1x128xi32, #tpu.memory_space<vmem>>, vector<16xi32>,
      %get3A_458 = arith.constant 0 : i32
      %get3A_459 = arith.index_cast %get3A_458 : i32 to index
      %get3A_460 = arith.constant 112 : index
      %get3A_461 = tpu.vector_load %arg12[%get3A_459, %get3A_460] {strides = array<i32>} : memref<1x128xi32, #tpu.memory_space<vmem>>, vector<16xi32>,
      %gather3A_462 = tpu.vector_load_idx %arg19[%get3A_461] : memref<10240xf32, #tpu.memory_space<vmem>>[vector<16xi32>], vector<16xf32>,
      %get3A_463 = arith.constant 112 : index
      %get3A_464 = tpu.vector_load %arg14[%get3A_463] {strides = array<i32>} : memref<128xf32, #tpu.memory_space<vmem>>, vector<16xf32>,
      %gt3A_465 = arith.constant 0.000000e+00 : f32
      %gt3A_466 = vector.broadcast %gt3A_465 : f32 to vector<16xf32>
      %gt3A_467 = arith.cmpf ogt, %gather3A_462, %gt3A_466 : vector<16xf32>
      %div3A_468 = arith.divf %get3A_464, %gather3A_462 : vector<16xf32>
      %select_n3A_469 = arith.select %gt3A_467, %div3A_468, %broadcast_in_dim3A_3 : vector<16xi1>, vector<16xf32>
      %swap3A_470 = arith.constant 112 : index
      %swap3A_471 = tpu.vector_load %arg22[%swap3A_470] {strides = array<i32>} : memref<128xf32, #tpu.memory_space<vmem>>, vector<16xf32>,
      tpu.vector_store %arg22[%swap3A_470], %select_n3A_469 {strides = array<i32>} : memref<128xf32, #tpu.memory_space<vmem>>, vector<16xf32>,
      %swap3A_472 = arith.constant 0 : i32
      %swap3A_473 = arith.index_cast %swap3A_472 : i32 to index
      %swap3A_474 = arith.constant 112 : index
      %swap3A_475 = tpu.vector_load %arg16[%swap3A_473, %swap3A_474] {strides = array<i32>} : memref<1x128xi32, #tpu.memory_space<vmem>>, vector<16xi32>,
      tpu.vector_store %arg16[%swap3A_473, %swap3A_474], %get3A_461 {strides = array<i32>} : memref<1x128xi32, #tpu.memory_space<vmem>>, vector<16xi32>,
      %scan3A_476 = arith.constant 0 : i32
      %scan3A_477 = arith.constant 0 : i32
      %scan3A_478 = arith.constant 8 : i32
      %scan3A_479 = arith.addi %scan3A_477, %scan3A_478 : i32
      %scan3A_480 = arith.constant 1 : i32
      scf.for %scan3A_496 = %scan3A_477 to %scan3A_479 step %scan3A_480  : i32 {
        %mul3A_497 = arith.constant 16 : i32
        %mul3A_498 = arith.muli %scan3A_496, %mul3A_497 : i32
        %get3A_499 = arith.index_cast %mul3A_498 : i32 to index
        %get3A_500 = tpu.vector_load %arg22[%get3A_499] {strides = array<i32>} : memref<128xf32, #tpu.memory_space<vmem>>, vector<16xf32>,
        %slice3A = vector.extract_strided_slice %get3A_500 {offsets = [0], sizes = [1], strides = [1]} : vector<16xf32> to vector<1xf32>
        %squeeze3A = vector.extract %slice3A[0] : f32 from vector<1xf32>
        %broadcast_in_dim3A_501 = vector.broadcast %squeeze3A : f32 to vector<16xf32>
        %mul3A_502 = arith.constant 16 : i32
        %mul3A_503 = arith.muli %scan3A_496, %mul3A_502 : i32
        %add3A_504 = arith.constant 0 : i32
        %add3A_505 = arith.addi %mul3A_503, %add3A_504 : i32
        %get3A_506 = arith.index_cast %add3A_505 : i32 to index
        %get3A_507 = arith.constant 0 : index
        %get3A_508 = tpu.vector_load %arg18[%get3A_506, %get3A_507] {strides = array<i32>} : memref<128x128xf32, #tpu.memory_space<vmem>>, vector<16xf32>,
        %mul3A_509 = arith.mulf %get3A_508, %broadcast_in_dim3A_501 : vector<16xf32>
        %swap3A_510 = arith.index_cast %add3A_505 : i32 to index
        %swap3A_511 = arith.constant 0 : index
        %swap3A_512 = tpu.vector_load %arg18[%swap3A_510, %swap3A_511] {strides = array<i32>} : memref<128x128xf32, #tpu.memory_space<vmem>>, vector<16xf32>,
        tpu.vector_store %arg18[%swap3A_510, %swap3A_511], %mul3A_509 {strides = array<i32>} : memref<128x128xf32, #tpu.memory_space<vmem>>, vector<16xf32>,
        %get3A_513 = arith.index_cast %add3A_505 : i32 to index
        %get3A_514 = arith.constant 16 : index
        %get3A_515 = tpu.vector_load %arg18[%get3A_513, %get3A_514] {strides = array<i32>} : memref<128x128xf32, #tpu.memory_space<vmem>>, vector<16xf32>,
        %mul3A_516 = arith.mulf %get3A_515, %broadcast_in_dim3A_501 : vector<16xf32>
        %swap3A_517 = arith.index_cast %add3A_505 : i32 to index
        %swap3A_518 = arith.constant 16 : index
        %swap3A_519 = tpu.vector_load %arg18[%swap3A_517, %swap3A_518] {strides = array<i32>} : memref<128x128xf32, #tpu.memory_space<vmem>>, vector<16xf32>,
        tpu.vector_store %arg18[%swap3A_517, %swap3A_518], %mul3A_516 {strides = array<i32>} : memref<128x128xf32, #tpu.memory_space<vmem>>, vector<16xf32>,
        %get3A_520 = arith.index_cast %add3A_505 : i32 to index
        %get3A_521 = arith.constant 32 : index
        %get3A_522 = tpu.vector_load %arg18[%get3A_520, %get3A_521] {strides = array<i32>} : memref<128x128xf32, #tpu.memory_space<vmem>>, vector<16xf32>,
        %mul3A_523 = arith.mulf %get3A_522, %broadcast_in_dim3A_501 : vector<16xf32>
        %swap3A_524 = arith.index_cast %add3A_505 : i32 to index
        %swap3A_525 = arith.constant 32 : index
        %swap3A_526 = tpu.vector_load %arg18[%swap3A_524, %swap3A_525] {strides = array<i32>} : memref<128x128xf32, #tpu.memory_space<vmem>>, vector<16xf32>,
        tpu.vector_store %arg18[%swap3A_524, %swap3A_525], %mul3A_523 {strides = array<i32>} : memref<128x128xf32, #tpu.memory_space<vmem>>, vector<16xf32>,
        %get3A_527 = arith.index_cast %add3A_505 : i32 to index
        %get3A_528 = arith.constant 48 : index
        %get3A_529 = tpu.vector_load %arg18[%get3A_527, %get3A_528] {strides = array<i32>} : memref<128x128xf32, #tpu.memory_space<vmem>>, vector<16xf32>,
        %mul3A_530 = arith.mulf %get3A_529, %broadcast_in_dim3A_501 : vector<16xf32>
        %swap3A_531 = arith.index_cast %add3A_505 : i32 to index
        %swap3A_532 = arith.constant 48 : index
        %swap3A_533 = tpu.vector_load %arg18[%swap3A_531, %swap3A_532] {strides = array<i32>} : memref<128x128xf32, #tpu.memory_space<vmem>>, vector<16xf32>,
        tpu.vector_store %arg18[%swap3A_531, %swap3A_532], %mul3A_530 {strides = array<i32>} : memref<128x128xf32, #tpu.memory_space<vmem>>, vector<16xf32>,
        %get3A_534 = arith.index_cast %add3A_505 : i32 to index
        %get3A_535 = arith.constant 64 : index
        %get3A_536 = tpu.vector_load %arg18[%get3A_534, %get3A_535] {strides = array<i32>} : memref<128x128xf32, #tpu.memory_space<vmem>>, vector<16xf32>,
        %mul3A_537 = arith.mulf %get3A_536, %broadcast_in_dim3A_501 : vector<16xf32>
        %swap3A_538 = arith.index_cast %add3A_505 : i32 to index
        %swap3A_539 = arith.constant 64 : index
        %swap3A_540 = tpu.vector_load %arg18[%swap3A_538, %swap3A_539] {strides = array<i32>} : memref<128x128xf32, #tpu.memory_space<vmem>>, vector<16xf32>,
        tpu.vector_store %arg18[%swap3A_538, %swap3A_539], %mul3A_537 {strides = array<i32>} : memref<128x128xf32, #tpu.memory_space<vmem>>, vector<16xf32>,
        %get3A_541 = arith.index_cast %add3A_505 : i32 to index
        %get3A_542 = arith.constant 80 : index
        %get3A_543 = tpu.vector_load %arg18[%get3A_541, %get3A_542] {strides = array<i32>} : memref<128x128xf32, #tpu.memory_space<vmem>>, vector<16xf32>,
        %mul3A_544 = arith.mulf %get3A_543, %broadcast_in_dim3A_501 : vector<16xf32>
        %swap3A_545 = arith.index_cast %add3A_505 : i32 to index
        %swap3A_546 = arith.constant 80 : index
        %swap3A_547 = tpu.vector_load %arg18[%swap3A_545, %swap3A_546] {strides = array<i32>} : memref<128x128xf32, #tpu.memory_space<vmem>>, vector<16xf32>,
        tpu.vector_store %arg18[%swap3A_545, %swap3A_546], %mul3A_544 {strides = array<i32>} : memref<128x128xf32, #tpu.memory_space<vmem>>, vector<16xf32>,
        %get3A_548 = arith.index_cast %add3A_505 : i32 to index
        %get3A_549 = arith.constant 96 : index
        %get3A_550 = tpu.vector_load %arg18[%get3A_548, %get3A_549] {strides = array<i32>} : memref<128x128xf32, #tpu.memory_space<vmem>>, vector<16xf32>,
        %mul3A_551 = arith.mulf %get3A_550, %broadcast_in_dim3A_501 : vector<16xf32>
        %swap3A_552 = arith.index_cast %add3A_505 : i32 to index
        %swap3A_553 = arith.constant 96 : index
        %swap3A_554 = tpu.vector_load %arg18[%swap3A_552, %swap3A_553] {strides = array<i32>} : memref<128x128xf32, #tpu.memory_space<vmem>>, vector<16xf32>,
        tpu.vector_store %arg18[%swap3A_552, %swap3A_553], %mul3A_551 {strides = array<i32>} : memref<128x128xf32, #tpu.memory_space<vmem>>, vector<16xf32>,
        %get3A_555 = arith.index_cast %add3A_505 : i32 to index
        %get3A_556 = arith.constant 112 : index
        %get3A_557 = tpu.vector_load %arg18[%get3A_555, %get3A_556] {strides = array<i32>} : memref<128x128xf32, #tpu.memory_space<vmem>>, vector<16xf32>,
        %mul3A_558 = arith.mulf %get3A_557, %broadcast_in_dim3A_501 : vector<16xf32>
        %swap3A_559 = arith.index_cast %add3A_505 : i32 to index
        %swap3A_560 = arith.constant 112 : index
        %swap3A_561 = tpu.vector_load %arg18[%swap3A_559, %swap3A_560] {strides = array<i32>} : memref<128x128xf32, #tpu.memory_space<vmem>>, vector<16xf32>,
        tpu.vector_store %arg18[%swap3A_559, %swap3A_560], %mul3A_558 {strides = array<i32>} : memref<128x128xf32, #tpu.memory_space<vmem>>, vector<16xf32>,
        %slice3A_562 = vector.extract_strided_slice %get3A_500 {offsets = [1], sizes = [1], strides = [1]} : vector<16xf32> to vector<1xf32>
        %squeeze3A_563 = vector.extract %slice3A_562[0] : f32 from vector<1xf32>
        %broadcast_in_dim3A_564 = vector.broadcast %squeeze3A_563 : f32 to vector<16xf32>
        %mul3A_565 = arith.constant 16 : i32
        %mul3A_566 = arith.muli %scan3A_496, %mul3A_565 : i32
        %add3A_567 = arith.constant 1 : i32
        %add3A_568 = arith.addi %mul3A_566, %add3A_567 : i32
        %get3A_569 = arith.index_cast %add3A_568 : i32 to index
        %get3A_570 = arith.constant 0 : index
        %get3A_571 = tpu.vector_load %arg18[%get3A_569, %get3A_570] {strides = array<i32>} : memref<128x128xf32, #tpu.memory_space<vmem>>, vector<16xf32>,
        %mul3A_572 = arith.mulf %get3A_571, %broadcast_in_dim3A_564 : vector<16xf32>
        %swap3A_573 = arith.index_cast %add3A_568 : i32 to index
        %swap3A_574 = arith.constant 0 : index
        %swap3A_575 = tpu.vector_load %arg18[%swap3A_573, %swap3A_574] {strides = array<i32>} : memref<128x128xf32, #tpu.memory_space<vmem>>, vector<16xf32>,
        tpu.vector_store %arg18[%swap3A_573, %swap3A_574], %mul3A_572 {strides = array<i32>} : memref<128x128xf32, #tpu.memory_space<vmem>>, vector<16xf32>,
        %get3A_576 = arith.index_cast %add3A_568 : i32 to index
        %get3A_577 = arith.constant 16 : index
        %get3A_578 = tpu.vector_load %arg18[%get3A_576, %get3A_577] {strides = array<i32>} : memref<128x128xf32, #tpu.memory_space<vmem>>, vector<16xf32>,
        %mul3A_579 = arith.mulf %get3A_578, %broadcast_in_dim3A_564 : vector<16xf32>
        %swap3A_580 = arith.index_cast %add3A_568 : i32 to index
        %swap3A_581 = arith.constant 16 : index
        %swap3A_582 = tpu.vector_load %arg18[%swap3A_580, %swap3A_581] {strides = array<i32>} : memref<128x128xf32, #tpu.memory_space<vmem>>, vector<16xf32>,
        tpu.vector_store %arg18[%swap3A_580, %swap3A_581], %mul3A_579 {strides = array<i32>} : memref<128x128xf32, #tpu.memory_space<vmem>>, vector<16xf32>,
        %get3A_583 = arith.index_cast %add3A_568 : i32 to index
        %get3A_584 = arith.constant 32 : index
        %get3A_585 = tpu.vector_load %arg18[%get3A_583, %get3A_584] {strides = array<i32>} : memref<128x128xf32, #tpu.memory_space<vmem>>, vector<16xf32>,
        %mul3A_586 = arith.mulf %get3A_585, %broadcast_in_dim3A_564 : vector<16xf32>
        %swap3A_587 = arith.index_cast %add3A_568 : i32 to index
        %swap3A_588 = arith.constant 32 : index
        %swap3A_589 = tpu.vector_load %arg18[%swap3A_587, %swap3A_588] {strides = array<i32>} : memref<128x128xf32, #tpu.memory_space<vmem>>, vector<16xf32>,
        tpu.vector_store %arg18[%swap3A_587, %swap3A_588], %mul3A_586 {strides = array<i32>} : memref<128x128xf32, #tpu.memory_space<vmem>>, vector<16xf32>,
        %get3A_590 = arith.index_cast %add3A_568 : i32 to index
        %get3A_591 = arith.constant 48 : index
        %get3A_592 = tpu.vector_load %arg18[%get3A_590, %get3A_591] {strides = array<i32>} : memref<128x128xf32, #tpu.memory_space<vmem>>, vector<16xf32>,
        %mul3A_593 = arith.mulf %get3A_592, %broadcast_in_dim3A_564 : vector<16xf32>
        %swap3A_594 = arith.index_cast %add3A_568 : i32 to index
        %swap3A_595 = arith.constant 48 : index
        %swap3A_596 = tpu.vector_load %arg18[%swap3A_594, %swap3A_595] {strides = array<i32>} : memref<128x128xf32, #tpu.memory_space<vmem>>, vector<16xf32>,
        tpu.vector_store %arg18[%swap3A_594, %swap3A_595], %mul3A_593 {strides = array<i32>} : memref<128x128xf32, #tpu.memory_space<vmem>>, vector<16xf32>,
        %get3A_597 = arith.index_cast %add3A_568 : i32 to index
        %get3A_598 = arith.constant 64 : index
        %get3A_599 = tpu.vector_load %arg18[%get3A_597, %get3A_598] {strides = array<i32>} : memref<128x128xf32, #tpu.memory_space<vmem>>, vector<16xf32>,
        %mul3A_600 = arith.mulf %get3A_599, %broadcast_in_dim3A_564 : vector<16xf32>
        %swap3A_601 = arith.index_cast %add3A_568 : i32 to index
        %swap3A_602 = arith.constant 64 : index
        %swap3A_603 = tpu.vector_load %arg18[%swap3A_601, %swap3A_602] {strides = array<i32>} : memref<128x128xf32, #tpu.memory_space<vmem>>, vector<16xf32>,
        tpu.vector_store %arg18[%swap3A_601, %swap3A_602], %mul3A_600 {strides = array<i32>} : memref<128x128xf32, #tpu.memory_space<vmem>>, vector<16xf32>,
        %get3A_604 = arith.index_cast %add3A_568 : i32 to index
        %get3A_605 = arith.constant 80 : index
        %get3A_606 = tpu.vector_load %arg18[%get3A_604, %get3A_605] {strides = array<i32>} : memref<128x128xf32, #tpu.memory_space<vmem>>, vector<16xf32>,
        %mul3A_607 = arith.mulf %get3A_606, %broadcast_in_dim3A_564 : vector<16xf32>
        %swap3A_608 = arith.index_cast %add3A_568 : i32 to index
        %swap3A_609 = arith.constant 80 : index
        %swap3A_610 = tpu.vector_load %arg18[%swap3A_608, %swap3A_609] {strides = array<i32>} : memref<128x128xf32, #tpu.memory_space<vmem>>, vector<16xf32>,
        tpu.vector_store %arg18[%swap3A_608, %swap3A_609], %mul3A_607 {strides = array<i32>} : memref<128x128xf32, #tpu.memory_space<vmem>>, vector<16xf32>,
        %get3A_611 = arith.index_cast %add3A_568 : i32 to index
        %get3A_612 = arith.constant 96 : index
        %get3A_613 = tpu.vector_load %arg18[%get3A_611, %get3A_612] {strides = array<i32>} : memref<128x128xf32, #tpu.memory_space<vmem>>, vector<16xf32>,
        %mul3A_614 = arith.mulf %get3A_613, %broadcast_in_dim3A_564 : vector<16xf32>
        %swap3A_615 = arith.index_cast %add3A_568 : i32 to index
        %swap3A_616 = arith.constant 96 : index
        %swap3A_617 = tpu.vector_load %arg18[%swap3A_615, %swap3A_616] {strides = array<i32>} : memref<128x128xf32, #tpu.memory_space<vmem>>, vector<16xf32>,
        tpu.vector_store %arg18[%swap3A_615, %swap3A_616], %mul3A_614 {strides = array<i32>} : memref<128x128xf32, #tpu.memory_space<vmem>>, vector<16xf32>,
        %get3A_618 = arith.index_cast %add3A_568 : i32 to index
        %get3A_619 = arith.constant 112 : index
        %get3A_620 = tpu.vector_load %arg18[%get3A_618, %get3A_619] {strides = array<i32>} : memref<128x128xf32, #tpu.memory_space<vmem>>, vector<16xf32>,
        %mul3A_621 = arith.mulf %get3A_620, %broadcast_in_dim3A_564 : vector<16xf32>
        %swap3A_622 = arith.index_cast %add3A_568 : i32 to index
        %swap3A_623 = arith.constant 112 : index
        %swap3A_624 = tpu.vector_load %arg18[%swap3A_622, %swap3A_623] {strides = array<i32>} : memref<128x128xf32, #tpu.memory_space<vmem>>, vector<16xf32>,
        tpu.vector_store %arg18[%swap3A_622, %swap3A_623], %mul3A_621 {strides = array<i32>} : memref<128x128xf32, #tpu.memory_space<vmem>>, vector<16xf32>,
        %slice3A_625 = vector.extract_strided_slice %get3A_500 {offsets = [2], sizes = [1], strides = [1]} : vector<16xf32> to vector<1xf32>
        %squeeze3A_626 = vector.extract %slice3A_625[0] : f32 from vector<1xf32>
        %broadcast_in_dim3A_627 = vector.broadcast %squeeze3A_626 : f32 to vector<16xf32>
        %mul3A_628 = arith.constant 16 : i32
        %mul3A_629 = arith.muli %scan3A_496, %mul3A_628 : i32
        %add3A_630 = arith.constant 2 : i32
        %add3A_631 = arith.addi %mul3A_629, %add3A_630 : i32
        %get3A_632 = arith.index_cast %add3A_631 : i32 to index
        %get3A_633 = arith.constant 0 : index
        %get3A_634 = tpu.vector_load %arg18[%get3A_632, %get3A_633] {strides = array<i32>} : memref<128x128xf32, #tpu.memory_space<vmem>>, vector<16xf32>,
        %mul3A_635 = arith.mulf %get3A_634, %broadcast_in_dim3A_627 : vector<16xf32>
        %swap3A_636 = arith.index_cast %add3A_631 : i32 to index
        %swap3A_637 = arith.constant 0 : index
        %swap3A_638 = tpu.vector_load %arg18[%swap3A_636, %swap3A_637] {strides = array<i32>} : memref<128x128xf32, #tpu.memory_space<vmem>>, vector<16xf32>,
        tpu.vector_store %arg18[%swap3A_636, %swap3A_637], %mul3A_635 {strides = array<i32>} : memref<128x128xf32, #tpu.memory_space<vmem>>, vector<16xf32>,
        %get3A_639 = arith.index_cast %add3A_631 : i32 to index
        %get3A_640 = arith.constant 16 : index
        %get3A_641 = tpu.vector_load %arg18[%get3A_639, %get3A_640] {strides = array<i32>} : memref<128x128xf32, #tpu.memory_space<vmem>>, vector<16xf32>,
        %mul3A_642 = arith.mulf %get3A_641, %broadcast_in_dim3A_627 : vector<16xf32>
        %swap3A_643 = arith.index_cast %add3A_631 : i32 to index
        %swap3A_644 = arith.constant 16 : index
        %swap3A_645 = tpu.vector_load %arg18[%swap3A_643, %swap3A_644] {strides = array<i32>} : memref<128x128xf32, #tpu.memory_space<vmem>>, vector<16xf32>,
        tpu.vector_store %arg18[%swap3A_643, %swap3A_644], %mul3A_642 {strides = array<i32>} : memref<128x128xf32, #tpu.memory_space<vmem>>, vector<16xf32>,
        %get3A_646 = arith.index_cast %add3A_631 : i32 to index
        %get3A_647 = arith.constant 32 : index
        %get3A_648 = tpu.vector_load %arg18[%get3A_646, %get3A_647] {strides = array<i32>} : memref<128x128xf32, #tpu.memory_space<vmem>>, vector<16xf32>,
        %mul3A_649 = arith.mulf %get3A_648, %broadcast_in_dim3A_627 : vector<16xf32>
        %swap3A_650 = arith.index_cast %add3A_631 : i32 to index
        %swap3A_651 = arith.constant 32 : index
        %swap3A_652 = tpu.vector_load %arg18[%swap3A_650, %swap3A_651] {strides = array<i32>} : memref<128x128xf32, #tpu.memory_space<vmem>>, vector<16xf32>,
        tpu.vector_store %arg18[%swap3A_650, %swap3A_651], %mul3A_649 {strides = array<i32>} : memref<128x128xf32, #tpu.memory_space<vmem>>, vector<16xf32>,
        %get3A_653 = arith.index_cast %add3A_631 : i32 to index
        %get3A_654 = arith.constant 48 : index
        %get3A_655 = tpu.vector_load %arg18[%get3A_653, %get3A_654] {strides = array<i32>} : memref<128x128xf32, #tpu.memory_space<vmem>>, vector<16xf32>,
        %mul3A_656 = arith.mulf %get3A_655, %broadcast_in_dim3A_627 : vector<16xf32>
        %swap3A_657 = arith.index_cast %add3A_631 : i32 to index
        %swap3A_658 = arith.constant 48 : index
        %swap3A_659 = tpu.vector_load %arg18[%swap3A_657, %swap3A_658] {strides = array<i32>} : memref<128x128xf32, #tpu.memory_space<vmem>>, vector<16xf32>,
        tpu.vector_store %arg18[%swap3A_657, %swap3A_658], %mul3A_656 {strides = array<i32>} : memref<128x128xf32, #tpu.memory_space<vmem>>, vector<16xf32>,
        %get3A_660 = arith.index_cast %add3A_631 : i32 to index
        %get3A_661 = arith.constant 64 : index
        %get3A_662 = tpu.vector_load %arg18[%get3A_660, %get3A_661] {strides = array<i32>} : memref<128x128xf32, #tpu.memory_space<vmem>>, vector<16xf32>,
        %mul3A_663 = arith.mulf %get3A_662, %broadcast_in_dim3A_627 : vector<16xf32>
        %swap3A_664 = arith.index_cast %add3A_631 : i32 to index
        %swap3A_665 = arith.constant 64 : index
        %swap3A_666 = tpu.vector_load %arg18[%swap3A_664, %swap3A_665] {strides = array<i32>} : memref<128x128xf32, #tpu.memory_space<vmem>>, vector<16xf32>,
        tpu.vector_store %arg18[%swap3A_664, %swap3A_665], %mul3A_663 {strides = array<i32>} : memref<128x128xf32, #tpu.memory_space<vmem>>, vector<16xf32>,
        %get3A_667 = arith.index_cast %add3A_631 : i32 to index
        %get3A_668 = arith.constant 80 : index
        %get3A_669 = tpu.vector_load %arg18[%get3A_667, %get3A_668] {strides = array<i32>} : memref<128x128xf32, #tpu.memory_space<vmem>>, vector<16xf32>,
        %mul3A_670 = arith.mulf %get3A_669, %broadcast_in_dim3A_627 : vector<16xf32>
        %swap3A_671 = arith.index_cast %add3A_631 : i32 to index
        %swap3A_672 = arith.constant 80 : index
        %swap3A_673 = tpu.vector_load %arg18[%swap3A_671, %swap3A_672] {strides = array<i32>} : memref<128x128xf32, #tpu.memory_space<vmem>>, vector<16xf32>,
        tpu.vector_store %arg18[%swap3A_671, %swap3A_672], %mul3A_670 {strides = array<i32>} : memref<128x128xf32, #tpu.memory_space<vmem>>, vector<16xf32>,
        %get3A_674 = arith.index_cast %add3A_631 : i32 to index
        %get3A_675 = arith.constant 96 : index
        %get3A_676 = tpu.vector_load %arg18[%get3A_674, %get3A_675] {strides = array<i32>} : memref<128x128xf32, #tpu.memory_space<vmem>>, vector<16xf32>,
        %mul3A_677 = arith.mulf %get3A_676, %broadcast_in_dim3A_627 : vector<16xf32>
        %swap3A_678 = arith.index_cast %add3A_631 : i32 to index
        %swap3A_679 = arith.constant 96 : index
        %swap3A_680 = tpu.vector_load %arg18[%swap3A_678, %swap3A_679] {strides = array<i32>} : memref<128x128xf32, #tpu.memory_space<vmem>>, vector<16xf32>,
        tpu.vector_store %arg18[%swap3A_678, %swap3A_679], %mul3A_677 {strides = array<i32>} : memref<128x128xf32, #tpu.memory_space<vmem>>, vector<16xf32>,
        %get3A_681 = arith.index_cast %add3A_631 : i32 to index
        %get3A_682 = arith.constant 112 : index
        %get3A_683 = tpu.vector_load %arg18[%get3A_681, %get3A_682] {strides = array<i32>} : memref<128x128xf32, #tpu.memory_space<vmem>>, vector<16xf32>,
        %mul3A_684 = arith.mulf %get3A_683, %broadcast_in_dim3A_627 : vector<16xf32>
        %swap3A_685 = arith.index_cast %add3A_631 : i32 to index
        %swap3A_686 = arith.constant 112 : index
        %swap3A_687 = tpu.vector_load %arg18[%swap3A_685, %swap3A_686] {strides = array<i32>} : memref<128x128xf32, #tpu.memory_space<vmem>>, vector<16xf32>,
        tpu.vector_store %arg18[%swap3A_685, %swap3A_686], %mul3A_684 {strides = array<i32>} : memref<128x128xf32, #tpu.memory_space<vmem>>, vector<16xf32>,
        %slice3A_688 = vector.extract_strided_slice %get3A_500 {offsets = [3], sizes = [1], strides = [1]} : vector<16xf32> to vector<1xf32>
        %squeeze3A_689 = vector.extract %slice3A_688[0] : f32 from vector<1xf32>
        %broadcast_in_dim3A_690 = vector.broadcast %squeeze3A_689 : f32 to vector<16xf32>
        %mul3A_691 = arith.constant 16 : i32
        %mul3A_692 = arith.muli %scan3A_496, %mul3A_691 : i32
        %add3A_693 = arith.constant 3 : i32
        %add3A_694 = arith.addi %mul3A_692, %add3A_693 : i32
        %get3A_695 = arith.index_cast %add3A_694 : i32 to index
        %get3A_696 = arith.constant 0 : index
        %get3A_697 = tpu.vector_load %arg18[%get3A_695, %get3A_696] {strides = array<i32>} : memref<128x128xf32, #tpu.memory_space<vmem>>, vector<16xf32>,
        %mul3A_698 = arith.mulf %get3A_697, %broadcast_in_dim3A_690 : vector<16xf32>
        %swap3A_699 = arith.index_cast %add3A_694 : i32 to index
        %swap3A_700 = arith.constant 0 : index
        %swap3A_701 = tpu.vector_load %arg18[%swap3A_699, %swap3A_700] {strides = array<i32>} : memref<128x128xf32, #tpu.memory_space<vmem>>, vector<16xf32>,
        tpu.vector_store %arg18[%swap3A_699, %swap3A_700], %mul3A_698 {strides = array<i32>} : memref<128x128xf32, #tpu.memory_space<vmem>>, vector<16xf32>,
        %get3A_702 = arith.index_cast %add3A_694 : i32 to index
        %get3A_703 = arith.constant 16 : index
        %get3A_704 = tpu.vector_load %arg18[%get3A_702, %get3A_703] {strides = array<i32>} : memref<128x128xf32, #tpu.memory_space<vmem>>, vector<16xf32>,
        %mul3A_705 = arith.mulf %get3A_704, %broadcast_in_dim3A_690 : vector<16xf32>
        %swap3A_706 = arith.index_cast %add3A_694 : i32 to index
        %swap3A_707 = arith.constant 16 : index
        %swap3A_708 = tpu.vector_load %arg18[%swap3A_706, %swap3A_707] {strides = array<i32>} : memref<128x128xf32, #tpu.memory_space<vmem>>, vector<16xf32>,
        tpu.vector_store %arg18[%swap3A_706, %swap3A_707], %mul3A_705 {strides = array<i32>} : memref<128x128xf32, #tpu.memory_space<vmem>>, vector<16xf32>,
        %get3A_709 = arith.index_cast %add3A_694 : i32 to index
        %get3A_710 = arith.constant 32 : index
        %get3A_711 = tpu.vector_load %arg18[%get3A_709, %get3A_710] {strides = array<i32>} : memref<128x128xf32, #tpu.memory_space<vmem>>, vector<16xf32>,
        %mul3A_712 = arith.mulf %get3A_711, %broadcast_in_dim3A_690 : vector<16xf32>
        %swap3A_713 = arith.index_cast %add3A_694 : i32 to index
        %swap3A_714 = arith.constant 32 : index
        %swap3A_715 = tpu.vector_load %arg18[%swap3A_713, %swap3A_714] {strides = array<i32>} : memref<128x128xf32, #tpu.memory_space<vmem>>, vector<16xf32>,
        tpu.vector_store %arg18[%swap3A_713, %swap3A_714], %mul3A_712 {strides = array<i32>} : memref<128x128xf32, #tpu.memory_space<vmem>>, vector<16xf32>,
        %get3A_716 = arith.index_cast %add3A_694 : i32 to index
        %get3A_717 = arith.constant 48 : index
        %get3A_718 = tpu.vector_load %arg18[%get3A_716, %get3A_717] {strides = array<i32>} : memref<128x128xf32, #tpu.memory_space<vmem>>, vector<16xf32>,
        %mul3A_719 = arith.mulf %get3A_718, %broadcast_in_dim3A_690 : vector<16xf32>
        %swap3A_720 = arith.index_cast %add3A_694 : i32 to index
        %swap3A_721 = arith.constant 48 : index
        %swap3A_722 = tpu.vector_load %arg18[%swap3A_720, %swap3A_721] {strides = array<i32>} : memref<128x128xf32, #tpu.memory_space<vmem>>, vector<16xf32>,
        tpu.vector_store %arg18[%swap3A_720, %swap3A_721], %mul3A_719 {strides = array<i32>} : memref<128x128xf32, #tpu.memory_space<vmem>>, vector<16xf32>,
        %get3A_723 = arith.index_cast %add3A_694 : i32 to index
        %get3A_724 = arith.constant 64 : index
        %get3A_725 = tpu.vector_load %arg18[%get3A_723, %get3A_724] {strides = array<i32>} : memref<128x128xf32, #tpu.memory_space<vmem>>, vector<16xf32>,
        %mul3A_726 = arith.mulf %get3A_725, %broadcast_in_dim3A_690 : vector<16xf32>
        %swap3A_727 = arith.index_cast %add3A_694 : i32 to index
        %swap3A_728 = arith.constant 64 : index
        %swap3A_729 = tpu.vector_load %arg18[%swap3A_727, %swap3A_728] {strides = array<i32>} : memref<128x128xf32, #tpu.memory_space<vmem>>, vector<16xf32>,
        tpu.vector_store %arg18[%swap3A_727, %swap3A_728], %mul3A_726 {strides = array<i32>} : memref<128x128xf32, #tpu.memory_space<vmem>>, vector<16xf32>,
        %get3A_730 = arith.index_cast %add3A_694 : i32 to index
        %get3A_731 = arith.constant 80 : index
        %get3A_732 = tpu.vector_load %arg18[%get3A_730, %get3A_731] {strides = array<i32>} : memref<128x128xf32, #tpu.memory_space<vmem>>, vector<16xf32>,
        %mul3A_733 = arith.mulf %get3A_732, %broadcast_in_dim3A_690 : vector<16xf32>
        %swap3A_734 = arith.index_cast %add3A_694 : i32 to index
        %swap3A_735 = arith.constant 80 : index
        %swap3A_736 = tpu.vector_load %arg18[%swap3A_734, %swap3A_735] {strides = array<i32>} : memref<128x128xf32, #tpu.memory_space<vmem>>, vector<16xf32>,
        tpu.vector_store %arg18[%swap3A_734, %swap3A_735], %mul3A_733 {strides = array<i32>} : memref<128x128xf32, #tpu.memory_space<vmem>>, vector<16xf32>,
        %get3A_737 = arith.index_cast %add3A_694 : i32 to index
        %get3A_738 = arith.constant 96 : index
        %get3A_739 = tpu.vector_load %arg18[%get3A_737, %get3A_738] {strides = array<i32>} : memref<128x128xf32, #tpu.memory_space<vmem>>, vector<16xf32>,
        %mul3A_740 = arith.mulf %get3A_739, %broadcast_in_dim3A_690 : vector<16xf32>
        %swap3A_741 = arith.index_cast %add3A_694 : i32 to index
        %swap3A_742 = arith.constant 96 : index
        %swap3A_743 = tpu.vector_load %arg18[%swap3A_741, %swap3A_742] {strides = array<i32>} : memref<128x128xf32, #tpu.memory_space<vmem>>, vector<16xf32>,
        tpu.vector_store %arg18[%swap3A_741, %swap3A_742], %mul3A_740 {strides = array<i32>} : memref<128x128xf32, #tpu.memory_space<vmem>>, vector<16xf32>,
        %get3A_744 = arith.index_cast %add3A_694 : i32 to index
        %get3A_745 = arith.constant 112 : index
        %get3A_746 = tpu.vector_load %arg18[%get3A_744, %get3A_745] {strides = array<i32>} : memref<128x128xf32, #tpu.memory_space<vmem>>, vector<16xf32>,
        %mul3A_747 = arith.mulf %get3A_746, %broadcast_in_dim3A_690 : vector<16xf32>
        %swap3A_748 = arith.index_cast %add3A_694 : i32 to index
        %swap3A_749 = arith.constant 112 : index
        %swap3A_750 = tpu.vector_load %arg18[%swap3A_748, %swap3A_749] {strides = array<i32>} : memref<128x128xf32, #tpu.memory_space<vmem>>, vector<16xf32>,
        tpu.vector_store %arg18[%swap3A_748, %swap3A_749], %mul3A_747 {strides = array<i32>} : memref<128x128xf32, #tpu.memory_space<vmem>>, vector<16xf32>,
        %slice3A_751 = vector.extract_strided_slice %get3A_500 {offsets = [4], sizes = [1], strides = [1]} : vector<16xf32> to vector<1xf32>
        %squeeze3A_752 = vector.extract %slice3A_751[0] : f32 from vector<1xf32>
        %broadcast_in_dim3A_753 = vector.broadcast %squeeze3A_752 : f32 to vector<16xf32>
        %mul3A_754 = arith.constant 16 : i32
        %mul3A_755 = arith.muli %scan3A_496, %mul3A_754 : i32
        %add3A_756 = arith.constant 4 : i32
        %add3A_757 = arith.addi %mul3A_755, %add3A_756 : i32
        %get3A_758 = arith.index_cast %add3A_757 : i32 to index
        %get3A_759 = arith.constant 0 : index
        %get3A_760 = tpu.vector_load %arg18[%get3A_758, %get3A_759] {strides = array<i32>} : memref<128x128xf32, #tpu.memory_space<vmem>>, vector<16xf32>,
        %mul3A_761 = arith.mulf %get3A_760, %broadcast_in_dim3A_753 : vector<16xf32>
        %swap3A_762 = arith.index_cast %add3A_757 : i32 to index
        %swap3A_763 = arith.constant 0 : index
        %swap3A_764 = tpu.vector_load %arg18[%swap3A_762, %swap3A_763] {strides = array<i32>} : memref<128x128xf32, #tpu.memory_space<vmem>>, vector<16xf32>,
        tpu.vector_store %arg18[%swap3A_762, %swap3A_763], %mul3A_761 {strides = array<i32>} : memref<128x128xf32, #tpu.memory_space<vmem>>, vector<16xf32>,
        %get3A_765 = arith.index_cast %add3A_757 : i32 to index
        %get3A_766 = arith.constant 16 : index
        %get3A_767 = tpu.vector_load %arg18[%get3A_765, %get3A_766] {strides = array<i32>} : memref<128x128xf32, #tpu.memory_space<vmem>>, vector<16xf32>,
        %mul3A_768 = arith.mulf %get3A_767, %broadcast_in_dim3A_753 : vector<16xf32>
        %swap3A_769 = arith.index_cast %add3A_757 : i32 to index
        %swap3A_770 = arith.constant 16 : index
        %swap3A_771 = tpu.vector_load %arg18[%swap3A_769, %swap3A_770] {strides = array<i32>} : memref<128x128xf32, #tpu.memory_space<vmem>>, vector<16xf32>,
        tpu.vector_store %arg18[%swap3A_769, %swap3A_770], %mul3A_768 {strides = array<i32>} : memref<128x128xf32, #tpu.memory_space<vmem>>, vector<16xf32>,
        %get3A_772 = arith.index_cast %add3A_757 : i32 to index
        %get3A_773 = arith.constant 32 : index
        %get3A_774 = tpu.vector_load %arg18[%get3A_772, %get3A_773] {strides = array<i32>} : memref<128x128xf32, #tpu.memory_space<vmem>>, vector<16xf32>,
        %mul3A_775 = arith.mulf %get3A_774, %broadcast_in_dim3A_753 : vector<16xf32>
        %swap3A_776 = arith.index_cast %add3A_757 : i32 to index
        %swap3A_777 = arith.constant 32 : index
        %swap3A_778 = tpu.vector_load %arg18[%swap3A_776, %swap3A_777] {strides = array<i32>} : memref<128x128xf32, #tpu.memory_space<vmem>>, vector<16xf32>,
        tpu.vector_store %arg18[%swap3A_776, %swap3A_777], %mul3A_775 {strides = array<i32>} : memref<128x128xf32, #tpu.memory_space<vmem>>, vector<16xf32>,
        %get3A_779 = arith.index_cast %add3A_757 : i32 to index
        %get3A_780 = arith.constant 48 : index
        %get3A_781 = tpu.vector_load %arg18[%get3A_779, %get3A_780] {strides = array<i32>} : memref<128x128xf32, #tpu.memory_space<vmem>>, vector<16xf32>,
        %mul3A_782 = arith.mulf %get3A_781, %broadcast_in_dim3A_753 : vector<16xf32>
        %swap3A_783 = arith.index_cast %add3A_757 : i32 to index
        %swap3A_784 = arith.constant 48 : index
        %swap3A_785 = tpu.vector_load %arg18[%swap3A_783, %swap3A_784] {strides = array<i32>} : memref<128x128xf32, #tpu.memory_space<vmem>>, vector<16xf32>,
        tpu.vector_store %arg18[%swap3A_783, %swap3A_784], %mul3A_782 {strides = array<i32>} : memref<128x128xf32, #tpu.memory_space<vmem>>, vector<16xf32>,
        %get3A_786 = arith.index_cast %add3A_757 : i32 to index
        %get3A_787 = arith.constant 64 : index
        %get3A_788 = tpu.vector_load %arg18[%get3A_786, %get3A_787] {strides = array<i32>} : memref<128x128xf32, #tpu.memory_space<vmem>>, vector<16xf32>,
        %mul3A_789 = arith.mulf %get3A_788, %broadcast_in_dim3A_753 : vector<16xf32>
        %swap3A_790 = arith.index_cast %add3A_757 : i32 to index
        %swap3A_791 = arith.constant 64 : index
        %swap3A_792 = tpu.vector_load %arg18[%swap3A_790, %swap3A_791] {strides = array<i32>} : memref<128x128xf32, #tpu.memory_space<vmem>>, vector<16xf32>,
        tpu.vector_store %arg18[%swap3A_790, %swap3A_791], %mul3A_789 {strides = array<i32>} : memref<128x128xf32, #tpu.memory_space<vmem>>, vector<16xf32>,
        %get3A_793 = arith.index_cast %add3A_757 : i32 to index
        %get3A_794 = arith.constant 80 : index
        %get3A_795 = tpu.vector_load %arg18[%get3A_793, %get3A_794] {strides = array<i32>} : memref<128x128xf32, #tpu.memory_space<vmem>>, vector<16xf32>,
        %mul3A_796 = arith.mulf %get3A_795, %broadcast_in_dim3A_753 : vector<16xf32>
        %swap3A_797 = arith.index_cast %add3A_757 : i32 to index
        %swap3A_798 = arith.constant 80 : index
        %swap3A_799 = tpu.vector_load %arg18[%swap3A_797, %swap3A_798] {strides = array<i32>} : memref<128x128xf32, #tpu.memory_space<vmem>>, vector<16xf32>,
        tpu.vector_store %arg18[%swap3A_797, %swap3A_798], %mul3A_796 {strides = array<i32>} : memref<128x128xf32, #tpu.memory_space<vmem>>, vector<16xf32>,
        %get3A_800 = arith.index_cast %add3A_757 : i32 to index
        %get3A_801 = arith.constant 96 : index
        %get3A_802 = tpu.vector_load %arg18[%get3A_800, %get3A_801] {strides = array<i32>} : memref<128x128xf32, #tpu.memory_space<vmem>>, vector<16xf32>,
        %mul3A_803 = arith.mulf %get3A_802, %broadcast_in_dim3A_753 : vector<16xf32>
        %swap3A_804 = arith.index_cast %add3A_757 : i32 to index
        %swap3A_805 = arith.constant 96 : index
        %swap3A_806 = tpu.vector_load %arg18[%swap3A_804, %swap3A_805] {strides = array<i32>} : memref<128x128xf32, #tpu.memory_space<vmem>>, vector<16xf32>,
        tpu.vector_store %arg18[%swap3A_804, %swap3A_805], %mul3A_803 {strides = array<i32>} : memref<128x128xf32, #tpu.memory_space<vmem>>, vector<16xf32>,
        %get3A_807 = arith.index_cast %add3A_757 : i32 to index
        %get3A_808 = arith.constant 112 : index
        %get3A_809 = tpu.vector_load %arg18[%get3A_807, %get3A_808] {strides = array<i32>} : memref<128x128xf32, #tpu.memory_space<vmem>>, vector<16xf32>,
        %mul3A_810 = arith.mulf %get3A_809, %broadcast_in_dim3A_753 : vector<16xf32>
        %swap3A_811 = arith.index_cast %add3A_757 : i32 to index
        %swap3A_812 = arith.constant 112 : index
        %swap3A_813 = tpu.vector_load %arg18[%swap3A_811, %swap3A_812] {strides = array<i32>} : memref<128x128xf32, #tpu.memory_space<vmem>>, vector<16xf32>,
        tpu.vector_store %arg18[%swap3A_811, %swap3A_812], %mul3A_810 {strides = array<i32>} : memref<128x128xf32, #tpu.memory_space<vmem>>, vector<16xf32>,
        %slice3A_814 = vector.extract_strided_slice %get3A_500 {offsets = [5], sizes = [1], strides = [1]} : vector<16xf32> to vector<1xf32>
        %squeeze3A_815 = vector.extract %slice3A_814[0] : f32 from vector<1xf32>
        %broadcast_in_dim3A_816 = vector.broadcast %squeeze3A_815 : f32 to vector<16xf32>
        %mul3A_817 = arith.constant 16 : i32
        %mul3A_818 = arith.muli %scan3A_496, %mul3A_817 : i32
        %add3A_819 = arith.constant 5 : i32
        %add3A_820 = arith.addi %mul3A_818, %add3A_819 : i32
        %get3A_821 = arith.index_cast %add3A_820 : i32 to index
        %get3A_822 = arith.constant 0 : index
        %get3A_823 = tpu.vector_load %arg18[%get3A_821, %get3A_822] {strides = array<i32>} : memref<128x128xf32, #tpu.memory_space<vmem>>, vector<16xf32>,
        %mul3A_824 = arith.mulf %get3A_823, %broadcast_in_dim3A_816 : vector<16xf32>
        %swap3A_825 = arith.index_cast %add3A_820 : i32 to index
        %swap3A_826 = arith.constant 0 : index
        %swap3A_827 = tpu.vector_load %arg18[%swap3A_825, %swap3A_826] {strides = array<i32>} : memref<128x128xf32, #tpu.memory_space<vmem>>, vector<16xf32>,
        tpu.vector_store %arg18[%swap3A_825, %swap3A_826], %mul3A_824 {strides = array<i32>} : memref<128x128xf32, #tpu.memory_space<vmem>>, vector<16xf32>,
        %get3A_828 = arith.index_cast %add3A_820 : i32 to index
        %get3A_829 = arith.constant 16 : index
        %get3A_830 = tpu.vector_load %arg18[%get3A_828, %get3A_829] {strides = array<i32>} : memref<128x128xf32, #tpu.memory_space<vmem>>, vector<16xf32>,
        %mul3A_831 = arith.mulf %get3A_830, %broadcast_in_dim3A_816 : vector<16xf32>
        %swap3A_832 = arith.index_cast %add3A_820 : i32 to index
        %swap3A_833 = arith.constant 16 : index
        %swap3A_834 = tpu.vector_load %arg18[%swap3A_832, %swap3A_833] {strides = array<i32>} : memref<128x128xf32, #tpu.memory_space<vmem>>, vector<16xf32>,
        tpu.vector_store %arg18[%swap3A_832, %swap3A_833], %mul3A_831 {strides = array<i32>} : memref<128x128xf32, #tpu.memory_space<vmem>>, vector<16xf32>,
        %get3A_835 = arith.index_cast %add3A_820 : i32 to index
        %get3A_836 = arith.constant 32 : index
        %get3A_837 = tpu.vector_load %arg18[%get3A_835, %get3A_836] {strides = array<i32>} : memref<128x128xf32, #tpu.memory_space<vmem>>, vector<16xf32>,
        %mul3A_838 = arith.mulf %get3A_837, %broadcast_in_dim3A_816 : vector<16xf32>
        %swap3A_839 = arith.index_cast %add3A_820 : i32 to index
        %swap3A_840 = arith.constant 32 : index
        %swap3A_841 = tpu.vector_load %arg18[%swap3A_839, %swap3A_840] {strides = array<i32>} : memref<128x128xf32, #tpu.memory_space<vmem>>, vector<16xf32>,
        tpu.vector_store %arg18[%swap3A_839, %swap3A_840], %mul3A_838 {strides = array<i32>} : memref<128x128xf32, #tpu.memory_space<vmem>>, vector<16xf32>,
        %get3A_842 = arith.index_cast %add3A_820 : i32 to index
        %get3A_843 = arith.constant 48 : index
        %get3A_844 = tpu.vector_load %arg18[%get3A_842, %get3A_843] {strides = array<i32>} : memref<128x128xf32, #tpu.memory_space<vmem>>, vector<16xf32>,
        %mul3A_845 = arith.mulf %get3A_844, %broadcast_in_dim3A_816 : vector<16xf32>
        %swap3A_846 = arith.index_cast %add3A_820 : i32 to index
        %swap3A_847 = arith.constant 48 : index
        %swap3A_848 = tpu.vector_load %arg18[%swap3A_846, %swap3A_847] {strides = array<i32>} : memref<128x128xf32, #tpu.memory_space<vmem>>, vector<16xf32>,
        tpu.vector_store %arg18[%swap3A_846, %swap3A_847], %mul3A_845 {strides = array<i32>} : memref<128x128xf32, #tpu.memory_space<vmem>>, vector<16xf32>,
        %get3A_849 = arith.index_cast %add3A_820 : i32 to index
        %get3A_850 = arith.constant 64 : index
        %get3A_851 = tpu.vector_load %arg18[%get3A_849, %get3A_850] {strides = array<i32>} : memref<128x128xf32, #tpu.memory_space<vmem>>, vector<16xf32>,
        %mul3A_852 = arith.mulf %get3A_851, %broadcast_in_dim3A_816 : vector<16xf32>
        %swap3A_853 = arith.index_cast %add3A_820 : i32 to index
        %swap3A_854 = arith.constant 64 : index
        %swap3A_855 = tpu.vector_load %arg18[%swap3A_853, %swap3A_854] {strides = array<i32>} : memref<128x128xf32, #tpu.memory_space<vmem>>, vector<16xf32>,
        tpu.vector_store %arg18[%swap3A_853, %swap3A_854], %mul3A_852 {strides = array<i32>} : memref<128x128xf32, #tpu.memory_space<vmem>>, vector<16xf32>,
        %get3A_856 = arith.index_cast %add3A_820 : i32 to index
        %get3A_857 = arith.constant 80 : index
        %get3A_858 = tpu.vector_load %arg18[%get3A_856, %get3A_857] {strides = array<i32>} : memref<128x128xf32, #tpu.memory_space<vmem>>, vector<16xf32>,
        %mul3A_859 = arith.mulf %get3A_858, %broadcast_in_dim3A_816 : vector<16xf32>
        %swap3A_860 = arith.index_cast %add3A_820 : i32 to index
        %swap3A_861 = arith.constant 80 : index
        %swap3A_862 = tpu.vector_load %arg18[%swap3A_860, %swap3A_861] {strides = array<i32>} : memref<128x128xf32, #tpu.memory_space<vmem>>, vector<16xf32>,
        tpu.vector_store %arg18[%swap3A_860, %swap3A_861], %mul3A_859 {strides = array<i32>} : memref<128x128xf32, #tpu.memory_space<vmem>>, vector<16xf32>,
        %get3A_863 = arith.index_cast %add3A_820 : i32 to index
        %get3A_864 = arith.constant 96 : index
        %get3A_865 = tpu.vector_load %arg18[%get3A_863, %get3A_864] {strides = array<i32>} : memref<128x128xf32, #tpu.memory_space<vmem>>, vector<16xf32>,
        %mul3A_866 = arith.mulf %get3A_865, %broadcast_in_dim3A_816 : vector<16xf32>
        %swap3A_867 = arith.index_cast %add3A_820 : i32 to index
        %swap3A_868 = arith.constant 96 : index
        %swap3A_869 = tpu.vector_load %arg18[%swap3A_867, %swap3A_868] {strides = array<i32>} : memref<128x128xf32, #tpu.memory_space<vmem>>, vector<16xf32>,
        tpu.vector_store %arg18[%swap3A_867, %swap3A_868], %mul3A_866 {strides = array<i32>} : memref<128x128xf32, #tpu.memory_space<vmem>>, vector<16xf32>,
        %get3A_870 = arith.index_cast %add3A_820 : i32 to index
        %get3A_871 = arith.constant 112 : index
        %get3A_872 = tpu.vector_load %arg18[%get3A_870, %get3A_871] {strides = array<i32>} : memref<128x128xf32, #tpu.memory_space<vmem>>, vector<16xf32>,
        %mul3A_873 = arith.mulf %get3A_872, %broadcast_in_dim3A_816 : vector<16xf32>
        %swap3A_874 = arith.index_cast %add3A_820 : i32 to index
        %swap3A_875 = arith.constant 112 : index
        %swap3A_876 = tpu.vector_load %arg18[%swap3A_874, %swap3A_875] {strides = array<i32>} : memref<128x128xf32, #tpu.memory_space<vmem>>, vector<16xf32>,
        tpu.vector_store %arg18[%swap3A_874, %swap3A_875], %mul3A_873 {strides = array<i32>} : memref<128x128xf32, #tpu.memory_space<vmem>>, vector<16xf32>,
        %slice3A_877 = vector.extract_strided_slice %get3A_500 {offsets = [6], sizes = [1], strides = [1]} : vector<16xf32> to vector<1xf32>
        %squeeze3A_878 = vector.extract %slice3A_877[0] : f32 from vector<1xf32>
        %broadcast_in_dim3A_879 = vector.broadcast %squeeze3A_878 : f32 to vector<16xf32>
        %mul3A_880 = arith.constant 16 : i32
        %mul3A_881 = arith.muli %scan3A_496, %mul3A_880 : i32
        %add3A_882 = arith.constant 6 : i32
        %add3A_883 = arith.addi %mul3A_881, %add3A_882 : i32
        %get3A_884 = arith.index_cast %add3A_883 : i32 to index
        %get3A_885 = arith.constant 0 : index
        %get3A_886 = tpu.vector_load %arg18[%get3A_884, %get3A_885] {strides = array<i32>} : memref<128x128xf32, #tpu.memory_space<vmem>>, vector<16xf32>,
        %mul3A_887 = arith.mulf %get3A_886, %broadcast_in_dim3A_879 : vector<16xf32>
        %swap3A_888 = arith.index_cast %add3A_883 : i32 to index
        %swap3A_889 = arith.constant 0 : index
        %swap3A_890 = tpu.vector_load %arg18[%swap3A_888, %swap3A_889] {strides = array<i32>} : memref<128x128xf32, #tpu.memory_space<vmem>>, vector<16xf32>,
        tpu.vector_store %arg18[%swap3A_888, %swap3A_889], %mul3A_887 {strides = array<i32>} : memref<128x128xf32, #tpu.memory_space<vmem>>, vector<16xf32>,
        %get3A_891 = arith.index_cast %add3A_883 : i32 to index
        %get3A_892 = arith.constant 16 : index
        %get3A_893 = tpu.vector_load %arg18[%get3A_891, %get3A_892] {strides = array<i32>} : memref<128x128xf32, #tpu.memory_space<vmem>>, vector<16xf32>,
        %mul3A_894 = arith.mulf %get3A_893, %broadcast_in_dim3A_879 : vector<16xf32>
        %swap3A_895 = arith.index_cast %add3A_883 : i32 to index
        %swap3A_896 = arith.constant 16 : index
        %swap3A_897 = tpu.vector_load %arg18[%swap3A_895, %swap3A_896] {strides = array<i32>} : memref<128x128xf32, #tpu.memory_space<vmem>>, vector<16xf32>,
        tpu.vector_store %arg18[%swap3A_895, %swap3A_896], %mul3A_894 {strides = array<i32>} : memref<128x128xf32, #tpu.memory_space<vmem>>, vector<16xf32>,
        %get3A_898 = arith.index_cast %add3A_883 : i32 to index
        %get3A_899 = arith.constant 32 : index
        %get3A_900 = tpu.vector_load %arg18[%get3A_898, %get3A_899] {strides = array<i32>} : memref<128x128xf32, #tpu.memory_space<vmem>>, vector<16xf32>,
        %mul3A_901 = arith.mulf %get3A_900, %broadcast_in_dim3A_879 : vector<16xf32>
        %swap3A_902 = arith.index_cast %add3A_883 : i32 to index
        %swap3A_903 = arith.constant 32 : index
        %swap3A_904 = tpu.vector_load %arg18[%swap3A_902, %swap3A_903] {strides = array<i32>} : memref<128x128xf32, #tpu.memory_space<vmem>>, vector<16xf32>,
        tpu.vector_store %arg18[%swap3A_902, %swap3A_903], %mul3A_901 {strides = array<i32>} : memref<128x128xf32, #tpu.memory_space<vmem>>, vector<16xf32>,
        %get3A_905 = arith.index_cast %add3A_883 : i32 to index
        %get3A_906 = arith.constant 48 : index
        %get3A_907 = tpu.vector_load %arg18[%get3A_905, %get3A_906] {strides = array<i32>} : memref<128x128xf32, #tpu.memory_space<vmem>>, vector<16xf32>,
        %mul3A_908 = arith.mulf %get3A_907, %broadcast_in_dim3A_879 : vector<16xf32>
        %swap3A_909 = arith.index_cast %add3A_883 : i32 to index
        %swap3A_910 = arith.constant 48 : index
        %swap3A_911 = tpu.vector_load %arg18[%swap3A_909, %swap3A_910] {strides = array<i32>} : memref<128x128xf32, #tpu.memory_space<vmem>>, vector<16xf32>,
        tpu.vector_store %arg18[%swap3A_909, %swap3A_910], %mul3A_908 {strides = array<i32>} : memref<128x128xf32, #tpu.memory_space<vmem>>, vector<16xf32>,
        %get3A_912 = arith.index_cast %add3A_883 : i32 to index
        %get3A_913 = arith.constant 64 : index
        %get3A_914 = tpu.vector_load %arg18[%get3A_912, %get3A_913] {strides = array<i32>} : memref<128x128xf32, #tpu.memory_space<vmem>>, vector<16xf32>,
        %mul3A_915 = arith.mulf %get3A_914, %broadcast_in_dim3A_879 : vector<16xf32>
        %swap3A_916 = arith.index_cast %add3A_883 : i32 to index
        %swap3A_917 = arith.constant 64 : index
        %swap3A_918 = tpu.vector_load %arg18[%swap3A_916, %swap3A_917] {strides = array<i32>} : memref<128x128xf32, #tpu.memory_space<vmem>>, vector<16xf32>,
        tpu.vector_store %arg18[%swap3A_916, %swap3A_917], %mul3A_915 {strides = array<i32>} : memref<128x128xf32, #tpu.memory_space<vmem>>, vector<16xf32>,
        %get3A_919 = arith.index_cast %add3A_883 : i32 to index
        %get3A_920 = arith.constant 80 : index
        %get3A_921 = tpu.vector_load %arg18[%get3A_919, %get3A_920] {strides = array<i32>} : memref<128x128xf32, #tpu.memory_space<vmem>>, vector<16xf32>,
        %mul3A_922 = arith.mulf %get3A_921, %broadcast_in_dim3A_879 : vector<16xf32>
        %swap3A_923 = arith.index_cast %add3A_883 : i32 to index
        %swap3A_924 = arith.constant 80 : index
        %swap3A_925 = tpu.vector_load %arg18[%swap3A_923, %swap3A_924] {strides = array<i32>} : memref<128x128xf32, #tpu.memory_space<vmem>>, vector<16xf32>,
        tpu.vector_store %arg18[%swap3A_923, %swap3A_924], %mul3A_922 {strides = array<i32>} : memref<128x128xf32, #tpu.memory_space<vmem>>, vector<16xf32>,
        %get3A_926 = arith.index_cast %add3A_883 : i32 to index
        %get3A_927 = arith.constant 96 : index
        %get3A_928 = tpu.vector_load %arg18[%get3A_926, %get3A_927] {strides = array<i32>} : memref<128x128xf32, #tpu.memory_space<vmem>>, vector<16xf32>,
        %mul3A_929 = arith.mulf %get3A_928, %broadcast_in_dim3A_879 : vector<16xf32>
        %swap3A_930 = arith.index_cast %add3A_883 : i32 to index
        %swap3A_931 = arith.constant 96 : index
        %swap3A_932 = tpu.vector_load %arg18[%swap3A_930, %swap3A_931] {strides = array<i32>} : memref<128x128xf32, #tpu.memory_space<vmem>>, vector<16xf32>,
        tpu.vector_store %arg18[%swap3A_930, %swap3A_931], %mul3A_929 {strides = array<i32>} : memref<128x128xf32, #tpu.memory_space<vmem>>, vector<16xf32>,
        %get3A_933 = arith.index_cast %add3A_883 : i32 to index
        %get3A_934 = arith.constant 112 : index
        %get3A_935 = tpu.vector_load %arg18[%get3A_933, %get3A_934] {strides = array<i32>} : memref<128x128xf32, #tpu.memory_space<vmem>>, vector<16xf32>,
        %mul3A_936 = arith.mulf %get3A_935, %broadcast_in_dim3A_879 : vector<16xf32>
        %swap3A_937 = arith.index_cast %add3A_883 : i32 to index
        %swap3A_938 = arith.constant 112 : index
        %swap3A_939 = tpu.vector_load %arg18[%swap3A_937, %swap3A_938] {strides = array<i32>} : memref<128x128xf32, #tpu.memory_space<vmem>>, vector<16xf32>,
        tpu.vector_store %arg18[%swap3A_937, %swap3A_938], %mul3A_936 {strides = array<i32>} : memref<128x128xf32, #tpu.memory_space<vmem>>, vector<16xf32>,
        %slice3A_940 = vector.extract_strided_slice %get3A_500 {offsets = [7], sizes = [1], strides = [1]} : vector<16xf32> to vector<1xf32>
        %squeeze3A_941 = vector.extract %slice3A_940[0] : f32 from vector<1xf32>
        %broadcast_in_dim3A_942 = vector.broadcast %squeeze3A_941 : f32 to vector<16xf32>
        %mul3A_943 = arith.constant 16 : i32
        %mul3A_944 = arith.muli %scan3A_496, %mul3A_943 : i32
        %add3A_945 = arith.constant 7 : i32
        %add3A_946 = arith.addi %mul3A_944, %add3A_945 : i32
        %get3A_947 = arith.index_cast %add3A_946 : i32 to index
        %get3A_948 = arith.constant 0 : index
        %get3A_949 = tpu.vector_load %arg18[%get3A_947, %get3A_948] {strides = array<i32>} : memref<128x128xf32, #tpu.memory_space<vmem>>, vector<16xf32>,
        %mul3A_950 = arith.mulf %get3A_949, %broadcast_in_dim3A_942 : vector<16xf32>
        %swap3A_951 = arith.index_cast %add3A_946 : i32 to index
        %swap3A_952 = arith.constant 0 : index
        %swap3A_953 = tpu.vector_load %arg18[%swap3A_951, %swap3A_952] {strides = array<i32>} : memref<128x128xf32, #tpu.memory_space<vmem>>, vector<16xf32>,
        tpu.vector_store %arg18[%swap3A_951, %swap3A_952], %mul3A_950 {strides = array<i32>} : memref<128x128xf32, #tpu.memory_space<vmem>>, vector<16xf32>,
        %get3A_954 = arith.index_cast %add3A_946 : i32 to index
        %get3A_955 = arith.constant 16 : index
        %get3A_956 = tpu.vector_load %arg18[%get3A_954, %get3A_955] {strides = array<i32>} : memref<128x128xf32, #tpu.memory_space<vmem>>, vector<16xf32>,
        %mul3A_957 = arith.mulf %get3A_956, %broadcast_in_dim3A_942 : vector<16xf32>
        %swap3A_958 = arith.index_cast %add3A_946 : i32 to index
        %swap3A_959 = arith.constant 16 : index
        %swap3A_960 = tpu.vector_load %arg18[%swap3A_958, %swap3A_959] {strides = array<i32>} : memref<128x128xf32, #tpu.memory_space<vmem>>, vector<16xf32>,
        tpu.vector_store %arg18[%swap3A_958, %swap3A_959], %mul3A_957 {strides = array<i32>} : memref<128x128xf32, #tpu.memory_space<vmem>>, vector<16xf32>,
        %get3A_961 = arith.index_cast %add3A_946 : i32 to index
        %get3A_962 = arith.constant 32 : index
        %get3A_963 = tpu.vector_load %arg18[%get3A_961, %get3A_962] {strides = array<i32>} : memref<128x128xf32, #tpu.memory_space<vmem>>, vector<16xf32>,
        %mul3A_964 = arith.mulf %get3A_963, %broadcast_in_dim3A_942 : vector<16xf32>
        %swap3A_965 = arith.index_cast %add3A_946 : i32 to index
        %swap3A_966 = arith.constant 32 : index
        %swap3A_967 = tpu.vector_load %arg18[%swap3A_965, %swap3A_966] {strides = array<i32>} : memref<128x128xf32, #tpu.memory_space<vmem>>, vector<16xf32>,
        tpu.vector_store %arg18[%swap3A_965, %swap3A_966], %mul3A_964 {strides = array<i32>} : memref<128x128xf32, #tpu.memory_space<vmem>>, vector<16xf32>,
        %get3A_968 = arith.index_cast %add3A_946 : i32 to index
        %get3A_969 = arith.constant 48 : index
        %get3A_970 = tpu.vector_load %arg18[%get3A_968, %get3A_969] {strides = array<i32>} : memref<128x128xf32, #tpu.memory_space<vmem>>, vector<16xf32>,
        %mul3A_971 = arith.mulf %get3A_970, %broadcast_in_dim3A_942 : vector<16xf32>
        %swap3A_972 = arith.index_cast %add3A_946 : i32 to index
        %swap3A_973 = arith.constant 48 : index
        %swap3A_974 = tpu.vector_load %arg18[%swap3A_972, %swap3A_973] {strides = array<i32>} : memref<128x128xf32, #tpu.memory_space<vmem>>, vector<16xf32>,
        tpu.vector_store %arg18[%swap3A_972, %swap3A_973], %mul3A_971 {strides = array<i32>} : memref<128x128xf32, #tpu.memory_space<vmem>>, vector<16xf32>,
        %get3A_975 = arith.index_cast %add3A_946 : i32 to index
        %get3A_976 = arith.constant 64 : index
        %get3A_977 = tpu.vector_load %arg18[%get3A_975, %get3A_976] {strides = array<i32>} : memref<128x128xf32, #tpu.memory_space<vmem>>, vector<16xf32>,
        %mul3A_978 = arith.mulf %get3A_977, %broadcast_in_dim3A_942 : vector<16xf32>
        %swap3A_979 = arith.index_cast %add3A_946 : i32 to index
        %swap3A_980 = arith.constant 64 : index
        %swap3A_981 = tpu.vector_load %arg18[%swap3A_979, %swap3A_980] {strides = array<i32>} : memref<128x128xf32, #tpu.memory_space<vmem>>, vector<16xf32>,
        tpu.vector_store %arg18[%swap3A_979, %swap3A_980], %mul3A_978 {strides = array<i32>} : memref<128x128xf32, #tpu.memory_space<vmem>>, vector<16xf32>,
        %get3A_982 = arith.index_cast %add3A_946 : i32 to index
        %get3A_983 = arith.constant 80 : index
        %get3A_984 = tpu.vector_load %arg18[%get3A_982, %get3A_983] {strides = array<i32>} : memref<128x128xf32, #tpu.memory_space<vmem>>, vector<16xf32>,
        %mul3A_985 = arith.mulf %get3A_984, %broadcast_in_dim3A_942 : vector<16xf32>
        %swap3A_986 = arith.index_cast %add3A_946 : i32 to index
        %swap3A_987 = arith.constant 80 : index
        %swap3A_988 = tpu.vector_load %arg18[%swap3A_986, %swap3A_987] {strides = array<i32>} : memref<128x128xf32, #tpu.memory_space<vmem>>, vector<16xf32>,
        tpu.vector_store %arg18[%swap3A_986, %swap3A_987], %mul3A_985 {strides = array<i32>} : memref<128x128xf32, #tpu.memory_space<vmem>>, vector<16xf32>,
        %get3A_989 = arith.index_cast %add3A_946 : i32 to index
        %get3A_990 = arith.constant 96 : index
        %get3A_991 = tpu.vector_load %arg18[%get3A_989, %get3A_990] {strides = array<i32>} : memref<128x128xf32, #tpu.memory_space<vmem>>, vector<16xf32>,
        %mul3A_992 = arith.mulf %get3A_991, %broadcast_in_dim3A_942 : vector<16xf32>
        %swap3A_993 = arith.index_cast %add3A_946 : i32 to index
        %swap3A_994 = arith.constant 96 : index
        %swap3A_995 = tpu.vector_load %arg18[%swap3A_993, %swap3A_994] {strides = array<i32>} : memref<128x128xf32, #tpu.memory_space<vmem>>, vector<16xf32>,
        tpu.vector_store %arg18[%swap3A_993, %swap3A_994], %mul3A_992 {strides = array<i32>} : memref<128x128xf32, #tpu.memory_space<vmem>>, vector<16xf32>,
        %get3A_996 = arith.index_cast %add3A_946 : i32 to index
        %get3A_997 = arith.constant 112 : index
        %get3A_998 = tpu.vector_load %arg18[%get3A_996, %get3A_997] {strides = array<i32>} : memref<128x128xf32, #tpu.memory_space<vmem>>, vector<16xf32>,
        %mul3A_999 = arith.mulf %get3A_998, %broadcast_in_dim3A_942 : vector<16xf32>
        %swap3A_1000 = arith.index_cast %add3A_946 : i32 to index
        %swap3A_1001 = arith.constant 112 : index
        %swap3A_1002 = tpu.vector_load %arg18[%swap3A_1000, %swap3A_1001] {strides = array<i32>} : memref<128x128xf32, #tpu.memory_space<vmem>>, vector<16xf32>,
        tpu.vector_store %arg18[%swap3A_1000, %swap3A_1001], %mul3A_999 {strides = array<i32>} : memref<128x128xf32, #tpu.memory_space<vmem>>, vector<16xf32>,
        %slice3A_1003 = vector.extract_strided_slice %get3A_500 {offsets = [8], sizes = [1], strides = [1]} : vector<16xf32> to vector<1xf32>
        %squeeze3A_1004 = vector.extract %slice3A_1003[0] : f32 from vector<1xf32>
        %broadcast_in_dim3A_1005 = vector.broadcast %squeeze3A_1004 : f32 to vector<16xf32>
        %mul3A_1006 = arith.constant 16 : i32
        %mul3A_1007 = arith.muli %scan3A_496, %mul3A_1006 : i32
        %add3A_1008 = arith.constant 8 : i32
        %add3A_1009 = arith.addi %mul3A_1007, %add3A_1008 : i32
        %get3A_1010 = arith.index_cast %add3A_1009 : i32 to index
        %get3A_1011 = arith.constant 0 : index
        %get3A_1012 = tpu.vector_load %arg18[%get3A_1010, %get3A_1011] {strides = array<i32>} : memref<128x128xf32, #tpu.memory_space<vmem>>, vector<16xf32>,
        %mul3A_1013 = arith.mulf %get3A_1012, %broadcast_in_dim3A_1005 : vector<16xf32>
        %swap3A_1014 = arith.index_cast %add3A_1009 : i32 to index
        %swap3A_1015 = arith.constant 0 : index
        %swap3A_1016 = tpu.vector_load %arg18[%swap3A_1014, %swap3A_1015] {strides = array<i32>} : memref<128x128xf32, #tpu.memory_space<vmem>>, vector<16xf32>,
        tpu.vector_store %arg18[%swap3A_1014, %swap3A_1015], %mul3A_1013 {strides = array<i32>} : memref<128x128xf32, #tpu.memory_space<vmem>>, vector<16xf32>,
        %get3A_1017 = arith.index_cast %add3A_1009 : i32 to index
        %get3A_1018 = arith.constant 16 : index
        %get3A_1019 = tpu.vector_load %arg18[%get3A_1017, %get3A_1018] {strides = array<i32>} : memref<128x128xf32, #tpu.memory_space<vmem>>, vector<16xf32>,
        %mul3A_1020 = arith.mulf %get3A_1019, %broadcast_in_dim3A_1005 : vector<16xf32>
        %swap3A_1021 = arith.index_cast %add3A_1009 : i32 to index
        %swap3A_1022 = arith.constant 16 : index
        %swap3A_1023 = tpu.vector_load %arg18[%swap3A_1021, %swap3A_1022] {strides = array<i32>} : memref<128x128xf32, #tpu.memory_space<vmem>>, vector<16xf32>,
        tpu.vector_store %arg18[%swap3A_1021, %swap3A_1022], %mul3A_1020 {strides = array<i32>} : memref<128x128xf32, #tpu.memory_space<vmem>>, vector<16xf32>,
        %get3A_1024 = arith.index_cast %add3A_1009 : i32 to index
        %get3A_1025 = arith.constant 32 : index
        %get3A_1026 = tpu.vector_load %arg18[%get3A_1024, %get3A_1025] {strides = array<i32>} : memref<128x128xf32, #tpu.memory_space<vmem>>, vector<16xf32>,
        %mul3A_1027 = arith.mulf %get3A_1026, %broadcast_in_dim3A_1005 : vector<16xf32>
        %swap3A_1028 = arith.index_cast %add3A_1009 : i32 to index
        %swap3A_1029 = arith.constant 32 : index
        %swap3A_1030 = tpu.vector_load %arg18[%swap3A_1028, %swap3A_1029] {strides = array<i32>} : memref<128x128xf32, #tpu.memory_space<vmem>>, vector<16xf32>,
        tpu.vector_store %arg18[%swap3A_1028, %swap3A_1029], %mul3A_1027 {strides = array<i32>} : memref<128x128xf32, #tpu.memory_space<vmem>>, vector<16xf32>,
        %get3A_1031 = arith.index_cast %add3A_1009 : i32 to index
        %get3A_1032 = arith.constant 48 : index
        %get3A_1033 = tpu.vector_load %arg18[%get3A_1031, %get3A_1032] {strides = array<i32>} : memref<128x128xf32, #tpu.memory_space<vmem>>, vector<16xf32>,
        %mul3A_1034 = arith.mulf %get3A_1033, %broadcast_in_dim3A_1005 : vector<16xf32>
        %swap3A_1035 = arith.index_cast %add3A_1009 : i32 to index
        %swap3A_1036 = arith.constant 48 : index
        %swap3A_1037 = tpu.vector_load %arg18[%swap3A_1035, %swap3A_1036] {strides = array<i32>} : memref<128x128xf32, #tpu.memory_space<vmem>>, vector<16xf32>,
        tpu.vector_store %arg18[%swap3A_1035, %swap3A_1036], %mul3A_1034 {strides = array<i32>} : memref<128x128xf32, #tpu.memory_space<vmem>>, vector<16xf32>,
        %get3A_1038 = arith.index_cast %add3A_1009 : i32 to index
        %get3A_1039 = arith.constant 64 : index
        %get3A_1040 = tpu.vector_load %arg18[%get3A_1038, %get3A_1039] {strides = array<i32>} : memref<128x128xf32, #tpu.memory_space<vmem>>, vector<16xf32>,
        %mul3A_1041 = arith.mulf %get3A_1040, %broadcast_in_dim3A_1005 : vector<16xf32>
        %swap3A_1042 = arith.index_cast %add3A_1009 : i32 to index
        %swap3A_1043 = arith.constant 64 : index
        %swap3A_1044 = tpu.vector_load %arg18[%swap3A_1042, %swap3A_1043] {strides = array<i32>} : memref<128x128xf32, #tpu.memory_space<vmem>>, vector<16xf32>,
        tpu.vector_store %arg18[%swap3A_1042, %swap3A_1043], %mul3A_1041 {strides = array<i32>} : memref<128x128xf32, #tpu.memory_space<vmem>>, vector<16xf32>,
        %get3A_1045 = arith.index_cast %add3A_1009 : i32 to index
        %get3A_1046 = arith.constant 80 : index
        %get3A_1047 = tpu.vector_load %arg18[%get3A_1045, %get3A_1046] {strides = array<i32>} : memref<128x128xf32, #tpu.memory_space<vmem>>, vector<16xf32>,
        %mul3A_1048 = arith.mulf %get3A_1047, %broadcast_in_dim3A_1005 : vector<16xf32>
        %swap3A_1049 = arith.index_cast %add3A_1009 : i32 to index
        %swap3A_1050 = arith.constant 80 : index
        %swap3A_1051 = tpu.vector_load %arg18[%swap3A_1049, %swap3A_1050] {strides = array<i32>} : memref<128x128xf32, #tpu.memory_space<vmem>>, vector<16xf32>,
        tpu.vector_store %arg18[%swap3A_1049, %swap3A_1050], %mul3A_1048 {strides = array<i32>} : memref<128x128xf32, #tpu.memory_space<vmem>>, vector<16xf32>,
        %get3A_1052 = arith.index_cast %add3A_1009 : i32 to index
        %get3A_1053 = arith.constant 96 : index
        %get3A_1054 = tpu.vector_load %arg18[%get3A_1052, %get3A_1053] {strides = array<i32>} : memref<128x128xf32, #tpu.memory_space<vmem>>, vector<16xf32>,
        %mul3A_1055 = arith.mulf %get3A_1054, %broadcast_in_dim3A_1005 : vector<16xf32>
        %swap3A_1056 = arith.index_cast %add3A_1009 : i32 to index
        %swap3A_1057 = arith.constant 96 : index
        %swap3A_1058 = tpu.vector_load %arg18[%swap3A_1056, %swap3A_1057] {strides = array<i32>} : memref<128x128xf32, #tpu.memory_space<vmem>>, vector<16xf32>,
        tpu.vector_store %arg18[%swap3A_1056, %swap3A_1057], %mul3A_1055 {strides = array<i32>} : memref<128x128xf32, #tpu.memory_space<vmem>>, vector<16xf32>,
        %get3A_1059 = arith.index_cast %add3A_1009 : i32 to index
        %get3A_1060 = arith.constant 112 : index
        %get3A_1061 = tpu.vector_load %arg18[%get3A_1059, %get3A_1060] {strides = array<i32>} : memref<128x128xf32, #tpu.memory_space<vmem>>, vector<16xf32>,
        %mul3A_1062 = arith.mulf %get3A_1061, %broadcast_in_dim3A_1005 : vector<16xf32>
        %swap3A_1063 = arith.index_cast %add3A_1009 : i32 to index
        %swap3A_1064 = arith.constant 112 : index
        %swap3A_1065 = tpu.vector_load %arg18[%swap3A_1063, %swap3A_1064] {strides = array<i32>} : memref<128x128xf32, #tpu.memory_space<vmem>>, vector<16xf32>,
        tpu.vector_store %arg18[%swap3A_1063, %swap3A_1064], %mul3A_1062 {strides = array<i32>} : memref<128x128xf32, #tpu.memory_space<vmem>>, vector<16xf32>,
        %slice3A_1066 = vector.extract_strided_slice %get3A_500 {offsets = [9], sizes = [1], strides = [1]} : vector<16xf32> to vector<1xf32>
        %squeeze3A_1067 = vector.extract %slice3A_1066[0] : f32 from vector<1xf32>
        %broadcast_in_dim3A_1068 = vector.broadcast %squeeze3A_1067 : f32 to vector<16xf32>
        %mul3A_1069 = arith.constant 16 : i32
        %mul3A_1070 = arith.muli %scan3A_496, %mul3A_1069 : i32
        %add3A_1071 = arith.constant 9 : i32
        %add3A_1072 = arith.addi %mul3A_1070, %add3A_1071 : i32
        %get3A_1073 = arith.index_cast %add3A_1072 : i32 to index
        %get3A_1074 = arith.constant 0 : index
        %get3A_1075 = tpu.vector_load %arg18[%get3A_1073, %get3A_1074] {strides = array<i32>} : memref<128x128xf32, #tpu.memory_space<vmem>>, vector<16xf32>,
        %mul3A_1076 = arith.mulf %get3A_1075, %broadcast_in_dim3A_1068 : vector<16xf32>
        %swap3A_1077 = arith.index_cast %add3A_1072 : i32 to index
        %swap3A_1078 = arith.constant 0 : index
        %swap3A_1079 = tpu.vector_load %arg18[%swap3A_1077, %swap3A_1078] {strides = array<i32>} : memref<128x128xf32, #tpu.memory_space<vmem>>, vector<16xf32>,
        tpu.vector_store %arg18[%swap3A_1077, %swap3A_1078], %mul3A_1076 {strides = array<i32>} : memref<128x128xf32, #tpu.memory_space<vmem>>, vector<16xf32>,
        %get3A_1080 = arith.index_cast %add3A_1072 : i32 to index
        %get3A_1081 = arith.constant 16 : index
        %get3A_1082 = tpu.vector_load %arg18[%get3A_1080, %get3A_1081] {strides = array<i32>} : memref<128x128xf32, #tpu.memory_space<vmem>>, vector<16xf32>,
        %mul3A_1083 = arith.mulf %get3A_1082, %broadcast_in_dim3A_1068 : vector<16xf32>
        %swap3A_1084 = arith.index_cast %add3A_1072 : i32 to index
        %swap3A_1085 = arith.constant 16 : index
        %swap3A_1086 = tpu.vector_load %arg18[%swap3A_1084, %swap3A_1085] {strides = array<i32>} : memref<128x128xf32, #tpu.memory_space<vmem>>, vector<16xf32>,
        tpu.vector_store %arg18[%swap3A_1084, %swap3A_1085], %mul3A_1083 {strides = array<i32>} : memref<128x128xf32, #tpu.memory_space<vmem>>, vector<16xf32>,
        %get3A_1087 = arith.index_cast %add3A_1072 : i32 to index
        %get3A_1088 = arith.constant 32 : index
        %get3A_1089 = tpu.vector_load %arg18[%get3A_1087, %get3A_1088] {strides = array<i32>} : memref<128x128xf32, #tpu.memory_space<vmem>>, vector<16xf32>,
        %mul3A_1090 = arith.mulf %get3A_1089, %broadcast_in_dim3A_1068 : vector<16xf32>
        %swap3A_1091 = arith.index_cast %add3A_1072 : i32 to index
        %swap3A_1092 = arith.constant 32 : index
        %swap3A_1093 = tpu.vector_load %arg18[%swap3A_1091, %swap3A_1092] {strides = array<i32>} : memref<128x128xf32, #tpu.memory_space<vmem>>, vector<16xf32>,
        tpu.vector_store %arg18[%swap3A_1091, %swap3A_1092], %mul3A_1090 {strides = array<i32>} : memref<128x128xf32, #tpu.memory_space<vmem>>, vector<16xf32>,
        %get3A_1094 = arith.index_cast %add3A_1072 : i32 to index
        %get3A_1095 = arith.constant 48 : index
        %get3A_1096 = tpu.vector_load %arg18[%get3A_1094, %get3A_1095] {strides = array<i32>} : memref<128x128xf32, #tpu.memory_space<vmem>>, vector<16xf32>,
        %mul3A_1097 = arith.mulf %get3A_1096, %broadcast_in_dim3A_1068 : vector<16xf32>
        %swap3A_1098 = arith.index_cast %add3A_1072 : i32 to index
        %swap3A_1099 = arith.constant 48 : index
        %swap3A_1100 = tpu.vector_load %arg18[%swap3A_1098, %swap3A_1099] {strides = array<i32>} : memref<128x128xf32, #tpu.memory_space<vmem>>, vector<16xf32>,
        tpu.vector_store %arg18[%swap3A_1098, %swap3A_1099], %mul3A_1097 {strides = array<i32>} : memref<128x128xf32, #tpu.memory_space<vmem>>, vector<16xf32>,
        %get3A_1101 = arith.index_cast %add3A_1072 : i32 to index
        %get3A_1102 = arith.constant 64 : index
        %get3A_1103 = tpu.vector_load %arg18[%get3A_1101, %get3A_1102] {strides = array<i32>} : memref<128x128xf32, #tpu.memory_space<vmem>>, vector<16xf32>,
        %mul3A_1104 = arith.mulf %get3A_1103, %broadcast_in_dim3A_1068 : vector<16xf32>
        %swap3A_1105 = arith.index_cast %add3A_1072 : i32 to index
        %swap3A_1106 = arith.constant 64 : index
        %swap3A_1107 = tpu.vector_load %arg18[%swap3A_1105, %swap3A_1106] {strides = array<i32>} : memref<128x128xf32, #tpu.memory_space<vmem>>, vector<16xf32>,
        tpu.vector_store %arg18[%swap3A_1105, %swap3A_1106], %mul3A_1104 {strides = array<i32>} : memref<128x128xf32, #tpu.memory_space<vmem>>, vector<16xf32>,
        %get3A_1108 = arith.index_cast %add3A_1072 : i32 to index
        %get3A_1109 = arith.constant 80 : index
        %get3A_1110 = tpu.vector_load %arg18[%get3A_1108, %get3A_1109] {strides = array<i32>} : memref<128x128xf32, #tpu.memory_space<vmem>>, vector<16xf32>,
        %mul3A_1111 = arith.mulf %get3A_1110, %broadcast_in_dim3A_1068 : vector<16xf32>
        %swap3A_1112 = arith.index_cast %add3A_1072 : i32 to index
        %swap3A_1113 = arith.constant 80 : index
        %swap3A_1114 = tpu.vector_load %arg18[%swap3A_1112, %swap3A_1113] {strides = array<i32>} : memref<128x128xf32, #tpu.memory_space<vmem>>, vector<16xf32>,
        tpu.vector_store %arg18[%swap3A_1112, %swap3A_1113], %mul3A_1111 {strides = array<i32>} : memref<128x128xf32, #tpu.memory_space<vmem>>, vector<16xf32>,
        %get3A_1115 = arith.index_cast %add3A_1072 : i32 to index
        %get3A_1116 = arith.constant 96 : index
        %get3A_1117 = tpu.vector_load %arg18[%get3A_1115, %get3A_1116] {strides = array<i32>} : memref<128x128xf32, #tpu.memory_space<vmem>>, vector<16xf32>,
        %mul3A_1118 = arith.mulf %get3A_1117, %broadcast_in_dim3A_1068 : vector<16xf32>
        %swap3A_1119 = arith.index_cast %add3A_1072 : i32 to index
        %swap3A_1120 = arith.constant 96 : index
        %swap3A_1121 = tpu.vector_load %arg18[%swap3A_1119, %swap3A_1120] {strides = array<i32>} : memref<128x128xf32, #tpu.memory_space<vmem>>, vector<16xf32>,
        tpu.vector_store %arg18[%swap3A_1119, %swap3A_1120], %mul3A_1118 {strides = array<i32>} : memref<128x128xf32, #tpu.memory_space<vmem>>, vector<16xf32>,
        %get3A_1122 = arith.index_cast %add3A_1072 : i32 to index
        %get3A_1123 = arith.constant 112 : index
        %get3A_1124 = tpu.vector_load %arg18[%get3A_1122, %get3A_1123] {strides = array<i32>} : memref<128x128xf32, #tpu.memory_space<vmem>>, vector<16xf32>,
        %mul3A_1125 = arith.mulf %get3A_1124, %broadcast_in_dim3A_1068 : vector<16xf32>
        %swap3A_1126 = arith.index_cast %add3A_1072 : i32 to index
        %swap3A_1127 = arith.constant 112 : index
        %swap3A_1128 = tpu.vector_load %arg18[%swap3A_1126, %swap3A_1127] {strides = array<i32>} : memref<128x128xf32, #tpu.memory_space<vmem>>, vector<16xf32>,
        tpu.vector_store %arg18[%swap3A_1126, %swap3A_1127], %mul3A_1125 {strides = array<i32>} : memref<128x128xf32, #tpu.memory_space<vmem>>, vector<16xf32>,
        %slice3A_1129 = vector.extract_strided_slice %get3A_500 {offsets = [10], sizes = [1], strides = [1]} : vector<16xf32> to vector<1xf32>
        %squeeze3A_1130 = vector.extract %slice3A_1129[0] : f32 from vector<1xf32>
        %broadcast_in_dim3A_1131 = vector.broadcast %squeeze3A_1130 : f32 to vector<16xf32>
        %mul3A_1132 = arith.constant 16 : i32
        %mul3A_1133 = arith.muli %scan3A_496, %mul3A_1132 : i32
        %add3A_1134 = arith.constant 10 : i32
        %add3A_1135 = arith.addi %mul3A_1133, %add3A_1134 : i32
        %get3A_1136 = arith.index_cast %add3A_1135 : i32 to index
        %get3A_1137 = arith.constant 0 : index
        %get3A_1138 = tpu.vector_load %arg18[%get3A_1136, %get3A_1137] {strides = array<i32>} : memref<128x128xf32, #tpu.memory_space<vmem>>, vector<16xf32>,
        %mul3A_1139 = arith.mulf %get3A_1138, %broadcast_in_dim3A_1131 : vector<16xf32>
        %swap3A_1140 = arith.index_cast %add3A_1135 : i32 to index
        %swap3A_1141 = arith.constant 0 : index
        %swap3A_1142 = tpu.vector_load %arg18[%swap3A_1140, %swap3A_1141] {strides = array<i32>} : memref<128x128xf32, #tpu.memory_space<vmem>>, vector<16xf32>,
        tpu.vector_store %arg18[%swap3A_1140, %swap3A_1141], %mul3A_1139 {strides = array<i32>} : memref<128x128xf32, #tpu.memory_space<vmem>>, vector<16xf32>,
        %get3A_1143 = arith.index_cast %add3A_1135 : i32 to index
        %get3A_1144 = arith.constant 16 : index
        %get3A_1145 = tpu.vector_load %arg18[%get3A_1143, %get3A_1144] {strides = array<i32>} : memref<128x128xf32, #tpu.memory_space<vmem>>, vector<16xf32>,
        %mul3A_1146 = arith.mulf %get3A_1145, %broadcast_in_dim3A_1131 : vector<16xf32>
        %swap3A_1147 = arith.index_cast %add3A_1135 : i32 to index
        %swap3A_1148 = arith.constant 16 : index
        %swap3A_1149 = tpu.vector_load %arg18[%swap3A_1147, %swap3A_1148] {strides = array<i32>} : memref<128x128xf32, #tpu.memory_space<vmem>>, vector<16xf32>,
        tpu.vector_store %arg18[%swap3A_1147, %swap3A_1148], %mul3A_1146 {strides = array<i32>} : memref<128x128xf32, #tpu.memory_space<vmem>>, vector<16xf32>,
        %get3A_1150 = arith.index_cast %add3A_1135 : i32 to index
        %get3A_1151 = arith.constant 32 : index
        %get3A_1152 = tpu.vector_load %arg18[%get3A_1150, %get3A_1151] {strides = array<i32>} : memref<128x128xf32, #tpu.memory_space<vmem>>, vector<16xf32>,
        %mul3A_1153 = arith.mulf %get3A_1152, %broadcast_in_dim3A_1131 : vector<16xf32>
        %swap3A_1154 = arith.index_cast %add3A_1135 : i32 to index
        %swap3A_1155 = arith.constant 32 : index
        %swap3A_1156 = tpu.vector_load %arg18[%swap3A_1154, %swap3A_1155] {strides = array<i32>} : memref<128x128xf32, #tpu.memory_space<vmem>>, vector<16xf32>,
        tpu.vector_store %arg18[%swap3A_1154, %swap3A_1155], %mul3A_1153 {strides = array<i32>} : memref<128x128xf32, #tpu.memory_space<vmem>>, vector<16xf32>,
        %get3A_1157 = arith.index_cast %add3A_1135 : i32 to index
        %get3A_1158 = arith.constant 48 : index
        %get3A_1159 = tpu.vector_load %arg18[%get3A_1157, %get3A_1158] {strides = array<i32>} : memref<128x128xf32, #tpu.memory_space<vmem>>, vector<16xf32>,
        %mul3A_1160 = arith.mulf %get3A_1159, %broadcast_in_dim3A_1131 : vector<16xf32>
        %swap3A_1161 = arith.index_cast %add3A_1135 : i32 to index
        %swap3A_1162 = arith.constant 48 : index
        %swap3A_1163 = tpu.vector_load %arg18[%swap3A_1161, %swap3A_1162] {strides = array<i32>} : memref<128x128xf32, #tpu.memory_space<vmem>>, vector<16xf32>,
        tpu.vector_store %arg18[%swap3A_1161, %swap3A_1162], %mul3A_1160 {strides = array<i32>} : memref<128x128xf32, #tpu.memory_space<vmem>>, vector<16xf32>,
        %get3A_1164 = arith.index_cast %add3A_1135 : i32 to index
        %get3A_1165 = arith.constant 64 : index
        %get3A_1166 = tpu.vector_load %arg18[%get3A_1164, %get3A_1165] {strides = array<i32>} : memref<128x128xf32, #tpu.memory_space<vmem>>, vector<16xf32>,
        %mul3A_1167 = arith.mulf %get3A_1166, %broadcast_in_dim3A_1131 : vector<16xf32>
        %swap3A_1168 = arith.index_cast %add3A_1135 : i32 to index
        %swap3A_1169 = arith.constant 64 : index
        %swap3A_1170 = tpu.vector_load %arg18[%swap3A_1168, %swap3A_1169] {strides = array<i32>} : memref<128x128xf32, #tpu.memory_space<vmem>>, vector<16xf32>,
        tpu.vector_store %arg18[%swap3A_1168, %swap3A_1169], %mul3A_1167 {strides = array<i32>} : memref<128x128xf32, #tpu.memory_space<vmem>>, vector<16xf32>,
        %get3A_1171 = arith.index_cast %add3A_1135 : i32 to index
        %get3A_1172 = arith.constant 80 : index
        %get3A_1173 = tpu.vector_load %arg18[%get3A_1171, %get3A_1172] {strides = array<i32>} : memref<128x128xf32, #tpu.memory_space<vmem>>, vector<16xf32>,
        %mul3A_1174 = arith.mulf %get3A_1173, %broadcast_in_dim3A_1131 : vector<16xf32>
        %swap3A_1175 = arith.index_cast %add3A_1135 : i32 to index
        %swap3A_1176 = arith.constant 80 : index
        %swap3A_1177 = tpu.vector_load %arg18[%swap3A_1175, %swap3A_1176] {strides = array<i32>} : memref<128x128xf32, #tpu.memory_space<vmem>>, vector<16xf32>,
        tpu.vector_store %arg18[%swap3A_1175, %swap3A_1176], %mul3A_1174 {strides = array<i32>} : memref<128x128xf32, #tpu.memory_space<vmem>>, vector<16xf32>,
        %get3A_1178 = arith.index_cast %add3A_1135 : i32 to index
        %get3A_1179 = arith.constant 96 : index
        %get3A_1180 = tpu.vector_load %arg18[%get3A_1178, %get3A_1179] {strides = array<i32>} : memref<128x128xf32, #tpu.memory_space<vmem>>, vector<16xf32>,
        %mul3A_1181 = arith.mulf %get3A_1180, %broadcast_in_dim3A_1131 : vector<16xf32>
        %swap3A_1182 = arith.index_cast %add3A_1135 : i32 to index
        %swap3A_1183 = arith.constant 96 : index
        %swap3A_1184 = tpu.vector_load %arg18[%swap3A_1182, %swap3A_1183] {strides = array<i32>} : memref<128x128xf32, #tpu.memory_space<vmem>>, vector<16xf32>,
        tpu.vector_store %arg18[%swap3A_1182, %swap3A_1183], %mul3A_1181 {strides = array<i32>} : memref<128x128xf32, #tpu.memory_space<vmem>>, vector<16xf32>,
        %get3A_1185 = arith.index_cast %add3A_1135 : i32 to index
        %get3A_1186 = arith.constant 112 : index
        %get3A_1187 = tpu.vector_load %arg18[%get3A_1185, %get3A_1186] {strides = array<i32>} : memref<128x128xf32, #tpu.memory_space<vmem>>, vector<16xf32>,
        %mul3A_1188 = arith.mulf %get3A_1187, %broadcast_in_dim3A_1131 : vector<16xf32>
        %swap3A_1189 = arith.index_cast %add3A_1135 : i32 to index
        %swap3A_1190 = arith.constant 112 : index
        %swap3A_1191 = tpu.vector_load %arg18[%swap3A_1189, %swap3A_1190] {strides = array<i32>} : memref<128x128xf32, #tpu.memory_space<vmem>>, vector<16xf32>,
        tpu.vector_store %arg18[%swap3A_1189, %swap3A_1190], %mul3A_1188 {strides = array<i32>} : memref<128x128xf32, #tpu.memory_space<vmem>>, vector<16xf32>,
        %slice3A_1192 = vector.extract_strided_slice %get3A_500 {offsets = [11], sizes = [1], strides = [1]} : vector<16xf32> to vector<1xf32>
        %squeeze3A_1193 = vector.extract %slice3A_1192[0] : f32 from vector<1xf32>
        %broadcast_in_dim3A_1194 = vector.broadcast %squeeze3A_1193 : f32 to vector<16xf32>
        %mul3A_1195 = arith.constant 16 : i32
        %mul3A_1196 = arith.muli %scan3A_496, %mul3A_1195 : i32
        %add3A_1197 = arith.constant 11 : i32
        %add3A_1198 = arith.addi %mul3A_1196, %add3A_1197 : i32
        %get3A_1199 = arith.index_cast %add3A_1198 : i32 to index
        %get3A_1200 = arith.constant 0 : index
        %get3A_1201 = tpu.vector_load %arg18[%get3A_1199, %get3A_1200] {strides = array<i32>} : memref<128x128xf32, #tpu.memory_space<vmem>>, vector<16xf32>,
        %mul3A_1202 = arith.mulf %get3A_1201, %broadcast_in_dim3A_1194 : vector<16xf32>
        %swap3A_1203 = arith.index_cast %add3A_1198 : i32 to index
        %swap3A_1204 = arith.constant 0 : index
        %swap3A_1205 = tpu.vector_load %arg18[%swap3A_1203, %swap3A_1204] {strides = array<i32>} : memref<128x128xf32, #tpu.memory_space<vmem>>, vector<16xf32>,
        tpu.vector_store %arg18[%swap3A_1203, %swap3A_1204], %mul3A_1202 {strides = array<i32>} : memref<128x128xf32, #tpu.memory_space<vmem>>, vector<16xf32>,
        %get3A_1206 = arith.index_cast %add3A_1198 : i32 to index
        %get3A_1207 = arith.constant 16 : index
        %get3A_1208 = tpu.vector_load %arg18[%get3A_1206, %get3A_1207] {strides = array<i32>} : memref<128x128xf32, #tpu.memory_space<vmem>>, vector<16xf32>,
        %mul3A_1209 = arith.mulf %get3A_1208, %broadcast_in_dim3A_1194 : vector<16xf32>
        %swap3A_1210 = arith.index_cast %add3A_1198 : i32 to index
        %swap3A_1211 = arith.constant 16 : index
        %swap3A_1212 = tpu.vector_load %arg18[%swap3A_1210, %swap3A_1211] {strides = array<i32>} : memref<128x128xf32, #tpu.memory_space<vmem>>, vector<16xf32>,
        tpu.vector_store %arg18[%swap3A_1210, %swap3A_1211], %mul3A_1209 {strides = array<i32>} : memref<128x128xf32, #tpu.memory_space<vmem>>, vector<16xf32>,
        %get3A_1213 = arith.index_cast %add3A_1198 : i32 to index
        %get3A_1214 = arith.constant 32 : index
        %get3A_1215 = tpu.vector_load %arg18[%get3A_1213, %get3A_1214] {strides = array<i32>} : memref<128x128xf32, #tpu.memory_space<vmem>>, vector<16xf32>,
        %mul3A_1216 = arith.mulf %get3A_1215, %broadcast_in_dim3A_1194 : vector<16xf32>
        %swap3A_1217 = arith.index_cast %add3A_1198 : i32 to index
        %swap3A_1218 = arith.constant 32 : index
        %swap3A_1219 = tpu.vector_load %arg18[%swap3A_1217, %swap3A_1218] {strides = array<i32>} : memref<128x128xf32, #tpu.memory_space<vmem>>, vector<16xf32>,
        tpu.vector_store %arg18[%swap3A_1217, %swap3A_1218], %mul3A_1216 {strides = array<i32>} : memref<128x128xf32, #tpu.memory_space<vmem>>, vector<16xf32>,
        %get3A_1220 = arith.index_cast %add3A_1198 : i32 to index
        %get3A_1221 = arith.constant 48 : index
        %get3A_1222 = tpu.vector_load %arg18[%get3A_1220, %get3A_1221] {strides = array<i32>} : memref<128x128xf32, #tpu.memory_space<vmem>>, vector<16xf32>,
        %mul3A_1223 = arith.mulf %get3A_1222, %broadcast_in_dim3A_1194 : vector<16xf32>
        %swap3A_1224 = arith.index_cast %add3A_1198 : i32 to index
        %swap3A_1225 = arith.constant 48 : index
        %swap3A_1226 = tpu.vector_load %arg18[%swap3A_1224, %swap3A_1225] {strides = array<i32>} : memref<128x128xf32, #tpu.memory_space<vmem>>, vector<16xf32>,
        tpu.vector_store %arg18[%swap3A_1224, %swap3A_1225], %mul3A_1223 {strides = array<i32>} : memref<128x128xf32, #tpu.memory_space<vmem>>, vector<16xf32>,
        %get3A_1227 = arith.index_cast %add3A_1198 : i32 to index
        %get3A_1228 = arith.constant 64 : index
        %get3A_1229 = tpu.vector_load %arg18[%get3A_1227, %get3A_1228] {strides = array<i32>} : memref<128x128xf32, #tpu.memory_space<vmem>>, vector<16xf32>,
        %mul3A_1230 = arith.mulf %get3A_1229, %broadcast_in_dim3A_1194 : vector<16xf32>
        %swap3A_1231 = arith.index_cast %add3A_1198 : i32 to index
        %swap3A_1232 = arith.constant 64 : index
        %swap3A_1233 = tpu.vector_load %arg18[%swap3A_1231, %swap3A_1232] {strides = array<i32>} : memref<128x128xf32, #tpu.memory_space<vmem>>, vector<16xf32>,
        tpu.vector_store %arg18[%swap3A_1231, %swap3A_1232], %mul3A_1230 {strides = array<i32>} : memref<128x128xf32, #tpu.memory_space<vmem>>, vector<16xf32>,
        %get3A_1234 = arith.index_cast %add3A_1198 : i32 to index
        %get3A_1235 = arith.constant 80 : index
        %get3A_1236 = tpu.vector_load %arg18[%get3A_1234, %get3A_1235] {strides = array<i32>} : memref<128x128xf32, #tpu.memory_space<vmem>>, vector<16xf32>,
        %mul3A_1237 = arith.mulf %get3A_1236, %broadcast_in_dim3A_1194 : vector<16xf32>
        %swap3A_1238 = arith.index_cast %add3A_1198 : i32 to index
        %swap3A_1239 = arith.constant 80 : index
        %swap3A_1240 = tpu.vector_load %arg18[%swap3A_1238, %swap3A_1239] {strides = array<i32>} : memref<128x128xf32, #tpu.memory_space<vmem>>, vector<16xf32>,
        tpu.vector_store %arg18[%swap3A_1238, %swap3A_1239], %mul3A_1237 {strides = array<i32>} : memref<128x128xf32, #tpu.memory_space<vmem>>, vector<16xf32>,
        %get3A_1241 = arith.index_cast %add3A_1198 : i32 to index
        %get3A_1242 = arith.constant 96 : index
        %get3A_1243 = tpu.vector_load %arg18[%get3A_1241, %get3A_1242] {strides = array<i32>} : memref<128x128xf32, #tpu.memory_space<vmem>>, vector<16xf32>,
        %mul3A_1244 = arith.mulf %get3A_1243, %broadcast_in_dim3A_1194 : vector<16xf32>
        %swap3A_1245 = arith.index_cast %add3A_1198 : i32 to index
        %swap3A_1246 = arith.constant 96 : index
        %swap3A_1247 = tpu.vector_load %arg18[%swap3A_1245, %swap3A_1246] {strides = array<i32>} : memref<128x128xf32, #tpu.memory_space<vmem>>, vector<16xf32>,
        tpu.vector_store %arg18[%swap3A_1245, %swap3A_1246], %mul3A_1244 {strides = array<i32>} : memref<128x128xf32, #tpu.memory_space<vmem>>, vector<16xf32>,
        %get3A_1248 = arith.index_cast %add3A_1198 : i32 to index
        %get3A_1249 = arith.constant 112 : index
        %get3A_1250 = tpu.vector_load %arg18[%get3A_1248, %get3A_1249] {strides = array<i32>} : memref<128x128xf32, #tpu.memory_space<vmem>>, vector<16xf32>,
        %mul3A_1251 = arith.mulf %get3A_1250, %broadcast_in_dim3A_1194 : vector<16xf32>
        %swap3A_1252 = arith.index_cast %add3A_1198 : i32 to index
        %swap3A_1253 = arith.constant 112 : index
        %swap3A_1254 = tpu.vector_load %arg18[%swap3A_1252, %swap3A_1253] {strides = array<i32>} : memref<128x128xf32, #tpu.memory_space<vmem>>, vector<16xf32>,
        tpu.vector_store %arg18[%swap3A_1252, %swap3A_1253], %mul3A_1251 {strides = array<i32>} : memref<128x128xf32, #tpu.memory_space<vmem>>, vector<16xf32>,
        %slice3A_1255 = vector.extract_strided_slice %get3A_500 {offsets = [12], sizes = [1], strides = [1]} : vector<16xf32> to vector<1xf32>
        %squeeze3A_1256 = vector.extract %slice3A_1255[0] : f32 from vector<1xf32>
        %broadcast_in_dim3A_1257 = vector.broadcast %squeeze3A_1256 : f32 to vector<16xf32>
        %mul3A_1258 = arith.constant 16 : i32
        %mul3A_1259 = arith.muli %scan3A_496, %mul3A_1258 : i32
        %add3A_1260 = arith.constant 12 : i32
        %add3A_1261 = arith.addi %mul3A_1259, %add3A_1260 : i32
        %get3A_1262 = arith.index_cast %add3A_1261 : i32 to index
        %get3A_1263 = arith.constant 0 : index
        %get3A_1264 = tpu.vector_load %arg18[%get3A_1262, %get3A_1263] {strides = array<i32>} : memref<128x128xf32, #tpu.memory_space<vmem>>, vector<16xf32>,
        %mul3A_1265 = arith.mulf %get3A_1264, %broadcast_in_dim3A_1257 : vector<16xf32>
        %swap3A_1266 = arith.index_cast %add3A_1261 : i32 to index
        %swap3A_1267 = arith.constant 0 : index
        %swap3A_1268 = tpu.vector_load %arg18[%swap3A_1266, %swap3A_1267] {strides = array<i32>} : memref<128x128xf32, #tpu.memory_space<vmem>>, vector<16xf32>,
        tpu.vector_store %arg18[%swap3A_1266, %swap3A_1267], %mul3A_1265 {strides = array<i32>} : memref<128x128xf32, #tpu.memory_space<vmem>>, vector<16xf32>,
        %get3A_1269 = arith.index_cast %add3A_1261 : i32 to index
        %get3A_1270 = arith.constant 16 : index
        %get3A_1271 = tpu.vector_load %arg18[%get3A_1269, %get3A_1270] {strides = array<i32>} : memref<128x128xf32, #tpu.memory_space<vmem>>, vector<16xf32>,
        %mul3A_1272 = arith.mulf %get3A_1271, %broadcast_in_dim3A_1257 : vector<16xf32>
        %swap3A_1273 = arith.index_cast %add3A_1261 : i32 to index
        %swap3A_1274 = arith.constant 16 : index
        %swap3A_1275 = tpu.vector_load %arg18[%swap3A_1273, %swap3A_1274] {strides = array<i32>} : memref<128x128xf32, #tpu.memory_space<vmem>>, vector<16xf32>,
        tpu.vector_store %arg18[%swap3A_1273, %swap3A_1274], %mul3A_1272 {strides = array<i32>} : memref<128x128xf32, #tpu.memory_space<vmem>>, vector<16xf32>,
        %get3A_1276 = arith.index_cast %add3A_1261 : i32 to index
        %get3A_1277 = arith.constant 32 : index
        %get3A_1278 = tpu.vector_load %arg18[%get3A_1276, %get3A_1277] {strides = array<i32>} : memref<128x128xf32, #tpu.memory_space<vmem>>, vector<16xf32>,
        %mul3A_1279 = arith.mulf %get3A_1278, %broadcast_in_dim3A_1257 : vector<16xf32>
        %swap3A_1280 = arith.index_cast %add3A_1261 : i32 to index
        %swap3A_1281 = arith.constant 32 : index
        %swap3A_1282 = tpu.vector_load %arg18[%swap3A_1280, %swap3A_1281] {strides = array<i32>} : memref<128x128xf32, #tpu.memory_space<vmem>>, vector<16xf32>,
        tpu.vector_store %arg18[%swap3A_1280, %swap3A_1281], %mul3A_1279 {strides = array<i32>} : memref<128x128xf32, #tpu.memory_space<vmem>>, vector<16xf32>,
        %get3A_1283 = arith.index_cast %add3A_1261 : i32 to index
        %get3A_1284 = arith.constant 48 : index
        %get3A_1285 = tpu.vector_load %arg18[%get3A_1283, %get3A_1284] {strides = array<i32>} : memref<128x128xf32, #tpu.memory_space<vmem>>, vector<16xf32>,
        %mul3A_1286 = arith.mulf %get3A_1285, %broadcast_in_dim3A_1257 : vector<16xf32>
        %swap3A_1287 = arith.index_cast %add3A_1261 : i32 to index
        %swap3A_1288 = arith.constant 48 : index
        %swap3A_1289 = tpu.vector_load %arg18[%swap3A_1287, %swap3A_1288] {strides = array<i32>} : memref<128x128xf32, #tpu.memory_space<vmem>>, vector<16xf32>,
        tpu.vector_store %arg18[%swap3A_1287, %swap3A_1288], %mul3A_1286 {strides = array<i32>} : memref<128x128xf32, #tpu.memory_space<vmem>>, vector<16xf32>,
        %get3A_1290 = arith.index_cast %add3A_1261 : i32 to index
        %get3A_1291 = arith.constant 64 : index
        %get3A_1292 = tpu.vector_load %arg18[%get3A_1290, %get3A_1291] {strides = array<i32>} : memref<128x128xf32, #tpu.memory_space<vmem>>, vector<16xf32>,
        %mul3A_1293 = arith.mulf %get3A_1292, %broadcast_in_dim3A_1257 : vector<16xf32>
        %swap3A_1294 = arith.index_cast %add3A_1261 : i32 to index
        %swap3A_1295 = arith.constant 64 : index
        %swap3A_1296 = tpu.vector_load %arg18[%swap3A_1294, %swap3A_1295] {strides = array<i32>} : memref<128x128xf32, #tpu.memory_space<vmem>>, vector<16xf32>,
        tpu.vector_store %arg18[%swap3A_1294, %swap3A_1295], %mul3A_1293 {strides = array<i32>} : memref<128x128xf32, #tpu.memory_space<vmem>>, vector<16xf32>,
        %get3A_1297 = arith.index_cast %add3A_1261 : i32 to index
        %get3A_1298 = arith.constant 80 : index
        %get3A_1299 = tpu.vector_load %arg18[%get3A_1297, %get3A_1298] {strides = array<i32>} : memref<128x128xf32, #tpu.memory_space<vmem>>, vector<16xf32>,
        %mul3A_1300 = arith.mulf %get3A_1299, %broadcast_in_dim3A_1257 : vector<16xf32>
        %swap3A_1301 = arith.index_cast %add3A_1261 : i32 to index
        %swap3A_1302 = arith.constant 80 : index
        %swap3A_1303 = tpu.vector_load %arg18[%swap3A_1301, %swap3A_1302] {strides = array<i32>} : memref<128x128xf32, #tpu.memory_space<vmem>>, vector<16xf32>,
        tpu.vector_store %arg18[%swap3A_1301, %swap3A_1302], %mul3A_1300 {strides = array<i32>} : memref<128x128xf32, #tpu.memory_space<vmem>>, vector<16xf32>,
        %get3A_1304 = arith.index_cast %add3A_1261 : i32 to index
        %get3A_1305 = arith.constant 96 : index
        %get3A_1306 = tpu.vector_load %arg18[%get3A_1304, %get3A_1305] {strides = array<i32>} : memref<128x128xf32, #tpu.memory_space<vmem>>, vector<16xf32>,
        %mul3A_1307 = arith.mulf %get3A_1306, %broadcast_in_dim3A_1257 : vector<16xf32>
        %swap3A_1308 = arith.index_cast %add3A_1261 : i32 to index
        %swap3A_1309 = arith.constant 96 : index
        %swap3A_1310 = tpu.vector_load %arg18[%swap3A_1308, %swap3A_1309] {strides = array<i32>} : memref<128x128xf32, #tpu.memory_space<vmem>>, vector<16xf32>,
        tpu.vector_store %arg18[%swap3A_1308, %swap3A_1309], %mul3A_1307 {strides = array<i32>} : memref<128x128xf32, #tpu.memory_space<vmem>>, vector<16xf32>,
        %get3A_1311 = arith.index_cast %add3A_1261 : i32 to index
        %get3A_1312 = arith.constant 112 : index
        %get3A_1313 = tpu.vector_load %arg18[%get3A_1311, %get3A_1312] {strides = array<i32>} : memref<128x128xf32, #tpu.memory_space<vmem>>, vector<16xf32>,
        %mul3A_1314 = arith.mulf %get3A_1313, %broadcast_in_dim3A_1257 : vector<16xf32>
        %swap3A_1315 = arith.index_cast %add3A_1261 : i32 to index
        %swap3A_1316 = arith.constant 112 : index
        %swap3A_1317 = tpu.vector_load %arg18[%swap3A_1315, %swap3A_1316] {strides = array<i32>} : memref<128x128xf32, #tpu.memory_space<vmem>>, vector<16xf32>,
        tpu.vector_store %arg18[%swap3A_1315, %swap3A_1316], %mul3A_1314 {strides = array<i32>} : memref<128x128xf32, #tpu.memory_space<vmem>>, vector<16xf32>,
        %slice3A_1318 = vector.extract_strided_slice %get3A_500 {offsets = [13], sizes = [1], strides = [1]} : vector<16xf32> to vector<1xf32>
        %squeeze3A_1319 = vector.extract %slice3A_1318[0] : f32 from vector<1xf32>
        %broadcast_in_dim3A_1320 = vector.broadcast %squeeze3A_1319 : f32 to vector<16xf32>
        %mul3A_1321 = arith.constant 16 : i32
        %mul3A_1322 = arith.muli %scan3A_496, %mul3A_1321 : i32
        %add3A_1323 = arith.constant 13 : i32
        %add3A_1324 = arith.addi %mul3A_1322, %add3A_1323 : i32
        %get3A_1325 = arith.index_cast %add3A_1324 : i32 to index
        %get3A_1326 = arith.constant 0 : index
        %get3A_1327 = tpu.vector_load %arg18[%get3A_1325, %get3A_1326] {strides = array<i32>} : memref<128x128xf32, #tpu.memory_space<vmem>>, vector<16xf32>,
        %mul3A_1328 = arith.mulf %get3A_1327, %broadcast_in_dim3A_1320 : vector<16xf32>
        %swap3A_1329 = arith.index_cast %add3A_1324 : i32 to index
        %swap3A_1330 = arith.constant 0 : index
        %swap3A_1331 = tpu.vector_load %arg18[%swap3A_1329, %swap3A_1330] {strides = array<i32>} : memref<128x128xf32, #tpu.memory_space<vmem>>, vector<16xf32>,
        tpu.vector_store %arg18[%swap3A_1329, %swap3A_1330], %mul3A_1328 {strides = array<i32>} : memref<128x128xf32, #tpu.memory_space<vmem>>, vector<16xf32>,
        %get3A_1332 = arith.index_cast %add3A_1324 : i32 to index
        %get3A_1333 = arith.constant 16 : index
        %get3A_1334 = tpu.vector_load %arg18[%get3A_1332, %get3A_1333] {strides = array<i32>} : memref<128x128xf32, #tpu.memory_space<vmem>>, vector<16xf32>,
        %mul3A_1335 = arith.mulf %get3A_1334, %broadcast_in_dim3A_1320 : vector<16xf32>
        %swap3A_1336 = arith.index_cast %add3A_1324 : i32 to index
        %swap3A_1337 = arith.constant 16 : index
        %swap3A_1338 = tpu.vector_load %arg18[%swap3A_1336, %swap3A_1337] {strides = array<i32>} : memref<128x128xf32, #tpu.memory_space<vmem>>, vector<16xf32>,
        tpu.vector_store %arg18[%swap3A_1336, %swap3A_1337], %mul3A_1335 {strides = array<i32>} : memref<128x128xf32, #tpu.memory_space<vmem>>, vector<16xf32>,
        %get3A_1339 = arith.index_cast %add3A_1324 : i32 to index
        %get3A_1340 = arith.constant 32 : index
        %get3A_1341 = tpu.vector_load %arg18[%get3A_1339, %get3A_1340] {strides = array<i32>} : memref<128x128xf32, #tpu.memory_space<vmem>>, vector<16xf32>,
        %mul3A_1342 = arith.mulf %get3A_1341, %broadcast_in_dim3A_1320 : vector<16xf32>
        %swap3A_1343 = arith.index_cast %add3A_1324 : i32 to index
        %swap3A_1344 = arith.constant 32 : index
        %swap3A_1345 = tpu.vector_load %arg18[%swap3A_1343, %swap3A_1344] {strides = array<i32>} : memref<128x128xf32, #tpu.memory_space<vmem>>, vector<16xf32>,
        tpu.vector_store %arg18[%swap3A_1343, %swap3A_1344], %mul3A_1342 {strides = array<i32>} : memref<128x128xf32, #tpu.memory_space<vmem>>, vector<16xf32>,
        %get3A_1346 = arith.index_cast %add3A_1324 : i32 to index
        %get3A_1347 = arith.constant 48 : index
        %get3A_1348 = tpu.vector_load %arg18[%get3A_1346, %get3A_1347] {strides = array<i32>} : memref<128x128xf32, #tpu.memory_space<vmem>>, vector<16xf32>,
        %mul3A_1349 = arith.mulf %get3A_1348, %broadcast_in_dim3A_1320 : vector<16xf32>
        %swap3A_1350 = arith.index_cast %add3A_1324 : i32 to index
        %swap3A_1351 = arith.constant 48 : index
        %swap3A_1352 = tpu.vector_load %arg18[%swap3A_1350, %swap3A_1351] {strides = array<i32>} : memref<128x128xf32, #tpu.memory_space<vmem>>, vector<16xf32>,
        tpu.vector_store %arg18[%swap3A_1350, %swap3A_1351], %mul3A_1349 {strides = array<i32>} : memref<128x128xf32, #tpu.memory_space<vmem>>, vector<16xf32>,
        %get3A_1353 = arith.index_cast %add3A_1324 : i32 to index
        %get3A_1354 = arith.constant 64 : index
        %get3A_1355 = tpu.vector_load %arg18[%get3A_1353, %get3A_1354] {strides = array<i32>} : memref<128x128xf32, #tpu.memory_space<vmem>>, vector<16xf32>,
        %mul3A_1356 = arith.mulf %get3A_1355, %broadcast_in_dim3A_1320 : vector<16xf32>
        %swap3A_1357 = arith.index_cast %add3A_1324 : i32 to index
        %swap3A_1358 = arith.constant 64 : index
        %swap3A_1359 = tpu.vector_load %arg18[%swap3A_1357, %swap3A_1358] {strides = array<i32>} : memref<128x128xf32, #tpu.memory_space<vmem>>, vector<16xf32>,
        tpu.vector_store %arg18[%swap3A_1357, %swap3A_1358], %mul3A_1356 {strides = array<i32>} : memref<128x128xf32, #tpu.memory_space<vmem>>, vector<16xf32>,
        %get3A_1360 = arith.index_cast %add3A_1324 : i32 to index
        %get3A_1361 = arith.constant 80 : index
        %get3A_1362 = tpu.vector_load %arg18[%get3A_1360, %get3A_1361] {strides = array<i32>} : memref<128x128xf32, #tpu.memory_space<vmem>>, vector<16xf32>,
        %mul3A_1363 = arith.mulf %get3A_1362, %broadcast_in_dim3A_1320 : vector<16xf32>
        %swap3A_1364 = arith.index_cast %add3A_1324 : i32 to index
        %swap3A_1365 = arith.constant 80 : index
        %swap3A_1366 = tpu.vector_load %arg18[%swap3A_1364, %swap3A_1365] {strides = array<i32>} : memref<128x128xf32, #tpu.memory_space<vmem>>, vector<16xf32>,
        tpu.vector_store %arg18[%swap3A_1364, %swap3A_1365], %mul3A_1363 {strides = array<i32>} : memref<128x128xf32, #tpu.memory_space<vmem>>, vector<16xf32>,
        %get3A_1367 = arith.index_cast %add3A_1324 : i32 to index
        %get3A_1368 = arith.constant 96 : index
        %get3A_1369 = tpu.vector_load %arg18[%get3A_1367, %get3A_1368] {strides = array<i32>} : memref<128x128xf32, #tpu.memory_space<vmem>>, vector<16xf32>,
        %mul3A_1370 = arith.mulf %get3A_1369, %broadcast_in_dim3A_1320 : vector<16xf32>
        %swap3A_1371 = arith.index_cast %add3A_1324 : i32 to index
        %swap3A_1372 = arith.constant 96 : index
        %swap3A_1373 = tpu.vector_load %arg18[%swap3A_1371, %swap3A_1372] {strides = array<i32>} : memref<128x128xf32, #tpu.memory_space<vmem>>, vector<16xf32>,
        tpu.vector_store %arg18[%swap3A_1371, %swap3A_1372], %mul3A_1370 {strides = array<i32>} : memref<128x128xf32, #tpu.memory_space<vmem>>, vector<16xf32>,
        %get3A_1374 = arith.index_cast %add3A_1324 : i32 to index
        %get3A_1375 = arith.constant 112 : index
        %get3A_1376 = tpu.vector_load %arg18[%get3A_1374, %get3A_1375] {strides = array<i32>} : memref<128x128xf32, #tpu.memory_space<vmem>>, vector<16xf32>,
        %mul3A_1377 = arith.mulf %get3A_1376, %broadcast_in_dim3A_1320 : vector<16xf32>
        %swap3A_1378 = arith.index_cast %add3A_1324 : i32 to index
        %swap3A_1379 = arith.constant 112 : index
        %swap3A_1380 = tpu.vector_load %arg18[%swap3A_1378, %swap3A_1379] {strides = array<i32>} : memref<128x128xf32, #tpu.memory_space<vmem>>, vector<16xf32>,
        tpu.vector_store %arg18[%swap3A_1378, %swap3A_1379], %mul3A_1377 {strides = array<i32>} : memref<128x128xf32, #tpu.memory_space<vmem>>, vector<16xf32>,
        %slice3A_1381 = vector.extract_strided_slice %get3A_500 {offsets = [14], sizes = [1], strides = [1]} : vector<16xf32> to vector<1xf32>
        %squeeze3A_1382 = vector.extract %slice3A_1381[0] : f32 from vector<1xf32>
        %broadcast_in_dim3A_1383 = vector.broadcast %squeeze3A_1382 : f32 to vector<16xf32>
        %mul3A_1384 = arith.constant 16 : i32
        %mul3A_1385 = arith.muli %scan3A_496, %mul3A_1384 : i32
        %add3A_1386 = arith.constant 14 : i32
        %add3A_1387 = arith.addi %mul3A_1385, %add3A_1386 : i32
        %get3A_1388 = arith.index_cast %add3A_1387 : i32 to index
        %get3A_1389 = arith.constant 0 : index
        %get3A_1390 = tpu.vector_load %arg18[%get3A_1388, %get3A_1389] {strides = array<i32>} : memref<128x128xf32, #tpu.memory_space<vmem>>, vector<16xf32>,
        %mul3A_1391 = arith.mulf %get3A_1390, %broadcast_in_dim3A_1383 : vector<16xf32>
        %swap3A_1392 = arith.index_cast %add3A_1387 : i32 to index
        %swap3A_1393 = arith.constant 0 : index
        %swap3A_1394 = tpu.vector_load %arg18[%swap3A_1392, %swap3A_1393] {strides = array<i32>} : memref<128x128xf32, #tpu.memory_space<vmem>>, vector<16xf32>,
        tpu.vector_store %arg18[%swap3A_1392, %swap3A_1393], %mul3A_1391 {strides = array<i32>} : memref<128x128xf32, #tpu.memory_space<vmem>>, vector<16xf32>,
        %get3A_1395 = arith.index_cast %add3A_1387 : i32 to index
        %get3A_1396 = arith.constant 16 : index
        %get3A_1397 = tpu.vector_load %arg18[%get3A_1395, %get3A_1396] {strides = array<i32>} : memref<128x128xf32, #tpu.memory_space<vmem>>, vector<16xf32>,
        %mul3A_1398 = arith.mulf %get3A_1397, %broadcast_in_dim3A_1383 : vector<16xf32>
        %swap3A_1399 = arith.index_cast %add3A_1387 : i32 to index
        %swap3A_1400 = arith.constant 16 : index
        %swap3A_1401 = tpu.vector_load %arg18[%swap3A_1399, %swap3A_1400] {strides = array<i32>} : memref<128x128xf32, #tpu.memory_space<vmem>>, vector<16xf32>,
        tpu.vector_store %arg18[%swap3A_1399, %swap3A_1400], %mul3A_1398 {strides = array<i32>} : memref<128x128xf32, #tpu.memory_space<vmem>>, vector<16xf32>,
        %get3A_1402 = arith.index_cast %add3A_1387 : i32 to index
        %get3A_1403 = arith.constant 32 : index
        %get3A_1404 = tpu.vector_load %arg18[%get3A_1402, %get3A_1403] {strides = array<i32>} : memref<128x128xf32, #tpu.memory_space<vmem>>, vector<16xf32>,
        %mul3A_1405 = arith.mulf %get3A_1404, %broadcast_in_dim3A_1383 : vector<16xf32>
        %swap3A_1406 = arith.index_cast %add3A_1387 : i32 to index
        %swap3A_1407 = arith.constant 32 : index
        %swap3A_1408 = tpu.vector_load %arg18[%swap3A_1406, %swap3A_1407] {strides = array<i32>} : memref<128x128xf32, #tpu.memory_space<vmem>>, vector<16xf32>,
        tpu.vector_store %arg18[%swap3A_1406, %swap3A_1407], %mul3A_1405 {strides = array<i32>} : memref<128x128xf32, #tpu.memory_space<vmem>>, vector<16xf32>,
        %get3A_1409 = arith.index_cast %add3A_1387 : i32 to index
        %get3A_1410 = arith.constant 48 : index
        %get3A_1411 = tpu.vector_load %arg18[%get3A_1409, %get3A_1410] {strides = array<i32>} : memref<128x128xf32, #tpu.memory_space<vmem>>, vector<16xf32>,
        %mul3A_1412 = arith.mulf %get3A_1411, %broadcast_in_dim3A_1383 : vector<16xf32>
        %swap3A_1413 = arith.index_cast %add3A_1387 : i32 to index
        %swap3A_1414 = arith.constant 48 : index
        %swap3A_1415 = tpu.vector_load %arg18[%swap3A_1413, %swap3A_1414] {strides = array<i32>} : memref<128x128xf32, #tpu.memory_space<vmem>>, vector<16xf32>,
        tpu.vector_store %arg18[%swap3A_1413, %swap3A_1414], %mul3A_1412 {strides = array<i32>} : memref<128x128xf32, #tpu.memory_space<vmem>>, vector<16xf32>,
        %get3A_1416 = arith.index_cast %add3A_1387 : i32 to index
        %get3A_1417 = arith.constant 64 : index
        %get3A_1418 = tpu.vector_load %arg18[%get3A_1416, %get3A_1417] {strides = array<i32>} : memref<128x128xf32, #tpu.memory_space<vmem>>, vector<16xf32>,
        %mul3A_1419 = arith.mulf %get3A_1418, %broadcast_in_dim3A_1383 : vector<16xf32>
        %swap3A_1420 = arith.index_cast %add3A_1387 : i32 to index
        %swap3A_1421 = arith.constant 64 : index
        %swap3A_1422 = tpu.vector_load %arg18[%swap3A_1420, %swap3A_1421] {strides = array<i32>} : memref<128x128xf32, #tpu.memory_space<vmem>>, vector<16xf32>,
        tpu.vector_store %arg18[%swap3A_1420, %swap3A_1421], %mul3A_1419 {strides = array<i32>} : memref<128x128xf32, #tpu.memory_space<vmem>>, vector<16xf32>,
        %get3A_1423 = arith.index_cast %add3A_1387 : i32 to index
        %get3A_1424 = arith.constant 80 : index
        %get3A_1425 = tpu.vector_load %arg18[%get3A_1423, %get3A_1424] {strides = array<i32>} : memref<128x128xf32, #tpu.memory_space<vmem>>, vector<16xf32>,
        %mul3A_1426 = arith.mulf %get3A_1425, %broadcast_in_dim3A_1383 : vector<16xf32>
        %swap3A_1427 = arith.index_cast %add3A_1387 : i32 to index
        %swap3A_1428 = arith.constant 80 : index
        %swap3A_1429 = tpu.vector_load %arg18[%swap3A_1427, %swap3A_1428] {strides = array<i32>} : memref<128x128xf32, #tpu.memory_space<vmem>>, vector<16xf32>,
        tpu.vector_store %arg18[%swap3A_1427, %swap3A_1428], %mul3A_1426 {strides = array<i32>} : memref<128x128xf32, #tpu.memory_space<vmem>>, vector<16xf32>,
        %get3A_1430 = arith.index_cast %add3A_1387 : i32 to index
        %get3A_1431 = arith.constant 96 : index
        %get3A_1432 = tpu.vector_load %arg18[%get3A_1430, %get3A_1431] {strides = array<i32>} : memref<128x128xf32, #tpu.memory_space<vmem>>, vector<16xf32>,
        %mul3A_1433 = arith.mulf %get3A_1432, %broadcast_in_dim3A_1383 : vector<16xf32>
        %swap3A_1434 = arith.index_cast %add3A_1387 : i32 to index
        %swap3A_1435 = arith.constant 96 : index
        %swap3A_1436 = tpu.vector_load %arg18[%swap3A_1434, %swap3A_1435] {strides = array<i32>} : memref<128x128xf32, #tpu.memory_space<vmem>>, vector<16xf32>,
        tpu.vector_store %arg18[%swap3A_1434, %swap3A_1435], %mul3A_1433 {strides = array<i32>} : memref<128x128xf32, #tpu.memory_space<vmem>>, vector<16xf32>,
        %get3A_1437 = arith.index_cast %add3A_1387 : i32 to index
        %get3A_1438 = arith.constant 112 : index
        %get3A_1439 = tpu.vector_load %arg18[%get3A_1437, %get3A_1438] {strides = array<i32>} : memref<128x128xf32, #tpu.memory_space<vmem>>, vector<16xf32>,
        %mul3A_1440 = arith.mulf %get3A_1439, %broadcast_in_dim3A_1383 : vector<16xf32>
        %swap3A_1441 = arith.index_cast %add3A_1387 : i32 to index
        %swap3A_1442 = arith.constant 112 : index
        %swap3A_1443 = tpu.vector_load %arg18[%swap3A_1441, %swap3A_1442] {strides = array<i32>} : memref<128x128xf32, #tpu.memory_space<vmem>>, vector<16xf32>,
        tpu.vector_store %arg18[%swap3A_1441, %swap3A_1442], %mul3A_1440 {strides = array<i32>} : memref<128x128xf32, #tpu.memory_space<vmem>>, vector<16xf32>,
        %slice3A_1444 = vector.extract_strided_slice %get3A_500 {offsets = [15], sizes = [1], strides = [1]} : vector<16xf32> to vector<1xf32>
        %squeeze3A_1445 = vector.extract %slice3A_1444[0] : f32 from vector<1xf32>
        %broadcast_in_dim3A_1446 = vector.broadcast %squeeze3A_1445 : f32 to vector<16xf32>
        %mul3A_1447 = arith.constant 16 : i32
        %mul3A_1448 = arith.muli %scan3A_496, %mul3A_1447 : i32
        %add3A_1449 = arith.constant 15 : i32
        %add3A_1450 = arith.addi %mul3A_1448, %add3A_1449 : i32
        %get3A_1451 = arith.index_cast %add3A_1450 : i32 to index
        %get3A_1452 = arith.constant 0 : index
        %get3A_1453 = tpu.vector_load %arg18[%get3A_1451, %get3A_1452] {strides = array<i32>} : memref<128x128xf32, #tpu.memory_space<vmem>>, vector<16xf32>,
        %mul3A_1454 = arith.mulf %get3A_1453, %broadcast_in_dim3A_1446 : vector<16xf32>
        %swap3A_1455 = arith.index_cast %add3A_1450 : i32 to index
        %swap3A_1456 = arith.constant 0 : index
        %swap3A_1457 = tpu.vector_load %arg18[%swap3A_1455, %swap3A_1456] {strides = array<i32>} : memref<128x128xf32, #tpu.memory_space<vmem>>, vector<16xf32>,
        tpu.vector_store %arg18[%swap3A_1455, %swap3A_1456], %mul3A_1454 {strides = array<i32>} : memref<128x128xf32, #tpu.memory_space<vmem>>, vector<16xf32>,
        %get3A_1458 = arith.index_cast %add3A_1450 : i32 to index
        %get3A_1459 = arith.constant 16 : index
        %get3A_1460 = tpu.vector_load %arg18[%get3A_1458, %get3A_1459] {strides = array<i32>} : memref<128x128xf32, #tpu.memory_space<vmem>>, vector<16xf32>,
        %mul3A_1461 = arith.mulf %get3A_1460, %broadcast_in_dim3A_1446 : vector<16xf32>
        %swap3A_1462 = arith.index_cast %add3A_1450 : i32 to index
        %swap3A_1463 = arith.constant 16 : index
        %swap3A_1464 = tpu.vector_load %arg18[%swap3A_1462, %swap3A_1463] {strides = array<i32>} : memref<128x128xf32, #tpu.memory_space<vmem>>, vector<16xf32>,
        tpu.vector_store %arg18[%swap3A_1462, %swap3A_1463], %mul3A_1461 {strides = array<i32>} : memref<128x128xf32, #tpu.memory_space<vmem>>, vector<16xf32>,
        %get3A_1465 = arith.index_cast %add3A_1450 : i32 to index
        %get3A_1466 = arith.constant 32 : index
        %get3A_1467 = tpu.vector_load %arg18[%get3A_1465, %get3A_1466] {strides = array<i32>} : memref<128x128xf32, #tpu.memory_space<vmem>>, vector<16xf32>,
        %mul3A_1468 = arith.mulf %get3A_1467, %broadcast_in_dim3A_1446 : vector<16xf32>
        %swap3A_1469 = arith.index_cast %add3A_1450 : i32 to index
        %swap3A_1470 = arith.constant 32 : index
        %swap3A_1471 = tpu.vector_load %arg18[%swap3A_1469, %swap3A_1470] {strides = array<i32>} : memref<128x128xf32, #tpu.memory_space<vmem>>, vector<16xf32>,
        tpu.vector_store %arg18[%swap3A_1469, %swap3A_1470], %mul3A_1468 {strides = array<i32>} : memref<128x128xf32, #tpu.memory_space<vmem>>, vector<16xf32>,
        %get3A_1472 = arith.index_cast %add3A_1450 : i32 to index
        %get3A_1473 = arith.constant 48 : index
        %get3A_1474 = tpu.vector_load %arg18[%get3A_1472, %get3A_1473] {strides = array<i32>} : memref<128x128xf32, #tpu.memory_space<vmem>>, vector<16xf32>,
        %mul3A_1475 = arith.mulf %get3A_1474, %broadcast_in_dim3A_1446 : vector<16xf32>
        %swap3A_1476 = arith.index_cast %add3A_1450 : i32 to index
        %swap3A_1477 = arith.constant 48 : index
        %swap3A_1478 = tpu.vector_load %arg18[%swap3A_1476, %swap3A_1477] {strides = array<i32>} : memref<128x128xf32, #tpu.memory_space<vmem>>, vector<16xf32>,
        tpu.vector_store %arg18[%swap3A_1476, %swap3A_1477], %mul3A_1475 {strides = array<i32>} : memref<128x128xf32, #tpu.memory_space<vmem>>, vector<16xf32>,
        %get3A_1479 = arith.index_cast %add3A_1450 : i32 to index
        %get3A_1480 = arith.constant 64 : index
        %get3A_1481 = tpu.vector_load %arg18[%get3A_1479, %get3A_1480] {strides = array<i32>} : memref<128x128xf32, #tpu.memory_space<vmem>>, vector<16xf32>,
        %mul3A_1482 = arith.mulf %get3A_1481, %broadcast_in_dim3A_1446 : vector<16xf32>
        %swap3A_1483 = arith.index_cast %add3A_1450 : i32 to index
        %swap3A_1484 = arith.constant 64 : index
        %swap3A_1485 = tpu.vector_load %arg18[%swap3A_1483, %swap3A_1484] {strides = array<i32>} : memref<128x128xf32, #tpu.memory_space<vmem>>, vector<16xf32>,
        tpu.vector_store %arg18[%swap3A_1483, %swap3A_1484], %mul3A_1482 {strides = array<i32>} : memref<128x128xf32, #tpu.memory_space<vmem>>, vector<16xf32>,
        %get3A_1486 = arith.index_cast %add3A_1450 : i32 to index
        %get3A_1487 = arith.constant 80 : index
        %get3A_1488 = tpu.vector_load %arg18[%get3A_1486, %get3A_1487] {strides = array<i32>} : memref<128x128xf32, #tpu.memory_space<vmem>>, vector<16xf32>,
        %mul3A_1489 = arith.mulf %get3A_1488, %broadcast_in_dim3A_1446 : vector<16xf32>
        %swap3A_1490 = arith.index_cast %add3A_1450 : i32 to index
        %swap3A_1491 = arith.constant 80 : index
        %swap3A_1492 = tpu.vector_load %arg18[%swap3A_1490, %swap3A_1491] {strides = array<i32>} : memref<128x128xf32, #tpu.memory_space<vmem>>, vector<16xf32>,
        tpu.vector_store %arg18[%swap3A_1490, %swap3A_1491], %mul3A_1489 {strides = array<i32>} : memref<128x128xf32, #tpu.memory_space<vmem>>, vector<16xf32>,
        %get3A_1493 = arith.index_cast %add3A_1450 : i32 to index
        %get3A_1494 = arith.constant 96 : index
        %get3A_1495 = tpu.vector_load %arg18[%get3A_1493, %get3A_1494] {strides = array<i32>} : memref<128x128xf32, #tpu.memory_space<vmem>>, vector<16xf32>,
        %mul3A_1496 = arith.mulf %get3A_1495, %broadcast_in_dim3A_1446 : vector<16xf32>
        %swap3A_1497 = arith.index_cast %add3A_1450 : i32 to index
        %swap3A_1498 = arith.constant 96 : index
        %swap3A_1499 = tpu.vector_load %arg18[%swap3A_1497, %swap3A_1498] {strides = array<i32>} : memref<128x128xf32, #tpu.memory_space<vmem>>, vector<16xf32>,
        tpu.vector_store %arg18[%swap3A_1497, %swap3A_1498], %mul3A_1496 {strides = array<i32>} : memref<128x128xf32, #tpu.memory_space<vmem>>, vector<16xf32>,
        %get3A_1500 = arith.index_cast %add3A_1450 : i32 to index
        %get3A_1501 = arith.constant 112 : index
        %get3A_1502 = tpu.vector_load %arg18[%get3A_1500, %get3A_1501] {strides = array<i32>} : memref<128x128xf32, #tpu.memory_space<vmem>>, vector<16xf32>,
        %mul3A_1503 = arith.mulf %get3A_1502, %broadcast_in_dim3A_1446 : vector<16xf32>
        %swap3A_1504 = arith.index_cast %add3A_1450 : i32 to index
        %swap3A_1505 = arith.constant 112 : index
        %swap3A_1506 = tpu.vector_load %arg18[%swap3A_1504, %swap3A_1505] {strides = array<i32>} : memref<128x128xf32, #tpu.memory_space<vmem>>, vector<16xf32>,
        tpu.vector_store %arg18[%swap3A_1504, %swap3A_1505], %mul3A_1503 {strides = array<i32>} : memref<128x128xf32, #tpu.memory_space<vmem>>, vector<16xf32>,
      }
      %scan3A_481 = arith.constant 8 : i32
      %dma_start3A_482 = arith.constant 0 : i32
      %dma_start3A_483 = arith.constant 0 : i32
      %dma_start3A_484 = tpu.memref_slice %arg16[%dma_start3A_482, %dma_start3A_483] : memref<1x128xi32, #tpu.memory_space<vmem>> -> memref<1x128xi32, #tpu.memory_space<vmem>>
      %dma_start3A_485 = tpu.memref_squeeze %dma_start3A_484 : memref<1x128xi32, #tpu.memory_space<vmem>> -> memref<128xi32, #tpu.memory_space<vmem>>
      %dma_start3A_486 = arith.constant 0 : i32
      %dma_start3A_487 = arith.constant 0 : i32
      %dma_start3A_488 = tpu.memref_slice %arg23[%dma_start3A_486, %dma_start3A_487] : memref<10240x128xf32, #tpu.memory_space<vmem_shared>> -> memref<10240x128xf32, #tpu.memory_space<vmem_shared>>
      tpu.enqueue_indirect_dma source(%arg18 : memref<128x128xf32, #tpu.memory_space<vmem>>) target(%dma_start3A_488 : memref<10240x128xf32, #tpu.memory_space<vmem_shared>>) offsets(%dma_start3A_485 : memref<128xi32, #tpu.memory_space<vmem>>) semaphore(%arg30 : memref<!tpu.dma_semaphore, #tpu.memory_space<semaphore_mem>>) {add = true}
      %add3A_489 = arith.constant 2 : i32
      %add3A_490 = arith.addi %add3A_312, %add3A_489 : i32
      %lt3A_491 = arith.constant 80 : i32
      %lt3A_492 = arith.cmpi slt, %add3A_490, %lt3A_491 : i32
      %convert_element_type3A_493 = arith.extui %lt3A_492 : i1 to i32
      %cond3A_494 = arith.constant 0 : i32
      %cond3A_495 = arith.cmpi ne, %convert_element_type3A_493, %cond3A_494 : i32
      scf.if %cond3A_495 {
        %add3A_496 = arith.constant 2 : i32
        %add3A_497 = arith.addi %add3A_312, %add3A_496 : i32
        %dma_start3A_498 = arith.constant 0 : i32
        %dma_start3A_499 = arith.constant 0 : i32
        %dma_start3A_500 = tpu.memref_slice %arg2[%add3A, %add3A_497, %dma_start3A_498, %dma_start3A_499] : memref<32x80x1x128xi32, #tpu.memory_space<hbm>> -> memref<1x1x1x128xi32, #tpu.memory_space<hbm>>
        %dma_start3A_501 = tpu.memref_squeeze %dma_start3A_500 : memref<1x1x1x128xi32, #tpu.memory_space<hbm>> -> memref<1x128xi32, #tpu.memory_space<hbm>>
        %dma_start3A_502 = arith.constant 0 : i32
        %dma_start3A_503 = arith.constant 0 : i32
        %dma_start3A_504 = tpu.memref_slice %arg2[%add3A, %add3A_497, %dma_start3A_502, %dma_start3A_503] : memref<32x80x1x128xi32, #tpu.memory_space<hbm>> -> memref<1x1x1x128xi32, #tpu.memory_space<hbm>>
        %dma_start3A_505 = tpu.memref_squeeze %dma_start3A_504 : memref<1x1x1x128xi32, #tpu.memory_space<hbm>> -> memref<1x128xi32, #tpu.memory_space<hbm>>
        tpu.enqueue_dma source(%dma_start3A_505 : memref<1x128xi32, #tpu.memory_space<hbm>>) target(%arg10 : memref<1x128xi32, #tpu.memory_space<vmem>>) target_semaphore(%arg26 : memref<!tpu.dma_semaphore, #tpu.memory_space<semaphore_mem>>)
        %add3A_506 = arith.constant 2 : i32
        %add3A_507 = arith.addi %add3A_312, %add3A_506 : i32
        %dma_start3A_508 = arith.constant 0 : i32
        %dma_start3A_509 = arith.constant 0 : i32
        %dma_start3A_510 = tpu.memref_slice %arg3[%add3A, %add3A_507, %dma_start3A_508, %dma_start3A_509] : memref<32x80x1x128xi32, #tpu.memory_space<hbm>> -> memref<1x1x1x128xi32, #tpu.memory_space<hbm>>
        %dma_start3A_511 = tpu.memref_squeeze %dma_start3A_510 : memref<1x1x1x128xi32, #tpu.memory_space<hbm>> -> memref<1x128xi32, #tpu.memory_space<hbm>>
        %dma_start3A_512 = arith.constant 0 : i32
        %dma_start3A_513 = arith.constant 0 : i32
        %dma_start3A_514 = tpu.memref_slice %arg3[%add3A, %add3A_507, %dma_start3A_512, %dma_start3A_513] : memref<32x80x1x128xi32, #tpu.memory_space<hbm>> -> memref<1x1x1x128xi32, #tpu.memory_space<hbm>>
        %dma_start3A_515 = tpu.memref_squeeze %dma_start3A_514 : memref<1x1x1x128xi32, #tpu.memory_space<hbm>> -> memref<1x128xi32, #tpu.memory_space<hbm>>
        tpu.enqueue_dma source(%dma_start3A_515 : memref<1x128xi32, #tpu.memory_space<hbm>>) target(%arg12 : memref<1x128xi32, #tpu.memory_space<vmem>>) target_semaphore(%arg26 : memref<!tpu.dma_semaphore, #tpu.memory_space<semaphore_mem>>)
        %add3A_516 = arith.constant 2 : i32
        %add3A_517 = arith.addi %add3A_312, %add3A_516 : i32
        %mul3A_518 = arith.constant 128 : i32
        %mul3A_519 = arith.muli %add3A_517, %mul3A_518 : i32
        %dma_start3A_520 = tpu.memref_slice %arg4[%add3A, %mul3A_519] : memref<32x10240xf32, #tpu.memory_space<hbm>> -> memref<1x128xf32, #tpu.memory_space<hbm>>
        %dma_start3A_521 = tpu.memref_squeeze %dma_start3A_520 : memref<1x128xf32, #tpu.memory_space<hbm>> -> memref<128xf32, #tpu.memory_space<hbm>>
        %dma_start3A_522 = tpu.memref_slice %arg4[%add3A, %mul3A_519] : memref<32x10240xf32, #tpu.memory_space<hbm>> -> memref<1x128xf32, #tpu.memory_space<hbm>>
        %dma_start3A_523 = tpu.memref_squeeze %dma_start3A_522 : memref<1x128xf32, #tpu.memory_space<hbm>> -> memref<128xf32, #tpu.memory_space<hbm>>
        tpu.enqueue_dma source(%dma_start3A_523 : memref<128xf32, #tpu.memory_space<hbm>>) target(%arg14 : memref<128xf32, #tpu.memory_space<vmem>>) target_semaphore(%arg26 : memref<!tpu.dma_semaphore, #tpu.memory_space<semaphore_mem>>)
      } else {
      }
    }
    %scan3A_113 = arith.constant 40 : i32
    %dma_wait3A_114 = arith.constant 0 : i32
    %dma_wait3A_115 = arith.constant 0 : i32
    %dma_wait3A_116 = tpu.memref_slice %arg16[%dma_wait3A_114, %dma_wait3A_115] : memref<1x128xi32, #tpu.memory_space<vmem>> -> memref<1x128xi32, #tpu.memory_space<vmem>>
    %dma_wait3A_117 = tpu.memref_squeeze %dma_wait3A_116 : memref<1x128xi32, #tpu.memory_space<vmem>> -> memref<128xi32, #tpu.memory_space<vmem>>
    %dma_wait3A_118 = arith.constant 0 : i32
    %dma_wait3A_119 = arith.constant 0 : i32
    %dma_wait3A_120 = tpu.memref_slice %arg23[%dma_wait3A_118, %dma_wait3A_119] : memref<10240x128xf32, #tpu.memory_space<vmem_shared>> -> memref<10240x128xf32, #tpu.memory_space<vmem_shared>>
    tpu.wait_indirect_dma semaphore(%arg30 : memref<!tpu.dma_semaphore, #tpu.memory_space<semaphore_mem>>) src(%arg18 : memref<128x128xf32, #tpu.memory_space<vmem>>) dst(%dma_wait3A_120 : memref<10240x128xf32, #tpu.memory_space<vmem_shared>>)
    %barrier3A_121 = arith.constant 0 : index
    tpu.barrier barrier_id(%barrier3A_121)
    %eq3A = arith.constant 0 : i32
    %eq3A_122 = arith.cmpi eq, %arg0, %eq3A : i32
    %convert_element_type3A = arith.extui %eq3A_122 : i1 to i32
    %cond3A = arith.constant 0 : i32
    %cond3A_123 = arith.cmpi ne, %convert_element_type3A, %cond3A : i32
    scf.if %cond3A_123 {
      "tpu.region"() ({
        %run_scoped3A = tpu.sem_alloc : memref<!tpu.dma_semaphore, #tpu.memory_space<semaphore_mem>>
        %dma_start3A_129 = arith.constant 0 : i32
        %dma_start3A_130 = tpu.memref_slice %arg7[%mul3A_2, %dma_start3A_129] : memref<10240x128xf32, #tpu.memory_space<hbm>> -> memref<640x128xf32, #tpu.memory_space<hbm>>
        %dma_start3A_131 = arith.constant 0 : i32
        %dma_start3A_132 = tpu.memref_slice %arg23[%mul3A_2, %dma_start3A_131] : memref<10240x128xf32, #tpu.memory_space<vmem_shared>> -> memref<640x128xf32, #tpu.memory_space<vmem_shared>>
        tpu.enqueue_dma source(%dma_start3A_132 : memref<640x128xf32, #tpu.memory_space<vmem_shared>>) target(%dma_start3A_130 : memref<640x128xf32, #tpu.memory_space<hbm>>) target_semaphore(%run_scoped3A : memref<!tpu.dma_semaphore, #tpu.memory_space<semaphore_mem>>)
        %dma_wait3A_133 = arith.constant 0 : i32
        %dma_wait3A_134 = tpu.memref_slice %arg7[%mul3A_2, %dma_wait3A_133] : memref<10240x128xf32, #tpu.memory_space<hbm>> -> memref<640x128xf32, #tpu.memory_space<hbm>>
        %dma_wait3A_135 = arith.constant 0 : i32
        %dma_wait3A_136 = tpu.memref_slice %arg23[%mul3A_2, %dma_wait3A_135] : memref<10240x128xf32, #tpu.memory_space<vmem_shared>> -> memref<640x128xf32, #tpu.memory_space<vmem_shared>>
        tpu.wait_dma2 semaphore(%run_scoped3A : memref<!tpu.dma_semaphore, #tpu.memory_space<semaphore_mem>>) src(%dma_wait3A_136 : memref<640x128xf32, #tpu.memory_space<vmem_shared>>) dst(%dma_wait3A_134 : memref<640x128xf32, #tpu.memory_space<hbm>>)
        tpu.yield
      }) : () -> ()
    } else {
    }
    %eq3A_124 = arith.constant 1 : i32
    %eq3A_125 = arith.cmpi eq, %arg0, %eq3A_124 : i32
    %convert_element_type3A_126 = arith.extui %eq3A_125 : i1 to i32
    %cond3A_127 = arith.constant 0 : i32
    %cond3A_128 = arith.cmpi ne, %convert_element_type3A_126, %cond3A_127 : i32
    scf.if %cond3A_128 {
      "tpu.region"() ({
        %run_scoped3A = tpu.sem_alloc : memref<!tpu.dma_semaphore, #tpu.memory_space<semaphore_mem>>
        %dma_start3A_129 = arith.constant 0 : i32
        %dma_start3A_130 = tpu.memref_slice %arg8[%mul3A_2, %dma_start3A_129] : memref<10240x128xf32, #tpu.memory_space<hbm>> -> memref<640x128xf32, #tpu.memory_space<hbm>>
        %dma_start3A_131 = arith.constant 0 : i32
        %dma_start3A_132 = tpu.memref_slice %arg23[%mul3A_2, %dma_start3A_131] : memref<10240x128xf32, #tpu.memory_space<vmem_shared>> -> memref<640x128xf32, #tpu.memory_space<vmem_shared>>
        tpu.enqueue_dma source(%dma_start3A_132 : memref<640x128xf32, #tpu.memory_space<vmem_shared>>) target(%dma_start3A_130 : memref<640x128xf32, #tpu.memory_space<hbm>>) target_semaphore(%run_scoped3A : memref<!tpu.dma_semaphore, #tpu.memory_space<semaphore_mem>>)
        %dma_wait3A_133 = arith.constant 0 : i32
        %dma_wait3A_134 = tpu.memref_slice %arg8[%mul3A_2, %dma_wait3A_133] : memref<10240x128xf32, #tpu.memory_space<hbm>> -> memref<640x128xf32, #tpu.memory_space<hbm>>
        %dma_wait3A_135 = arith.constant 0 : i32
        %dma_wait3A_136 = tpu.memref_slice %arg23[%mul3A_2, %dma_wait3A_135] : memref<10240x128xf32, #tpu.memory_space<vmem_shared>> -> memref<640x128xf32, #tpu.memory_space<vmem_shared>>
        tpu.wait_dma2 semaphore(%run_scoped3A : memref<!tpu.dma_semaphore, #tpu.memory_space<semaphore_mem>>) src(%dma_wait3A_136 : memref<640x128xf32, #tpu.memory_space<vmem_shared>>) dst(%dma_wait3A_134 : memref<640x128xf32, #tpu.memory_space<hbm>>)
        tpu.yield
      }) : () -> ()
    } else {
    }
    return
  }
}

#map = affine_map<(d0, d1) -> (0, 0)>
#map1 = affine_map<(d0, d1) -> (0)>
module attributes {stable_mosaic.version = 14 : i64} {
  func.func @_sc1_body(%arg0: i32, %arg1: i32, %arg2: memref<32x10240xi32, #tpu.memory_space<hbm>>, %arg3: memref<32x10240xi32, #tpu.memory_space<hbm>>, %arg4: memref<32x10240xf32, #tpu.memory_space<hbm>>, %arg5: memref<10240xf32, #tpu.memory_space<hbm>>, %arg6: memref<10240xf32, #tpu.memory_space<hbm>>, %arg7: memref<32x10240xf32, #tpu.memory_space<hbm>>, %arg8: memref<32x10240xf32, #tpu.memory_space<hbm>>, %arg9: memref<10240xi32, #tpu.memory_space<vmem>>, %arg10: memref<10240xi32, #tpu.memory_space<vmem>>, %arg11: memref<10240xf32, #tpu.memory_space<vmem>>, %arg12: memref<10240xf32, #tpu.memory_space<vmem>>, %arg13: memref<10240xf32, #tpu.memory_space<vmem>>, %arg14: memref<10240xf32, #tpu.memory_space<vmem>>, %arg15: memref<10240xf32, #tpu.memory_space<vmem>>) attributes {dimension_semantics = [#tpu.dimension_semantics<core_parallel>, #tpu.dimension_semantics<subcore_parallel>], iteration_bounds = array<i64: 2, 16>, scalar_prefetch = 0 : i64, scratch_operands = 7 : i64, tpu.core_type = #tpu.core_type<sc_vector_subcore>, window_params = [{transform_indices = #map}, {transform_indices = #map}, {transform_indices = #map}, {transform_indices = #map1}, {transform_indices = #map1}, {transform_indices = #map}, {transform_indices = #map}]} {
    %mul3A = arith.constant 16 : i32
    %mul3A_0 = arith.muli %arg0, %mul3A : i32
    %add3A = arith.addi %mul3A_0, %arg1 : i32
    "tpu.region"() ({
      %run_scoped3A = tpu.sem_alloc : memref<!tpu.dma_semaphore, #tpu.memory_space<semaphore_mem>>
      %dma_start3A = arith.constant 0 : i32
      %dma_start3A_13 = tpu.memref_slice %arg2[%add3A, %dma_start3A] : memref<32x10240xi32, #tpu.memory_space<hbm>> -> memref<1x10240xi32, #tpu.memory_space<hbm>>
      %dma_start3A_14 = tpu.memref_squeeze %dma_start3A_13 : memref<1x10240xi32, #tpu.memory_space<hbm>> -> memref<10240xi32, #tpu.memory_space<hbm>>
      %dma_start3A_15 = arith.constant 0 : i32
      %dma_start3A_16 = tpu.memref_slice %arg2[%add3A, %dma_start3A_15] : memref<32x10240xi32, #tpu.memory_space<hbm>> -> memref<1x10240xi32, #tpu.memory_space<hbm>>
      %dma_start3A_17 = tpu.memref_squeeze %dma_start3A_16 : memref<1x10240xi32, #tpu.memory_space<hbm>> -> memref<10240xi32, #tpu.memory_space<hbm>>
      tpu.enqueue_dma source(%dma_start3A_17 : memref<10240xi32, #tpu.memory_space<hbm>>) target(%arg9 : memref<10240xi32, #tpu.memory_space<vmem>>) target_semaphore(%run_scoped3A : memref<!tpu.dma_semaphore, #tpu.memory_space<semaphore_mem>>)
      %dma_wait3A = arith.constant 0 : i32
      %dma_wait3A_18 = tpu.memref_slice %arg2[%add3A, %dma_wait3A] : memref<32x10240xi32, #tpu.memory_space<hbm>> -> memref<1x10240xi32, #tpu.memory_space<hbm>>
      %dma_wait3A_19 = tpu.memref_squeeze %dma_wait3A_18 : memref<1x10240xi32, #tpu.memory_space<hbm>> -> memref<10240xi32, #tpu.memory_space<hbm>>
      %dma_wait3A_20 = arith.constant 0 : i32
      %dma_wait3A_21 = tpu.memref_slice %arg2[%add3A, %dma_wait3A_20] : memref<32x10240xi32, #tpu.memory_space<hbm>> -> memref<1x10240xi32, #tpu.memory_space<hbm>>
      %dma_wait3A_22 = tpu.memref_squeeze %dma_wait3A_21 : memref<1x10240xi32, #tpu.memory_space<hbm>> -> memref<10240xi32, #tpu.memory_space<hbm>>
      tpu.wait_dma2 semaphore(%run_scoped3A : memref<!tpu.dma_semaphore, #tpu.memory_space<semaphore_mem>>) src(%dma_wait3A_22 : memref<10240xi32, #tpu.memory_space<hbm>>) dst(%arg9 : memref<10240xi32, #tpu.memory_space<vmem>>)
      tpu.yield
    }) : () -> ()
    "tpu.region"() ({
      %run_scoped3A = tpu.sem_alloc : memref<!tpu.dma_semaphore, #tpu.memory_space<semaphore_mem>>
      %dma_start3A = arith.constant 0 : i32
      %dma_start3A_13 = tpu.memref_slice %arg3[%add3A, %dma_start3A] : memref<32x10240xi32, #tpu.memory_space<hbm>> -> memref<1x10240xi32, #tpu.memory_space<hbm>>
      %dma_start3A_14 = tpu.memref_squeeze %dma_start3A_13 : memref<1x10240xi32, #tpu.memory_space<hbm>> -> memref<10240xi32, #tpu.memory_space<hbm>>
      %dma_start3A_15 = arith.constant 0 : i32
      %dma_start3A_16 = tpu.memref_slice %arg3[%add3A, %dma_start3A_15] : memref<32x10240xi32, #tpu.memory_space<hbm>> -> memref<1x10240xi32, #tpu.memory_space<hbm>>
      %dma_start3A_17 = tpu.memref_squeeze %dma_start3A_16 : memref<1x10240xi32, #tpu.memory_space<hbm>> -> memref<10240xi32, #tpu.memory_space<hbm>>
      tpu.enqueue_dma source(%dma_start3A_17 : memref<10240xi32, #tpu.memory_space<hbm>>) target(%arg10 : memref<10240xi32, #tpu.memory_space<vmem>>) target_semaphore(%run_scoped3A : memref<!tpu.dma_semaphore, #tpu.memory_space<semaphore_mem>>)
      %dma_wait3A = arith.constant 0 : i32
      %dma_wait3A_18 = tpu.memref_slice %arg3[%add3A, %dma_wait3A] : memref<32x10240xi32, #tpu.memory_space<hbm>> -> memref<1x10240xi32, #tpu.memory_space<hbm>>
      %dma_wait3A_19 = tpu.memref_squeeze %dma_wait3A_18 : memref<1x10240xi32, #tpu.memory_space<hbm>> -> memref<10240xi32, #tpu.memory_space<hbm>>
      %dma_wait3A_20 = arith.constant 0 : i32
      %dma_wait3A_21 = tpu.memref_slice %arg3[%add3A, %dma_wait3A_20] : memref<32x10240xi32, #tpu.memory_space<hbm>> -> memref<1x10240xi32, #tpu.memory_space<hbm>>
      %dma_wait3A_22 = tpu.memref_squeeze %dma_wait3A_21 : memref<1x10240xi32, #tpu.memory_space<hbm>> -> memref<10240xi32, #tpu.memory_space<hbm>>
      tpu.wait_dma2 semaphore(%run_scoped3A : memref<!tpu.dma_semaphore, #tpu.memory_space<semaphore_mem>>) src(%dma_wait3A_22 : memref<10240xi32, #tpu.memory_space<hbm>>) dst(%arg10 : memref<10240xi32, #tpu.memory_space<vmem>>)
      tpu.yield
    }) : () -> ()
    "tpu.region"() ({
      %run_scoped3A = tpu.sem_alloc : memref<!tpu.dma_semaphore, #tpu.memory_space<semaphore_mem>>
      %dma_start3A = arith.constant 0 : i32
      %dma_start3A_13 = tpu.memref_slice %arg4[%add3A, %dma_start3A] : memref<32x10240xf32, #tpu.memory_space<hbm>> -> memref<1x10240xf32, #tpu.memory_space<hbm>>
      %dma_start3A_14 = tpu.memref_squeeze %dma_start3A_13 : memref<1x10240xf32, #tpu.memory_space<hbm>> -> memref<10240xf32, #tpu.memory_space<hbm>>
      %dma_start3A_15 = arith.constant 0 : i32
      %dma_start3A_16 = tpu.memref_slice %arg4[%add3A, %dma_start3A_15] : memref<32x10240xf32, #tpu.memory_space<hbm>> -> memref<1x10240xf32, #tpu.memory_space<hbm>>
      %dma_start3A_17 = tpu.memref_squeeze %dma_start3A_16 : memref<1x10240xf32, #tpu.memory_space<hbm>> -> memref<10240xf32, #tpu.memory_space<hbm>>
      tpu.enqueue_dma source(%dma_start3A_17 : memref<10240xf32, #tpu.memory_space<hbm>>) target(%arg11 : memref<10240xf32, #tpu.memory_space<vmem>>) target_semaphore(%run_scoped3A : memref<!tpu.dma_semaphore, #tpu.memory_space<semaphore_mem>>)
      %dma_wait3A = arith.constant 0 : i32
      %dma_wait3A_18 = tpu.memref_slice %arg4[%add3A, %dma_wait3A] : memref<32x10240xf32, #tpu.memory_space<hbm>> -> memref<1x10240xf32, #tpu.memory_space<hbm>>
      %dma_wait3A_19 = tpu.memref_squeeze %dma_wait3A_18 : memref<1x10240xf32, #tpu.memory_space<hbm>> -> memref<10240xf32, #tpu.memory_space<hbm>>
      %dma_wait3A_20 = arith.constant 0 : i32
      %dma_wait3A_21 = tpu.memref_slice %arg4[%add3A, %dma_wait3A_20] : memref<32x10240xf32, #tpu.memory_space<hbm>> -> memref<1x10240xf32, #tpu.memory_space<hbm>>
      %dma_wait3A_22 = tpu.memref_squeeze %dma_wait3A_21 : memref<1x10240xf32, #tpu.memory_space<hbm>> -> memref<10240xf32, #tpu.memory_space<hbm>>
      tpu.wait_dma2 semaphore(%run_scoped3A : memref<!tpu.dma_semaphore, #tpu.memory_space<semaphore_mem>>) src(%dma_wait3A_22 : memref<10240xf32, #tpu.memory_space<hbm>>) dst(%arg11 : memref<10240xf32, #tpu.memory_space<vmem>>)
      tpu.yield
    }) : () -> ()
    "tpu.region"() ({
      %run_scoped3A = tpu.sem_alloc : memref<!tpu.dma_semaphore, #tpu.memory_space<semaphore_mem>>
      tpu.enqueue_dma source(%arg5 : memref<10240xf32, #tpu.memory_space<hbm>>) target(%arg13 : memref<10240xf32, #tpu.memory_space<vmem>>) target_semaphore(%run_scoped3A : memref<!tpu.dma_semaphore, #tpu.memory_space<semaphore_mem>>)
      tpu.wait_dma2 semaphore(%run_scoped3A : memref<!tpu.dma_semaphore, #tpu.memory_space<semaphore_mem>>) src(%arg5 : memref<10240xf32, #tpu.memory_space<hbm>>) dst(%arg13 : memref<10240xf32, #tpu.memory_space<vmem>>)
      tpu.yield
    }) : () -> ()
    "tpu.region"() ({
      %run_scoped3A = tpu.sem_alloc : memref<!tpu.dma_semaphore, #tpu.memory_space<semaphore_mem>>
      tpu.enqueue_dma source(%arg6 : memref<10240xf32, #tpu.memory_space<hbm>>) target(%arg14 : memref<10240xf32, #tpu.memory_space<vmem>>) target_semaphore(%run_scoped3A : memref<!tpu.dma_semaphore, #tpu.memory_space<semaphore_mem>>)
      tpu.wait_dma2 semaphore(%run_scoped3A : memref<!tpu.dma_semaphore, #tpu.memory_space<semaphore_mem>>) src(%arg6 : memref<10240xf32, #tpu.memory_space<hbm>>) dst(%arg14 : memref<10240xf32, #tpu.memory_space<vmem>>)
      tpu.yield
    }) : () -> ()
    %broadcast_in_dim3A = arith.constant 0.000000e+00 : f32
    %broadcast_in_dim3A_1 = vector.broadcast %broadcast_in_dim3A : f32 to vector<16xf32>
    %scan3A = arith.constant 0 : i32
    %scan3A_2 = arith.constant 0 : i32
    %scan3A_3 = arith.constant 640 : i32
    %scan3A_4 = arith.addi %scan3A_2, %scan3A_3 : i32
    %scan3A_5 = arith.constant 1 : i32
    scf.for %scan3A_13 = %scan3A_2 to %scan3A_4 step %scan3A_5  : i32 {
      %mul3A_14 = arith.constant 16 : i32
      %mul3A_15 = arith.muli %scan3A_13, %mul3A_14 : i32
      %swap3A = arith.index_cast %mul3A_15 : i32 to index
      %swap3A_16 = tpu.vector_load %arg15[%swap3A] {strides = array<i32>} : memref<10240xf32, #tpu.memory_space<vmem>>, vector<16xf32>,
      tpu.vector_store %arg15[%swap3A], %broadcast_in_dim3A_1 {strides = array<i32>} : memref<10240xf32, #tpu.memory_space<vmem>>, vector<16xf32>,
    }
    %scan3A_6 = arith.constant 640 : i32
    %scan3A_7 = arith.constant 0 : i32
    %scan3A_8 = arith.constant 0 : i32
    %scan3A_9 = arith.constant 640 : i32
    %scan3A_10 = arith.addi %scan3A_8, %scan3A_9 : i32
    %scan3A_11 = arith.constant 1 : i32
    scf.for %scan3A_13 = %scan3A_8 to %scan3A_10 step %scan3A_11  : i32 {
      %mul3A_14 = arith.constant 16 : i32
      %mul3A_15 = arith.muli %scan3A_13, %mul3A_14 : i32
      %get3A = arith.index_cast %mul3A_15 : i32 to index
      %get3A_16 = tpu.vector_load %arg9[%get3A] {strides = array<i32>} : memref<10240xi32, #tpu.memory_space<vmem>>, vector<16xi32>,
      %mul3A_17 = arith.constant 16 : i32
      %mul3A_18 = arith.muli %scan3A_13, %mul3A_17 : i32
      %get3A_19 = arith.index_cast %mul3A_18 : i32 to index
      %get3A_20 = tpu.vector_load %arg10[%get3A_19] {strides = array<i32>} : memref<10240xi32, #tpu.memory_space<vmem>>, vector<16xi32>,
      %gather3A = tpu.vector_load_idx %arg13[%get3A_16] : memref<10240xf32, #tpu.memory_space<vmem>>[vector<16xi32>], vector<16xf32>,
      %gather3A_21 = tpu.vector_load_idx %arg14[%get3A_20] : memref<10240xf32, #tpu.memory_space<vmem>>[vector<16xi32>], vector<16xf32>,
      %add3A_22 = arith.addf %gather3A, %gather3A_21 : vector<16xf32>
      %mul3A_23 = arith.constant 16 : i32
      %mul3A_24 = arith.muli %scan3A_13, %mul3A_23 : i32
      %get3A_25 = arith.index_cast %mul3A_24 : i32 to index
      %get3A_26 = tpu.vector_load %arg11[%get3A_25] {strides = array<i32>} : memref<10240xf32, #tpu.memory_space<vmem>>, vector<16xf32>,
      %add3A_27 = arith.addf %add3A_22, %get3A_26 : vector<16xf32>
      %mul3A_28 = arith.constant 0.00999999977 : f32
      %mul3A_29 = vector.broadcast %mul3A_28 : f32 to vector<16xf32>
      %mul3A_30 = arith.mulf %mul3A_29, %add3A_27 : vector<16xf32>
      %max3A = arith.maximumf %add3A_27, %mul3A_30 : vector<16xf32>
      %exp3A = math.exp %max3A : vector<16xf32>
      %mul3A_31 = arith.constant 16 : i32
      %mul3A_32 = arith.muli %scan3A_13, %mul3A_31 : i32
      %swap3A = arith.index_cast %mul3A_32 : i32 to index
      %swap3A_33 = tpu.vector_load %arg12[%swap3A] {strides = array<i32>} : memref<10240xf32, #tpu.memory_space<vmem>>, vector<16xf32>,
      tpu.vector_store %arg12[%swap3A], %exp3A {strides = array<i32>} : memref<10240xf32, #tpu.memory_space<vmem>>, vector<16xf32>,
      tpu.vector_store_idx %arg15[%get3A_20], %exp3A {add = true} : memref<10240xf32, #tpu.memory_space<vmem>>[vector<16xi32>], vector<16xf32>,
    }
    %scan3A_12 = arith.constant 640 : i32
    "tpu.region"() ({
      %run_scoped3A = tpu.sem_alloc : memref<!tpu.dma_semaphore, #tpu.memory_space<semaphore_mem>>
      %dma_start3A = arith.constant 0 : i32
      %dma_start3A_13 = tpu.memref_slice %arg7[%add3A, %dma_start3A] : memref<32x10240xf32, #tpu.memory_space<hbm>> -> memref<1x10240xf32, #tpu.memory_space<hbm>>
      %dma_start3A_14 = tpu.memref_squeeze %dma_start3A_13 : memref<1x10240xf32, #tpu.memory_space<hbm>> -> memref<10240xf32, #tpu.memory_space<hbm>>
      %dma_start3A_15 = arith.constant 0 : i32
      %dma_start3A_16 = tpu.memref_slice %arg7[%add3A, %dma_start3A_15] : memref<32x10240xf32, #tpu.memory_space<hbm>> -> memref<1x10240xf32, #tpu.memory_space<hbm>>
      %dma_start3A_17 = tpu.memref_squeeze %dma_start3A_16 : memref<1x10240xf32, #tpu.memory_space<hbm>> -> memref<10240xf32, #tpu.memory_space<hbm>>
      tpu.enqueue_dma source(%arg12 : memref<10240xf32, #tpu.memory_space<vmem>>) target(%dma_start3A_17 : memref<10240xf32, #tpu.memory_space<hbm>>) target_semaphore(%run_scoped3A : memref<!tpu.dma_semaphore, #tpu.memory_space<semaphore_mem>>)
      %dma_wait3A = arith.constant 0 : i32
      %dma_wait3A_18 = tpu.memref_slice %arg7[%add3A, %dma_wait3A] : memref<32x10240xf32, #tpu.memory_space<hbm>> -> memref<1x10240xf32, #tpu.memory_space<hbm>>
      %dma_wait3A_19 = tpu.memref_squeeze %dma_wait3A_18 : memref<1x10240xf32, #tpu.memory_space<hbm>> -> memref<10240xf32, #tpu.memory_space<hbm>>
      %dma_wait3A_20 = arith.constant 0 : i32
      %dma_wait3A_21 = tpu.memref_slice %arg7[%add3A, %dma_wait3A_20] : memref<32x10240xf32, #tpu.memory_space<hbm>> -> memref<1x10240xf32, #tpu.memory_space<hbm>>
      %dma_wait3A_22 = tpu.memref_squeeze %dma_wait3A_21 : memref<1x10240xf32, #tpu.memory_space<hbm>> -> memref<10240xf32, #tpu.memory_space<hbm>>
      tpu.wait_dma2 semaphore(%run_scoped3A : memref<!tpu.dma_semaphore, #tpu.memory_space<semaphore_mem>>) src(%arg12 : memref<10240xf32, #tpu.memory_space<vmem>>) dst(%dma_wait3A_22 : memref<10240xf32, #tpu.memory_space<hbm>>)
      tpu.yield
    }) : () -> ()
    "tpu.region"() ({
      %run_scoped3A = tpu.sem_alloc : memref<!tpu.dma_semaphore, #tpu.memory_space<semaphore_mem>>
      %dma_start3A = arith.constant 0 : i32
      %dma_start3A_13 = tpu.memref_slice %arg8[%add3A, %dma_start3A] : memref<32x10240xf32, #tpu.memory_space<hbm>> -> memref<1x10240xf32, #tpu.memory_space<hbm>>
      %dma_start3A_14 = tpu.memref_squeeze %dma_start3A_13 : memref<1x10240xf32, #tpu.memory_space<hbm>> -> memref<10240xf32, #tpu.memory_space<hbm>>
      %dma_start3A_15 = arith.constant 0 : i32
      %dma_start3A_16 = tpu.memref_slice %arg8[%add3A, %dma_start3A_15] : memref<32x10240xf32, #tpu.memory_space<hbm>> -> memref<1x10240xf32, #tpu.memory_space<hbm>>
      %dma_start3A_17 = tpu.memref_squeeze %dma_start3A_16 : memref<1x10240xf32, #tpu.memory_space<hbm>> -> memref<10240xf32, #tpu.memory_space<hbm>>
      tpu.enqueue_dma source(%arg15 : memref<10240xf32, #tpu.memory_space<vmem>>) target(%dma_start3A_17 : memref<10240xf32, #tpu.memory_space<hbm>>) target_semaphore(%run_scoped3A : memref<!tpu.dma_semaphore, #tpu.memory_space<semaphore_mem>>)
      %dma_wait3A = arith.constant 0 : i32
      %dma_wait3A_18 = tpu.memref_slice %arg8[%add3A, %dma_wait3A] : memref<32x10240xf32, #tpu.memory_space<hbm>> -> memref<1x10240xf32, #tpu.memory_space<hbm>>
      %dma_wait3A_19 = tpu.memref_squeeze %dma_wait3A_18 : memref<1x10240xf32, #tpu.memory_space<hbm>> -> memref<10240xf32, #tpu.memory_space<hbm>>
      %dma_wait3A_20 = arith.constant 0 : i32
      %dma_wait3A_21 = tpu.memref_slice %arg8[%add3A, %dma_wait3A_20] : memref<32x10240xf32, #tpu.memory_space<hbm>> -> memref<1x10240xf32, #tpu.memory_space<hbm>>
      %dma_wait3A_22 = tpu.memref_squeeze %dma_wait3A_21 : memref<1x10240xf32, #tpu.memory_space<hbm>> -> memref<10240xf32, #tpu.memory_space<hbm>>
      tpu.wait_dma2 semaphore(%run_scoped3A : memref<!tpu.dma_semaphore, #tpu.memory_space<semaphore_mem>>) src(%arg15 : memref<10240xf32, #tpu.memory_space<vmem>>) dst(%dma_wait3A_22 : memref<10240xf32, #tpu.memory_space<hbm>>)
      tpu.yield
    }) : () -> ()
    return
  }
}

module attributes {stable_mosaic.version = 14 : i64} {
  func.func @_prep_body(%arg0: i32, %arg1: memref<1280x128xf32, #tpu.memory_space<vmem>>, %arg2: memref<128x128xf32, #tpu.memory_space<vmem>>, %arg3: memref<128x128xf32, #tpu.memory_space<vmem>>, %arg4: memref<128x1xf32, #tpu.memory_space<vmem>>, %arg5: memref<128x1xf32, #tpu.memory_space<vmem>>, %arg6: memref<1280x128xf32, #tpu.memory_space<vmem>>, %arg7: memref<1280x128xf32, #tpu.memory_space<vmem>>, %arg8: memref<1280x1xf32, #tpu.memory_space<vmem>>, %arg9: memref<1280x1xf32, #tpu.memory_space<vmem>>) attributes {dimension_semantics = [#tpu.dimension_semantics<arbitrary>], iteration_bounds = array<i64: 8>, scalar_prefetch = 0 : i64, scratch_operands = 0 : i64, tpu.core_type = #tpu.core_type<tc>, window_params = [{transform_indices = @transform_0, window_bounds = array<i64: 1280, 128>}, {pipeline_mode = #tpu.pipeline_mode<synchronous>, transform_indices = @transform_1, window_bounds = array<i64: 128, 128>}, {pipeline_mode = #tpu.pipeline_mode<synchronous>, transform_indices = @transform_2, window_bounds = array<i64: 128, 128>}, {pipeline_mode = #tpu.pipeline_mode<synchronous>, transform_indices = @transform_3, window_bounds = array<i64: 128, 1>}, {pipeline_mode = #tpu.pipeline_mode<synchronous>, transform_indices = @transform_4, window_bounds = array<i64: 128, 1>}, {transform_indices = @transform_5, window_bounds = array<i64: 1280, 128>}, {transform_indices = @transform_6, window_bounds = array<i64: 1280, 128>}, {transform_indices = @transform_7, window_bounds = array<i64: 1280, 1>}, {transform_indices = @transform_8, window_bounds = array<i64: 1280, 1>}]} {
    %get3A = arith.constant 0 : index
    %get3A_0 = arith.constant 0 : index
    %get3A_1 = vector.load %arg1[%get3A, %get3A_0] : memref<1280x128xf32, #tpu.memory_space<vmem>>, vector<1280x128xf32>
    %get3A_2 = arith.constant 0 : index
    %get3A_3 = arith.constant 0 : index
    %get3A_4 = vector.load %arg2[%get3A_2, %get3A_3] : memref<128x128xf32, #tpu.memory_space<vmem>>, vector<128x128xf32>
    %dot_general3A = arith.constant dense<0.000000e+00> : vector<1280x128xf32>
    %dot_general3A_5 = tpu.matmul %get3A_1, %get3A_4, %dot_general3A {dimension_numbers = #tpu.dot_dimension_numbers<[1], [0], [0], [1], [0, 0, 1, 1], [], []>, transpose_lhs_hint = false} : vector<1280x128xf32>, vector<128x128xf32>, vector<1280x128xf32> -> vector<1280x128xf32>
    %get3A_6 = arith.constant 0 : index
    %get3A_7 = arith.constant 0 : index
    %get3A_8 = vector.load %arg3[%get3A_6, %get3A_7] : memref<128x128xf32, #tpu.memory_space<vmem>>, vector<128x128xf32>
    %dot_general3A_9 = arith.constant dense<0.000000e+00> : vector<1280x128xf32>
    %dot_general3A_10 = tpu.matmul %get3A_1, %get3A_8, %dot_general3A_9 {dimension_numbers = #tpu.dot_dimension_numbers<[1], [0], [0], [1], [0, 0, 1, 1], [], []>, transpose_lhs_hint = false} : vector<1280x128xf32>, vector<128x128xf32>, vector<1280x128xf32> -> vector<1280x128xf32>
    %swap3A = arith.constant 0 : index
    %swap3A_11 = arith.constant 0 : index
    %swap3A_12 = vector.load %arg6[%swap3A, %swap3A_11] : memref<1280x128xf32, #tpu.memory_space<vmem>>, vector<1280x128xf32>
    tpu.vector_store %arg6[%swap3A, %swap3A_11], %dot_general3A_5 {strides = array<i32>} : memref<1280x128xf32, #tpu.memory_space<vmem>>, vector<1280x128xf32>,
    %swap3A_13 = arith.constant 0 : index
    %swap3A_14 = arith.constant 0 : index
    %swap3A_15 = vector.load %arg7[%swap3A_13, %swap3A_14] : memref<1280x128xf32, #tpu.memory_space<vmem>>, vector<1280x128xf32>
    tpu.vector_store %arg7[%swap3A_13, %swap3A_14], %dot_general3A_10 {strides = array<i32>} : memref<1280x128xf32, #tpu.memory_space<vmem>>, vector<1280x128xf32>,
    %get3A_16 = arith.constant 0 : index
    %get3A_17 = arith.constant 0 : index
    %get3A_18 = vector.load %arg4[%get3A_16, %get3A_17] : memref<128x1xf32, #tpu.memory_space<vmem>>, vector<128x1xf32>
    %dot_general3A_19 = arith.constant dense<0.000000e+00> : vector<1280x1xf32>
    %dot_general3A_20 = tpu.matmul %dot_general3A_5, %get3A_18, %dot_general3A_19 {dimension_numbers = #tpu.dot_dimension_numbers<[1], [0], [0], [1], [0, 0, 1, 1], [], []>, transpose_lhs_hint = false} : vector<1280x128xf32>, vector<128x1xf32>, vector<1280x1xf32> -> vector<1280x1xf32>
    %swap3A_21 = arith.constant 0 : index
    %swap3A_22 = arith.constant 0 : index
    %swap3A_23 = vector.load %arg8[%swap3A_21, %swap3A_22] : memref<1280x1xf32, #tpu.memory_space<vmem>>, vector<1280x1xf32>
    tpu.vector_store %arg8[%swap3A_21, %swap3A_22], %dot_general3A_20 {strides = array<i32>} : memref<1280x1xf32, #tpu.memory_space<vmem>>, vector<1280x1xf32>,
    %get3A_24 = arith.constant 0 : index
    %get3A_25 = arith.constant 0 : index
    %get3A_26 = vector.load %arg5[%get3A_24, %get3A_25] : memref<128x1xf32, #tpu.memory_space<vmem>>, vector<128x1xf32>
    %dot_general3A_27 = arith.constant dense<0.000000e+00> : vector<1280x1xf32>
    %dot_general3A_28 = tpu.matmul %dot_general3A_5, %get3A_26, %dot_general3A_27 {dimension_numbers = #tpu.dot_dimension_numbers<[1], [0], [0], [1], [0, 0, 1, 1], [], []>, transpose_lhs_hint = false} : vector<1280x128xf32>, vector<128x1xf32>, vector<1280x1xf32> -> vector<1280x1xf32>
    %swap3A_29 = arith.constant 0 : index
    %swap3A_30 = arith.constant 0 : index
    %swap3A_31 = vector.load %arg9[%swap3A_29, %swap3A_30] : memref<1280x1xf32, #tpu.memory_space<vmem>>, vector<1280x1xf32>
    tpu.vector_store %arg9[%swap3A_29, %swap3A_30], %dot_general3A_28 {strides = array<i32>} : memref<1280x1xf32, #tpu.memory_space<vmem>>, vector<1280x1xf32>,
    return
  }
  func.func @transform_0(%arg0: i32) -> (i32, i32) {
    %c0_i32 = arith.constant 0 : i32
    %c0_i32_0 = arith.constant 0 : i32
    return %arg0, %c0_i32 : i32, i32
  }
  func.func @transform_1(%arg0: i32) -> (i32, i32) {
    %c0_i32 = arith.constant 0 : i32
    %c0_i32_0 = arith.constant 0 : i32
    %c0_i32_1 = arith.constant 0 : i32
    return %c0_i32, %c0_i32_0 : i32, i32
  }
  func.func @transform_2(%arg0: i32) -> (i32, i32) {
    %c0_i32 = arith.constant 0 : i32
    %c0_i32_0 = arith.constant 0 : i32
    %c0_i32_1 = arith.constant 0 : i32
    return %c0_i32, %c0_i32_0 : i32, i32
  }
  func.func @transform_3(%arg0: i32) -> (i32, i32) {
    %c0_i32 = arith.constant 0 : i32
    %c0_i32_0 = arith.constant 0 : i32
    %c0_i32_1 = arith.constant 0 : i32
    return %c0_i32, %c0_i32_0 : i32, i32
  }
  func.func @transform_4(%arg0: i32) -> (i32, i32) {
    %c0_i32 = arith.constant 0 : i32
    %c0_i32_0 = arith.constant 0 : i32
    %c0_i32_1 = arith.constant 0 : i32
    return %c0_i32, %c0_i32_0 : i32, i32
  }
  func.func @transform_5(%arg0: i32) -> (i32, i32) {
    %c0_i32 = arith.constant 0 : i32
    %c0_i32_0 = arith.constant 0 : i32
    return %arg0, %c0_i32 : i32, i32
  }
  func.func @transform_6(%arg0: i32) -> (i32, i32) {
    %c0_i32 = arith.constant 0 : i32
    %c0_i32_0 = arith.constant 0 : i32
    return %arg0, %c0_i32 : i32, i32
  }
  func.func @transform_7(%arg0: i32) -> (i32, i32) {
    %c0_i32 = arith.constant 0 : i32
    %c0_i32_0 = arith.constant 0 : i32
    return %arg0, %c0_i32 : i32, i32
  }
  func.func @transform_8(%arg0: i32) -> (i32, i32) {
    %c0_i32 = arith.constant 0 : i32
    %c0_i32_0 = arith.constant 0 : i32
    return %arg0, %c0_i32 : i32, i32
  }
}

module attributes {stable_mosaic.version = 14 : i64} {
  func.func @_u_body(%arg0: i32, %arg1: memref<2000x128xf32, #tpu.memory_space<vmem>>, %arg2: memref<16x16xf32, #tpu.memory_space<vmem>>, %arg3: memref<16x1xf32, #tpu.memory_space<vmem>>, %arg4: memref<2000x8xf32, #tpu.memory_space<vmem>>) attributes {dimension_semantics = [#tpu.dimension_semantics<arbitrary>], iteration_bounds = array<i64: 20>, scalar_prefetch = 0 : i64, scratch_operands = 0 : i64, tpu.core_type = #tpu.core_type<tc>, window_params = [{transform_indices = @transform_0, window_bounds = array<i64: 2000, 128>}, {pipeline_mode = #tpu.pipeline_mode<synchronous>, transform_indices = @transform_1, window_bounds = array<i64: 16, 16>}, {pipeline_mode = #tpu.pipeline_mode<synchronous>, transform_indices = @transform_2, window_bounds = array<i64: 16, 1>}, {transform_indices = @transform_3, window_bounds = array<i64: 2000, 8>}]} {
    %get3A = arith.constant 0 : index
    %get3A_0 = arith.constant 0 : index
    %get3A_1 = vector.load %arg2[%get3A, %get3A_0] : memref<16x16xf32, #tpu.memory_space<vmem>>, vector<16x16xf32>
    %get3A_2 = arith.constant 0 : index
    %get3A_3 = arith.constant 0 : index
    %get3A_4 = vector.load %arg3[%get3A_2, %get3A_3] : memref<16x1xf32, #tpu.memory_space<vmem>>, vector<16x1xf32>
    %dot_general3A = arith.constant dense<0.000000e+00> : vector<16x1xf32>
    %dot_general3A_5 = tpu.matmul %get3A_1, %get3A_4, %dot_general3A {dimension_numbers = #tpu.dot_dimension_numbers<[1], [0], [0], [1], [0, 0, 1, 1], [], []>, transpose_lhs_hint = false} : vector<16x16xf32>, vector<16x1xf32>, vector<16x1xf32> -> vector<16x1xf32>
    %iota3A = tpu.iota {dimensions = array<i32: 0>} : vector<128x8xi32>
    %iota3A_6 = tpu.iota {dimensions = array<i32: 1>} : vector<128x8xi32>
    %reshape3A = vector.shape_cast %dot_general3A_5 : vector<16x1xf32> to vector<1x16x1xf32>
    %broadcast_in_dim3A = vector.shape_cast %reshape3A : vector<1x16x1xf32> to vector<1x16x1xf32>
    %broadcast_in_dim3A_7 = vector.broadcast %broadcast_in_dim3A : vector<1x16x1xf32> to vector<8x16x8xf32>
    %reshape3A_8 = vector.shape_cast %broadcast_in_dim3A_7 : vector<8x16x8xf32> to vector<128x8xf32>
    %jit3A = arith.constant 16 : i32
    %div3A = vector.broadcast %jit3A : i32 to vector<128x8xi32>
    %div3A_9 = arith.divsi %iota3A, %div3A : vector<128x8xi32>
    %sign3A = arith.constant 0 : i32
    %sign3A_10 = vector.broadcast %sign3A : i32 to vector<128x8xi32>
    %sign3A_11 = arith.cmpi sgt, %iota3A, %sign3A_10 : vector<128x8xi32>
    %sign3A_12 = arith.extui %sign3A_11 : vector<128x8xi1> to vector<128x8xi32>
    %sign3A_13 = arith.constant 0 : i32
    %sign3A_14 = vector.broadcast %sign3A_13 : i32 to vector<128x8xi32>
    %sign3A_15 = arith.cmpi slt, %iota3A, %sign3A_14 : vector<128x8xi32>
    %sign3A_16 = arith.extui %sign3A_15 : vector<128x8xi1> to vector<128x8xi32>
    %sign3A_17 = arith.subi %sign3A_12, %sign3A_16 : vector<128x8xi32>
    %sign3A_18 = arith.constant 0 : i32
    %sign3A_19 = arith.cmpi sgt, %jit3A, %sign3A_18 : i32
    %sign3A_20 = arith.extui %sign3A_19 : i1 to i32
    %sign3A_21 = arith.constant 0 : i32
    %sign3A_22 = arith.cmpi slt, %jit3A, %sign3A_21 : i32
    %sign3A_23 = arith.extui %sign3A_22 : i1 to i32
    %sign3A_24 = arith.subi %sign3A_20, %sign3A_23 : i32
    %ne3A = vector.broadcast %sign3A_24 : i32 to vector<128x8xi32>
    %ne3A_25 = arith.cmpi ne, %sign3A_17, %ne3A : vector<128x8xi32>
    %rem3A = vector.broadcast %jit3A : i32 to vector<128x8xi32>
    %rem3A_26 = arith.remsi %iota3A, %rem3A : vector<128x8xi32>
    %ne3A_27 = arith.constant 0 : i32
    %ne3A_28 = vector.broadcast %ne3A_27 : i32 to vector<128x8xi32>
    %ne3A_29 = arith.cmpi ne, %rem3A_26, %ne3A_28 : vector<128x8xi32>
    %and3A = arith.andi %ne3A_25, %ne3A_29 : vector<128x8xi1>
    %sub3A = arith.constant 1 : i32
    %sub3A_30 = vector.broadcast %sub3A : i32 to vector<128x8xi32>
    %sub3A_31 = arith.subi %div3A_9, %sub3A_30 : vector<128x8xi32>
    %select_n3A = arith.select %and3A, %sub3A_31, %div3A_9 : vector<128x8xi1>, vector<128x8xi32>
    %eq3A = arith.cmpi eq, %select_n3A, %iota3A_6 : vector<128x8xi32>
    %jit3A_32 = arith.constant 0.000000e+00 : f32
    %broadcast_in_dim3A_33 = vector.broadcast %jit3A_32 : f32 to vector<128x8xf32>
    %select_n3A_34 = arith.select %eq3A, %reshape3A_8, %broadcast_in_dim3A_33 : vector<128x8xi1>, vector<128x8xf32>
    %get3A_35 = arith.constant 0 : index
    %get3A_36 = arith.constant 0 : index
    %get3A_37 = vector.load %arg1[%get3A_35, %get3A_36] : memref<2000x128xf32, #tpu.memory_space<vmem>>, vector<2000x128xf32>
    %dot_general3A_38 = arith.constant dense<0.000000e+00> : vector<2000x8xf32>
    %dot_general3A_39 = tpu.matmul %get3A_37, %select_n3A_34, %dot_general3A_38 {dimension_numbers = #tpu.dot_dimension_numbers<[1], [0], [0], [1], [0, 0, 1, 1], [], []>, transpose_lhs_hint = false} : vector<2000x128xf32>, vector<128x8xf32>, vector<2000x8xf32> -> vector<2000x8xf32>
    %swap3A = arith.constant 0 : index
    %swap3A_40 = arith.constant 0 : index
    %swap3A_41 = vector.load %arg4[%swap3A, %swap3A_40] : memref<2000x8xf32, #tpu.memory_space<vmem>>, vector<2000x8xf32>
    tpu.vector_store %arg4[%swap3A, %swap3A_40], %dot_general3A_39 {strides = array<i32>} : memref<2000x8xf32, #tpu.memory_space<vmem>>, vector<2000x8xf32>,
    return
  }
  func.func @transform_0(%arg0: i32) -> (i32, i32) {
    %c0_i32 = arith.constant 0 : i32
    %c0_i32_0 = arith.constant 0 : i32
    return %arg0, %c0_i32 : i32, i32
  }
  func.func @transform_1(%arg0: i32) -> (i32, i32) {
    %c0_i32 = arith.constant 0 : i32
    %c0_i32_0 = arith.constant 0 : i32
    %c0_i32_1 = arith.constant 0 : i32
    return %c0_i32, %c0_i32_0 : i32, i32
  }
  func.func @transform_2(%arg0: i32) -> (i32, i32) {
    %c0_i32 = arith.constant 0 : i32
    %c0_i32_0 = arith.constant 0 : i32
    %c0_i32_1 = arith.constant 0 : i32
    return %c0_i32, %c0_i32_0 : i32, i32
  }
  func.func @transform_3(%arg0: i32) -> (i32, i32) {
    %c0_i32 = arith.constant 0 : i32
    %c0_i32_0 = arith.constant 0 : i32
    return %arg0, %c0_i32 : i32, i32
  }
}

module attributes {stable_mosaic.version = 14 : i64} {
  func.func @_epi_body(%arg0: i32, %arg1: memref<1000x128xf32, #tpu.memory_space<vmem>>, %arg2: memref<1000x128xf32, #tpu.memory_space<vmem>>, %arg3: memref<1000x128xf32, #tpu.memory_space<vmem>>, %arg4: memref<1000x128xf32, #tpu.memory_space<vmem>>) attributes {dimension_semantics = [#tpu.dimension_semantics<arbitrary>], iteration_bounds = array<i64: 10>, scalar_prefetch = 0 : i64, scratch_operands = 0 : i64, tpu.core_type = #tpu.core_type<tc>, window_params = [{transform_indices = @transform_0, window_bounds = array<i64: 1000, 128>}, {transform_indices = @transform_1, window_bounds = array<i64: 1000, 128>}, {transform_indices = @transform_2, window_bounds = array<i64: 1000, 128>}, {transform_indices = @transform_3, window_bounds = array<i64: 1000, 128>}]} {
    %get3A = arith.constant 0 : index
    %get3A_0 = arith.constant 0 : index
    %get3A_1 = vector.load %arg1[%get3A, %get3A_0] : memref<1000x128xf32, #tpu.memory_space<vmem>>, vector<1000x128xf32>
    %get3A_2 = arith.constant 0 : index
    %get3A_3 = arith.constant 0 : index
    %get3A_4 = vector.load %arg2[%get3A_2, %get3A_3] : memref<1000x128xf32, #tpu.memory_space<vmem>>, vector<1000x128xf32>
    %add3A = arith.addf %get3A_1, %get3A_4 : vector<1000x128xf32>
    %get3A_5 = arith.constant 0 : index
    %get3A_6 = arith.constant 0 : index
    %get3A_7 = vector.load %arg3[%get3A_5, %get3A_6] : memref<1000x128xf32, #tpu.memory_space<vmem>>, vector<1000x128xf32>
    %add3A_8 = arith.addf %add3A, %get3A_7 : vector<1000x128xf32>
    %max3A = arith.constant 0.000000e+00 : f32
    %max3A_9 = vector.broadcast %max3A : f32 to vector<1000x128xf32>
    %max3A_10 = arith.maximumf %add3A_8, %max3A_9 : vector<1000x128xf32>
    %swap3A = arith.constant 0 : index
    %swap3A_11 = arith.constant 0 : index
    %swap3A_12 = vector.load %arg4[%swap3A, %swap3A_11] : memref<1000x128xf32, #tpu.memory_space<vmem>>, vector<1000x128xf32>
    tpu.vector_store %arg4[%swap3A, %swap3A_11], %max3A_10 {strides = array<i32>} : memref<1000x128xf32, #tpu.memory_space<vmem>>, vector<1000x128xf32>,
    return
  }
  func.func @transform_0(%arg0: i32) -> (i32, i32) {
    %c0_i32 = arith.constant 0 : i32
    %c0_i32_0 = arith.constant 0 : i32
    return %arg0, %c0_i32 : i32, i32
  }
  func.func @transform_1(%arg0: i32) -> (i32, i32) {
    %c0_i32 = arith.constant 0 : i32
    %c0_i32_0 = arith.constant 0 : i32
    return %arg0, %c0_i32 : i32, i32
  }
  func.func @transform_2(%arg0: i32) -> (i32, i32) {
    %c0_i32 = arith.constant 0 : i32
    %c0_i32_0 = arith.constant 0 : i32
    return %arg0, %c0_i32 : i32, i32
  }
  func.func @transform_3(%arg0: i32) -> (i32, i32) {
    %c0_i32 = arith.constant 0 : i32
    %c0_i32_0 = arith.constant 0 : i32
    return %arg0, %c0_i32 : i32, i32
  }
}

</mosaic_0001>

<sc_bundles>
// kernel: kernel.10.cloned.1.call-start
scs
__scs_entry_jumppad:
0x0: {  	(pc) =	sbr.rel $0x88, $3  }
0x1: {  	(tag) =	ssettag $0x0;
	lr =	simm.s32 $0x1  }
0x2: {  	[smem:$0x3F9A] =	sst lr;
	_ =	strace $0xD0000000  }
0x3: {  	_ = 	snop  }
0x4: {  	_ = 	snop  }
0x5: {  	_ = 	snop  }
0x6: {  	_ = 	snop  }
0x7: {  	_ = 	snop  }
__scs_overlays_trampoline_lowered:
0x8: {  	[smem:$0x3FA9] =	sst s0  }
0x9: {  	[smem:$0x3FAA] =	sst s1  }
0xa: {  	[smem:$0x3FAB] =	sst s2  }
0xb: {  	[smem:$0x3FAC] =	sst s3  }
0xc: {  	[smem:$0x3FAD] =	sst s4  }
0xd: {  	[smem:$0x3FAE] =	sst s5  }
0xe: {  	[smem:$0x3FAF] =	sst s6  }
0xf: {  	[smem:$0x3FB0] =	sst s7  }
0x10: {  	[smem:$0x3FB1] =	sst s8  }
0x11: {  	[smem:$0x3FB2] =	sst s9;
	s0 =	simm.s32 @!p0 $0x0  }
0x12: {  	s1 =	sld [smem:$0x3F98];
	s0 =	simm.s32 @p0 $0x1  }
0x13: {  	[smem:$0x3FB3] =	sst s0;
	s0 =	simm.s32 @!p1 $0x0  }
0x14: {  	s2 =	sld [smem:$0x3F97];
	s0 =	simm.s32 @p1 $0x1  }
0x15: {  	[smem:$0x3FB4] =	sst s0;
	s0 =	simm.s32 @!p2 $0x0  }
0x16: {  	s3 =	sld [smem:$0x3FDB];
	s0 =	simm.s32 @p2 $0x1  }
0x17: {  	s4 =	simm.s32 $0x1BF5;
	[smem:$0x3FB6] =	sst s0  }
0x18: {  	s0 =	sld [smem:$0x3F99];
	_ =	swait.ge [sflag:s4], $0x0  }
0x19: {  	s7 =	sld [smem:$0x3F9A]  }
0x1a: {  	s8 =	sadd.s32 $0xFFFFE003, lr  }
0x1b: {  	s9 =	sadd.s32 $0xFFFFFEF7, lr;
	s5 =	simm.s32 $0xFFFFFFFF;
	p2 =	slt.u32 s8, $0xFFFFF086  }
0x1c: {  	p1 =	slt.u32 s9, $0xF7A;
	s5 =	simm.s32 @!p2 $0x0  }
0x1d: {  	s5 =	simm.s32 @p1 $0x1;
	p0 =	seq.s32 s7, s2  }
0x1e: {  	s7 =	smul.u32 @!p0 $0xF7A, s2;
	p2 =	seq.s32 @!p0 s5, $0x0  }
0x1f: {  	s9 =	smul.u32 $0xF7A, s1;
	s8 =	simm.s32 @!p0 $0x1BF5;
	p2 =	por !p2, p0  }
0x20: {  	[sflag:s8] =	ssyncset.s32 @!p0 $0xFFFFF086;
	s6 =	sadd.s32 @!p0 s3, s7;
	s7 =	simm.s32 @!p0 $0x108  }
0x21: {  	s3 =	sadd.s32 s3, s9;
	s6 =	sadd.s32 @!p0 $0x88, s6;
	s7 =	simm.s32 @p2 $0x1082  }
0x22: {  	[simem:s7], [sflag:s8] =	dma.local @!p0 [hbm:s6], $0xF7A  }
0x23: {  	s9 =	sor.u32 $0xD0000000, s2;
	s6 =	simm.s32 $0x108;
	_ =	swait.ge @!p0 [sflag:s8], $0x0  }
0x24: {  	s3 =	sadd.s32 $0x88, s3;
	s6 =	simm.s32 @!p1 $0x1082;
	[sflag:s4] =	ssyncset.s32 $0xFFFFF086  }
0x25: {  	[simem:s6], [sflag:s4] =	dma.local [hbm:s3], $0xF7A  }
0x26: {  	[smem:$0x3F9A] =	sst s1;
	(tag) =	ssettag s2;
	_ =	strace s9  }
0x27: {  	s1 =	sld [smem:$0x3FAA]  }
0x28: {  	s2 =	sld [smem:$0x3FAB]  }
0x29: {  	s4 =	sld [smem:$0x3FAD]  }
0x2a: {  	p0 =	seq.s32 s5, $0x0;
	s5 =	sld [smem:$0x3FAE]  }
0x2b: {  	s6 =	sld [smem:$0x3FAF]  }
0x2c: {  	s7 =	sld [smem:$0x3FB0]  }
0x2d: {  	s3 =	simm.s32 $0x108;
	s8 =	sld [smem:$0x3FB1]  }
0x2e: {  	s3 =	simm.s32 @!p0 $0x1082;
	s9 =	sld [smem:$0x3FB2]  }
0x2f: {  	lr =	sadd.s32 s0, s3;
	s0 =	sld [smem:$0x3FA9]  }
0x30: {  	s3 =	sld [smem:$0x3FAC]  }
0x31: {  	[smem:$0x3FB5] =	sst s10  }
0x32: {  	s10 =	sld [smem:$0x3FB3];
	_ =	sdelay $0x3  }
0x33: {  	p0 =	seq.s32 s10, $0x1;
	s10 =	sld [smem:$0x3FB5];
	_ =	sdelay $0x3  }
0x34: {  	[smem:$0x3FB5] =	sst s10  }
0x35: {  	s10 =	sld [smem:$0x3FB4];
	_ =	sdelay $0x3  }
0x36: {  	p1 =	seq.s32 s10, $0x1;
	s10 =	sld [smem:$0x3FB5];
	_ =	sdelay $0x3  }
0x37: {  	[smem:$0x3FB5] =	sst s10  }
0x38: {  	s10 =	sld [smem:$0x3FB6]  }
0x39: {  	_ = 	snop;
	(pc) =	sbr.ind lr, $3  }
0x3a: {  	_ = 	snop  }
0x3b: {  	_ = 	snop  }
0x3c: {  	p2 =	seq.s32 s10, $0x1;
	s10 =	sld [smem:$0x3FB5]  }
0x3d: {  	_ =	shalt  }
0x3e: {  	_ =	shalt  }
0x3f: {  	_ =	shalt  }
0x40: {  	_ =	shalt  }
0x41: {  	_ =	shalt  }
0x42: {  	_ =	shalt  }
0x43: {  	_ =	shalt  }
0x44: {  	_ =	shalt  }
0x45: {  	_ =	shalt  }
0x46: {  	_ =	shalt  }
0x47: {  	_ =	shalt  }
0x48: {  	_ =	shalt  }
0x49: {  	_ =	shalt  }
0x4a: {  	_ =	shalt  }
0x4b: {  	_ =	shalt  }
0x4c: {  	_ =	shalt  }
0x4d: {  	_ =	shalt  }
0x4e: {  	_ =	shalt  }
0x4f: {  	_ =	shalt  }
0x50: {  	_ =	shalt  }
0x51: {  	_ =	shalt  }
0x52: {  	_ =	shalt  }
0x53: {  	_ =	shalt  }
0x54: {  	_ =	shalt  }
0x55: {  	_ =	shalt  }
0x56: {  	_ =	shalt  }
0x57: {  	_ =	shalt  }
0x58: {  	_ =	shalt  }
0x59: {  	_ =	shalt  }
0x5a: {  	_ =	shalt  }
0x5b: {  	_ =	shalt  }
0x5c: {  	_ =	shalt  }
0x5d: {  	_ =	shalt  }
0x5e: {  	_ =	shalt  }
0x5f: {  	_ =	shalt  }
0x60: {  	_ =	shalt  }
0x61: {  	_ =	shalt  }
0x62: {  	_ =	shalt  }
0x63: {  	_ =	shalt  }
0x64: {  	_ =	shalt  }
0x65: {  	_ =	shalt  }
0x66: {  	_ =	shalt  }
0x67: {  	_ =	shalt  }
0x68: {  	_ =	shalt  }
0x69: {  	_ =	shalt  }
0x6a: {  	_ =	shalt  }
0x6b: {  	_ =	shalt  }
0x6c: {  	_ =	shalt  }
0x6d: {  	_ =	shalt  }
0x6e: {  	_ =	shalt  }
0x6f: {  	_ =	shalt  }
0x70: {  	_ =	shalt  }
0x71: {  	_ =	shalt  }
0x72: {  	_ =	shalt  }
0x73: {  	_ =	shalt  }
0x74: {  	_ =	shalt  }
0x75: {  	_ =	shalt  }
0x76: {  	_ =	shalt  }
0x77: {  	_ =	shalt  }
0x78: {  	_ =	shalt  }
0x79: {  	_ =	shalt  }
0x7a: {  	_ =	shalt  }
0x7b: {  	_ =	shalt  }
0x7c: {  	_ =	shalt  }
0x7d: {  	_ =	shalt  }
0x7e: {  	_ =	shalt  }
0x7f: {  	_ =	shalt  }
0x80: {  	_ =	shalt  }
0x81: {  	_ =	shalt  }
0x82: {  	_ =	shalt  }
0x83: {  	_ =	shalt  }
0x84: {  	_ =	shalt  }
0x85: {  	_ =	shalt  }
0x86: {  	_ =	shalt  }
0x87: {  	_ =	shalt  }
.Lfunc_end0:
.L_simem_size_0:
called_computation.1_lowered:
.L_overlay_start_0:
0x88: {  	s2 =	sld [smem:$0x3FD9]  }
0x89: {  	s3 =	sld [smem:$0x3FFE];
	_ =	sdelay $0x1  }
0x8a: {  	s1 =	srdreg.scid  }
0x8b: {  	s0 =	sand.u32 $0x1, s1  }
0x8c: {  	s17 =	sshll.u32 s0, $0xA;
	s2 =	sadd.s32 s3, s2  }
0x8d: {  	s2 =	sadd.s32 s2, s17  }
0x8e: {  	[smem:$0x3FC1] =	sst s2  }
0x8f: {  	_ = 	snop  }
0x90: {  	s2 =	sld [smem:$0x3FD0];
	(tm) =	ssettm $0x1  }
0x91: {  	s18 =	sld [smem:$0x3FFB];
	_ =	sdelay $0x3  }
0x92: {  	_ =	strace s18  }
0x93: {  	s3 =	sld [smem:$0x3FFC];
	_ =	sdelay $0x3  }
0x94: {  	_ =	strace s3  }
0x95: {  	s3 =	sld [smem:$0x3FFD];
	_ =	sdelay $0x3  }
0x96: {  	_ =	strace s3  }
0x97: {  	_ =	strace $0x8FFFFFFF  }
0x98: {  	s19 =	sld [smem:$0x3FDB];
	_ =	sdelay $0x1  }
0x99: {  	s4 =	simm.s32 $_scs_section_size  }
0x9a: {  	s5 =	simm.s32 $_size__tile_overlayer_lowered;
	s6 =	simm.s32 $_tile_overlayer_lowered  }
0x9b: {  	s22 =	simm.s32 $0x1BFF;
	s21 =	sshll.u32 s6, $0x1;
	s3 =	sadd.s32 s4, s19  }
0x9c: {  	s7 =	simm.s32 $0x0;
	s20 =	sshll.u32 s5, $0x1;
	s5 =	sadd.s32 s21, s3  }
0x9d: {  	[timem:s7], [sflag:s22] =	dma.local [hbm:s5], s20  }
0x9e: {  	_ =	swait.ge [sflag:s22], s20  }
0x9f: {  	s4 =	ssub.s32 $0x0, s20;
	[sflag:s22] =	ssyncset.done $0x0  }
0xa0: {  	[sflag:s22] =	ssyncadd.s32 s4;
	_ =	sdelay $0x1  }
0xa1: {  	s23 =	simm.s32 $0x1B8B  }
0xa2: {  	_ =	swait.ge [sflag:s23], $0x1  }
0xa3: {  	[sflag:s23] =	ssyncset.done $0x0  }
0xa4: {  	s25 =	simm.s32 $0x1B8E;
	s24 =	sld [smem:$0x3FFE];
	[sflag:s23] =	ssyncadd.s32 $0xFFFFFFFF  }
0xa5: {  	s26 =	simm.s32 $execute0_lowered;
	[smem:$0x3FD2] =	sst s25  }
0xa6: {  	s5 =	sshll.u32 s26, $0x1;
	_ =	strace $0x80000049;
	[dreg:$0x1] =	wrdreg $0xFFFFFFFF  }
0xa7: {  	s28 =	simm.s32 $_size_execute0_lowered;
	s3 =	sadd.s32 s3, s5;
	[dreg:$0x0] =	wrdreg $0x0  }
0xa8: {  	s5 =	sshll.u32 s28, $0x1;
	[dreg:$0x2] =	wrdreg s3  }
0xa9: {  	[dreg:$0x3] =	wrdreg s5  }
0xaa: {  	[dreg:$0x4] =	wrdreg $0xC0  }
0xab: {  	_ =	task [dreg:s7], $0x5FFFF  }
0xac: {  	[dreg:$0x1] =	wrdreg $0xFFFFFFFF  }
0xad: {  	[dreg:$0x0] =	wrdreg $0x60  }
0xae: {  	[dreg:$0x2] =	wrdreg s2  }
0xaf: {  	[dreg:$0x3] =	wrdreg s24  }
0xb0: {  	[dreg:$0x4] =	wrdreg $0xB1800  }
0xb1: {  	[dreg:$0x5] =	wrdreg $0x1F1800  }
0xb2: {  	[dreg:$0x6] =	wrdreg $0x9  }
0xb3: {  	_ =	task.clear_ibuf [dreg:s7], $0x7FFFF;
	_ =	strace $0x90000049  }
0xb4: {  	s29 =	simm.s32 $0x9;
	_ =	strace $0x8000004B  }
0xb5: {  	_ =	swait.ge [sflag:s29], $0x1  }
0xb6: {  	[sflag:s29] =	ssyncadd.s32 $0xFFFFFFFF  }
0xb7: {  	_ =	strace $0x9000004B  }
0xb8: {  	_ =	sfence  }
0xb9: {  	s30 =	sld [smem:$0x0];
	_ =	sdelay $0x2  }
0xba: {  	s31 =	sshll.u32 s1, $0xD;
	s1 =	sshrl.u32 s1, $0x2  }
0xbb: {  	s3 =	sand.u32 $0x4000, s31;
	s1 =	sadd.s32 s1, s30  }
0xbc: {  	s0 =	sor.u32 s3, s0;
	s1 =	sshll.u32 s1, $0x11  }
0xbd: {  	s0 =	sor.u32 s1, s0  }
0xbe: {  	s0 =	sadd.s32 $0x8F2B, s0  }
0xbf: {  	[sflag:s0] =	ssyncadd.remote.s32 $0x1  }
0xc0: {  	_ =	sfence.sel $0xFFFF  }
0xc1: {  	[dreg:$0x0] =	wrdreg $0xFFFFFFFF;
	(pc) =	sbr.abs _section_cstart, $3  }
0xc2: {  	[dreg:$0x1] =	wrdreg $0xFFFFFFFF  }
0xc3: {  	_ =	task.clear_ibuf [dreg:s7], $0x2FFFF;
	_ =	strace $0x9FFFFFFF  }
0xc4: {  	(tm) =	ssettm $0x7FFFFFFF  }
0xc5: {  	_ =	shalt  }
tec
execute0_lowered:
.L_overlay_start_1:
0x0: {  	(tag) =	ssettag $0x1  }
0x1: {  	s1 =	rddreg [dreg:$0x0]  }
0x2: {  	s0 =	rddreg [dreg:$0x1]  }
0x3: {  	s2 =	rddreg [dreg:$0x2]  }
0x4: {  	s14 =	rddreg [dreg:$0x3]  }
0x5: {  	s4 =	simm.s32 $0x0;
	s3 =	srdreg.scid;
	s16 =	stileid.u32  }
0x6: {  	s28 =	simm.s32 $0x80;
	s29 =	simm.s32 $0x400;
	s30 =	simm.s32 $0xAC00  }
0x7: {  	s31 =	simm.s32 $0x7;
	[smem:$0x7FF] =	sst s4;
	s6 =	sadd.s32 $0x34C00, s0  }
0x8: {  	s3 =	sand.u32 $0x1, s3;
	s7 =	sadd.s32 $0x52C00, s0;
	s10 =	smul.u32 $0xA00, s16  }
0x9: {  	s8 =	sadd.s32 $0x5CC00, s0;
	s12 =	smul.u32 $0x50000, s16;
	s9 =	sadd.s32 $0x2000, s0  }
0xa: {  	s18 =	smul.u32 $0x2800, s16;
	_ =	strace $0x8000004A;
	s5 =	ssub.s32 $0x2, s3  }
0xb: {  	s22 =	sshll.u32 s3, $0x4;
	p0 =	seq.s32 s3, $0x1;
	s3 =	simm.s32 $0x8EC00  }
0xc: {  	s11 =	sshrl.u32 s5, $0x1;
	s13 =	sshrl.u32 s10, $0x2;
	s12 =	sshrl.u32 s12, $0x2  }
0xd: {  	s10 =	smul.u32 $0x1400, s16;
	s3 =	simm.s32 @!p0 $0x66C00;
	s5 =	ssub.s32 s5, s11  }
0xe: {  	s11 =	sor.u32 s16, s22;
	s13 =	sadd.s32 s13, s14;
	s22 =	sadd.s32 s12, s2  }
0xf: {  	s0 =	sadd.s32 s3, s0;
	s3 =	simm.s32 $0x180;
	[dreg:$0x5] =	wrdreg s13  }
0x10: {  	s12 =	sadd.s32 $0x4000, s22;
	s23 =	sadd.s32 $0x8000, s22;
	[dreg:$0x6] =	wrdreg s22  }
0x11: {  	s15 =	smul.u32 $0x2800, s11;
	s24 =	sadd.s32 $0xC000, s22;
	[dreg:$0x7] =	wrdreg s12  }
0x12: {  	s25 =	sadd.s32 $0x10000, s22;
	s11 =	sshrl.u32 s11, $0x3;
	[dreg:$0x8] =	wrdreg s23  }
0x13: {  	s0 =	sadd.s32 s0, s18;
	s13 =	simm.s32 $0x2;
	[dreg:$0x9] =	wrdreg s24  }
0x14: {  	s18 =	simm.s32 $0x4;
	[dreg:$0xa] =	wrdreg s25;
	s11 =	smul.u32 $0x14000, s11  }
0x15: {  	s12 =	sshll.u32 s16, $0x7;
	[dreg:$0xe] =	wrdreg s0;
	s25 =	smax.u32 s5, $0x1  }
0x16: {  	s0 =	simm.s32 $0x280;
	s5 =	simm.s32 $0x1;
	s16 =	simm.s32 $0x3  }
0x17: {  	s26 =	sshrl.u32 s15, $0x3;
	s14 =	sand.u32 $0x380, s12;
	[dreg:$0x11] =	wrdreg s25  }
0x18: {  	s17 =	sadd.s32 s1, s26;
	s19 =	sor.u32 s14, s11;
	s20 =	sadd.s32 s6, s26  }
0x19: {  	s21 =	sor.u32 $0x10, s26;
	s14 =	simm.s32 $0x4400;
	[dreg:$0xb] =	wrdreg s17  }
.Ltmp0:
0x1a: {  	[dreg:$0xc] =	wrdreg s20;
	s23 =	sadd.s32 s1, s21;
	(pc) =	sbr.rel .LBB2_1-.Ltmp0, $4  }
0x1b: {  	s11 =	sshrl.u32 s19, $0x3;
	s24 =	sadd.s32 s6, s21;
	[dreg:$0xf] =	wrdreg s23  }
0x1c: {  	s17 =	simm.s32 $0x300;
	s11 =	sadd.s32 s7, s11;
	[dreg:$0x10] =	wrdreg s24  }
0x1d: {  	s20 =	simm.s32 $0x380;
	[dreg:$0xd] =	wrdreg s11;
	s26 =	sadd.s32 $0x80, s11  }
0x1e: {  	v0 =	vimm.f32 $0.0e+00;
	s23 =	simm.s32 $0x0;
	s11 =	simm.s32 $0x8400;
	[dreg:$0x12] =	wrdreg s26  }
.LBB2_14:
0x1f: {  	s12 =	simm.s32 $0x6  }
0x20: {  	_ =	swait.ge [sflag:s12], $0x4000  }
0x21: {  	[sflag:s12] =	ssyncset.done $0x0  }
0x22: {  	[sflag:s12] =	ssyncadd.s32 $0xFFFFC000  }
0x23: {  	s25 =	stileid.u32;
	[bflag:$0x0] =	sbarrier.arrive $0xFFFF  }
0x24: {  	s12 =	sshll.u32 s25, $0x6;
	s22 =	rddreg [dreg:$0x6]  }
0x25: {  	s12 =	sor.u32 $0x1C07, s12;
	s24 =	rddreg [dreg:$0xe];
	s21 =	sshrl.u32 s22, $0x3  }
0x26: {  	[hbm:s24], [sflag:s12] =	dma.local [spmem:s21], $0x2800  }
0x27: {  	_ =	swait.ge [sflag:s31], $0x2800  }
0x28: {  	s23 =	sadd.s32 $0x1, s23;
	s26 =	rddreg [dreg:$0x11]  }
0x29: {  	p0 =	sne.s32 s23, s26  }
.Ltmp1:
0x2a: {  	_ = 	snop;
	(pc) =	sbr.rel @!p0 .LBB2_15-.Ltmp1, $3  }
0x2b: {  	_ =	sdelay $0x1  }
0x2c: {  	[sflag:s31] =	ssyncset.done $0x0  }
0x2d: {  	[sflag:s31] =	ssyncadd.s32 $0xFFFFD800  }
.LBB2_1:
0x2e: {  	[tilespmem:$0xAE80] =	vst v0  }
0x2f: {  	[tilespmem:$0xAE90] =	vst v0  }
0x30: {  	[tilespmem:$0xAEA0] =	vst v0  }
0x31: {  	[tilespmem:$0xAEB0] =	vst v0  }
0x32: {  	[tilespmem:$0xAEC0] =	vst v0  }
0x33: {  	[tilespmem:$0xAED0] =	vst v0  }
0x34: {  	[tilespmem:$0xAEE0] =	vst v0  }
0x35: {  	[tilespmem:$0xAEF0] =	vst v0  }
0x36: {  	[tilespmem:$0xAF00] =	vst v0  }
0x37: {  	[tilespmem:$0xAF10] =	vst v0  }
0x38: {  	[tilespmem:$0xAF20] =	vst v0  }
0x39: {  	[tilespmem:$0xAF30] =	vst v0  }
0x3a: {  	[tilespmem:$0xAF40] =	vst v0  }
0x3b: {  	[tilespmem:$0xAF50] =	vst v0  }
0x3c: {  	[tilespmem:$0xAF60] =	vst v0  }
0x3d: {  	[tilespmem:$0xAF70] =	vst v0  }
0x3e: {  	[tilespmem:$0xAF80] =	vst v0  }
0x3f: {  	[tilespmem:$0xAF90] =	vst v0  }
0x40: {  	[tilespmem:$0xAFA0] =	vst v0  }
0x41: {  	[tilespmem:$0xAFB0] =	vst v0  }
0x42: {  	[tilespmem:$0xAFC0] =	vst v0  }
0x43: {  	[tilespmem:$0xAFD0] =	vst v0  }
0x44: {  	[tilespmem:$0xAFE0] =	vst v0  }
0x45: {  	[tilespmem:$0xAFF0] =	vst v0  }
0x46: {  	[tilespmem:$0xB000] =	vst v0  }
0x47: {  	[tilespmem:$0xB010] =	vst v0  }
0x48: {  	[tilespmem:$0xB020] =	vst v0  }
0x49: {  	[tilespmem:$0xB030] =	vst v0  }
0x4a: {  	[tilespmem:$0xB040] =	vst v0  }
0x4b: {  	[tilespmem:$0xB050] =	vst v0  }
0x4c: {  	[tilespmem:$0xB060] =	vst v0  }
0x4d: {  	[tilespmem:$0xB070] =	vst v0  }
0x4e: {  	[tilespmem:$0xB080] =	vst v0  }
0x4f: {  	[tilespmem:$0xB090] =	vst v0  }
0x50: {  	[tilespmem:$0xB0A0] =	vst v0  }
0x51: {  	[tilespmem:$0xB0B0] =	vst v0  }
0x52: {  	[tilespmem:$0xB0C0] =	vst v0  }
0x53: {  	[tilespmem:$0xB0D0] =	vst v0  }
0x54: {  	[tilespmem:$0xB0E0] =	vst v0  }
0x55: {  	[tilespmem:$0xB0F0] =	vst v0;
	s21 =	simm.s32 $0x0  }
.LBB2_2:
0x56: {  	s24 =	sshrl.u32 s21, $0x3  }
0x57: {  	s24 =	smul.u32 $0x14000, s24  }
0x58: {  	s25 =	sshll.u32 s21, $0x7  }
0x59: {  	s25 =	sand.u32 $0x380, s25;
	s24 =	sadd.s32 s10, s24  }
0x5a: {  	s24 =	sor.u32 s25, s24  }
0x5b: {  	s24 =	sshrl.u32 s24, $0x3  }
0x5c: {  	s24 =	sadd.s32 s8, s24  }
0x5d: {  	[tilespmem:s30], [sflag:$0x7] =	stream.strided.gather [hbm4b:s24+s28], $0x280, s29, s28, $0x38;
	[tilespmem:$0x1F400] =	vst v63  }
0x5e: {  	_ =	swait.ge [sflag:s31], $0x280  }
0x5f: {  	[sflag:s31] =	ssyncset.done $0x0  }
0x60: {  	s24 =	simm.s32 $0x0;
	[sflag:s31] =	ssyncadd.s32 $0xFFFFFD80  }
0x61: {  	s25 =	simm.s32 $0x40;
	v1 =	vld [tilespmem:s24+$0xAC00]  }
.LBB2_3:
0x62: {  	p0 =	sne.s32 s25, $0x9C0;
	v2 =	vld [tilespmem:s24+$0xAE80];
	_ =	sdelay $0x2  }
.Ltmp2:
0x63: {  	(pc) =	sbr.rel @p0 .LBB2_3-.Ltmp2, $4  }
0x64: {  	_ = 	snop  }
0x65: {  	v2 =	vadd.f32 v1, v2  }
0x66: {  	s26 =	sshra.s32 s25, $0x2  }
0x67: {  	s25 =	sadd.s32 $0x40, s25;
	v1 =	vld [tilespmem:s26+$0xAC00];
	[tilespmem:s24+$0xAE80] =	vst v2;
	s24 =	smov.u32 s26  }
0x68: {  	v2 =	vld [tilespmem:s24+$0xAE80]  }
0x69: {  	s21 =	sadd.s32 $0x1, s21  }
0x6a: {  	p0 =	sne.s32 s21, $0x20  }
.Ltmp3:
0x6b: {  	_ = 	snop;
	(pc) =	sbr.rel @p0 .LBB2_2-.Ltmp3, $3  }
0x6c: {  	_ = 	snop  }
0x6d: {  	v1 =	vadd.f32 v1, v2;
	_ =	sdelay $0x1  }
0x6e: {  	[tilespmem:s24+$0xAE80] =	vst v1  }
0x6f: {  	s12 =	rddreg [dreg:$0x5];
	s21 =	simm.s32 $0xAE80  }
0x70: {  	[spmem:s12] =	stream.linear.scatter [tilespmem:s21], [sflag:$0x7], $0x280, $0x38;
	[tilespmem:$0x1F400] =	vst v63  }
0x71: {  	_ =	swait.ge [sflag:s31], $0x280  }
0x72: {  	[sflag:s31] =	ssyncset.done $0x0  }
0x73: {  	s24 =	simm.s32 $0x200;
	s21 =	simm.s32 $0x0;
	[sflag:s31] =	ssyncadd.s32 $0xFFFFFD80  }
.LBB2_6:
0x74: {  	p0 =	sne.s32 s24, $0xFE00;
	[tilespmem:s21+$0x470] =	vst v0  }
0x75: {  	[tilespmem:s21+$0x400] =	vst v0  }
0x76: {  	[tilespmem:s21+$0x410] =	vst v0  }
.Ltmp4:
0x77: {  	[tilespmem:s21+$0x420] =	vst v0;
	(pc) =	sbr.rel @p0 .LBB2_6-.Ltmp4, $4  }
0x78: {  	[tilespmem:s21+$0x430] =	vst v0  }
0x79: {  	[tilespmem:s21+$0x440] =	vst v0  }
0x7a: {  	[tilespmem:s21+$0x450] =	vst v0  }
0x7b: {  	[tilespmem:s21+$0x460] =	vst v0;
	s21 =	sshra.s32 s24, $0x2;
	s24 =	sadd.s32 $0x200, s24  }
0x7c: {  	[tilespmem:s21+$0x470] =	vst v0  }
0x7d: {  	[tilespmem:s21+$0x400] =	vst v0  }
0x7e: {  	[tilespmem:s21+$0x410] =	vst v0  }
0x7f: {  	[tilespmem:s21+$0x420] =	vst v0  }
0x80: {  	[tilespmem:s21+$0x430] =	vst v0  }
0x81: {  	[tilespmem:s21+$0x440] =	vst v0  }
0x82: {  	[tilespmem:s21+$0x450] =	vst v0  }
0x83: {  	[tilespmem:s21+$0x460] =	vst v0  }
0x84: {  	[spmem:s22] =	stream.linear.scatter [tilespmem:s29], [sflag:$0x7], $0x4000, $0x38;
	[tilespmem:$0x1F400] =	vst v63  }
0x85: {  	_ =	swait.ge [sflag:s31], $0x4000  }
0x86: {  	[sflag:s31] =	ssyncset.done $0x0  }
0x87: {  	s12 =	rddreg [dreg:$0x7];
	[sflag:s31] =	ssyncadd.s32 $0xFFFFC000  }
0x88: {  	[spmem:s12] =	stream.linear.scatter [tilespmem:s29], [sflag:$0x7], $0x4000, $0x38;
	[tilespmem:$0x1F400] =	vst v63  }
0x89: {  	_ =	swait.ge [sflag:s31], $0x4000  }
0x8a: {  	[sflag:s31] =	ssyncset.done $0x0  }
0x8b: {  	s22 =	rddreg [dreg:$0x8];
	[sflag:s31] =	ssyncadd.s32 $0xFFFFC000  }
0x8c: {  	[spmem:s22] =	stream.linear.scatter [tilespmem:s29], [sflag:$0x7], $0x4000, $0x38;
	[tilespmem:$0x1F400] =	vst v63  }
0x8d: {  	_ =	swait.ge [sflag:s31], $0x4000  }
0x8e: {  	[sflag:s31] =	ssyncset.done $0x0  }
0x8f: {  	s24 =	rddreg [dreg:$0x9];
	[sflag:s31] =	ssyncadd.s32 $0xFFFFC000  }
0x90: {  	[spmem:s24] =	stream.linear.scatter [tilespmem:s29], [sflag:$0x7], $0x4000, $0x38;
	[tilespmem:$0x1F400] =	vst v63  }
0x91: {  	_ =	swait.ge [sflag:s31], $0x4000  }
0x92: {  	[sflag:s31] =	ssyncset.done $0x0  }
0x93: {  	s25 =	rddreg [dreg:$0xa];
	[sflag:s31] =	ssyncadd.s32 $0xFFFFC000  }
0x94: {  	[spmem:s25] =	stream.linear.scatter [tilespmem:s29], [sflag:$0x7], $0x4000, $0x38;
	[tilespmem:$0x1F400] =	vst v63  }
0x95: {  	_ =	swait.ge [sflag:s31], $0x4000  }
0x96: {  	[sflag:s31] =	ssyncset.done $0x0  }
0x97: {  	s24 =	simm.s32 $0x0;
	s26 =	rddreg [dreg:$0xb];
	[sflag:s31] =	ssyncadd.s32 $0xFFFFC000  }
0x98: {  	[tilespmem:s24], [sflag:$0x1] =	stream.linear.gather [hbm4b:s26+s24], $0x80, $0x38;
	[tilespmem:$0x1F400] =	vst v63  }
0x99: {  	s22 =	simm.s32 $0x100;
	s21 =	rddreg [dreg:$0xc]  }
0x9a: {  	[tilespmem:s22], [sflag:$0x1] =	stream.linear.gather [hbm4b:s21+s24], $0x80, $0x38;
	[tilespmem:$0x1F400] =	vst v63  }
0x9b: {  	s25 =	rddreg [dreg:$0xd];
	s26 =	simm.s32 $0x200  }
0x9c: {  	[tilespmem:s26], [sflag:$0x1] =	stream.linear.gather [hbm4b:s25+s24], $0x80, $0x38;
	[tilespmem:$0x1F400] =	vst v63  }
0x9d: {  	s21 =	rddreg [dreg:$0xf]  }
0x9e: {  	[tilespmem:s28], [sflag:$0x2] =	stream.linear.gather [hbm4b:s21+s24], $0x80, $0x38;
	[tilespmem:$0x1F400] =	vst v63  }
0x9f: {  	s22 =	rddreg [dreg:$0x10]  }
0xa0: {  	[tilespmem:s3], [sflag:$0x2] =	stream.linear.gather [hbm4b:s22+s24], $0x80, $0x38;
	[tilespmem:$0x1F400] =	vst v63  }
0xa1: {  	s25 =	rddreg [dreg:$0x12]  }
0xa2: {  	[tilespmem:s0], [sflag:$0x2] =	stream.linear.gather [hbm4b:s25+s24], $0x80, $0x38;
	[tilespmem:$0x1F400] =	vst v63  }
0xa3: {  	_ =	swait.ge [sflag:s5], $0x80  }
0xa4: {  	[sflag:s5] =	ssyncset.done $0x0  }
0xa5: {  	[sflag:s5] =	ssyncadd.s32 $0xFFFFFF80  }
0xa6: {  	_ =	swait.ge [sflag:s5], $0x80  }
0xa7: {  	[sflag:s5] =	ssyncset.done $0x0  }
0xa8: {  	[sflag:s5] =	ssyncadd.s32 $0xFFFFFF80  }
0xa9: {  	_ =	swait.ge [sflag:s5], $0x80  }
0xaa: {  	[sflag:s5] =	ssyncset.done $0x0  }
0xab: {  	[sflag:s5] =	ssyncadd.s32 $0xFFFFFF80  }
0xac: {  	[tilespmem:s29], [sflag:$0x3] =	stream.indirect.gather [hbm4b:s9+s28], $0x80, s24, s28, $0xb8;
	[tilespmem:$0x1F400] =	vst v63  }
0xad: {  	[bflag:$0x0] =	sbarrier.arrive $0xFFFF  }
0xae: {  	s26 =	rddreg [dreg:$0x3]  }
0xaf: {  	[tilespmem:s11], [sflag:$0x7] =	stream.linear.gather [spmem:s26], $0x2800, $0x38;
	[tilespmem:$0x1F400] =	vst v63  }
0xb0: {  	_ =	swait.ge [sflag:s31], $0x2800  }
0xb1: {  	[sflag:s31] =	ssyncset.done $0x0  }
0xb2: {  	[sflag:s31] =	ssyncadd.s32 $0xFFFFD800  }
.LBB2_8:
0xb3: {  	p0 =	seq.s32 s24, $0x0  }
0xb4: {  	s21 =	simm.s32 @!p0 $0x6  }
0xb5: {  	_ =	swait.ge @!p0 [sflag:s21], $0x4000  }
0xb6: {  	[sflag:s21] =	ssyncset.done @!p0 $0x0  }
0xb7: {  	[sflag:s21] =	ssyncadd.s32 @!p0 $0xFFFFC000  }
0xb8: {  	_ =	swait.ge [sflag:s13], $0x80  }
0xb9: {  	[sflag:s13] =	ssyncset.done $0x0  }
0xba: {  	[sflag:s13] =	ssyncadd.s32 $0xFFFFFF80  }
0xbb: {  	_ =	swait.ge [sflag:s13], $0x80  }
0xbc: {  	[sflag:s13] =	ssyncset.done $0x0  }
0xbd: {  	[sflag:s13] =	ssyncadd.s32 $0xFFFFFF80  }
0xbe: {  	_ =	swait.ge [sflag:s13], $0x80  }
0xbf: {  	[sflag:s13] =	ssyncset.done $0x0  }
0xc0: {  	[sflag:s13] =	ssyncadd.s32 $0xFFFFFF80  }
0xc1: {  	[tilespmem:s14], [sflag:$0x4] =	stream.indirect.gather [hbm4b:s9+s28], $0x80, s28, s28, $0xb8;
	[tilespmem:$0x1F400] =	vst v63  }
0xc2: {  	_ =	swait.ge [sflag:s16], $0x4000  }
0xc3: {  	[sflag:s16] =	ssyncset.done $0x0  }
0xc4: {  	[sflag:s16] =	ssyncadd.s32 $0xFFFFC000  }
0xc5: {  	v1 =	vld [tilespmem:$0x100];
	_ =	sdelay $0x7  }
0xc6: {  	v2 =	vld.idx.msk [tilespmem:v1+s11+$0x0], $0xffff;
	_ =	sdelay $0x4  }
0xc7: {  	(erf) = vrcp.f32 v2;
	_ =	sdelay $0x4  }
0xc8: {  	v3 =	vld [tilespmem:$0x200]  }
0xc9: {  	v4 =	vld [tilespmem:$0x110];
	_ =	sdelay $0x2  }
0xca: {  	v5 =	vpop (erf)  }
0xcb: {  	v3 =	vmul.f32 v5, v3  }
0xcc: {  	vm0 =	vgt.f32 v2, $0.0e+00  }
0xcd: {  	[tilespmem:$0x300] =	vst v1;
	v2 =	vnsel vm0, $0x0, v3  }
0xce: {  	[tilespmem:$0xB100] =	vst v2  }
0xcf: {  	v1 =	vld.idx.msk [tilespmem:v4+s11+$0x0], $0xffff;
	_ =	sdelay $0x4  }
0xd0: {  	(erf) = vrcp.f32 v1;
	_ =	sdelay $0x4  }
0xd1: {  	v2 =	vld [tilespmem:$0x210]  }
0xd2: {  	v3 =	vld [tilespmem:$0x120];
	_ =	sdelay $0x2  }
0xd3: {  	v55 =	vpop (erf)  }
0xd4: {  	v2 =	vmul.f32 v55, v2  }
0xd5: {  	vm9 =	vgt.f32 v1, $0.0e+00  }
0xd6: {  	[tilespmem:$0x310] =	vst v4;
	v1 =	vnsel vm9, $0x0, v2  }
0xd7: {  	[tilespmem:$0xB110] =	vst v1  }
0xd8: {  	v1 =	vld.idx.msk [tilespmem:v3+s11+$0x0], $0xffff;
	_ =	sdelay $0x4  }
0xd9: {  	(erf) = vrcp.f32 v1;
	_ =	sdelay $0x4  }
0xda: {  	v2 =	vld [tilespmem:$0x220]  }
0xdb: {  	v56 =	vld [tilespmem:$0x130];
	_ =	sdelay $0x2  }
0xdc: {  	v57 =	vpop (erf)  }
0xdd: {  	v2 =	vmul.f32 v57, v2  }
0xde: {  	vm10 =	vgt.f32 v1, $0.0e+00  }
0xdf: {  	[tilespmem:$0x320] =	vst v3;
	v1 =	vnsel vm10, $0x0, v2  }
0xe0: {  	[tilespmem:$0xB120] =	vst v1  }
0xe1: {  	v1 =	vld.idx.msk [tilespmem:v56+s11+$0x0], $0xffff;
	_ =	sdelay $0x4  }
0xe2: {  	(erf) = vrcp.f32 v1;
	_ =	sdelay $0x4  }
0xe3: {  	v2 =	vld [tilespmem:$0x230]  }
0xe4: {  	v3 =	vld [tilespmem:$0x140];
	_ =	sdelay $0x2  }
0xe5: {  	v58 =	vpop (erf)  }
0xe6: {  	v2 =	vmul.f32 v58, v2  }
0xe7: {  	vm11 =	vgt.f32 v1, $0.0e+00  }
0xe8: {  	[tilespmem:$0x330] =	vst v56;
	v1 =	vnsel vm11, $0x0, v2  }
0xe9: {  	[tilespmem:$0xB130] =	vst v1  }
0xea: {  	v1 =	vld.idx.msk [tilespmem:v3+s11+$0x0], $0xffff;
	_ =	sdelay $0x4  }
0xeb: {  	(erf) = vrcp.f32 v1;
	_ =	sdelay $0x4  }
0xec: {  	v2 =	vld [tilespmem:$0x240]  }
0xed: {  	v59 =	vld [tilespmem:$0x150];
	_ =	sdelay $0x2  }
0xee: {  	v60 =	vpop (erf)  }
0xef: {  	v2 =	vmul.f32 v60, v2  }
0xf0: {  	vm12 =	vgt.f32 v1, $0.0e+00  }
0xf1: {  	[tilespmem:$0x340] =	vst v3;
	v1 =	vnsel vm12, $0x0, v2  }
0xf2: {  	[tilespmem:$0xB140] =	vst v1  }
0xf3: {  	v1 =	vld.idx.msk [tilespmem:v59+s11+$0x0], $0xffff;
	_ =	sdelay $0x4  }
0xf4: {  	(erf) = vrcp.f32 v1;
	_ =	sdelay $0x4  }
0xf5: {  	v2 =	vld [tilespmem:$0x250]  }
0xf6: {  	v3 =	vld [tilespmem:$0x160];
	_ =	sdelay $0x2  }
0xf7: {  	v61 =	vpop (erf)  }
0xf8: {  	v2 =	vmul.f32 v61, v2  }
0xf9: {  	vm13 =	vgt.f32 v1, $0.0e+00  }
0xfa: {  	[tilespmem:$0x350] =	vst v59;
	v1 =	vnsel vm13, $0x0, v2  }
0xfb: {  	[tilespmem:$0xB150] =	vst v1  }
0xfc: {  	v1 =	vld.idx.msk [tilespmem:v3+s11+$0x0], $0xffff;
	_ =	sdelay $0x4  }
0xfd: {  	(erf) = vrcp.f32 v1;
	_ =	sdelay $0x4  }
0xfe: {  	v2 =	vld [tilespmem:$0x260]  }
0xff: {  	v62 =	vld [tilespmem:$0x170];
	_ =	sdelay $0x2  }
0x100: {  	v63 =	vpop (erf)  }
0x101: {  	v2 =	vmul.f32 v63, v2  }
0x102: {  	vm14 =	vgt.f32 v1, $0.0e+00  }
0x103: {  	[tilespmem:$0x360] =	vst v3;
	v1 =	vnsel vm14, $0x0, v2  }
0x104: {  	[tilespmem:$0xB160] =	vst v1  }
0x105: {  	v1 =	vld.idx.msk [tilespmem:v62+s11+$0x0], $0xffff;
	_ =	sdelay $0x4  }
0x106: {  	(erf) = vrcp.f32 v1;
	_ =	sdelay $0x4  }
0x107: {  	v2 =	vld [tilespmem:$0x270];
	_ =	sdelay $0x3  }
0x108: {  	v3 =	vpop (erf)  }
0x109: {  	v2 =	vmul.f32 v3, v2  }
0x10a: {  	vm15 =	vgt.f32 v1, $0.0e+00  }
0x10b: {  	[tilespmem:$0x370] =	vst v62;
	v1 =	vnsel vm15, $0x0, v2  }
0x10c: {  	s25 =	sshll.u32 s24, $0x1;
	s26 =	simm.s32 $0x0;
	[tilespmem:$0xB170] =	vst v1  }
.LBB2_9:
0x10d: {  	s21 =	sshll.u32 s26, $0x4  }
0x10e: {  	s21 =	sand.u32 $0x3FFFFFF0, s21  }
0x10f: {  	s22 =	sshll.u32 s26, $0xB;
	v1 =	vld [tilespmem:s21+$0xB100]  }
0x110: {  	s21 =	sand.u32 $0x3FFFF800, s22  }
0x111: {  	v2 =	vld [tilespmem:s21+$0x400]  }
0x112: {  	v3 =	vld [tilespmem:s21+$0x410]  }
0x113: {  	v4 =	vld [tilespmem:s21+$0x420]  }
0x114: {  	v6 =	vld [tilespmem:s21+$0x430];
	v5 =	vbroadcast v1, $0x0  }
0x115: {  	v7 =	vld [tilespmem:s21+$0x440]  }
0x116: {  	v8 =	vld [tilespmem:s21+$0x450];
	v2 =	vmul.f32 v5, v2  }
0x117: {  	v9 =	vld [tilespmem:s21+$0x460];
	v3 =	vmul.f32 v3, v5  }
0x118: {  	v34 =	vld [tilespmem:s21+$0x470];
	[tilespmem:s21+$0x400] =	vst v2;
	v2 =	vmul.f32 v4, v5  }
0x119: {  	v35 =	vld [tilespmem:s21+$0x480];
	[tilespmem:s21+$0x410] =	vst v3;
	v3 =	vmul.f32 v6, v5  }
0x11a: {  	v36 =	vld [tilespmem:s21+$0x490];
	[tilespmem:s21+$0x420] =	vst v2;
	v2 =	vmul.f32 v7, v5  }
0x11b: {  	v37 =	vld [tilespmem:s21+$0x4A0];
	[tilespmem:s21+$0x430] =	vst v3;
	v3 =	vmul.f32 v8, v5  }
0x11c: {  	v10 =	vld [tilespmem:s21+$0x4B0];
	v38 =	vbroadcast v1, $0x1;
	[tilespmem:s21+$0x440] =	vst v2;
	v2 =	vmul.f32 v9, v5  }
0x11d: {  	v39 =	vld [tilespmem:s21+$0x4C0];
	[tilespmem:s21+$0x450] =	vst v3;
	v3 =	vmul.f32 v34, v5  }
0x11e: {  	v40 =	vld [tilespmem:s21+$0x4D0];
	[tilespmem:s21+$0x460] =	vst v2;
	v2 =	vmul.f32 v35, v38  }
0x11f: {  	v41 =	vld [tilespmem:s21+$0x4E0];
	[tilespmem:s21+$0x470] =	vst v3;
	v3 =	vmul.f32 v36, v38  }
0x120: {  	v42 =	vld [tilespmem:s21+$0x4F0];
	[tilespmem:s21+$0x480] =	vst v2;
	v2 =	vmul.f32 v37, v38  }
0x121: {  	v43 =	vld [tilespmem:s21+$0x500];
	[tilespmem:s21+$0x490] =	vst v3;
	v3 =	vmul.f32 v10, v38  }
0x122: {  	v44 =	vld [tilespmem:s21+$0x510];
	[tilespmem:s21+$0x4A0] =	vst v2;
	v2 =	vmul.f32 v39, v38  }
0x123: {  	v45 =	vld [tilespmem:s21+$0x520];
	[tilespmem:s21+$0x4B0] =	vst v3;
	v3 =	vmul.f32 v40, v38  }
0x124: {  	v47 =	vld [tilespmem:s21+$0x530];
	v46 =	vbroadcast v1, $0x2;
	[tilespmem:s21+$0x4C0] =	vst v2;
	v2 =	vmul.f32 v41, v38  }
0x125: {  	v48 =	vld [tilespmem:s21+$0x540];
	[tilespmem:s21+$0x4D0] =	vst v3;
	v3 =	vmul.f32 v42, v38  }
0x126: {  	v49 =	vld [tilespmem:s21+$0x550];
	[tilespmem:s21+$0x4E0] =	vst v2;
	v2 =	vmul.f32 v43, v46  }
0x127: {  	v50 =	vld [tilespmem:s21+$0x560];
	[tilespmem:s21+$0x4F0] =	vst v3;
	v3 =	vmul.f32 v44, v46  }
0x128: {  	v51 =	vld [tilespmem:s21+$0x570];
	[tilespmem:s21+$0x500] =	vst v2;
	v2 =	vmul.f32 v45, v46  }
0x129: {  	v52 =	vld [tilespmem:s21+$0x580];
	[tilespmem:s21+$0x510] =	vst v3;
	v3 =	vmul.f32 v47, v46  }
0x12a: {  	v53 =	vld [tilespmem:s21+$0x590];
	[tilespmem:s21+$0x520] =	vst v2;
	v2 =	vmul.f32 v48, v46  }
0x12b: {  	v54 =	vld [tilespmem:s21+$0x5A0];
	[tilespmem:s21+$0x530] =	vst v3;
	v3 =	vmul.f32 v49, v46  }
0x12c: {  	v56 =	vld [tilespmem:s21+$0x5B0];
	v55 =	vbroadcast v1, $0x3;
	[tilespmem:s21+$0x540] =	vst v2;
	v2 =	vmul.f32 v50, v46  }
0x12d: {  	v57 =	vld [tilespmem:s21+$0x5C0];
	[tilespmem:s21+$0x550] =	vst v3;
	v3 =	vmul.f32 v51, v46  }
0x12e: {  	v58 =	vld [tilespmem:s21+$0x5D0];
	[tilespmem:s21+$0x560] =	vst v2;
	v2 =	vmul.f32 v52, v55  }
0x12f: {  	v59 =	vld [tilespmem:s21+$0x5E0];
	[tilespmem:s21+$0x570] =	vst v3;
	v3 =	vmul.f32 v53, v55  }
0x130: {  	v60 =	vld [tilespmem:s21+$0x5F0];
	[tilespmem:s21+$0x580] =	vst v2;
	v2 =	vmul.f32 v54, v55  }
0x131: {  	v61 =	vld [tilespmem:s21+$0x600];
	[tilespmem:s21+$0x590] =	vst v3;
	v3 =	vmul.f32 v56, v55  }
0x132: {  	v62 =	vld [tilespmem:s21+$0x610];
	[tilespmem:s21+$0x5A0] =	vst v2;
	v2 =	vmul.f32 v57, v55  }
0x133: {  	v63 =	vld [tilespmem:s21+$0x620];
	[tilespmem:s21+$0x5B0] =	vst v3;
	v3 =	vmul.f32 v58, v55  }
0x134: {  	v13 =	vld [tilespmem:s21+$0x630];
	v12 =	vbroadcast v1, $0x4;
	[tilespmem:s21+$0x5C0] =	vst v2;
	v2 =	vmul.f32 v59, v55  }
0x135: {  	v14 =	vld [tilespmem:s21+$0x640];
	[tilespmem:s21+$0x5D0] =	vst v3;
	v3 =	vmul.f32 v60, v55  }
0x136: {  	v15 =	vld [tilespmem:s21+$0x650];
	[tilespmem:s21+$0x5E0] =	vst v2;
	v2 =	vmul.f32 v61, v12  }
0x137: {  	v16 =	vld [tilespmem:s21+$0x660];
	[tilespmem:s21+$0x5F0] =	vst v3;
	v3 =	vmul.f32 v62, v12  }
0x138: {  	v17 =	vld [tilespmem:s21+$0x670];
	[tilespmem:s21+$0x600] =	vst v2;
	v2 =	vmul.f32 v63, v12  }
0x139: {  	v18 =	vld [tilespmem:s21+$0x680];
	[tilespmem:s21+$0x610] =	vst v3;
	v3 =	vmul.f32 v13, v12  }
0x13a: {  	v19 =	vld [tilespmem:s21+$0x690];
	[tilespmem:s21+$0x620] =	vst v2;
	v2 =	vmul.f32 v14, v12  }
0x13b: {  	v20 =	vld [tilespmem:s21+$0x6A0];
	[tilespmem:s21+$0x630] =	vst v3;
	v3 =	vmul.f32 v15, v12  }
0x13c: {  	v22 =	vld [tilespmem:s21+$0x6B0];
	v21 =	vbroadcast v1, $0x5;
	[tilespmem:s21+$0x640] =	vst v2;
	v2 =	vmul.f32 v16, v12  }
0x13d: {  	v23 =	vld [tilespmem:s21+$0x6C0];
	[tilespmem:s21+$0x650] =	vst v3;
	v3 =	vmul.f32 v17, v12  }
0x13e: {  	v24 =	vld [tilespmem:s21+$0x6D0];
	[tilespmem:s21+$0x660] =	vst v2;
	v2 =	vmul.f32 v18, v21  }
0x13f: {  	v25 =	vld [tilespmem:s21+$0x6E0];
	[tilespmem:s21+$0x670] =	vst v3;
	v3 =	vmul.f32 v19, v21  }
0x140: {  	v26 =	vld [tilespmem:s21+$0x6F0];
	[tilespmem:s21+$0x680] =	vst v2;
	v2 =	vmul.f32 v20, v21  }
0x141: {  	v27 =	vld [tilespmem:s21+$0x700];
	[tilespmem:s21+$0x690] =	vst v3;
	v3 =	vmul.f32 v22, v21  }
0x142: {  	v28 =	vld [tilespmem:s21+$0x710];
	[tilespmem:s21+$0x6A0] =	vst v2;
	v2 =	vmul.f32 v23, v21  }
0x143: {  	v29 =	vld [tilespmem:s21+$0x720];
	[tilespmem:s21+$0x6B0] =	vst v3;
	v3 =	vmul.f32 v24, v21  }
0x144: {  	v31 =	vld [tilespmem:s21+$0x730];
	v30 =	vbroadcast v1, $0x6;
	[tilespmem:s21+$0x6C0] =	vst v2;
	v2 =	vmul.f32 v25, v21  }
0x145: {  	v32 =	vld [tilespmem:s21+$0x740];
	[tilespmem:s21+$0x6D0] =	vst v3;
	v3 =	vmul.f32 v26, v21  }
0x146: {  	v33 =	vld [tilespmem:s21+$0x750];
	[tilespmem:s21+$0x6E0] =	vst v2;
	v2 =	vmul.f32 v27, v30  }
0x147: {  	v34 =	vld [tilespmem:s21+$0x760];
	[tilespmem:s21+$0x6F0] =	vst v3;
	v3 =	vmul.f32 v28, v30  }
0x148: {  	v35 =	vld [tilespmem:s21+$0x770];
	[tilespmem:s21+$0x700] =	vst v2;
	v2 =	vmul.f32 v29, v30  }
0x149: {  	v36 =	vld [tilespmem:s21+$0x780];
	[tilespmem:s21+$0x710] =	vst v3;
	v3 =	vmul.f32 v31, v30  }
0x14a: {  	v37 =	vld [tilespmem:s21+$0x790];
	[tilespmem:s21+$0x720] =	vst v2;
	v2 =	vmul.f32 v32, v30  }
0x14b: {  	v38 =	vld [tilespmem:s21+$0x7A0];
	[tilespmem:s21+$0x730] =	vst v3;
	v3 =	vmul.f32 v33, v30  }
0x14c: {  	v39 =	vbroadcast v1, $0x7;
	v40 =	vld [tilespmem:s21+$0x7B0];
	[tilespmem:s21+$0x740] =	vst v2;
	v2 =	vmul.f32 v34, v30  }
0x14d: {  	v41 =	vld [tilespmem:s21+$0x7C0];
	[tilespmem:s21+$0x750] =	vst v3;
	v3 =	vmul.f32 v35, v30  }
0x14e: {  	v42 =	vld [tilespmem:s21+$0x7D0];
	[tilespmem:s21+$0x760] =	vst v2;
	v2 =	vmul.f32 v36, v39  }
0x14f: {  	v43 =	vld [tilespmem:s21+$0x7E0];
	[tilespmem:s21+$0x770] =	vst v3;
	v3 =	vmul.f32 v37, v39  }
0x150: {  	v44 =	vld [tilespmem:s21+$0x7F0];
	[tilespmem:s21+$0x780] =	vst v2;
	v2 =	vmul.f32 v38, v39  }
0x151: {  	v45 =	vld [tilespmem:s21+$0x800];
	[tilespmem:s21+$0x790] =	vst v3;
	v3 =	vmul.f32 v40, v39  }
0x152: {  	v46 =	vld [tilespmem:s21+$0x810];
	[tilespmem:s21+$0x7A0] =	vst v2;
	v2 =	vmul.f32 v41, v39  }
0x153: {  	v47 =	vld [tilespmem:s21+$0x820];
	[tilespmem:s21+$0x7B0] =	vst v3;
	v3 =	vmul.f32 v42, v39  }
0x154: {  	v48 =	vbroadcast v1, $0x8;
	v49 =	vld [tilespmem:s21+$0x830];
	[tilespmem:s21+$0x7C0] =	vst v2;
	v2 =	vmul.f32 v43, v39  }
0x155: {  	v50 =	vld [tilespmem:s21+$0x840];
	[tilespmem:s21+$0x7D0] =	vst v3;
	v3 =	vmul.f32 v44, v39  }
0x156: {  	v51 =	vld [tilespmem:s21+$0x850];
	[tilespmem:s21+$0x7E0] =	vst v2;
	v2 =	vmul.f32 v45, v48  }
0x157: {  	v52 =	vld [tilespmem:s21+$0x860];
	[tilespmem:s21+$0x7F0] =	vst v3;
	v3 =	vmul.f32 v46, v48  }
0x158: {  	v53 =	vld [tilespmem:s21+$0x870];
	[tilespmem:s21+$0x800] =	vst v2;
	v2 =	vmul.f32 v47, v48  }
0x159: {  	v54 =	vld [tilespmem:s21+$0x880];
	[tilespmem:s21+$0x810] =	vst v3;
	v3 =	vmul.f32 v49, v48  }
0x15a: {  	v55 =	vld [tilespmem:s21+$0x890];
	[tilespmem:s21+$0x820] =	vst v2;
	v2 =	vmul.f32 v50, v48  }
0x15b: {  	v56 =	vld [tilespmem:s21+$0x8A0];
	[tilespmem:s21+$0x830] =	vst v3;
	v3 =	vmul.f32 v51, v48  }
0x15c: {  	v57 =	vbroadcast v1, $0x9;
	v58 =	vld [tilespmem:s21+$0x8B0];
	[tilespmem:s21+$0x840] =	vst v2;
	v2 =	vmul.f32 v52, v48  }
0x15d: {  	v59 =	vld [tilespmem:s21+$0x8C0];
	[tilespmem:s21+$0x850] =	vst v3;
	v3 =	vmul.f32 v53, v48  }
0x15e: {  	v60 =	vld [tilespmem:s21+$0x8D0];
	[tilespmem:s21+$0x860] =	vst v2;
	v2 =	vmul.f32 v54, v57  }
0x15f: {  	v61 =	vld [tilespmem:s21+$0x8E0];
	[tilespmem:s21+$0x870] =	vst v3;
	v3 =	vmul.f32 v55, v57  }
0x160: {  	v62 =	vld [tilespmem:s21+$0x8F0];
	[tilespmem:s21+$0x880] =	vst v2;
	v2 =	vmul.f32 v56, v57  }
0x161: {  	v63 =	vld [tilespmem:s21+$0x900];
	[tilespmem:s21+$0x890] =	vst v3;
	v3 =	vmul.f32 v58, v57  }
0x162: {  	v12 =	vld [tilespmem:s21+$0x910];
	[tilespmem:s21+$0x8A0] =	vst v2;
	v2 =	vmul.f32 v59, v57  }
0x163: {  	v13 =	vld [tilespmem:s21+$0x920];
	[tilespmem:s21+$0x8B0] =	vst v3;
	v3 =	vmul.f32 v60, v57  }
0x164: {  	v14 =	vbroadcast v1, $0xA;
	v15 =	vld [tilespmem:s21+$0x930];
	[tilespmem:s21+$0x8C0] =	vst v2;
	v2 =	vmul.f32 v61, v57  }
0x165: {  	v16 =	vld [tilespmem:s21+$0x940];
	[tilespmem:s21+$0x8D0] =	vst v3;
	v3 =	vmul.f32 v62, v57  }
0x166: {  	v17 =	vld [tilespmem:s21+$0x950];
	[tilespmem:s21+$0x8E0] =	vst v2;
	v2 =	vmul.f32 v63, v14  }
0x167: {  	v18 =	vld [tilespmem:s21+$0x960];
	[tilespmem:s21+$0x8F0] =	vst v3;
	v3 =	vmul.f32 v12, v14  }
0x168: {  	v19 =	vld [tilespmem:s21+$0x970];
	[tilespmem:s21+$0x900] =	vst v2;
	v2 =	vmul.f32 v13, v14  }
0x169: {  	v20 =	vld [tilespmem:s21+$0x980];
	[tilespmem:s21+$0x910] =	vst v3;
	v3 =	vmul.f32 v15, v14  }
0x16a: {  	v21 =	vld [tilespmem:s21+$0x990];
	[tilespmem:s21+$0x920] =	vst v2;
	v2 =	vmul.f32 v16, v14  }
0x16b: {  	v22 =	vld [tilespmem:s21+$0x9A0];
	[tilespmem:s21+$0x930] =	vst v3;
	v3 =	vmul.f32 v17, v14  }
0x16c: {  	v23 =	vbroadcast v1, $0xB;
	v24 =	vld [tilespmem:s21+$0x9B0];
	[tilespmem:s21+$0x940] =	vst v2;
	v2 =	vmul.f32 v18, v14  }
0x16d: {  	v25 =	vld [tilespmem:s21+$0x9C0];
	[tilespmem:s21+$0x950] =	vst v3;
	v3 =	vmul.f32 v19, v14  }
0x16e: {  	v26 =	vld [tilespmem:s21+$0x9D0];
	[tilespmem:s21+$0x960] =	vst v2;
	v2 =	vmul.f32 v20, v23  }
0x16f: {  	v27 =	vld [tilespmem:s21+$0x9E0];
	[tilespmem:s21+$0x970] =	vst v3;
	v3 =	vmul.f32 v21, v23  }
0x170: {  	v28 =	vld [tilespmem:s21+$0x9F0];
	[tilespmem:s21+$0x980] =	vst v2;
	v2 =	vmul.f32 v22, v23  }
0x171: {  	v29 =	vld [tilespmem:s21+$0xA00];
	[tilespmem:s21+$0x990] =	vst v3;
	v3 =	vmul.f32 v24, v23  }
0x172: {  	v30 =	vld [tilespmem:s21+$0xA10];
	[tilespmem:s21+$0x9A0] =	vst v2;
	v2 =	vmul.f32 v25, v23  }
0x173: {  	v31 =	vld [tilespmem:s21+$0xA20];
	[tilespmem:s21+$0x9B0] =	vst v3;
	v3 =	vmul.f32 v26, v23  }
0x174: {  	v32 =	vbroadcast v1, $0xC;
	v33 =	vld [tilespmem:s21+$0xA30];
	[tilespmem:s21+$0x9C0] =	vst v2;
	v2 =	vmul.f32 v27, v23  }
0x175: {  	v34 =	vld [tilespmem:s21+$0xA40];
	[tilespmem:s21+$0x9D0] =	vst v3;
	v3 =	vmul.f32 v28, v23  }
0x176: {  	v35 =	vld [tilespmem:s21+$0xA50];
	[tilespmem:s21+$0x9E0] =	vst v2;
	v2 =	vmul.f32 v29, v32  }
0x177: {  	v36 =	vld [tilespmem:s21+$0xA60];
	[tilespmem:s21+$0x9F0] =	vst v3;
	v3 =	vmul.f32 v30, v32  }
0x178: {  	v37 =	vld [tilespmem:s21+$0xA70];
	[tilespmem:s21+$0xA00] =	vst v2;
	v2 =	vmul.f32 v31, v32  }
0x179: {  	v38 =	vld [tilespmem:s21+$0xA80];
	[tilespmem:s21+$0xA10] =	vst v3;
	v3 =	vmul.f32 v33, v32  }
0x17a: {  	v39 =	vld [tilespmem:s21+$0xA90];
	[tilespmem:s21+$0xA20] =	vst v2;
	v2 =	vmul.f32 v34, v32  }
0x17b: {  	v40 =	vld [tilespmem:s21+$0xAA0];
	[tilespmem:s21+$0xA30] =	vst v3;
	v3 =	vmul.f32 v35, v32  }
0x17c: {  	v41 =	vbroadcast v1, $0xD;
	v42 =	vld [tilespmem:s21+$0xAB0];
	[tilespmem:s21+$0xA40] =	vst v2;
	v2 =	vmul.f32 v36, v32  }
0x17d: {  	v43 =	vld [tilespmem:s21+$0xAC0];
	[tilespmem:s21+$0xA50] =	vst v3;
	v3 =	vmul.f32 v37, v32  }
0x17e: {  	v44 =	vld [tilespmem:s21+$0xAD0];
	[tilespmem:s21+$0xA60] =	vst v2;
	v2 =	vmul.f32 v38, v41  }
0x17f: {  	v45 =	vld [tilespmem:s21+$0xAE0];
	[tilespmem:s21+$0xA70] =	vst v3;
	v3 =	vmul.f32 v39, v41  }
0x180: {  	v46 =	vld [tilespmem:s21+$0xAF0];
	[tilespmem:s21+$0xA80] =	vst v2;
	v2 =	vmul.f32 v40, v41  }
0x181: {  	v47 =	vld [tilespmem:s21+$0xB00];
	[tilespmem:s21+$0xA90] =	vst v3;
	v3 =	vmul.f32 v42, v41  }
0x182: {  	v48 =	vld [tilespmem:s21+$0xB10];
	[tilespmem:s21+$0xAA0] =	vst v2;
	v2 =	vmul.f32 v43, v41  }
0x183: {  	v49 =	vld [tilespmem:s21+$0xB20];
	[tilespmem:s21+$0xAB0] =	vst v3;
	v3 =	vmul.f32 v44, v41  }
0x184: {  	v50 =	vbroadcast v1, $0xE;
	v51 =	vld [tilespmem:s21+$0xB30];
	[tilespmem:s21+$0xAC0] =	vst v2;
	v2 =	vmul.f32 v45, v41  }
0x185: {  	v52 =	vld [tilespmem:s21+$0xB40];
	[tilespmem:s21+$0xAD0] =	vst v3;
	v3 =	vmul.f32 v46, v41  }
0x186: {  	v53 =	vld [tilespmem:s21+$0xB50];
	[tilespmem:s21+$0xAE0] =	vst v2;
	v2 =	vmul.f32 v47, v50  }
0x187: {  	v54 =	vld [tilespmem:s21+$0xB60];
	[tilespmem:s21+$0xAF0] =	vst v3;
	v3 =	vmul.f32 v48, v50  }
0x188: {  	v55 =	vld [tilespmem:s21+$0xB70];
	[tilespmem:s21+$0xB00] =	vst v2;
	v2 =	vmul.f32 v49, v50  }
0x189: {  	v56 =	vld [tilespmem:s21+$0xB80];
	[tilespmem:s21+$0xB10] =	vst v3;
	v3 =	vmul.f32 v51, v50  }
0x18a: {  	v57 =	vld [tilespmem:s21+$0xB90];
	[tilespmem:s21+$0xB20] =	vst v2;
	v2 =	vmul.f32 v52, v50  }
0x18b: {  	v58 =	vld [tilespmem:s21+$0xBA0];
	[tilespmem:s21+$0xB30] =	vst v3;
	v3 =	vmul.f32 v53, v50  }
0x18c: {  	v1 =	vbroadcast v1, $0xF;
	v59 =	vld [tilespmem:s21+$0xBB0];
	[tilespmem:s21+$0xB40] =	vst v2;
	v2 =	vmul.f32 v54, v50  }
0x18d: {  	v60 =	vld [tilespmem:s21+$0xBC0];
	[tilespmem:s21+$0xB50] =	vst v3;
	v3 =	vmul.f32 v55, v50  }
0x18e: {  	v61 =	vld [tilespmem:s21+$0xBD0];
	[tilespmem:s21+$0xB60] =	vst v2;
	v2 =	vmul.f32 v56, v1  }
0x18f: {  	v62 =	vld [tilespmem:s21+$0xBE0];
	[tilespmem:s21+$0xB70] =	vst v3;
	v3 =	vmul.f32 v57, v1  }
0x190: {  	v63 =	vld [tilespmem:s21+$0xBF0];
	[tilespmem:s21+$0xB80] =	vst v2;
	v2 =	vmul.f32 v58, v1  }
0x191: {  	[tilespmem:s21+$0xB90] =	vst v3;
	v3 =	vmul.f32 v59, v1  }
0x192: {  	p0 =	sne.s32 s26, $0x7;
	[tilespmem:s21+$0xBA0] =	vst v2;
	v2 =	vmul.f32 v60, v1  }
.Ltmp5:
0x193: {  	[tilespmem:s21+$0xBB0] =	vst v3;
	v3 =	vmul.f32 v61, v1;
	(pc) =	sbr.rel @p0 .LBB2_9-.Ltmp5, $4  }
0x194: {  	[tilespmem:s21+$0xBC0] =	vst v2;
	v2 =	vmul.f32 v62, v1  }
0x195: {  	[tilespmem:s21+$0xBD0] =	vst v3;
	v1 =	vmul.f32 v63, v1  }
0x196: {  	[tilespmem:s21+$0xBE0] =	vst v2  }
0x197: {  	s26 =	sadd.s32 $0x1, s26;
	[tilespmem:s21+$0xBF0] =	vst v1  }
0x198: {  	[spmem:s2] =	stream.indirect.scatter.add.f32 [tilespmem:s29], [sflag:$0x5], $0x80, s17, s28, $0xb8;
	[tilespmem:$0x1F400] =	vst v63  }
0x199: {  	p0 =	seq.s32 s24, $0x27  }
0x19a: {  	s21 =	sadd.s32 @!p0 $0x2, s25  }
0x19b: {  	s26 =	simm.s32 @p0 $0x5;
	s22 =	sshll.u32 @!p0 s21, $0x7  }
0x19c: {  	s12 =	simm.s32 @!p0 $0x0;
	_ =	swait.ge @p0 [sflag:s26], $0x4000;
	s22 =	sadd.s32 @!p0 s15, s22  }
0x19d: {  	s21 =	sshll.u32 @!p0 s21, $0xA;
	[sflag:s26] =	ssyncset.done @p0 $0x0;
	s22 =	sshrl.u32 @!p0 s22, $0x3  }
0x19e: {  	s21 =	sadd.s32 @!p0 s19, s21;
	[sflag:s26] =	ssyncadd.s32 @p0 $0xFFFFC000;
	s26 =	sadd.s32 @!p0 s1, s22  }
0x19f: {  	[tilespmem:s12], [sflag:$0x1] =	stream.linear.gather @!p0 [hbm4b:s26+s12], $0x80, $0x38;
	[tilespmem:$0x1F400] =	vst v63  }
0x1a0: {  	s21 =	sshrl.u32 @!p0 s21, $0x3;
	s22 =	sadd.s32 @!p0 s6, s22;
	s26 =	simm.s32 @!p0 $0x100  }
0x1a1: {  	[tilespmem:s26], [sflag:$0x1] =	stream.linear.gather @!p0 [hbm4b:s22+s12], $0x80, $0x38;
	[tilespmem:$0x1F400] =	vst v63  }
0x1a2: {  	s21 =	sadd.s32 @!p0 s7, s21;
	s22 =	simm.s32 @!p0 $0x200  }
0x1a3: {  	[tilespmem:s22], [sflag:$0x1] =	stream.linear.gather @!p0 [hbm4b:s21+s12], $0x80, $0x38;
	[tilespmem:$0x1F400] =	vst v63  }
0x1a4: {  	s21 =	simm.s32 @!p0 $0x5  }
0x1a5: {  	_ =	swait.ge @!p0 [sflag:s21], $0x4000  }
0x1a6: {  	[sflag:s21] =	ssyncset.done @!p0 $0x0  }
0x1a7: {  	[sflag:s21] =	ssyncadd.s32 @!p0 $0xFFFFC000;
	s21 =	simm.s32 @!p0 $0x1  }
0x1a8: {  	_ =	swait.ge @!p0 [sflag:s21], $0x80  }
0x1a9: {  	[sflag:s21] =	ssyncset.done @!p0 $0x0  }
0x1aa: {  	[sflag:s21] =	ssyncadd.s32 @!p0 $0xFFFFFF80  }
0x1ab: {  	_ =	swait.ge @!p0 [sflag:s21], $0x80  }
0x1ac: {  	[sflag:s21] =	ssyncset.done @!p0 $0x0  }
0x1ad: {  	[sflag:s21] =	ssyncadd.s32 @!p0 $0xFFFFFF80  }
0x1ae: {  	_ =	swait.ge @!p0 [sflag:s21], $0x80  }
0x1af: {  	[sflag:s21] =	ssyncset.done @!p0 $0x0  }
0x1b0: {  	s22 =	simm.s32 @!p0 $0x400;
	[sflag:s21] =	ssyncadd.s32 @!p0 $0xFFFFFF80;
	s21 =	simm.s32 @!p0 $0x80  }
0x1b1: {  	[tilespmem:s22], [sflag:$0x3] =	stream.indirect.gather @!p0 [hbm4b:s9+s21], $0x80, s12, s21, $0xb8;
	[tilespmem:$0x1F400] =	vst v63  }
0x1b2: {  	_ =	swait.ge [sflag:s18], $0x4000  }
0x1b3: {  	[sflag:s18] =	ssyncset.done $0x0  }
0x1b4: {  	[sflag:s18] =	ssyncadd.s32 $0xFFFFC000  }
0x1b5: {  	v1 =	vld [tilespmem:$0x180];
	_ =	sdelay $0x7  }
0x1b6: {  	v2 =	vld.idx.msk [tilespmem:v1+s11+$0x0], $0xffff;
	_ =	sdelay $0x4  }
0x1b7: {  	(erf) = vrcp.f32 v2;
	_ =	sdelay $0x4  }
0x1b8: {  	v3 =	vld [tilespmem:$0x280]  }
0x1b9: {  	v4 =	vld [tilespmem:$0x190];
	_ =	sdelay $0x2  }
0x1ba: {  	v5 =	vpop (erf)  }
0x1bb: {  	v3 =	vmul.f32 v5, v3  }
0x1bc: {  	vm0 =	vgt.f32 v2, $0.0e+00  }
0x1bd: {  	[tilespmem:$0x380] =	vst v1;
	v2 =	vnsel vm0, $0x0, v3  }
0x1be: {  	[tilespmem:$0xB100] =	vst v2  }
0x1bf: {  	v1 =	vld.idx.msk [tilespmem:v4+s11+$0x0], $0xffff;
	_ =	sdelay $0x4  }
0x1c0: {  	(erf) = vrcp.f32 v1;
	_ =	sdelay $0x4  }
0x1c1: {  	v2 =	vld [tilespmem:$0x290]  }
0x1c2: {  	v3 =	vld [tilespmem:$0x1A0];
	_ =	sdelay $0x2  }
0x1c3: {  	v55 =	vpop (erf)  }
0x1c4: {  	v2 =	vmul.f32 v55, v2  }
0x1c5: {  	vm9 =	vgt.f32 v1, $0.0e+00  }
0x1c6: {  	[tilespmem:$0x390] =	vst v4;
	v1 =	vnsel vm9, $0x0, v2  }
0x1c7: {  	[tilespmem:$0xB110] =	vst v1  }
0x1c8: {  	v1 =	vld.idx.msk [tilespmem:v3+s11+$0x0], $0xffff;
	_ =	sdelay $0x4  }
0x1c9: {  	(erf) = vrcp.f32 v1;
	_ =	sdelay $0x4  }
0x1ca: {  	v2 =	vld [tilespmem:$0x2A0]  }
0x1cb: {  	v56 =	vld [tilespmem:$0x1B0];
	_ =	sdelay $0x2  }
0x1cc: {  	v57 =	vpop (erf)  }
0x1cd: {  	v2 =	vmul.f32 v57, v2  }
0x1ce: {  	vm10 =	vgt.f32 v1, $0.0e+00  }
0x1cf: {  	[tilespmem:$0x3A0] =	vst v3;
	v1 =	vnsel vm10, $0x0, v2  }
0x1d0: {  	[tilespmem:$0xB120] =	vst v1  }
0x1d1: {  	v1 =	vld.idx.msk [tilespmem:v56+s11+$0x0], $0xffff;
	_ =	sdelay $0x4  }
0x1d2: {  	(erf) = vrcp.f32 v1;
	_ =	sdelay $0x4  }
0x1d3: {  	v2 =	vld [tilespmem:$0x2B0]  }
0x1d4: {  	v3 =	vld [tilespmem:$0x1C0];
	_ =	sdelay $0x2  }
0x1d5: {  	v58 =	vpop (erf)  }
0x1d6: {  	v2 =	vmul.f32 v58, v2  }
0x1d7: {  	vm11 =	vgt.f32 v1, $0.0e+00  }
0x1d8: {  	[tilespmem:$0x3B0] =	vst v56;
	v1 =	vnsel vm11, $0x0, v2  }
0x1d9: {  	[tilespmem:$0xB130] =	vst v1  }
0x1da: {  	v1 =	vld.idx.msk [tilespmem:v3+s11+$0x0], $0xffff;
	_ =	sdelay $0x4  }
0x1db: {  	(erf) = vrcp.f32 v1;
	_ =	sdelay $0x4  }
0x1dc: {  	v2 =	vld [tilespmem:$0x2C0]  }
0x1dd: {  	v59 =	vld [tilespmem:$0x1D0];
	_ =	sdelay $0x2  }
0x1de: {  	v60 =	vpop (erf)  }
0x1df: {  	v2 =	vmul.f32 v60, v2  }
0x1e0: {  	vm12 =	vgt.f32 v1, $0.0e+00  }
0x1e1: {  	[tilespmem:$0x3C0] =	vst v3;
	v1 =	vnsel vm12, $0x0, v2  }
0x1e2: {  	[tilespmem:$0xB140] =	vst v1  }
0x1e3: {  	v1 =	vld.idx.msk [tilespmem:v59+s11+$0x0], $0xffff;
	_ =	sdelay $0x4  }
0x1e4: {  	(erf) = vrcp.f32 v1;
	_ =	sdelay $0x4  }
0x1e5: {  	v2 =	vld [tilespmem:$0x2D0]  }
0x1e6: {  	v3 =	vld [tilespmem:$0x1E0];
	_ =	sdelay $0x2  }
0x1e7: {  	v61 =	vpop (erf)  }
0x1e8: {  	v2 =	vmul.f32 v61, v2  }
0x1e9: {  	vm13 =	vgt.f32 v1, $0.0e+00  }
0x1ea: {  	[tilespmem:$0x3D0] =	vst v59;
	v1 =	vnsel vm13, $0x0, v2  }
0x1eb: {  	[tilespmem:$0xB150] =	vst v1  }
0x1ec: {  	v1 =	vld.idx.msk [tilespmem:v3+s11+$0x0], $0xffff;
	_ =	sdelay $0x4  }
0x1ed: {  	(erf) = vrcp.f32 v1;
	_ =	sdelay $0x4  }
0x1ee: {  	v2 =	vld [tilespmem:$0x2E0]  }
0x1ef: {  	v62 =	vld [tilespmem:$0x1F0];
	_ =	sdelay $0x2  }
0x1f0: {  	v63 =	vpop (erf)  }
0x1f1: {  	v2 =	vmul.f32 v63, v2  }
0x1f2: {  	vm14 =	vgt.f32 v1, $0.0e+00  }
0x1f3: {  	[tilespmem:$0x3E0] =	vst v3;
	v1 =	vnsel vm14, $0x0, v2  }
0x1f4: {  	[tilespmem:$0xB160] =	vst v1  }
0x1f5: {  	v1 =	vld.idx.msk [tilespmem:v62+s11+$0x0], $0xffff;
	_ =	sdelay $0x4  }
0x1f6: {  	(erf) = vrcp.f32 v1;
	_ =	sdelay $0x4  }
0x1f7: {  	v2 =	vld [tilespmem:$0x2F0];
	_ =	sdelay $0x3  }
0x1f8: {  	v3 =	vpop (erf)  }
0x1f9: {  	v2 =	vmul.f32 v3, v2  }
0x1fa: {  	vm15 =	vgt.f32 v1, $0.0e+00  }
0x1fb: {  	[tilespmem:$0x3F0] =	vst v62;
	v1 =	vnsel vm15, $0x0, v2  }
0x1fc: {  	s26 =	simm.s32 $0x0;
	[tilespmem:$0xB170] =	vst v1  }
.LBB2_11:
0x1fd: {  	s12 =	sshll.u32 s26, $0x4  }
0x1fe: {  	s12 =	sand.u32 $0x3FFFFFF0, s12  }
0x1ff: {  	s22 =	sshll.u32 s26, $0xB;
	v1 =	vld [tilespmem:s12+$0xB100]  }
0x200: {  	s21 =	sand.u32 $0x3FFFF800, s22  }
0x201: {  	v2 =	vld [tilespmem:s21+$0x4400]  }
0x202: {  	v3 =	vld [tilespmem:s21+$0x4410]  }
0x203: {  	v4 =	vld [tilespmem:s21+$0x4420]  }
0x204: {  	v6 =	vld [tilespmem:s21+$0x4430];
	v5 =	vbroadcast v1, $0x0  }
0x205: {  	v7 =	vld [tilespmem:s21+$0x4440]  }
0x206: {  	v8 =	vld [tilespmem:s21+$0x4450];
	v2 =	vmul.f32 v5, v2  }
0x207: {  	v9 =	vld [tilespmem:s21+$0x4460];
	v3 =	vmul.f32 v3, v5  }
0x208: {  	v34 =	vld [tilespmem:s21+$0x4470];
	[tilespmem:s21+$0x4400] =	vst v2;
	v2 =	vmul.f32 v4, v5  }
0x209: {  	v35 =	vld [tilespmem:s21+$0x4480];
	[tilespmem:s21+$0x4410] =	vst v3;
	v3 =	vmul.f32 v6, v5  }
0x20a: {  	v36 =	vld [tilespmem:s21+$0x4490];
	[tilespmem:s21+$0x4420] =	vst v2;
	v2 =	vmul.f32 v7, v5  }
0x20b: {  	v37 =	vld [tilespmem:s21+$0x44A0];
	[tilespmem:s21+$0x4430] =	vst v3;
	v3 =	vmul.f32 v8, v5  }
0x20c: {  	v10 =	vld [tilespmem:s21+$0x44B0];
	v38 =	vbroadcast v1, $0x1;
	[tilespmem:s21+$0x4440] =	vst v2;
	v2 =	vmul.f32 v9, v5  }
0x20d: {  	v39 =	vld [tilespmem:s21+$0x44C0];
	[tilespmem:s21+$0x4450] =	vst v3;
	v3 =	vmul.f32 v34, v5  }
0x20e: {  	v40 =	vld [tilespmem:s21+$0x44D0];
	[tilespmem:s21+$0x4460] =	vst v2;
	v2 =	vmul.f32 v35, v38  }
0x20f: {  	v41 =	vld [tilespmem:s21+$0x44E0];
	[tilespmem:s21+$0x4470] =	vst v3;
	v3 =	vmul.f32 v36, v38  }
0x210: {  	v42 =	vld [tilespmem:s21+$0x44F0];
	[tilespmem:s21+$0x4480] =	vst v2;
	v2 =	vmul.f32 v37, v38  }
0x211: {  	v43 =	vld [tilespmem:s21+$0x4500];
	[tilespmem:s21+$0x4490] =	vst v3;
	v3 =	vmul.f32 v10, v38  }
0x212: {  	v44 =	vld [tilespmem:s21+$0x4510];
	[tilespmem:s21+$0x44A0] =	vst v2;
	v2 =	vmul.f32 v39, v38  }
0x213: {  	v45 =	vld [tilespmem:s21+$0x4520];
	[tilespmem:s21+$0x44B0] =	vst v3;
	v3 =	vmul.f32 v40, v38  }
0x214: {  	v47 =	vld [tilespmem:s21+$0x4530];
	v46 =	vbroadcast v1, $0x2;
	[tilespmem:s21+$0x44C0] =	vst v2;
	v2 =	vmul.f32 v41, v38  }
0x215: {  	v48 =	vld [tilespmem:s21+$0x4540];
	[tilespmem:s21+$0x44D0] =	vst v3;
	v3 =	vmul.f32 v42, v38  }
0x216: {  	v49 =	vld [tilespmem:s21+$0x4550];
	[tilespmem:s21+$0x44E0] =	vst v2;
	v2 =	vmul.f32 v43, v46  }
0x217: {  	v50 =	vld [tilespmem:s21+$0x4560];
	[tilespmem:s21+$0x44F0] =	vst v3;
	v3 =	vmul.f32 v44, v46  }
0x218: {  	v51 =	vld [tilespmem:s21+$0x4570];
	[tilespmem:s21+$0x4500] =	vst v2;
	v2 =	vmul.f32 v45, v46  }
0x219: {  	v52 =	vld [tilespmem:s21+$0x4580];
	[tilespmem:s21+$0x4510] =	vst v3;
	v3 =	vmul.f32 v47, v46  }
0x21a: {  	v53 =	vld [tilespmem:s21+$0x4590];
	[tilespmem:s21+$0x4520] =	vst v2;
	v2 =	vmul.f32 v48, v46  }
0x21b: {  	v54 =	vld [tilespmem:s21+$0x45A0];
	[tilespmem:s21+$0x4530] =	vst v3;
	v3 =	vmul.f32 v49, v46  }
0x21c: {  	v56 =	vld [tilespmem:s21+$0x45B0];
	v55 =	vbroadcast v1, $0x3;
	[tilespmem:s21+$0x4540] =	vst v2;
	v2 =	vmul.f32 v50, v46  }
0x21d: {  	v57 =	vld [tilespmem:s21+$0x45C0];
	[tilespmem:s21+$0x4550] =	vst v3;
	v3 =	vmul.f32 v51, v46  }
0x21e: {  	v58 =	vld [tilespmem:s21+$0x45D0];
	[tilespmem:s21+$0x4560] =	vst v2;
	v2 =	vmul.f32 v52, v55  }
0x21f: {  	v59 =	vld [tilespmem:s21+$0x45E0];
	[tilespmem:s21+$0x4570] =	vst v3;
	v3 =	vmul.f32 v53, v55  }
0x220: {  	v60 =	vld [tilespmem:s21+$0x45F0];
	[tilespmem:s21+$0x4580] =	vst v2;
	v2 =	vmul.f32 v54, v55  }
0x221: {  	v61 =	vld [tilespmem:s21+$0x4600];
	[tilespmem:s21+$0x4590] =	vst v3;
	v3 =	vmul.f32 v56, v55  }
0x222: {  	v62 =	vld [tilespmem:s21+$0x4610];
	[tilespmem:s21+$0x45A0] =	vst v2;
	v2 =	vmul.f32 v57, v55  }
0x223: {  	v63 =	vld [tilespmem:s21+$0x4620];
	[tilespmem:s21+$0x45B0] =	vst v3;
	v3 =	vmul.f32 v58, v55  }
0x224: {  	v13 =	vld [tilespmem:s21+$0x4630];
	v12 =	vbroadcast v1, $0x4;
	[tilespmem:s21+$0x45C0] =	vst v2;
	v2 =	vmul.f32 v59, v55  }
0x225: {  	v14 =	vld [tilespmem:s21+$0x4640];
	[tilespmem:s21+$0x45D0] =	vst v3;
	v3 =	vmul.f32 v60, v55  }
0x226: {  	v15 =	vld [tilespmem:s21+$0x4650];
	[tilespmem:s21+$0x45E0] =	vst v2;
	v2 =	vmul.f32 v61, v12  }
0x227: {  	v16 =	vld [tilespmem:s21+$0x4660];
	[tilespmem:s21+$0x45F0] =	vst v3;
	v3 =	vmul.f32 v62, v12  }
0x228: {  	v17 =	vld [tilespmem:s21+$0x4670];
	[tilespmem:s21+$0x4600] =	vst v2;
	v2 =	vmul.f32 v63, v12  }
0x229: {  	v18 =	vld [tilespmem:s21+$0x4680];
	[tilespmem:s21+$0x4610] =	vst v3;
	v3 =	vmul.f32 v13, v12  }
0x22a: {  	v19 =	vld [tilespmem:s21+$0x4690];
	[tilespmem:s21+$0x4620] =	vst v2;
	v2 =	vmul.f32 v14, v12  }
0x22b: {  	v20 =	vld [tilespmem:s21+$0x46A0];
	[tilespmem:s21+$0x4630] =	vst v3;
	v3 =	vmul.f32 v15, v12  }
0x22c: {  	v22 =	vld [tilespmem:s21+$0x46B0];
	v21 =	vbroadcast v1, $0x5;
	[tilespmem:s21+$0x4640] =	vst v2;
	v2 =	vmul.f32 v16, v12  }
0x22d: {  	v23 =	vld [tilespmem:s21+$0x46C0];
	[tilespmem:s21+$0x4650] =	vst v3;
	v3 =	vmul.f32 v17, v12  }
0x22e: {  	v24 =	vld [tilespmem:s21+$0x46D0];
	[tilespmem:s21+$0x4660] =	vst v2;
	v2 =	vmul.f32 v18, v21  }
0x22f: {  	v25 =	vld [tilespmem:s21+$0x46E0];
	[tilespmem:s21+$0x4670] =	vst v3;
	v3 =	vmul.f32 v19, v21  }
0x230: {  	v26 =	vld [tilespmem:s21+$0x46F0];
	[tilespmem:s21+$0x4680] =	vst v2;
	v2 =	vmul.f32 v20, v21  }
0x231: {  	v27 =	vld [tilespmem:s21+$0x4700];
	[tilespmem:s21+$0x4690] =	vst v3;
	v3 =	vmul.f32 v22, v21  }
0x232: {  	v28 =	vld [tilespmem:s21+$0x4710];
	[tilespmem:s21+$0x46A0] =	vst v2;
	v2 =	vmul.f32 v23, v21  }
0x233: {  	v29 =	vld [tilespmem:s21+$0x4720];
	[tilespmem:s21+$0x46B0] =	vst v3;
	v3 =	vmul.f32 v24, v21  }
0x234: {  	v31 =	vld [tilespmem:s21+$0x4730];
	v30 =	vbroadcast v1, $0x6;
	[tilespmem:s21+$0x46C0] =	vst v2;
	v2 =	vmul.f32 v25, v21  }
0x235: {  	v32 =	vld [tilespmem:s21+$0x4740];
	[tilespmem:s21+$0x46D0] =	vst v3;
	v3 =	vmul.f32 v26, v21  }
0x236: {  	v33 =	vld [tilespmem:s21+$0x4750];
	[tilespmem:s21+$0x46E0] =	vst v2;
	v2 =	vmul.f32 v27, v30  }
0x237: {  	v34 =	vld [tilespmem:s21+$0x4760];
	[tilespmem:s21+$0x46F0] =	vst v3;
	v3 =	vmul.f32 v28, v30  }
0x238: {  	v35 =	vld [tilespmem:s21+$0x4770];
	[tilespmem:s21+$0x4700] =	vst v2;
	v2 =	vmul.f32 v29, v30  }
0x239: {  	v36 =	vld [tilespmem:s21+$0x4780];
	[tilespmem:s21+$0x4710] =	vst v3;
	v3 =	vmul.f32 v31, v30  }
0x23a: {  	v37 =	vld [tilespmem:s21+$0x4790];
	[tilespmem:s21+$0x4720] =	vst v2;
	v2 =	vmul.f32 v32, v30  }
0x23b: {  	v38 =	vld [tilespmem:s21+$0x47A0];
	[tilespmem:s21+$0x4730] =	vst v3;
	v3 =	vmul.f32 v33, v30  }
0x23c: {  	v39 =	vbroadcast v1, $0x7;
	v40 =	vld [tilespmem:s21+$0x47B0];
	[tilespmem:s21+$0x4740] =	vst v2;
	v2 =	vmul.f32 v34, v30  }
0x23d: {  	v41 =	vld [tilespmem:s21+$0x47C0];
	[tilespmem:s21+$0x4750] =	vst v3;
	v3 =	vmul.f32 v35, v30  }
0x23e: {  	v42 =	vld [tilespmem:s21+$0x47D0];
	[tilespmem:s21+$0x4760] =	vst v2;
	v2 =	vmul.f32 v36, v39  }
0x23f: {  	v43 =	vld [tilespmem:s21+$0x47E0];
	[tilespmem:s21+$0x4770] =	vst v3;
	v3 =	vmul.f32 v37, v39  }
0x240: {  	v44 =	vld [tilespmem:s21+$0x47F0];
	[tilespmem:s21+$0x4780] =	vst v2;
	v2 =	vmul.f32 v38, v39  }
0x241: {  	v45 =	vld [tilespmem:s21+$0x4800];
	[tilespmem:s21+$0x4790] =	vst v3;
	v3 =	vmul.f32 v40, v39  }
0x242: {  	v46 =	vld [tilespmem:s21+$0x4810];
	[tilespmem:s21+$0x47A0] =	vst v2;
	v2 =	vmul.f32 v41, v39  }
0x243: {  	v47 =	vld [tilespmem:s21+$0x4820];
	[tilespmem:s21+$0x47B0] =	vst v3;
	v3 =	vmul.f32 v42, v39  }
0x244: {  	v48 =	vbroadcast v1, $0x8;
	v49 =	vld [tilespmem:s21+$0x4830];
	[tilespmem:s21+$0x47C0] =	vst v2;
	v2 =	vmul.f32 v43, v39  }
0x245: {  	v50 =	vld [tilespmem:s21+$0x4840];
	[tilespmem:s21+$0x47D0] =	vst v3;
	v3 =	vmul.f32 v44, v39  }
0x246: {  	v51 =	vld [tilespmem:s21+$0x4850];
	[tilespmem:s21+$0x47E0] =	vst v2;
	v2 =	vmul.f32 v45, v48  }
0x247: {  	v52 =	vld [tilespmem:s21+$0x4860];
	[tilespmem:s21+$0x47F0] =	vst v3;
	v3 =	vmul.f32 v46, v48  }
0x248: {  	v53 =	vld [tilespmem:s21+$0x4870];
	[tilespmem:s21+$0x4800] =	vst v2;
	v2 =	vmul.f32 v47, v48  }
0x249: {  	v54 =	vld [tilespmem:s21+$0x4880];
	[tilespmem:s21+$0x4810] =	vst v3;
	v3 =	vmul.f32 v49, v48  }
0x24a: {  	v55 =	vld [tilespmem:s21+$0x4890];
	[tilespmem:s21+$0x4820] =	vst v2;
	v2 =	vmul.f32 v50, v48  }
0x24b: {  	v56 =	vld [tilespmem:s21+$0x48A0];
	[tilespmem:s21+$0x4830] =	vst v3;
	v3 =	vmul.f32 v51, v48  }
0x24c: {  	v57 =	vbroadcast v1, $0x9;
	v58 =	vld [tilespmem:s21+$0x48B0];
	[tilespmem:s21+$0x4840] =	vst v2;
	v2 =	vmul.f32 v52, v48  }
0x24d: {  	v59 =	vld [tilespmem:s21+$0x48C0];
	[tilespmem:s21+$0x4850] =	vst v3;
	v3 =	vmul.f32 v53, v48  }
0x24e: {  	v60 =	vld [tilespmem:s21+$0x48D0];
	[tilespmem:s21+$0x4860] =	vst v2;
	v2 =	vmul.f32 v54, v57  }
0x24f: {  	v61 =	vld [tilespmem:s21+$0x48E0];
	[tilespmem:s21+$0x4870] =	vst v3;
	v3 =	vmul.f32 v55, v57  }
0x250: {  	v62 =	vld [tilespmem:s21+$0x48F0];
	[tilespmem:s21+$0x4880] =	vst v2;
	v2 =	vmul.f32 v56, v57  }
0x251: {  	v63 =	vld [tilespmem:s21+$0x4900];
	[tilespmem:s21+$0x4890] =	vst v3;
	v3 =	vmul.f32 v58, v57  }
0x252: {  	v12 =	vld [tilespmem:s21+$0x4910];
	[tilespmem:s21+$0x48A0] =	vst v2;
	v2 =	vmul.f32 v59, v57  }
0x253: {  	v13 =	vld [tilespmem:s21+$0x4920];
	[tilespmem:s21+$0x48B0] =	vst v3;
	v3 =	vmul.f32 v60, v57  }
0x254: {  	v14 =	vbroadcast v1, $0xA;
	v15 =	vld [tilespmem:s21+$0x4930];
	[tilespmem:s21+$0x48C0] =	vst v2;
	v2 =	vmul.f32 v61, v57  }
0x255: {  	v16 =	vld [tilespmem:s21+$0x4940];
	[tilespmem:s21+$0x48D0] =	vst v3;
	v3 =	vmul.f32 v62, v57  }
0x256: {  	v17 =	vld [tilespmem:s21+$0x4950];
	[tilespmem:s21+$0x48E0] =	vst v2;
	v2 =	vmul.f32 v63, v14  }
0x257: {  	v18 =	vld [tilespmem:s21+$0x4960];
	[tilespmem:s21+$0x48F0] =	vst v3;
	v3 =	vmul.f32 v12, v14  }
0x258: {  	v19 =	vld [tilespmem:s21+$0x4970];
	[tilespmem:s21+$0x4900] =	vst v2;
	v2 =	vmul.f32 v13, v14  }
0x259: {  	v20 =	vld [tilespmem:s21+$0x4980];
	[tilespmem:s21+$0x4910] =	vst v3;
	v3 =	vmul.f32 v15, v14  }
0x25a: {  	v21 =	vld [tilespmem:s21+$0x4990];
	[tilespmem:s21+$0x4920] =	vst v2;
	v2 =	vmul.f32 v16, v14  }
0x25b: {  	v22 =	vld [tilespmem:s21+$0x49A0];
	[tilespmem:s21+$0x4930] =	vst v3;
	v3 =	vmul.f32 v17, v14  }
0x25c: {  	v23 =	vbroadcast v1, $0xB;
	v24 =	vld [tilespmem:s21+$0x49B0];
	[tilespmem:s21+$0x4940] =	vst v2;
	v2 =	vmul.f32 v18, v14  }
0x25d: {  	v25 =	vld [tilespmem:s21+$0x49C0];
	[tilespmem:s21+$0x4950] =	vst v3;
	v3 =	vmul.f32 v19, v14  }
0x25e: {  	v26 =	vld [tilespmem:s21+$0x49D0];
	[tilespmem:s21+$0x4960] =	vst v2;
	v2 =	vmul.f32 v20, v23  }
0x25f: {  	v27 =	vld [tilespmem:s21+$0x49E0];
	[tilespmem:s21+$0x4970] =	vst v3;
	v3 =	vmul.f32 v21, v23  }
0x260: {  	v28 =	vld [tilespmem:s21+$0x49F0];
	[tilespmem:s21+$0x4980] =	vst v2;
	v2 =	vmul.f32 v22, v23  }
0x261: {  	v29 =	vld [tilespmem:s21+$0x4A00];
	[tilespmem:s21+$0x4990] =	vst v3;
	v3 =	vmul.f32 v24, v23  }
0x262: {  	v30 =	vld [tilespmem:s21+$0x4A10];
	[tilespmem:s21+$0x49A0] =	vst v2;
	v2 =	vmul.f32 v25, v23  }
0x263: {  	v31 =	vld [tilespmem:s21+$0x4A20];
	[tilespmem:s21+$0x49B0] =	vst v3;
	v3 =	vmul.f32 v26, v23  }
0x264: {  	v32 =	vbroadcast v1, $0xC;
	v33 =	vld [tilespmem:s21+$0x4A30];
	[tilespmem:s21+$0x49C0] =	vst v2;
	v2 =	vmul.f32 v27, v23  }
0x265: {  	v34 =	vld [tilespmem:s21+$0x4A40];
	[tilespmem:s21+$0x49D0] =	vst v3;
	v3 =	vmul.f32 v28, v23  }
0x266: {  	v35 =	vld [tilespmem:s21+$0x4A50];
	[tilespmem:s21+$0x49E0] =	vst v2;
	v2 =	vmul.f32 v29, v32  }
0x267: {  	v36 =	vld [tilespmem:s21+$0x4A60];
	[tilespmem:s21+$0x49F0] =	vst v3;
	v3 =	vmul.f32 v30, v32  }
0x268: {  	v37 =	vld [tilespmem:s21+$0x4A70];
	[tilespmem:s21+$0x4A00] =	vst v2;
	v2 =	vmul.f32 v31, v32  }
0x269: {  	v38 =	vld [tilespmem:s21+$0x4A80];
	[tilespmem:s21+$0x4A10] =	vst v3;
	v3 =	vmul.f32 v33, v32  }
0x26a: {  	v39 =	vld [tilespmem:s21+$0x4A90];
	[tilespmem:s21+$0x4A20] =	vst v2;
	v2 =	vmul.f32 v34, v32  }
0x26b: {  	v40 =	vld [tilespmem:s21+$0x4AA0];
	[tilespmem:s21+$0x4A30] =	vst v3;
	v3 =	vmul.f32 v35, v32  }
0x26c: {  	v41 =	vbroadcast v1, $0xD;
	v42 =	vld [tilespmem:s21+$0x4AB0];
	[tilespmem:s21+$0x4A40] =	vst v2;
	v2 =	vmul.f32 v36, v32  }
0x26d: {  	v43 =	vld [tilespmem:s21+$0x4AC0];
	[tilespmem:s21+$0x4A50] =	vst v3;
	v3 =	vmul.f32 v37, v32  }
0x26e: {  	v44 =	vld [tilespmem:s21+$0x4AD0];
	[tilespmem:s21+$0x4A60] =	vst v2;
	v2 =	vmul.f32 v38, v41  }
0x26f: {  	v45 =	vld [tilespmem:s21+$0x4AE0];
	[tilespmem:s21+$0x4A70] =	vst v3;
	v3 =	vmul.f32 v39, v41  }
0x270: {  	v46 =	vld [tilespmem:s21+$0x4AF0];
	[tilespmem:s21+$0x4A80] =	vst v2;
	v2 =	vmul.f32 v40, v41  }
0x271: {  	v47 =	vld [tilespmem:s21+$0x4B00];
	[tilespmem:s21+$0x4A90] =	vst v3;
	v3 =	vmul.f32 v42, v41  }
0x272: {  	v48 =	vld [tilespmem:s21+$0x4B10];
	[tilespmem:s21+$0x4AA0] =	vst v2;
	v2 =	vmul.f32 v43, v41  }
0x273: {  	v49 =	vld [tilespmem:s21+$0x4B20];
	[tilespmem:s21+$0x4AB0] =	vst v3;
	v3 =	vmul.f32 v44, v41  }
0x274: {  	v50 =	vbroadcast v1, $0xE;
	v51 =	vld [tilespmem:s21+$0x4B30];
	[tilespmem:s21+$0x4AC0] =	vst v2;
	v2 =	vmul.f32 v45, v41  }
0x275: {  	v52 =	vld [tilespmem:s21+$0x4B40];
	[tilespmem:s21+$0x4AD0] =	vst v3;
	v3 =	vmul.f32 v46, v41  }
0x276: {  	v53 =	vld [tilespmem:s21+$0x4B50];
	[tilespmem:s21+$0x4AE0] =	vst v2;
	v2 =	vmul.f32 v47, v50  }
0x277: {  	v54 =	vld [tilespmem:s21+$0x4B60];
	[tilespmem:s21+$0x4AF0] =	vst v3;
	v3 =	vmul.f32 v48, v50  }
0x278: {  	v55 =	vld [tilespmem:s21+$0x4B70];
	[tilespmem:s21+$0x4B00] =	vst v2;
	v2 =	vmul.f32 v49, v50  }
0x279: {  	v56 =	vld [tilespmem:s21+$0x4B80];
	[tilespmem:s21+$0x4B10] =	vst v3;
	v3 =	vmul.f32 v51, v50  }
0x27a: {  	v57 =	vld [tilespmem:s21+$0x4B90];
	[tilespmem:s21+$0x4B20] =	vst v2;
	v2 =	vmul.f32 v52, v50  }
0x27b: {  	v58 =	vld [tilespmem:s21+$0x4BA0];
	[tilespmem:s21+$0x4B30] =	vst v3;
	v3 =	vmul.f32 v53, v50  }
0x27c: {  	v1 =	vbroadcast v1, $0xF;
	v59 =	vld [tilespmem:s21+$0x4BB0];
	[tilespmem:s21+$0x4B40] =	vst v2;
	v2 =	vmul.f32 v54, v50  }
0x27d: {  	v60 =	vld [tilespmem:s21+$0x4BC0];
	[tilespmem:s21+$0x4B50] =	vst v3;
	v3 =	vmul.f32 v55, v50  }
0x27e: {  	v61 =	vld [tilespmem:s21+$0x4BD0];
	[tilespmem:s21+$0x4B60] =	vst v2;
	v2 =	vmul.f32 v56, v1  }
0x27f: {  	v62 =	vld [tilespmem:s21+$0x4BE0];
	[tilespmem:s21+$0x4B70] =	vst v3;
	v3 =	vmul.f32 v57, v1  }
0x280: {  	v63 =	vld [tilespmem:s21+$0x4BF0];
	[tilespmem:s21+$0x4B80] =	vst v2;
	v2 =	vmul.f32 v58, v1  }
0x281: {  	[tilespmem:s21+$0x4B90] =	vst v3;
	v3 =	vmul.f32 v59, v1  }
0x282: {  	p1 =	sne.s32 s26, $0x7;
	[tilespmem:s21+$0x4BA0] =	vst v2;
	v2 =	vmul.f32 v60, v1  }
.Ltmp6:
0x283: {  	[tilespmem:s21+$0x4BB0] =	vst v3;
	v3 =	vmul.f32 v61, v1;
	(pc) =	sbr.rel @p1 .LBB2_11-.Ltmp6, $4  }
0x284: {  	[tilespmem:s21+$0x4BC0] =	vst v2;
	v2 =	vmul.f32 v62, v1  }
0x285: {  	[tilespmem:s21+$0x4BD0] =	vst v3;
	v1 =	vmul.f32 v63, v1  }
0x286: {  	[tilespmem:s21+$0x4BE0] =	vst v2  }
0x287: {  	s26 =	sadd.s32 $0x1, s26;
	[tilespmem:s21+$0x4BF0] =	vst v1  }
.Ltmp7:
0x288: {  	(pc) =	sbr.rel @p0 .LBB2_14-.Ltmp7, $2  }
0x289: {  	_ =	sdelay $0x2  }
0x28a: {  	[spmem:s2] =	stream.indirect.scatter.add.f32 [tilespmem:s14], [sflag:$0x6], $0x80, s20, s28, $0xb8;
	[tilespmem:$0x1F400] =	vst v63  }
0x28b: {  	s12 =	sadd.s32 $0x3, s25  }
0x28c: {  	s21 =	sshll.u32 s12, $0x7  }
0x28d: {  	s21 =	sadd.s32 s15, s21  }
0x28e: {  	s21 =	sshrl.u32 s21, $0x3  }
0x28f: {  	s12 =	sshll.u32 s12, $0xA;
	s22 =	sadd.s32 s1, s21  }
0x290: {  	[tilespmem:s28], [sflag:$0x2] =	stream.linear.gather [hbm4b:s22+s4], $0x80, $0x38;
	[tilespmem:$0x1F400] =	vst v63  }
.Ltmp8:
0x291: {  	s12 =	sadd.s32 s19, s12;
	(pc) =	sbr.rel .LBB2_8-.Ltmp8, $4  }
0x292: {  	s12 =	sshrl.u32 s12, $0x3;
	s21 =	sadd.s32 s6, s21  }
0x293: {  	[tilespmem:s3], [sflag:$0x2] =	stream.linear.gather [hbm4b:s21+s4], $0x80, $0x38;
	[tilespmem:$0x1F400] =	vst v63  }
0x294: {  	s24 =	sadd.s32 $0x1, s24;
	s12 =	sadd.s32 s7, s12  }
0x295: {  	[tilespmem:s0], [sflag:$0x2] =	stream.linear.gather [hbm4b:s12+s4], $0x80, $0x38;
	[tilespmem:$0x1F400] =	vst v63  }
.LBB2_15:
0x296: {  	_ =	sfence.sel $0x180000  }
0x297: {  	[bflag:$0x0] =	sbarrier.arrive $0xFFFF  }
0x298: {  	_ =	strace $0x9000004A  }
0x299: {  	s0 =	stileid.u32;
	[bflag:$0x2] =	sbarrier.arrive $0xFFFF  }
0x29a: {  	p0 =	sne.s32 s0, $0x0;
	s0 =	rddreg [dreg:$0x4]  }
0x29b: {  	s0 =	sadd.s32 @!p0 $0x100000, s0  }
0x29c: {  	[sflag:s0] =	ssyncadd.tile.s32 @!p0 $0x1;
	_ =	shalt  }
.Lfunc_end2:
_tile_overlayer_lowered:
.L_overlay_start_2:
0x29d: {  	(tag) =	ssettag $0x2  }
0x29e: {  	s0 =	rddreg [dreg:$0x0];
	s2 =	stileid.u32  }
0x29f: {  	s1 =	rddreg [dreg:$0x1];
	p0 =	sne.s32 s2, $0x0  }
0x2a0: {  	s3 =	rddreg [dreg:$0x2];
	[bflag:$0x3] =	sbarrier.arrive $0xFFFF;
	s2 =	simm.s32 @!p0 $0x1C07  }
0x2a1: {  	[timem:s3], [sflag:s2] =	dma.local @!p0 [hbm:s0], s1  }
0x2a2: {  	s0 =	simm.s32 @!p0 $0x7  }
0x2a3: {  	_ =	swait.ge @!p0 [sflag:s0], s1  }
0x2a4: {  	s1 =	ssub.s32 @!p0 $0x0, s1;
	[sflag:s0] =	ssyncset.done @!p0 $0x0  }
0x2a5: {  	[sflag:s0] =	ssyncadd.s32 @!p0 s1  }
0x2a6: {  	[bflag:$0x3] =	sbarrier.arrive $0xFFFF  }
0x2a7: {  	_ =	shalt  }

// kernel: kernel.7.cloned.1.call-start
scs
__scs_entry_jumppad:
0x0: {  	(pc) =	sbr.rel $0x88, $3  }
0x1: {  	(tag) =	ssettag $0x0;
	lr =	simm.s32 $0x1  }
0x2: {  	[smem:$0x3F9A] =	sst lr;
	_ =	strace $0xD0000000  }
0x3: {  	_ = 	snop  }
0x4: {  	_ = 	snop  }
0x5: {  	_ = 	snop  }
0x6: {  	_ = 	snop  }
0x7: {  	_ = 	snop  }
__scs_overlays_trampoline_lowered:
0x8: {  	[smem:$0x3FA9] =	sst s0  }
0x9: {  	[smem:$0x3FAA] =	sst s1  }
0xa: {  	[smem:$0x3FAB] =	sst s2  }
0xb: {  	[smem:$0x3FAC] =	sst s3  }
0xc: {  	[smem:$0x3FAD] =	sst s4  }
0xd: {  	[smem:$0x3FAE] =	sst s5  }
0xe: {  	[smem:$0x3FAF] =	sst s6  }
0xf: {  	[smem:$0x3FB0] =	sst s7  }
0x10: {  	[smem:$0x3FB1] =	sst s8  }
0x11: {  	[smem:$0x3FB2] =	sst s9;
	s0 =	simm.s32 @!p0 $0x0  }
0x12: {  	s1 =	sld [smem:$0x3F98];
	s0 =	simm.s32 @p0 $0x1  }
0x13: {  	[smem:$0x3FB3] =	sst s0;
	s0 =	simm.s32 @!p1 $0x0  }
0x14: {  	s2 =	sld [smem:$0x3F97];
	s0 =	simm.s32 @p1 $0x1  }
0x15: {  	[smem:$0x3FB4] =	sst s0;
	s0 =	simm.s32 @!p2 $0x0  }
0x16: {  	s3 =	sld [smem:$0x3FDB];
	s0 =	simm.s32 @p2 $0x1  }
0x17: {  	s4 =	simm.s32 $0x1BF5;
	[smem:$0x3FB6] =	sst s0  }
0x18: {  	s0 =	sld [smem:$0x3F99];
	_ =	swait.ge [sflag:s4], $0x0  }
0x19: {  	s7 =	sld [smem:$0x3F9A]  }
0x1a: {  	s8 =	sadd.s32 $0xFFFFE003, lr  }
0x1b: {  	s9 =	sadd.s32 $0xFFFFFEF7, lr;
	s5 =	simm.s32 $0xFFFFFFFF;
	p2 =	slt.u32 s8, $0xFFFFF086  }
0x1c: {  	p1 =	slt.u32 s9, $0xF7A;
	s5 =	simm.s32 @!p2 $0x0  }
0x1d: {  	s5 =	simm.s32 @p1 $0x1;
	p0 =	seq.s32 s7, s2  }
0x1e: {  	s7 =	smul.u32 @!p0 $0xF7A, s2;
	p2 =	seq.s32 @!p0 s5, $0x0  }
0x1f: {  	s9 =	smul.u32 $0xF7A, s1;
	s8 =	simm.s32 @!p0 $0x1BF5;
	p2 =	por !p2, p0  }
0x20: {  	[sflag:s8] =	ssyncset.s32 @!p0 $0xFFFFF086;
	s6 =	sadd.s32 @!p0 s3, s7;
	s7 =	simm.s32 @!p0 $0x108  }
0x21: {  	s3 =	sadd.s32 s3, s9;
	s6 =	sadd.s32 @!p0 $0x88, s6;
	s7 =	simm.s32 @p2 $0x1082  }
0x22: {  	[simem:s7], [sflag:s8] =	dma.local @!p0 [hbm:s6], $0xF7A  }
0x23: {  	s9 =	sor.u32 $0xD0000000, s2;
	s6 =	simm.s32 $0x108;
	_ =	swait.ge @!p0 [sflag:s8], $0x0  }
0x24: {  	s3 =	sadd.s32 $0x88, s3;
	s6 =	simm.s32 @!p1 $0x1082;
	[sflag:s4] =	ssyncset.s32 $0xFFFFF086  }
0x25: {  	[simem:s6], [sflag:s4] =	dma.local [hbm:s3], $0xF7A  }
0x26: {  	[smem:$0x3F9A] =	sst s1;
	(tag) =	ssettag s2;
	_ =	strace s9  }
0x27: {  	s1 =	sld [smem:$0x3FAA]  }
0x28: {  	s2 =	sld [smem:$0x3FAB]  }
0x29: {  	s4 =	sld [smem:$0x3FAD]  }
0x2a: {  	p0 =	seq.s32 s5, $0x0;
	s5 =	sld [smem:$0x3FAE]  }
0x2b: {  	s6 =	sld [smem:$0x3FAF]  }
0x2c: {  	s7 =	sld [smem:$0x3FB0]  }
0x2d: {  	s3 =	simm.s32 $0x108;
	s8 =	sld [smem:$0x3FB1]  }
0x2e: {  	s3 =	simm.s32 @!p0 $0x1082;
	s9 =	sld [smem:$0x3FB2]  }
0x2f: {  	lr =	sadd.s32 s0, s3;
	s0 =	sld [smem:$0x3FA9]  }
0x30: {  	s3 =	sld [smem:$0x3FAC]  }
0x31: {  	[smem:$0x3FB5] =	sst s10  }
0x32: {  	s10 =	sld [smem:$0x3FB3];
	_ =	sdelay $0x3  }
0x33: {  	p0 =	seq.s32 s10, $0x1;
	s10 =	sld [smem:$0x3FB5];
	_ =	sdelay $0x3  }
0x34: {  	[smem:$0x3FB5] =	sst s10  }
0x35: {  	s10 =	sld [smem:$0x3FB4];
	_ =	sdelay $0x3  }
0x36: {  	p1 =	seq.s32 s10, $0x1;
	s10 =	sld [smem:$0x3FB5];
	_ =	sdelay $0x3  }
0x37: {  	[smem:$0x3FB5] =	sst s10  }
0x38: {  	s10 =	sld [smem:$0x3FB6]  }
0x39: {  	_ = 	snop;
	(pc) =	sbr.ind lr, $3  }
0x3a: {  	_ = 	snop  }
0x3b: {  	_ = 	snop  }
0x3c: {  	p2 =	seq.s32 s10, $0x1;
	s10 =	sld [smem:$0x3FB5]  }
0x3d: {  	_ =	shalt  }
0x3e: {  	_ =	shalt  }
0x3f: {  	_ =	shalt  }
0x40: {  	_ =	shalt  }
0x41: {  	_ =	shalt  }
0x42: {  	_ =	shalt  }
0x43: {  	_ =	shalt  }
0x44: {  	_ =	shalt  }
0x45: {  	_ =	shalt  }
0x46: {  	_ =	shalt  }
0x47: {  	_ =	shalt  }
0x48: {  	_ =	shalt  }
0x49: {  	_ =	shalt  }
0x4a: {  	_ =	shalt  }
0x4b: {  	_ =	shalt  }
0x4c: {  	_ =	shalt  }
0x4d: {  	_ =	shalt  }
0x4e: {  	_ =	shalt  }
0x4f: {  	_ =	shalt  }
0x50: {  	_ =	shalt  }
0x51: {  	_ =	shalt  }
0x52: {  	_ =	shalt  }
0x53: {  	_ =	shalt  }
0x54: {  	_ =	shalt  }
0x55: {  	_ =	shalt  }
0x56: {  	_ =	shalt  }
0x57: {  	_ =	shalt  }
0x58: {  	_ =	shalt  }
0x59: {  	_ =	shalt  }
0x5a: {  	_ =	shalt  }
0x5b: {  	_ =	shalt  }
0x5c: {  	_ =	shalt  }
0x5d: {  	_ =	shalt  }
0x5e: {  	_ =	shalt  }
0x5f: {  	_ =	shalt  }
0x60: {  	_ =	shalt  }
0x61: {  	_ =	shalt  }
0x62: {  	_ =	shalt  }
0x63: {  	_ =	shalt  }
0x64: {  	_ =	shalt  }
0x65: {  	_ =	shalt  }
0x66: {  	_ =	shalt  }
0x67: {  	_ =	shalt  }
0x68: {  	_ =	shalt  }
0x69: {  	_ =	shalt  }
0x6a: {  	_ =	shalt  }
0x6b: {  	_ =	shalt  }
0x6c: {  	_ =	shalt  }
0x6d: {  	_ =	shalt  }
0x6e: {  	_ =	shalt  }
0x6f: {  	_ =	shalt  }
0x70: {  	_ =	shalt  }
0x71: {  	_ =	shalt  }
0x72: {  	_ =	shalt  }
0x73: {  	_ =	shalt  }
0x74: {  	_ =	shalt  }
0x75: {  	_ =	shalt  }
0x76: {  	_ =	shalt  }
0x77: {  	_ =	shalt  }
0x78: {  	_ =	shalt  }
0x79: {  	_ =	shalt  }
0x7a: {  	_ =	shalt  }
0x7b: {  	_ =	shalt  }
0x7c: {  	_ =	shalt  }
0x7d: {  	_ =	shalt  }
0x7e: {  	_ =	shalt  }
0x7f: {  	_ =	shalt  }
0x80: {  	_ =	shalt  }
0x81: {  	_ =	shalt  }
0x82: {  	_ =	shalt  }
0x83: {  	_ =	shalt  }
0x84: {  	_ =	shalt  }
0x85: {  	_ =	shalt  }
0x86: {  	_ =	shalt  }
0x87: {  	_ =	shalt  }
.Lfunc_end0:
.L_simem_size_0:
called_computation_lowered:
.L_overlay_start_0:
0x88: {  	s2 =	sld [smem:$0x3FD9]  }
0x89: {  	s3 =	sld [smem:$0x3FFE];
	_ =	sdelay $0x1  }
0x8a: {  	s1 =	srdreg.scid  }
0x8b: {  	s0 =	sand.u32 $0x1, s1  }
0x8c: {  	s16 =	sshll.u32 s0, $0xA;
	s2 =	sadd.s32 s3, s2  }
0x8d: {  	s2 =	sadd.s32 s2, s16  }
0x8e: {  	[smem:$0x3FC1] =	sst s2  }
0x8f: {  	_ = 	snop  }
0x90: {  	(tm) =	ssettm $0x1  }
0x91: {  	s17 =	sld [smem:$0x3FFB];
	_ =	sdelay $0x3  }
0x92: {  	_ =	strace s17  }
0x93: {  	s2 =	sld [smem:$0x3FFC];
	_ =	sdelay $0x3  }
0x94: {  	_ =	strace s2  }
0x95: {  	s2 =	sld [smem:$0x3FFD];
	_ =	sdelay $0x3  }
0x96: {  	_ =	strace s2  }
0x97: {  	_ =	strace $0x8FFFFFFF  }
0x98: {  	s18 =	sld [smem:$0x3FDB];
	_ =	sdelay $0x1  }
0x99: {  	s19 =	simm.s32 $_scs_section_size  }
0x9a: {  	s4 =	simm.s32 $_size__tile_overlayer_lowered;
	s5 =	simm.s32 $_tile_overlayer_lowered  }
0x9b: {  	s22 =	simm.s32 $0x1BFF;
	s21 =	sshll.u32 s5, $0x1;
	s2 =	sadd.s32 s19, s18  }
0x9c: {  	s6 =	simm.s32 $0x0;
	s20 =	sshll.u32 s4, $0x1;
	s4 =	sadd.s32 s21, s2  }
0x9d: {  	[timem:s6], [sflag:s22] =	dma.local [hbm:s4], s20  }
0x9e: {  	_ =	swait.ge [sflag:s22], s20  }
0x9f: {  	s3 =	ssub.s32 $0x0, s20;
	[sflag:s22] =	ssyncset.done $0x0  }
0xa0: {  	[sflag:s22] =	ssyncadd.s32 s3;
	_ =	sdelay $0x1  }
0xa1: {  	s23 =	simm.s32 $0x1B8B  }
0xa2: {  	_ =	swait.ge [sflag:s23], $0x1  }
0xa3: {  	[sflag:s23] =	ssyncset.done $0x0  }
0xa4: {  	s25 =	simm.s32 $0x1B8E;
	s24 =	sld [smem:$0x3FFE];
	[sflag:s23] =	ssyncadd.s32 $0xFFFFFFFF  }
0xa5: {  	s26 =	simm.s32 $execute0_lowered;
	[smem:$0x3FD2] =	sst s25  }
0xa6: {  	s4 =	sshll.u32 s26, $0x1;
	_ =	strace $0x80000046;
	[dreg:$0x1] =	wrdreg $0xFFFFFFFF  }
0xa7: {  	s28 =	simm.s32 $_size_execute0_lowered;
	s2 =	sadd.s32 s2, s4;
	[dreg:$0x0] =	wrdreg $0x0  }
0xa8: {  	s4 =	sshll.u32 s28, $0x1;
	[dreg:$0x2] =	wrdreg s2  }
0xa9: {  	[dreg:$0x3] =	wrdreg s4  }
0xaa: {  	[dreg:$0x4] =	wrdreg $0xC0  }
0xab: {  	_ =	task [dreg:s6], $0x5FFFF  }
0xac: {  	[dreg:$0x1] =	wrdreg $0xFFFFFFFF  }
0xad: {  	[dreg:$0x0] =	wrdreg $0x60  }
0xae: {  	[dreg:$0x2] =	wrdreg s24  }
0xaf: {  	[dreg:$0x3] =	wrdreg $0x9  }
0xb0: {  	_ =	task.clear_ibuf [dreg:s6], $0x4FFFF;
	_ =	strace $0x90000046  }
0xb1: {  	s29 =	simm.s32 $0x9;
	_ =	strace $0x80000048  }
0xb2: {  	_ =	swait.ge [sflag:s29], $0x1  }
0xb3: {  	[sflag:s29] =	ssyncadd.s32 $0xFFFFFFFF  }
0xb4: {  	_ =	strace $0x90000048  }
0xb5: {  	_ =	sfence  }
0xb6: {  	s30 =	sld [smem:$0x0];
	_ =	sdelay $0x2  }
0xb7: {  	s31 =	sshll.u32 s1, $0xD;
	s1 =	sshrl.u32 s1, $0x2  }
0xb8: {  	s3 =	sand.u32 $0x4000, s31;
	s1 =	sadd.s32 s1, s30  }
0xb9: {  	s0 =	sor.u32 s3, s0;
	s1 =	sshll.u32 s1, $0x11  }
0xba: {  	s0 =	sor.u32 s1, s0  }
0xbb: {  	s0 =	sadd.s32 $0x8F2B, s0  }
0xbc: {  	[sflag:s0] =	ssyncadd.remote.s32 $0x1  }
0xbd: {  	_ =	sfence.sel $0xFFFF  }
0xbe: {  	[dreg:$0x0] =	wrdreg $0xFFFFFFFF;
	(pc) =	sbr.abs _section_cstart, $3  }
0xbf: {  	[dreg:$0x1] =	wrdreg $0xFFFFFFFF  }
0xc0: {  	_ =	task.clear_ibuf [dreg:s6], $0x2FFFF;
	_ =	strace $0x9FFFFFFF  }
0xc1: {  	(tm) =	ssettm $0x7FFFFFFF  }
tec
execute0_lowered:
.L_overlay_start_1:
0x0: {  	(tag) =	ssettag $0x1  }
0x1: {  	s0 =	srdreg.scid;
	s4 =	rddreg [dreg:$0x0]  }
0x2: {  	s2 =	simm.s32 $0x0;
	s11 =	simm.s32 $0x80;
	s12 =	simm.s32 $0x400  }
0x3: {  	s13 =	simm.s32 $0x1;
	s14 =	simm.s32 $0x2800;
	s3 =	sand.u32 $0x1, s0  }
0x4: {  	s15 =	simm.s32 $0x5000;
	s0 =	stileid.u32;
	s1 =	sshll.u32 s3, $0x4  }
0x5: {  	s16 =	simm.s32 $0xA000;
	s17 =	simm.s32 $0xC800;
	s1 =	sor.u32 s0, s1  }
0x6: {  	s18 =	simm.s32 $0xF000;
	s19 =	simm.s32 $0x7800;
	s1 =	sshrl.u32 s1, $0x3  }
0x7: {  	s20 =	simm.s32 $0x0;
	s6 =	sshll.u32 s0, $0x7;
	s5 =	smul.u32 $0x14000, s1  }
0x8: {  	[smem:$0x7FF] =	sst s2;
	s30 =	ssub.s32 $0x2, s3;
	s6 =	sand.u32 $0x380, s6  }
0x9: {  	s3 =	sadd.s32 $0x2A000, s4;
	s31 =	sshrl.u32 s30, $0x1;
	s5 =	sor.u32 s6, s5  }
0xa: {  	s10 =	ssub.s32 s30, s31;
	s1 =	rddreg [dreg:$0x1];
	s5 =	sshrl.u32 s5, $0x3  }
0xb: {  	_ =	strace $0x80000047;
	s10 =	smax.u32 s10, $0x1;
	s9 =	sadd.s32 s5, s4  }
0xc: {  	s4 =	sadd.s32 $0x2A600, s4;
	s5 =	sadd.s32 $0x2AC00, s9;
	s6 =	sadd.s32 $0x3EC00, s9  }
0xd: {  	v0 =	vimm.f32 $0.0e+00;
	s7 =	sadd.s32 $0x48C00, s9;
	s8 =	sadd.s32 $0x52C00, s9;
	s9 =	sadd.s32 $0x5CC00, s9  }
.LBB2_1:
0xe: {  	[tilespmem:s2], [sflag:$0x1] =	stream.strided.gather [hbm4b:s5+s11], $0x2800, s12, s11, $0x38;
	[tilespmem:$0x11800] =	vst v63  }
0xf: {  	_ =	swait.ge [sflag:s13], $0x2800  }
0x10: {  	[sflag:s13] =	ssyncset.done $0x0  }
0x11: {  	[sflag:s13] =	ssyncadd.s32 $0xFFFFD800  }
0x12: {  	[tilespmem:s14], [sflag:$0x1] =	stream.strided.gather [hbm4b:s6+s11], $0x2800, s12, s11, $0x38;
	[tilespmem:$0x11800] =	vst v63  }
0x13: {  	_ =	swait.ge [sflag:s13], $0x2800  }
0x14: {  	[sflag:s13] =	ssyncset.done $0x0  }
0x15: {  	[sflag:s13] =	ssyncadd.s32 $0xFFFFD800  }
0x16: {  	[tilespmem:s15], [sflag:$0x1] =	stream.strided.gather [hbm4b:s7+s11], $0x2800, s12, s11, $0x38;
	[tilespmem:$0x11800] =	vst v63  }
0x17: {  	_ =	swait.ge [sflag:s13], $0x2800  }
0x18: {  	[sflag:s13] =	ssyncset.done $0x0  }
0x19: {  	[sflag:s13] =	ssyncadd.s32 $0xFFFFD800  }
0x1a: {  	[tilespmem:s16], [sflag:$0x1] =	stream.linear.gather [hbm4b:s3+s2], $0x2800, $0x38;
	[tilespmem:$0x11800] =	vst v63  }
0x1b: {  	_ =	swait.ge [sflag:s13], $0x2800  }
0x1c: {  	[sflag:s13] =	ssyncset.done $0x0  }
0x1d: {  	[sflag:s13] =	ssyncadd.s32 $0xFFFFD800  }
0x1e: {  	[tilespmem:s17], [sflag:$0x1] =	stream.linear.gather [hbm4b:s4+s2], $0x2800, $0x38;
	[tilespmem:$0x11800] =	vst v63  }
0x1f: {  	_ =	swait.ge [sflag:s13], $0x2800  }
0x20: {  	[sflag:s13] =	ssyncset.done $0x0  }
0x21: {  	s21 =	simm.s32 $0x0;
	[sflag:s13] =	ssyncadd.s32 $0xFFFFD800  }
.LBB2_2:
0x22: {  	p0 =	sne.s32 s21, $0x9FC0  }
.Ltmp0:
0x23: {  	_ = 	snop;
	(pc) =	sbr.rel @p0 .LBB2_2-.Ltmp0, $3  }
0x24: {  	_ =	sdelay $0x1  }
0x25: {  	s22 =	sshra.s32 s21, $0x2  }
0x26: {  	s21 =	sadd.s32 $0x40, s21;
	[tilespmem:s22+$0xF000] =	vst v0  }
0x27: {  	s21 =	simm.s32 $0x0  }
0x28: {  	v2 =	vld [tilespmem:s21+$0x0]  }
0x29: {  	s22 =	simm.s32 $0x40;
	v1 =	vld [tilespmem:s21+$0x2800]  }
.LBB2_4:
0x2a: {  	p0 =	sne.s32 s22, $0x9FC0;
	_ =	sdelay $0x5  }
0x2b: {  	v2 =	vld.idx.msk [tilespmem:v2+s16+$0x0], $0xffff  }
0x2c: {  	v3 =	vld.idx.msk [tilespmem:v1+s17+$0x0], $0xffff;
	_ =	sdelay $0x2  }
0x2d: {  	v4 =	vld [tilespmem:s21+$0x5000];
	_ =	sdelay $0x2  }
0x2e: {  	v2 =	vadd.f32 v3, v2;
	_ =	sdelay $0x1  }
0x2f: {  	v2 =	vadd.f32 v4, v2;
	_ =	sdelay $0x1  }
0x30: {  	v3 =	vmul.f32 $9.999999770e-03, v2;
	_ =	sdelay $0x1  }
0x31: {  	v2 =	vmax.f32 v2, v3  }
0x32: {  	v2 =	vmul.f32 $1.442695020e+00, v2;
	_ =	sdelay $0x1  }
0x33: {  	(erf) = vpow2.f32 v2;
	_ =	sdelay $0x8  }
.Ltmp1:
0x34: {  	v2 =	vpop (erf);
	(pc) =	sbr.rel @p0 .LBB2_4-.Ltmp1, $4  }
0x35: {  	[tilespmem:s21+$0x7800] =	vst v2  }
0x36: {  	s21 =	sshra.s32 s22, $0x2;
	[tilespmem:v1+s18+$0x0] =	vst.idx.add.f32.msk $0xffff, v2  }
0x37: {  	v2 =	vld [tilespmem:s21+$0x0]  }
0x38: {  	s22 =	sadd.s32 $0x40, s22;
	v1 =	vld [tilespmem:s21+$0x2800]  }
0x39: {  	_ =	sdelay $0x6  }
0x3a: {  	v2 =	vld.idx.msk [tilespmem:v2+s16+$0x0], $0xffff  }
0x3b: {  	v3 =	vld.idx.msk [tilespmem:v1+s17+$0x0], $0xffff;
	_ =	sdelay $0x1  }
0x3c: {  	v4 =	vld [tilespmem:s21+$0x5000];
	_ =	sdelay $0x2  }
0x3d: {  	v2 =	vadd.f32 v3, v2;
	_ =	sdelay $0x1  }
0x3e: {  	v2 =	vadd.f32 v4, v2;
	_ =	sdelay $0x1  }
0x3f: {  	v3 =	vmul.f32 $9.999999770e-03, v2;
	_ =	sdelay $0x1  }
0x40: {  	v2 =	vmax.f32 v2, v3  }
0x41: {  	v2 =	vmul.f32 $1.442695020e+00, v2;
	_ =	sdelay $0x1  }
0x42: {  	(erf) = vpow2.f32 v2;
	_ =	sdelay $0x8  }
0x43: {  	v2 =	vpop (erf)  }
0x44: {  	[tilespmem:s21+$0x7800] =	vst v2  }
0x45: {  	[tilespmem:v1+s18+$0x0] =	vst.idx.add.f32.msk $0xffff, v2  }
0x46: {  	[hbm4b:s8+s11] =	stream.strided.scatter [tilespmem:s19], [sflag:$0x1], $0x2800, s12, s11, $0x38;
	[tilespmem:$0x11800] =	vst v63  }
0x47: {  	s20 =	sadd.s32 $0x1, s20;
	_ =	swait.ge [sflag:s13], $0x2800  }
0x48: {  	p0 =	sne.s32 s20, s10;
	[sflag:s13] =	ssyncset.done $0x0  }
.Ltmp2:
0x49: {  	[sflag:s13] =	ssyncadd.s32 $0xFFFFD800;
	(pc) =	sbr.rel @p0 .LBB2_1-.Ltmp2, $4  }
0x4a: {  	[hbm4b:s9+s11] =	stream.strided.scatter [tilespmem:s18], [sflag:$0x1], $0x2800, s12, s11, $0x38;
	[tilespmem:$0x11800] =	vst v63  }
0x4b: {  	_ =	swait.ge [sflag:s13], $0x2800  }
0x4c: {  	[sflag:s13] =	ssyncset.done $0x0  }
0x4d: {  	[sflag:s13] =	ssyncadd.s32 $0xFFFFD800  }
0x4e: {  	_ =	sfence.sel $0x180000  }
0x4f: {  	[bflag:$0x0] =	sbarrier.arrive $0xFFFF  }
0x50: {  	p0 =	sne.s32 s0, $0x0;
	_ =	strace $0x90000047  }
0x51: {  	s0 =	sadd.s32 @!p0 $0x100000, s1;
	[bflag:$0x2] =	sbarrier.arrive $0xFFFF  }
0x52: {  	[sflag:s0] =	ssyncadd.tile.s32 @!p0 $0x1;
	_ =	shalt  }
.Lfunc_end2:
_tile_overlayer_lowered:
.L_overlay_start_2:
0x53: {  	(tag) =	ssettag $0x2  }
0x54: {  	s0 =	rddreg [dreg:$0x0];
	s2 =	stileid.u32  }
0x55: {  	s1 =	rddreg [dreg:$0x1];
	p0 =	sne.s32 s2, $0x0  }
0x56: {  	s3 =	rddreg [dreg:$0x2];
	[bflag:$0x3] =	sbarrier.arrive $0xFFFF;
	s2 =	simm.s32 @!p0 $0x1C01  }
0x57: {  	[timem:s3], [sflag:s2] =	dma.local @!p0 [hbm:s0], s1  }
0x58: {  	s0 =	simm.s32 @!p0 $0x1  }
0x59: {  	_ =	swait.ge @!p0 [sflag:s0], s1  }
0x5a: {  	s1 =	ssub.s32 @!p0 $0x0, s1;
	[sflag:s0] =	ssyncset.done @!p0 $0x0  }
0x5b: {  	[sflag:s0] =	ssyncadd.s32 @!p0 s1  }
0x5c: {  	[bflag:$0x3] =	sbarrier.arrive $0xFFFF  }
0x5d: {  	_ =	shalt  }

</sc_bundles>
